<compile_context>
chip_gen: v7x
topology: tpu7x:2x2x1
jax: 0.10.2.dev20260603
libtpu: 0.0.44.dev20260713+nightly
codegen_flags: <defaults>
</compile_context>

<pallas_src>
import functools
import jax
import jax.numpy as jnp
from jax import lax
from jax.experimental import pallas as pl
from jax.experimental.pallas import tpu as pltpu
from jax.experimental.pallas import tpu_sc as plsc

T = 2048
D = 1024
H = 16
KV = 4
HD = 64
E = 8
K = 2
FF = 1024
EPS = 1e-6
THETA = 10000.0

BT = 256
NT = T // BT
HALF = HD // 2


def _rms(x, w, eps=EPS):
    var = jnp.mean(x * x, axis=-1, keepdims=True)
    return x * lax.rsqrt(var + eps) * w



def _rope_tables(pos, width):
    ci = lax.broadcasted_iota(jnp.int32, (1, width), 1)
    fidx = (ci % HALF).astype(jnp.float32)
    inv_freq = jnp.exp(fidx * (-2.0 * jnp.log(THETA) / HD))
    freqs = pos * inv_freq
    return jnp.cos(freqs), jnp.sin(freqs)


def _rot_matrix(width):
    rm = lax.broadcasted_iota(jnp.int32, (width, width), 0)
    cm = lax.broadcasted_iota(jnp.int32, (width, width), 1)
    lo = ((cm % HD) < HALF) & (rm == cm + HALF)
    hi = ((cm % HD) >= HALF) & (rm == cm - HALF)
    return jnp.where(lo, -1.0, 0.0) + jnp.where(hi, 1.0, 0.0)


def _headwise_rms_rope(t, nheads, wtiled, pos):
    width = nheads * HD
    bd = (lax.broadcasted_iota(jnp.int32, (width, nheads), 0) // HD ==
          lax.broadcasted_iota(jnp.int32, (width, nheads), 1)).astype(jnp.float32)
    var = jnp.dot(t * t, bd, preferred_element_type=jnp.float32) * (1.0 / HD)
    scale = jnp.dot(lax.rsqrt(var + EPS), bd.T, preferred_element_type=jnp.float32)
    th = t * scale * wtiled
    rot = jnp.dot(th, _rot_matrix(width), preferred_element_type=jnp.float32)
    cosf, sinf = _rope_tables(pos, width)
    return th * cosf + rot * sinf


BKV = 1024
BLK = 256
NPAD = T * K + E * BLK
NBLK = NPAD // BLK



def _mega_kernel(x_ref, wqkv_ref, ln1_ref, qn_ref, kn_ref, pos_ref,
                 wo_ref, ln2_ref, gw_ref,
                 x1_ref, h2_ref, topw_ref, pos_out_ref, bexp_ref, bval_ref,
                 kscr, vscr, cnt, topi_s, rank_s):
    i = pl.program_id(0)

    @pl.when(i == 0)
    def _():
        cnt[...] = jnp.zeros((1, E), jnp.float32)
        kscr[...] = jnp.zeros((KV, T, HD), jnp.bfloat16)
        vscr[...] = jnp.zeros((KV, T, HD), jnp.bfloat16)

    x = x_ref[...]
    h = _rms(x, ln1_ref[...])
    qkv = jnp.dot(h.astype(jnp.bfloat16), wqkv_ref[...],
                  preferred_element_type=jnp.float32)
    pos = pos_ref[...].astype(jnp.float32)

    qr = _headwise_rms_rope(qkv[:, :H * HD], H, qn_ref[...], pos)
    kr = _headwise_rms_rope(qkv[:, H * HD:(H + KV) * HD], KV, kn_ref[...], pos)
    for hh in range(KV):
        kscr[hh, pl.ds(i * BT, BT), :] = kr[:, hh * HD:(hh + 1) * HD].astype(jnp.bfloat16)
        vscr[hh, pl.ds(i * BT, BT), :] = qkv[:, (H + KV) * HD + hh * HD:
                                             (H + KV) * HD + (hh + 1) * HD].astype(jnp.bfloat16)

    nb = (i * BT + BT + BKV - 1) // BKV
    heads = []
    for hh in range(H):
        kvh = hh // (H // KV)
        q = qr[:, hh * HD:(hh + 1) * HD].astype(jnp.bfloat16)

        def body(j, carry):
            m, l, acc = carry
            ks = kscr[kvh, pl.ds(j * BKV, BKV), :]
            vs = vscr[kvh, pl.ds(j * BKV, BKV), :]
            s = lax.dot_general(q, ks, (((1,), (1,)), ((), ())),
                                preferred_element_type=jnp.float32)
            s = s * (HD ** -0.5)
            row = i * BT + lax.broadcasted_iota(jnp.int32, (BT, BKV), 0)
            col = j * BKV + lax.broadcasted_iota(jnp.int32, (BT, BKV), 1)
            s = jnp.where(row >= col, s, jnp.float32(-1e30))
            mloc = jnp.max(s, axis=1, keepdims=True)
            mnew = jnp.maximum(m, mloc)
            alpha = jnp.exp(m - mnew)
            p = jnp.exp(s - mnew)
            lnew = l * alpha + jnp.sum(p, axis=1, keepdims=True)
            accnew = acc * alpha + jnp.dot(p.astype(jnp.bfloat16), vs,
                                           preferred_element_type=jnp.float32)
            return mnew, lnew, accnew

        m0 = jnp.full((BT, 1), -1e30, jnp.float32)
        l0 = jnp.zeros((BT, 1), jnp.float32)
        a0 = jnp.zeros((BT, HD), jnp.float32)
        m, l, acc = lax.fori_loop(0, nb, body, (m0, l0, a0))
        heads.append(acc / l)
    o2d = jnp.concatenate(heads, axis=1)

    x1 = x + jnp.dot(o2d.astype(jnp.bfloat16), wo_ref[...],
                     preferred_element_type=jnp.float32)
    h2 = _rms(x1, ln2_ref[...])
    x1_ref[...] = x1
    h2_ref[...] = h2
    lg = jnp.dot(h2, gw_ref[...], preferred_element_type=jnp.float32)

    m = jnp.max(lg, axis=1, keepdims=True)
    p = jnp.exp(lg - m)
    p = p / jnp.sum(p, axis=1, keepdims=True)
    ii = lax.broadcasted_iota(jnp.int32, (BT, E), 1)
    m1 = jnp.max(p, axis=1, keepdims=True)
    i1 = jnp.min(jnp.where(p == m1, ii, E), axis=1, keepdims=True)
    p2 = jnp.where(ii == i1, -1.0, p)
    m2 = jnp.max(p2, axis=1, keepdims=True)
    i2 = jnp.min(jnp.where(p2 == m2, ii, E), axis=1, keepdims=True)
    s = m1 + m2
    topw_ref[:, 0:1] = m1 / s
    topw_ref[:, 1:2] = m2 / s
    topi_s[pl.ds(i * BT, BT), 0:1] = i1
    topi_s[pl.ds(i * BT, BT), 1:2] = i2

    oh1 = (ii == i1).astype(jnp.float32)
    oh2 = (ii == i2).astype(jnp.float32)
    ind = oh1 + oh2
    rr = lax.broadcasted_iota(jnp.int32, (BT, BT), 0)
    cc = lax.broadcasted_iota(jnp.int32, (BT, BT), 1)
    lstrict = (rr > cc).astype(jnp.float32)
    rex = jnp.dot(lstrict, ind, preferred_element_type=jnp.float32) + cnt[...]
    rank_s[pl.ds(i * BT, BT), 0:1] = jnp.sum(rex * oh1, axis=1,
                                             keepdims=True).astype(jnp.int32)
    rank_s[pl.ds(i * BT, BT), 1:2] = jnp.sum(rex * oh2, axis=1,
                                             keepdims=True).astype(jnp.int32)
    cnt[...] = cnt[...] + jnp.sum(ind, axis=0, keepdims=True)

    @pl.when(i == NT - 1)
    def _():
        ci = cnt[...].astype(jnp.int32)
        padded = ((ci + (BLK - 1)) // BLK) * BLK
        ie = lax.broadcasted_iota(jnp.int32, (E, E), 0)
        je = lax.broadcasted_iota(jnp.int32, (E, E), 1)
        ustrict = (ie < je).astype(jnp.float32)
        off = jnp.dot(padded.astype(jnp.float32), ustrict,
                      preferred_element_type=jnp.float32).astype(jnp.int32)
        ends = off + padded
        total = jnp.sum(padded)

        topi = topi_s[...]
        offsel = jnp.zeros((T, K), jnp.int32)
        for e in range(E):
            offsel = offsel + jnp.where(topi == e, off[0, e], 0)
        pos_out_ref[...] = rank_s[...] + offsel

        bi = lax.broadcasted_iota(jnp.int32, (1, NBLK), 1) * BLK
        be = jnp.zeros((1, NBLK), jnp.int32)
        for e in range(E):
            be = be + jnp.where(bi >= ends[0, e], 1, 0)
        bexp_ref[...] = jnp.minimum(be, E - 1)
        bval_ref[...] = jnp.where(bi < total, 1, 0)


def _mega(x, w_qkv, ln1_w, q_norm_w, k_norm_w, positions, w_o, ln2_w, gate_w):
    return pl.pallas_call(
        _mega_kernel,
        grid=(NT,),
        in_specs=[
            pl.BlockSpec((BT, D), lambda i: (i, 0)),
            pl.BlockSpec((D, (H + 2 * KV) * HD), lambda i: (0, 0)),
            pl.BlockSpec((1, D), lambda i: (0, 0)),
            pl.BlockSpec((1, H * HD), lambda i: (0, 0)),
            pl.BlockSpec((1, KV * HD), lambda i: (0, 0)),
            pl.BlockSpec((BT, 1), lambda i: (i, 0)),
            pl.BlockSpec((H * HD, D), lambda i: (0, 0)),
            pl.BlockSpec((1, D), lambda i: (0, 0)),
            pl.BlockSpec((D, E), lambda i: (0, 0)),
        ],
        out_specs=[
            pl.BlockSpec((BT, D), lambda i: (i, 0)),
            pl.BlockSpec((BT, D), lambda i: (i, 0)),
            pl.BlockSpec((BT, K), lambda i: (i, 0)),
            pl.BlockSpec((T, K), lambda i: (0, 0)),
            pl.BlockSpec((1, NBLK), lambda i: (0, 0)),
            pl.BlockSpec((1, NBLK), lambda i: (0, 0)),
        ],
        out_shape=[
            jax.ShapeDtypeStruct((T, D), jnp.float32),
            jax.ShapeDtypeStruct((T, D), jnp.float32),
            jax.ShapeDtypeStruct((T, K), jnp.float32),
            jax.ShapeDtypeStruct((T, K), jnp.int32),
            jax.ShapeDtypeStruct((1, NBLK), jnp.int32),
            jax.ShapeDtypeStruct((1, NBLK), jnp.int32),
        ],
        scratch_shapes=[
            pltpu.VMEM((KV, T, HD), jnp.bfloat16),
            pltpu.VMEM((KV, T, HD), jnp.bfloat16),
            pltpu.VMEM((1, E), jnp.float32),
            pltpu.VMEM((T, K), jnp.int32),
            pltpu.VMEM((T, K), jnp.int32),
        ],
    )(x, w_qkv.astype(jnp.bfloat16), ln1_w.reshape(1, D),
      jnp.tile(q_norm_w, H).reshape(1, H * HD),
      jnp.tile(k_norm_w, KV).reshape(1, KV * HD), positions.reshape(T, 1),
      w_o.astype(jnp.bfloat16), ln2_w.reshape(1, D), gate_w)



_NC = 2
_NS = 16
_NW = _NC * _NS
TPW = T // _NW
@functools.cache
def _sc_mesh():
    return plsc.VectorSubcoreMesh(core_axis_name="c", subcore_axis_name="s",
                                  num_cores=_NC, num_subcores=_NS)


def _sc_wid():
    return lax.axis_index("s") * _NC + lax.axis_index("c")


def _dispatch_scatter(h2, pos0, pos1):

    @functools.partial(
        pl.kernel,
        out_type=jax.ShapeDtypeStruct((NPAD, D), jnp.float32),
        mesh=_sc_mesh(),
        scratch_types=[
            pltpu.VMEM((TPW,), jnp.int32),
            pltpu.VMEM((TPW,), jnp.int32),
            pltpu.VMEM((TPW, D), jnp.float32),
            pltpu.SemaphoreType.DMA,
        ],
    )
    def run(h2_hbm, p0_hbm, p1_hbm, xg_hbm, idx0_v, idx1_v, rows_v, sem):
        base = _sc_wid() * TPW
        pltpu.sync_copy(p0_hbm.at[pl.ds(base, TPW)], idx0_v)
        pltpu.sync_copy(p1_hbm.at[pl.ds(base, TPW)], idx1_v)
        pltpu.sync_copy(h2_hbm.at[pl.ds(base, TPW)], rows_v)
        pltpu.async_copy(rows_v, xg_hbm.at[idx0_v], sem).wait()
        pltpu.async_copy(rows_v, xg_hbm.at[idx1_v], sem).wait()

    return run(h2, pos0, pos1)


def _combine_gather(yrows, pos0, pos1):

    @functools.partial(
        pl.kernel,
        out_type=jax.ShapeDtypeStruct((K, T, D), jnp.float32),
        mesh=_sc_mesh(),
        scratch_types=[
            pltpu.VMEM((TPW,), jnp.int32),
            pltpu.VMEM((TPW, D), jnp.float32),
            pltpu.SemaphoreType.DMA,
        ],
    )
    def run(y_hbm, p0_hbm, p1_hbm, yg_hbm, idx_v, rows_v, sem):
        base = _sc_wid() * TPW
        pltpu.sync_copy(p0_hbm.at[pl.ds(base, TPW)], idx_v)
        pltpu.async_copy(y_hbm.at[idx_v], rows_v, sem).wait()
        pltpu.sync_copy(rows_v, yg_hbm.at[0, pl.ds(base, TPW)])
        pltpu.sync_copy(p1_hbm.at[pl.ds(base, TPW)], idx_v)
        pltpu.async_copy(y_hbm.at[idx_v], rows_v, sem).wait()
        pltpu.sync_copy(rows_v, yg_hbm.at[1, pl.ds(base, TPW)])

    return run(yrows, pos0, pos1)



def _gemm_kernel(bexp_ref, bval_ref, xg_ref, wgu_ref, wd_ref, y_ref):
    b = pl.program_id(0)

    @pl.when(bval_ref[b] == 1)
    def _():
        xb = xg_ref[...]
        gu = jnp.dot(xb, wgu_ref[0], preferred_element_type=jnp.float32)
        g = gu[:, :FF]
        u = gu[:, FF:]
        act = g * (1.0 / (1.0 + jnp.exp(-g))) * u
        y_ref[...] = jnp.dot(act, wd_ref[0], preferred_element_type=jnp.float32)


def _grouped_gemm(bexp, bval, xg, w_gate_up, w_down):
    grid_spec = pltpu.PrefetchScalarGridSpec(
        num_scalar_prefetch=2,
        grid=(NBLK,),
        in_specs=[
            pl.BlockSpec((BLK, D), lambda b, be, bv: (b, 0)),
            pl.BlockSpec((1, D, 2 * FF), lambda b, be, bv: (be[b], 0, 0)),
            pl.BlockSpec((1, FF, D), lambda b, be, bv: (be[b], 0, 0)),
        ],
        out_specs=pl.BlockSpec((BLK, D), lambda b, be, bv: (b, 0)),
    )
    return pl.pallas_call(
        _gemm_kernel,
        grid_spec=grid_spec,
        out_shape=jax.ShapeDtypeStruct((NPAD, D), jnp.float32),
    )(bexp, bval, xg, w_gate_up, w_down)



def _combine_kernel(x1_ref, yg0_ref, yg1_ref, topw_ref, out_ref):
    w0 = topw_ref[:, 0:1]
    w1 = topw_ref[:, 1:2]
    out_ref[...] = x1_ref[...] + w0 * yg0_ref[0] + w1 * yg1_ref[0]


def _combine(x1, yg, topw):
    return pl.pallas_call(
        _combine_kernel,
        grid=(NT,),
        in_specs=[
            pl.BlockSpec((BT, D), lambda i: (i, 0)),
            pl.BlockSpec((1, BT, D), lambda i: (0, i, 0)),
            pl.BlockSpec((1, BT, D), lambda i: (1, i, 0)),
            pl.BlockSpec((BT, K), lambda i: (i, 0)),
        ],
        out_specs=pl.BlockSpec((BT, D), lambda i: (i, 0)),
        out_shape=jax.ShapeDtypeStruct((T, D), jnp.float32),
    )(x1, yg, yg, topw)



@jax.jit
def _layer(positions, hidden_states, w_qkv, w_o, q_norm_w, k_norm_w,
           ln1_w, ln2_w, gate_w, w_gate_up, w_down):
    x1, h2, topw, pos, bexp, bval = _mega(hidden_states, w_qkv, ln1_w,
                                          q_norm_w, k_norm_w, positions,
                                          w_o, ln2_w, gate_w)
    post = pos.T
    pos0 = post[0]
    pos1 = post[1]
    xg = _dispatch_scatter(h2, pos0, pos1)
    yrows = _grouped_gemm(bexp.reshape(NBLK), bval.reshape(NBLK),
                          xg, w_gate_up, w_down)
    yg = _combine_gather(yrows, pos0, pos1)
    return _combine(x1, yg, topw)


def kernel(positions, hidden_states, w_qkv, w_o, q_norm_w, k_norm_w,
           ln1_w, ln2_w, gate_w, w_gate_up, w_down):
    return _layer(positions, hidden_states, w_qkv, w_o, q_norm_w, k_norm_w,
                  ln1_w, ln2_w, gate_w, w_gate_up, w_down)

# --- scband reference (transcript-rebuilt; emitter-appended) ---
"""Pipeline reference for scband-qwen3-moe-decoder-layer-90117003804879 (READ-ONLY COPY).

The authoritative reference and input builder live on the scoring server;
editing this copy changes nothing except your own understanding.
"""

import jax, jax.numpy as jnp
import numpy as np

T = 2048
D = 1024
H = 16
KV = 4
HD = 64
E = 8
K = 2
FF = 1024
EPS = 1e-6
THETA = 10000.0


def rmsnorm(x, w, eps=EPS):
    var = jnp.mean(x.astype(jnp.float32) ** 2, axis=-1, keepdims=True)
    return (x * jax.lax.rsqrt(var + eps)).astype(x.dtype) * w


def setup_inputs(seed: int = 0) -> dict:
    key = jax.random.key(seed)
    ks = jax.random.split(key, 8)
    s = 0.02
    return {
        "positions": jnp.arange(T, dtype=jnp.int32),
        "hidden_states": jax.random.normal(ks[0], (T, D), dtype=jnp.float32),
        "w_qkv": jax.random.normal(ks[1], (D, (H + 2 * KV) * HD), dtype=jnp.float32) * s,
        "w_o": jax.random.normal(ks[2], (H * HD, D), dtype=jnp.float32) * s,
        "q_norm_w": jnp.ones((HD,), dtype=jnp.float32),
        "k_norm_w": jnp.ones((HD,), dtype=jnp.float32),
        "ln1_w": jnp.ones((D,), dtype=jnp.float32),
        "ln2_w": jnp.ones((D,), dtype=jnp.float32),
        "gate_w": jax.random.normal(ks[3], (D, E), dtype=jnp.float32) * s,
        "w_gate_up": jax.random.normal(ks[4], (E, D, 2 * FF), dtype=jnp.float32) * s,
        "w_down": jax.random.normal(ks[5], (E, FF, D), dtype=jnp.float32) * s,
    }


def _forward(positions, hidden_states, w_qkv, w_o, q_norm_w, k_norm_w, ln1_w, ln2_w, gate_w, w_gate_up, w_down):
    x = hidden_states
    # --- self attention ---
    residual = x
    h = rmsnorm(x, ln1_w)
    qkv = h @ w_qkv
    q = qkv[:, : H * HD].reshape(T, H, HD)
    k = qkv[:, H * HD : H * HD + KV * HD].reshape(T, KV, HD)
    v = qkv[:, H * HD + KV * HD :].reshape(T, KV, HD)
    q = rmsnorm(q, q_norm_w)
    k = rmsnorm(k, k_norm_w)
    half = HD // 2
    inv_freq = 1.0 / (THETA ** (jnp.arange(0, HD, 2, dtype=jnp.float32) / HD))
    freqs = positions.astype(jnp.float32)[:, None] * inv_freq[None, :]
    cos = jnp.cos(freqs)[:, None, :]
    sin = jnp.sin(freqs)[:, None, :]
    def rope(t):
        t1 = t[..., :half]
        t2 = t[..., half:]
        return jnp.concatenate([t1 * cos - t2 * sin, t2 * cos + t1 * sin], axis=-1)
    q = rope(q)
    k = rope(k)
    k_r = jnp.repeat(k, H // KV, axis=1)
    v_r = jnp.repeat(v, H // KV, axis=1)
    scale = HD ** -0.5
    scores = jnp.einsum("thd,shd->hts", q, k_r) * scale
    idx = jnp.arange(T)
    mask = idx[:, None] >= idx[None, :]
    scores = jnp.where(mask[None, :, :], scores, jnp.float32(-1e30))
    attn = jax.nn.softmax(scores, axis=-1)
    o = jnp.einsum("hts,shd->thd", attn, v_r).reshape(T, H * HD)
    x = residual + o @ w_o
    # --- sparse MoE block ---
    residual = x
    h = rmsnorm(x, ln2_w)
    logits = h @ gate_w
    probs = jax.nn.softmax(logits.astype(jnp.float32), axis=-1)
    topv, topi = jax.lax.top_k(probs, K)
    topv = topv / jnp.sum(topv, axis=-1, keepdims=True)  # norm_topk_prob
    topv = topv.astype(h.dtype)
    combine = jnp.zeros((T, E), h.dtype).at[jnp.arange(T)[:, None], topi].add(topv)
    gu = jnp.einsum("td,edf->tef", h, w_gate_up)
    g, u = jnp.split(gu, 2, axis=-1)
    act = jax.nn.silu(g) * u  # SiluAndMul
    y = jnp.einsum("tef,efd->ted", act, w_down)
    moe_out = jnp.einsum("ted,te->td", y, combine)
    return residual + moe_out


def reference(positions, hidden_states, w_qkv, w_o, q_norm_w, k_norm_w, ln1_w, ln2_w, gate_w, w_gate_up, w_down):
    return _forward(positions, hidden_states, w_qkv, w_o, q_norm_w, k_norm_w, ln1_w, ln2_w, gate_w, w_gate_up, w_down)

if __name__ == "__main__":
    import jax
    _d = setup_inputs()
    print(jax.jit(kernel)(*tuple(_d.values())))

</pallas_src>

<mosaic_0001>
#map = affine_map<(d0, d1) -> (0, 0)>
#map1 = affine_map<(d0, d1) -> (0)>
#map2 = affine_map<(d0, d1) -> (0, 0, 0)>
module attributes {stable_mosaic.version = 14 : i64} {
  func.func @run(%arg0: i32, %arg1: i32, %arg2: memref<6144x1024xf32, #tpu.memory_space<hbm>>, %arg3: memref<2048xi32, #tpu.memory_space<hbm>>, %arg4: memref<2048xi32, #tpu.memory_space<hbm>>, %arg5: memref<2x2048x1024xf32, #tpu.memory_space<hbm>>, %arg6: memref<64xi32, #tpu.memory_space<vmem>>, %arg7: memref<64x1024xf32, #tpu.memory_space<vmem>>, %arg8: memref<!tpu.dma_semaphore, #tpu.memory_space<semaphore_mem>>) attributes {dimension_semantics = [#tpu.dimension_semantics<core_parallel>, #tpu.dimension_semantics<subcore_parallel>], iteration_bounds = array<i64: 2, 16>, scalar_prefetch = 0 : i64, scratch_operands = 3 : i64, tpu.core_type = #tpu.core_type<sc_vector_subcore>, window_params = [{transform_indices = #map}, {transform_indices = #map1}, {transform_indices = #map1}, {transform_indices = #map2}]} {
    %mul3A = arith.constant 2 : i32
    %mul3A_0 = arith.muli %arg1, %mul3A : i32
    %add3A = arith.addi %mul3A_0, %arg0 : i32
    %mul3A_1 = arith.constant 64 : i32
    %mul3A_2 = arith.muli %add3A, %mul3A_1 : i32
    "tpu.region"() ({
      %run_scoped3A_14 = tpu.sem_alloc : memref<!tpu.dma_semaphore, #tpu.memory_space<semaphore_mem>>
      %dma_start3A_15 = tpu.memref_slice %arg3[%mul3A_2] : memref<2048xi32, #tpu.memory_space<hbm>> -> memref<64xi32, #tpu.memory_space<hbm>>
      %dma_start3A_16 = tpu.memref_slice %arg3[%mul3A_2] : memref<2048xi32, #tpu.memory_space<hbm>> -> memref<64xi32, #tpu.memory_space<hbm>>
      tpu.enqueue_dma source(%dma_start3A_16 : memref<64xi32, #tpu.memory_space<hbm>>) target(%arg6 : memref<64xi32, #tpu.memory_space<vmem>>) target_semaphore(%run_scoped3A_14 : memref<!tpu.dma_semaphore, #tpu.memory_space<semaphore_mem>>)
      %dma_wait3A_17 = tpu.memref_slice %arg3[%mul3A_2] : memref<2048xi32, #tpu.memory_space<hbm>> -> memref<64xi32, #tpu.memory_space<hbm>>
      %dma_wait3A_18 = tpu.memref_slice %arg3[%mul3A_2] : memref<2048xi32, #tpu.memory_space<hbm>> -> memref<64xi32, #tpu.memory_space<hbm>>
      tpu.wait_dma2 semaphore(%run_scoped3A_14 : memref<!tpu.dma_semaphore, #tpu.memory_space<semaphore_mem>>) src(%dma_wait3A_18 : memref<64xi32, #tpu.memory_space<hbm>>) dst(%arg6 : memref<64xi32, #tpu.memory_space<vmem>>)
      tpu.yield
    }) : () -> ()
    %dma_start3A = arith.constant 0 : i32
    %dma_start3A_3 = arith.constant 0 : i32
    %dma_start3A_4 = tpu.memref_slice %arg2[%dma_start3A, %dma_start3A_3] : memref<6144x1024xf32, #tpu.memory_space<hbm>> -> memref<6144x1024xf32, #tpu.memory_space<hbm>>
    tpu.enqueue_indirect_dma source(%dma_start3A_4 : memref<6144x1024xf32, #tpu.memory_space<hbm>>) target(%arg7 : memref<64x1024xf32, #tpu.memory_space<vmem>>) offsets(%arg6 : memref<64xi32, #tpu.memory_space<vmem>>) semaphore(%arg8 : memref<!tpu.dma_semaphore, #tpu.memory_space<semaphore_mem>>)
    %dma_wait3A = arith.constant 0 : i32
    %dma_wait3A_5 = arith.constant 0 : i32
    %dma_wait3A_6 = tpu.memref_slice %arg2[%dma_wait3A, %dma_wait3A_5] : memref<6144x1024xf32, #tpu.memory_space<hbm>> -> memref<6144x1024xf32, #tpu.memory_space<hbm>>
    tpu.wait_indirect_dma semaphore(%arg8 : memref<!tpu.dma_semaphore, #tpu.memory_space<semaphore_mem>>) src(%dma_wait3A_6 : memref<6144x1024xf32, #tpu.memory_space<hbm>>) dst(%arg7 : memref<64x1024xf32, #tpu.memory_space<vmem>>)
    %run_scoped3A = arith.constant 0 : i32
    "tpu.region"() ({
      %run_scoped3A_14 = tpu.sem_alloc : memref<!tpu.dma_semaphore, #tpu.memory_space<semaphore_mem>>
      %dma_start3A_15 = arith.constant 0 : i32
      %dma_start3A_16 = tpu.memref_slice %arg5[%run_scoped3A, %mul3A_2, %dma_start3A_15] : memref<2x2048x1024xf32, #tpu.memory_space<hbm>> -> memref<1x64x1024xf32, #tpu.memory_space<hbm>>
      %dma_start3A_17 = tpu.memref_squeeze %dma_start3A_16 : memref<1x64x1024xf32, #tpu.memory_space<hbm>> -> memref<64x1024xf32, #tpu.memory_space<hbm>>
      %dma_start3A_18 = arith.constant 0 : i32
      %dma_start3A_19 = tpu.memref_slice %arg5[%run_scoped3A, %mul3A_2, %dma_start3A_18] : memref<2x2048x1024xf32, #tpu.memory_space<hbm>> -> memref<1x64x1024xf32, #tpu.memory_space<hbm>>
      %dma_start3A_20 = tpu.memref_squeeze %dma_start3A_19 : memref<1x64x1024xf32, #tpu.memory_space<hbm>> -> memref<64x1024xf32, #tpu.memory_space<hbm>>
      tpu.enqueue_dma source(%arg7 : memref<64x1024xf32, #tpu.memory_space<vmem>>) target(%dma_start3A_20 : memref<64x1024xf32, #tpu.memory_space<hbm>>) target_semaphore(%run_scoped3A_14 : memref<!tpu.dma_semaphore, #tpu.memory_space<semaphore_mem>>)
      %dma_wait3A_21 = arith.constant 0 : i32
      %dma_wait3A_22 = tpu.memref_slice %arg5[%run_scoped3A, %mul3A_2, %dma_wait3A_21] : memref<2x2048x1024xf32, #tpu.memory_space<hbm>> -> memref<1x64x1024xf32, #tpu.memory_space<hbm>>
      %dma_wait3A_23 = tpu.memref_squeeze %dma_wait3A_22 : memref<1x64x1024xf32, #tpu.memory_space<hbm>> -> memref<64x1024xf32, #tpu.memory_space<hbm>>
      %dma_wait3A_24 = arith.constant 0 : i32
      %dma_wait3A_25 = tpu.memref_slice %arg5[%run_scoped3A, %mul3A_2, %dma_wait3A_24] : memref<2x2048x1024xf32, #tpu.memory_space<hbm>> -> memref<1x64x1024xf32, #tpu.memory_space<hbm>>
      %dma_wait3A_26 = tpu.memref_squeeze %dma_wait3A_25 : memref<1x64x1024xf32, #tpu.memory_space<hbm>> -> memref<64x1024xf32, #tpu.memory_space<hbm>>
      tpu.wait_dma2 semaphore(%run_scoped3A_14 : memref<!tpu.dma_semaphore, #tpu.memory_space<semaphore_mem>>) src(%arg7 : memref<64x1024xf32, #tpu.memory_space<vmem>>) dst(%dma_wait3A_26 : memref<64x1024xf32, #tpu.memory_space<hbm>>)
      tpu.yield
    }) : () -> ()
    "tpu.region"() ({
      %run_scoped3A_14 = tpu.sem_alloc : memref<!tpu.dma_semaphore, #tpu.memory_space<semaphore_mem>>
      %dma_start3A_15 = tpu.memref_slice %arg4[%mul3A_2] : memref<2048xi32, #tpu.memory_space<hbm>> -> memref<64xi32, #tpu.memory_space<hbm>>
      %dma_start3A_16 = tpu.memref_slice %arg4[%mul3A_2] : memref<2048xi32, #tpu.memory_space<hbm>> -> memref<64xi32, #tpu.memory_space<hbm>>
      tpu.enqueue_dma source(%dma_start3A_16 : memref<64xi32, #tpu.memory_space<hbm>>) target(%arg6 : memref<64xi32, #tpu.memory_space<vmem>>) target_semaphore(%run_scoped3A_14 : memref<!tpu.dma_semaphore, #tpu.memory_space<semaphore_mem>>)
      %dma_wait3A_17 = tpu.memref_slice %arg4[%mul3A_2] : memref<2048xi32, #tpu.memory_space<hbm>> -> memref<64xi32, #tpu.memory_space<hbm>>
      %dma_wait3A_18 = tpu.memref_slice %arg4[%mul3A_2] : memref<2048xi32, #tpu.memory_space<hbm>> -> memref<64xi32, #tpu.memory_space<hbm>>
      tpu.wait_dma2 semaphore(%run_scoped3A_14 : memref<!tpu.dma_semaphore, #tpu.memory_space<semaphore_mem>>) src(%dma_wait3A_18 : memref<64xi32, #tpu.memory_space<hbm>>) dst(%arg6 : memref<64xi32, #tpu.memory_space<vmem>>)
      tpu.yield
    }) : () -> ()
    %dma_start3A_7 = arith.constant 0 : i32
    %dma_start3A_8 = arith.constant 0 : i32
    %dma_start3A_9 = tpu.memref_slice %arg2[%dma_start3A_7, %dma_start3A_8] : memref<6144x1024xf32, #tpu.memory_space<hbm>> -> memref<6144x1024xf32, #tpu.memory_space<hbm>>
    tpu.enqueue_indirect_dma source(%dma_start3A_9 : memref<6144x1024xf32, #tpu.memory_space<hbm>>) target(%arg7 : memref<64x1024xf32, #tpu.memory_space<vmem>>) offsets(%arg6 : memref<64xi32, #tpu.memory_space<vmem>>) semaphore(%arg8 : memref<!tpu.dma_semaphore, #tpu.memory_space<semaphore_mem>>)
    %dma_wait3A_10 = arith.constant 0 : i32
    %dma_wait3A_11 = arith.constant 0 : i32
    %dma_wait3A_12 = tpu.memref_slice %arg2[%dma_wait3A_10, %dma_wait3A_11] : memref<6144x1024xf32, #tpu.memory_space<hbm>> -> memref<6144x1024xf32, #tpu.memory_space<hbm>>
    tpu.wait_indirect_dma semaphore(%arg8 : memref<!tpu.dma_semaphore, #tpu.memory_space<semaphore_mem>>) src(%dma_wait3A_12 : memref<6144x1024xf32, #tpu.memory_space<hbm>>) dst(%arg7 : memref<64x1024xf32, #tpu.memory_space<vmem>>)
    %run_scoped3A_13 = arith.constant 1 : i32
    "tpu.region"() ({
      %run_scoped3A_14 = tpu.sem_alloc : memref<!tpu.dma_semaphore, #tpu.memory_space<semaphore_mem>>
      %dma_start3A_15 = arith.constant 0 : i32
      %dma_start3A_16 = tpu.memref_slice %arg5[%run_scoped3A_13, %mul3A_2, %dma_start3A_15] : memref<2x2048x1024xf32, #tpu.memory_space<hbm>> -> memref<1x64x1024xf32, #tpu.memory_space<hbm>>
      %dma_start3A_17 = tpu.memref_squeeze %dma_start3A_16 : memref<1x64x1024xf32, #tpu.memory_space<hbm>> -> memref<64x1024xf32, #tpu.memory_space<hbm>>
      %dma_start3A_18 = arith.constant 0 : i32
      %dma_start3A_19 = tpu.memref_slice %arg5[%run_scoped3A_13, %mul3A_2, %dma_start3A_18] : memref<2x2048x1024xf32, #tpu.memory_space<hbm>> -> memref<1x64x1024xf32, #tpu.memory_space<hbm>>
      %dma_start3A_20 = tpu.memref_squeeze %dma_start3A_19 : memref<1x64x1024xf32, #tpu.memory_space<hbm>> -> memref<64x1024xf32, #tpu.memory_space<hbm>>
      tpu.enqueue_dma source(%arg7 : memref<64x1024xf32, #tpu.memory_space<vmem>>) target(%dma_start3A_20 : memref<64x1024xf32, #tpu.memory_space<hbm>>) target_semaphore(%run_scoped3A_14 : memref<!tpu.dma_semaphore, #tpu.memory_space<semaphore_mem>>)
      %dma_wait3A_21 = arith.constant 0 : i32
      %dma_wait3A_22 = tpu.memref_slice %arg5[%run_scoped3A_13, %mul3A_2, %dma_wait3A_21] : memref<2x2048x1024xf32, #tpu.memory_space<hbm>> -> memref<1x64x1024xf32, #tpu.memory_space<hbm>>
      %dma_wait3A_23 = tpu.memref_squeeze %dma_wait3A_22 : memref<1x64x1024xf32, #tpu.memory_space<hbm>> -> memref<64x1024xf32, #tpu.memory_space<hbm>>
      %dma_wait3A_24 = arith.constant 0 : i32
      %dma_wait3A_25 = tpu.memref_slice %arg5[%run_scoped3A_13, %mul3A_2, %dma_wait3A_24] : memref<2x2048x1024xf32, #tpu.memory_space<hbm>> -> memref<1x64x1024xf32, #tpu.memory_space<hbm>>
      %dma_wait3A_26 = tpu.memref_squeeze %dma_wait3A_25 : memref<1x64x1024xf32, #tpu.memory_space<hbm>> -> memref<64x1024xf32, #tpu.memory_space<hbm>>
      tpu.wait_dma2 semaphore(%run_scoped3A_14 : memref<!tpu.dma_semaphore, #tpu.memory_space<semaphore_mem>>) src(%arg7 : memref<64x1024xf32, #tpu.memory_space<vmem>>) dst(%dma_wait3A_26 : memref<64x1024xf32, #tpu.memory_space<hbm>>)
      tpu.yield
    }) : () -> ()
    return
  }
}

#map = affine_map<(d0, d1) -> (0, 0)>
#map1 = affine_map<(d0, d1) -> (0)>
module attributes {stable_mosaic.version = 14 : i64} {
  func.func @run(%arg0: i32, %arg1: i32, %arg2: memref<2048x1024xf32, #tpu.memory_space<hbm>>, %arg3: memref<2048xi32, #tpu.memory_space<hbm>>, %arg4: memref<2048xi32, #tpu.memory_space<hbm>>, %arg5: memref<6144x1024xf32, #tpu.memory_space<hbm>>, %arg6: memref<64xi32, #tpu.memory_space<vmem>>, %arg7: memref<64xi32, #tpu.memory_space<vmem>>, %arg8: memref<64x1024xf32, #tpu.memory_space<vmem>>, %arg9: memref<!tpu.dma_semaphore, #tpu.memory_space<semaphore_mem>>) attributes {dimension_semantics = [#tpu.dimension_semantics<core_parallel>, #tpu.dimension_semantics<subcore_parallel>], iteration_bounds = array<i64: 2, 16>, scalar_prefetch = 0 : i64, scratch_operands = 4 : i64, tpu.core_type = #tpu.core_type<sc_vector_subcore>, window_params = [{transform_indices = #map}, {transform_indices = #map1}, {transform_indices = #map1}, {transform_indices = #map}]} {
    %mul3A = arith.constant 2 : i32
    %mul3A_0 = arith.muli %arg1, %mul3A : i32
    %add3A = arith.addi %mul3A_0, %arg0 : i32
    %mul3A_1 = arith.constant 64 : i32
    %mul3A_2 = arith.muli %add3A, %mul3A_1 : i32
    "tpu.region"() ({
      %run_scoped3A = tpu.sem_alloc : memref<!tpu.dma_semaphore, #tpu.memory_space<semaphore_mem>>
      %dma_start3A_13 = tpu.memref_slice %arg3[%mul3A_2] : memref<2048xi32, #tpu.memory_space<hbm>> -> memref<64xi32, #tpu.memory_space<hbm>>
      %dma_start3A_14 = tpu.memref_slice %arg3[%mul3A_2] : memref<2048xi32, #tpu.memory_space<hbm>> -> memref<64xi32, #tpu.memory_space<hbm>>
      tpu.enqueue_dma source(%dma_start3A_14 : memref<64xi32, #tpu.memory_space<hbm>>) target(%arg6 : memref<64xi32, #tpu.memory_space<vmem>>) target_semaphore(%run_scoped3A : memref<!tpu.dma_semaphore, #tpu.memory_space<semaphore_mem>>)
      %dma_wait3A_15 = tpu.memref_slice %arg3[%mul3A_2] : memref<2048xi32, #tpu.memory_space<hbm>> -> memref<64xi32, #tpu.memory_space<hbm>>
      %dma_wait3A_16 = tpu.memref_slice %arg3[%mul3A_2] : memref<2048xi32, #tpu.memory_space<hbm>> -> memref<64xi32, #tpu.memory_space<hbm>>
      tpu.wait_dma2 semaphore(%run_scoped3A : memref<!tpu.dma_semaphore, #tpu.memory_space<semaphore_mem>>) src(%dma_wait3A_16 : memref<64xi32, #tpu.memory_space<hbm>>) dst(%arg6 : memref<64xi32, #tpu.memory_space<vmem>>)
      tpu.yield
    }) : () -> ()
    "tpu.region"() ({
      %run_scoped3A = tpu.sem_alloc : memref<!tpu.dma_semaphore, #tpu.memory_space<semaphore_mem>>
      %dma_start3A_13 = tpu.memref_slice %arg4[%mul3A_2] : memref<2048xi32, #tpu.memory_space<hbm>> -> memref<64xi32, #tpu.memory_space<hbm>>
      %dma_start3A_14 = tpu.memref_slice %arg4[%mul3A_2] : memref<2048xi32, #tpu.memory_space<hbm>> -> memref<64xi32, #tpu.memory_space<hbm>>
      tpu.enqueue_dma source(%dma_start3A_14 : memref<64xi32, #tpu.memory_space<hbm>>) target(%arg7 : memref<64xi32, #tpu.memory_space<vmem>>) target_semaphore(%run_scoped3A : memref<!tpu.dma_semaphore, #tpu.memory_space<semaphore_mem>>)
      %dma_wait3A_15 = tpu.memref_slice %arg4[%mul3A_2] : memref<2048xi32, #tpu.memory_space<hbm>> -> memref<64xi32, #tpu.memory_space<hbm>>
      %dma_wait3A_16 = tpu.memref_slice %arg4[%mul3A_2] : memref<2048xi32, #tpu.memory_space<hbm>> -> memref<64xi32, #tpu.memory_space<hbm>>
      tpu.wait_dma2 semaphore(%run_scoped3A : memref<!tpu.dma_semaphore, #tpu.memory_space<semaphore_mem>>) src(%dma_wait3A_16 : memref<64xi32, #tpu.memory_space<hbm>>) dst(%arg7 : memref<64xi32, #tpu.memory_space<vmem>>)
      tpu.yield
    }) : () -> ()
    "tpu.region"() ({
      %run_scoped3A = tpu.sem_alloc : memref<!tpu.dma_semaphore, #tpu.memory_space<semaphore_mem>>
      %dma_start3A_13 = arith.constant 0 : i32
      %dma_start3A_14 = tpu.memref_slice %arg2[%mul3A_2, %dma_start3A_13] : memref<2048x1024xf32, #tpu.memory_space<hbm>> -> memref<64x1024xf32, #tpu.memory_space<hbm>>
      %dma_start3A_15 = arith.constant 0 : i32
      %dma_start3A_16 = tpu.memref_slice %arg2[%mul3A_2, %dma_start3A_15] : memref<2048x1024xf32, #tpu.memory_space<hbm>> -> memref<64x1024xf32, #tpu.memory_space<hbm>>
      tpu.enqueue_dma source(%dma_start3A_16 : memref<64x1024xf32, #tpu.memory_space<hbm>>) target(%arg8 : memref<64x1024xf32, #tpu.memory_space<vmem>>) target_semaphore(%run_scoped3A : memref<!tpu.dma_semaphore, #tpu.memory_space<semaphore_mem>>)
      %dma_wait3A_17 = arith.constant 0 : i32
      %dma_wait3A_18 = tpu.memref_slice %arg2[%mul3A_2, %dma_wait3A_17] : memref<2048x1024xf32, #tpu.memory_space<hbm>> -> memref<64x1024xf32, #tpu.memory_space<hbm>>
      %dma_wait3A_19 = arith.constant 0 : i32
      %dma_wait3A_20 = tpu.memref_slice %arg2[%mul3A_2, %dma_wait3A_19] : memref<2048x1024xf32, #tpu.memory_space<hbm>> -> memref<64x1024xf32, #tpu.memory_space<hbm>>
      tpu.wait_dma2 semaphore(%run_scoped3A : memref<!tpu.dma_semaphore, #tpu.memory_space<semaphore_mem>>) src(%dma_wait3A_20 : memref<64x1024xf32, #tpu.memory_space<hbm>>) dst(%arg8 : memref<64x1024xf32, #tpu.memory_space<vmem>>)
      tpu.yield
    }) : () -> ()
    %dma_start3A = arith.constant 0 : i32
    %dma_start3A_3 = arith.constant 0 : i32
    %dma_start3A_4 = tpu.memref_slice %arg5[%dma_start3A, %dma_start3A_3] : memref<6144x1024xf32, #tpu.memory_space<hbm>> -> memref<6144x1024xf32, #tpu.memory_space<hbm>>
    tpu.enqueue_indirect_dma source(%arg8 : memref<64x1024xf32, #tpu.memory_space<vmem>>) target(%dma_start3A_4 : memref<6144x1024xf32, #tpu.memory_space<hbm>>) offsets(%arg6 : memref<64xi32, #tpu.memory_space<vmem>>) semaphore(%arg9 : memref<!tpu.dma_semaphore, #tpu.memory_space<semaphore_mem>>)
    %dma_wait3A = arith.constant 0 : i32
    %dma_wait3A_5 = arith.constant 0 : i32
    %dma_wait3A_6 = tpu.memref_slice %arg5[%dma_wait3A, %dma_wait3A_5] : memref<6144x1024xf32, #tpu.memory_space<hbm>> -> memref<6144x1024xf32, #tpu.memory_space<hbm>>
    tpu.wait_indirect_dma semaphore(%arg9 : memref<!tpu.dma_semaphore, #tpu.memory_space<semaphore_mem>>) src(%arg8 : memref<64x1024xf32, #tpu.memory_space<vmem>>) dst(%dma_wait3A_6 : memref<6144x1024xf32, #tpu.memory_space<hbm>>)
    %dma_start3A_7 = arith.constant 0 : i32
    %dma_start3A_8 = arith.constant 0 : i32
    %dma_start3A_9 = tpu.memref_slice %arg5[%dma_start3A_7, %dma_start3A_8] : memref<6144x1024xf32, #tpu.memory_space<hbm>> -> memref<6144x1024xf32, #tpu.memory_space<hbm>>
    tpu.enqueue_indirect_dma source(%arg8 : memref<64x1024xf32, #tpu.memory_space<vmem>>) target(%dma_start3A_9 : memref<6144x1024xf32, #tpu.memory_space<hbm>>) offsets(%arg7 : memref<64xi32, #tpu.memory_space<vmem>>) semaphore(%arg9 : memref<!tpu.dma_semaphore, #tpu.memory_space<semaphore_mem>>)
    %dma_wait3A_10 = arith.constant 0 : i32
    %dma_wait3A_11 = arith.constant 0 : i32
    %dma_wait3A_12 = tpu.memref_slice %arg5[%dma_wait3A_10, %dma_wait3A_11] : memref<6144x1024xf32, #tpu.memory_space<hbm>> -> memref<6144x1024xf32, #tpu.memory_space<hbm>>
    tpu.wait_indirect_dma semaphore(%arg9 : memref<!tpu.dma_semaphore, #tpu.memory_space<semaphore_mem>>) src(%arg8 : memref<64x1024xf32, #tpu.memory_space<vmem>>) dst(%dma_wait3A_12 : memref<6144x1024xf32, #tpu.memory_space<hbm>>)
    return
  }
}

module attributes {stable_mosaic.version = 14 : i64} {
  func.func @_mega_kernel(%arg0: i32, %arg1: memref<256x1024xf32, #tpu.memory_space<vmem>>, %arg2: memref<1024x1536xbf16, #tpu.memory_space<vmem>>, %arg3: memref<1x1024xf32, #tpu.memory_space<vmem>>, %arg4: memref<1x1024xf32, #tpu.memory_space<vmem>>, %arg5: memref<1x256xf32, #tpu.memory_space<vmem>>, %arg6: memref<256x1xi32, #tpu.memory_space<vmem>>, %arg7: memref<1024x1024xbf16, #tpu.memory_space<vmem>>, %arg8: memref<1x1024xf32, #tpu.memory_space<vmem>>, %arg9: memref<1024x8xf32, #tpu.memory_space<vmem>>, %arg10: memref<256x1024xf32, #tpu.memory_space<vmem>>, %arg11: memref<256x1024xf32, #tpu.memory_space<vmem>>, %arg12: memref<256x2xf32, #tpu.memory_space<vmem>>, %arg13: memref<2048x2xi32, #tpu.memory_space<vmem>>, %arg14: memref<1x24xi32, #tpu.memory_space<vmem>>, %arg15: memref<1x24xi32, #tpu.memory_space<vmem>>, %arg16: memref<4x2048x64xbf16, #tpu.memory_space<vmem>>, %arg17: memref<4x2048x64xbf16, #tpu.memory_space<vmem>>, %arg18: memref<1x8xf32, #tpu.memory_space<vmem>>, %arg19: memref<2048x2xi32, #tpu.memory_space<vmem>>, %arg20: memref<2048x2xi32, #tpu.memory_space<vmem>>) attributes {dimension_semantics = [#tpu.dimension_semantics<arbitrary>], iteration_bounds = array<i64: 8>, scalar_prefetch = 0 : i64, scratch_operands = 5 : i64, tpu.core_type = #tpu.core_type<tc>, window_params = [{transform_indices = @transform_0, window_bounds = array<i64: 256, 1024>}, {pipeline_mode = #tpu.pipeline_mode<synchronous>, transform_indices = @transform_1, window_bounds = array<i64: 1024, 1536>}, {pipeline_mode = #tpu.pipeline_mode<synchronous>, transform_indices = @transform_2, window_bounds = array<i64: 1, 1024>}, {pipeline_mode = #tpu.pipeline_mode<synchronous>, transform_indices = @transform_3, window_bounds = array<i64: 1, 1024>}, {pipeline_mode = #tpu.pipeline_mode<synchronous>, transform_indices = @transform_4, window_bounds = array<i64: 1, 256>}, {transform_indices = @transform_5, window_bounds = array<i64: 256, 1>}, {pipeline_mode = #tpu.pipeline_mode<synchronous>, transform_indices = @transform_6, window_bounds = array<i64: 1024, 1024>}, {pipeline_mode = #tpu.pipeline_mode<synchronous>, transform_indices = @transform_7, window_bounds = array<i64: 1, 1024>}, {pipeline_mode = #tpu.pipeline_mode<synchronous>, transform_indices = @transform_8, window_bounds = array<i64: 1024, 8>}, {transform_indices = @transform_9, window_bounds = array<i64: 256, 1024>}, {transform_indices = @transform_10, window_bounds = array<i64: 256, 1024>}, {transform_indices = @transform_11, window_bounds = array<i64: 256, 2>}, {pipeline_mode = #tpu.pipeline_mode<synchronous>, transform_indices = @transform_12, window_bounds = array<i64: 2048, 2>}, {pipeline_mode = #tpu.pipeline_mode<synchronous>, transform_indices = @transform_13, window_bounds = array<i64: 1, 24>}, {pipeline_mode = #tpu.pipeline_mode<synchronous>, transform_indices = @transform_14, window_bounds = array<i64: 1, 24>}]} {
    %eq3A = arith.constant 0 : i32
    %eq3A_0 = arith.cmpi eq, %arg0, %eq3A : i32
    %convert_element_type3A = arith.extui %eq3A_0 : i1 to i32
    %cond3A = arith.constant 0 : i32
    %cond3A_1 = arith.cmpi ne, %convert_element_type3A, %cond3A : i32
    scf.if %cond3A_1 {
      %broadcast_in_dim3A_946 = arith.constant 0.000000e+00 : f32
      %broadcast_in_dim3A_947 = vector.broadcast %broadcast_in_dim3A_946 : f32 to vector<1x8xf32>
      %swap3A_948 = arith.constant 0 : index
      %swap3A_949 = arith.constant 0 : index
      %swap3A_950 = vector.load %arg18[%swap3A_948, %swap3A_949] : memref<1x8xf32, #tpu.memory_space<vmem>>, vector<1x8xf32>
      tpu.vector_store %arg18[%swap3A_948, %swap3A_949], %broadcast_in_dim3A_947 {strides = array<i32>} : memref<1x8xf32, #tpu.memory_space<vmem>>, vector<1x8xf32>,
      %broadcast_in_dim3A_951 = arith.constant 0.000000e+00 : bf16
      %broadcast_in_dim3A_952 = vector.broadcast %broadcast_in_dim3A_951 : bf16 to vector<4x2048x64xbf16>
      %swap3A_953 = arith.constant 0 : index
      %swap3A_954 = arith.constant 0 : index
      %swap3A_955 = arith.constant 0 : index
      %swap3A_956 = vector.load %arg16[%swap3A_953, %swap3A_954, %swap3A_955] : memref<4x2048x64xbf16, #tpu.memory_space<vmem>>, vector<4x2048x64xbf16>
      tpu.vector_store %arg16[%swap3A_953, %swap3A_954, %swap3A_955], %broadcast_in_dim3A_952 {strides = array<i32>} : memref<4x2048x64xbf16, #tpu.memory_space<vmem>>, vector<4x2048x64xbf16>,
      %broadcast_in_dim3A_957 = arith.constant 0.000000e+00 : bf16
      %broadcast_in_dim3A_958 = vector.broadcast %broadcast_in_dim3A_957 : bf16 to vector<4x2048x64xbf16>
      %swap3A_959 = arith.constant 0 : index
      %swap3A_960 = arith.constant 0 : index
      %swap3A_961 = arith.constant 0 : index
      %swap3A_962 = vector.load %arg17[%swap3A_959, %swap3A_960, %swap3A_961] : memref<4x2048x64xbf16, #tpu.memory_space<vmem>>, vector<4x2048x64xbf16>
      tpu.vector_store %arg17[%swap3A_959, %swap3A_960, %swap3A_961], %broadcast_in_dim3A_958 {strides = array<i32>} : memref<4x2048x64xbf16, #tpu.memory_space<vmem>>, vector<4x2048x64xbf16>,
    } else {
    }
    %get3A = arith.constant 0 : index
    %get3A_2 = arith.constant 0 : index
    %get3A_3 = vector.load %arg1[%get3A, %get3A_2] : memref<256x1024xf32, #tpu.memory_space<vmem>>, vector<256x1024xf32>
    %get3A_4 = arith.constant 0 : index
    %get3A_5 = arith.constant 0 : index
    %get3A_6 = vector.load %arg3[%get3A_4, %get3A_5] : memref<1x1024xf32, #tpu.memory_space<vmem>>, vector<1x1024xf32>
    %mul3A = arith.mulf %get3A_3, %get3A_3 : vector<256x1024xf32>
    %reduce_sum3A = arith.constant dense<0.000000e+00> : vector<256xf32>
    %reduce_sum3A_7 = vector.multi_reduction <add>, %mul3A, %reduce_sum3A [1] : vector<256x1024xf32> to vector<256xf32>
    %broadcast_in_dim3A = vector.shape_cast %reduce_sum3A_7 : vector<256xf32> to vector<256x1xf32>
    %div3A = arith.constant 1.024000e+03 : f32
    %div3A_8 = vector.broadcast %div3A : f32 to vector<256x1xf32>
    %div3A_9 = arith.divf %broadcast_in_dim3A, %div3A_8 : vector<256x1xf32>
    %add3A = arith.constant 9.99999997E-7 : f32
    %add3A_10 = vector.broadcast %add3A : f32 to vector<256x1xf32>
    %add3A_11 = arith.addf %div3A_9, %add3A_10 : vector<256x1xf32>
    %rsqrt3A = math.rsqrt %add3A_11 : vector<256x1xf32>
    %mul3A_12 = vector.broadcast %rsqrt3A : vector<256x1xf32> to vector<256x1024xf32>
    %mul3A_13 = arith.mulf %get3A_3, %mul3A_12 : vector<256x1024xf32>
    %mul3A_14 = vector.broadcast %get3A_6 : vector<1x1024xf32> to vector<256x1024xf32>
    %mul3A_15 = arith.mulf %mul3A_13, %mul3A_14 : vector<256x1024xf32>
    %convert_element_type3A_16 = arith.truncf %mul3A_15 : vector<256x1024xf32> to vector<256x1024xbf16>
    %get3A_17 = arith.constant 0 : index
    %get3A_18 = arith.constant 0 : index
    %get3A_19 = vector.load %arg2[%get3A_17, %get3A_18] : memref<1024x1536xbf16, #tpu.memory_space<vmem>>, vector<1024x1536xbf16>
    %dot_general3A = arith.constant dense<0.000000e+00> : vector<256x1536xf32>
    %dot_general3A_20 = tpu.matmul %convert_element_type3A_16, %get3A_19, %dot_general3A {dimension_numbers = #tpu.dot_dimension_numbers<[1], [0], [0], [1], [0, 0, 1, 1], [], []>, transpose_lhs_hint = false} : vector<256x1024xbf16>, vector<1024x1536xbf16>, vector<256x1536xf32> -> vector<256x1536xf32>
    %get3A_21 = arith.constant 0 : index
    %get3A_22 = arith.constant 0 : index
    %get3A_23 = vector.load %arg6[%get3A_21, %get3A_22] : memref<256x1xi32, #tpu.memory_space<vmem>>, vector<256x1xi32>
    %convert_element_type3A_24 = arith.sitofp %get3A_23 : vector<256x1xi32> to vector<256x1xf32>
    %slice3A = vector.extract_strided_slice %dot_general3A_20 {offsets = [0, 0], sizes = [256, 1024], strides = [1, 1]} : vector<256x1536xf32> to vector<256x1024xf32>
    %get3A_25 = arith.constant 0 : index
    %get3A_26 = arith.constant 0 : index
    %get3A_27 = vector.load %arg4[%get3A_25, %get3A_26] : memref<1x1024xf32, #tpu.memory_space<vmem>>, vector<1x1024xf32>
    %iota3A = tpu.iota {dimensions = array<i32: 0>} : vector<1024x16xi32>
    %jit3A = arith.constant 64 : i32
    %div3A_28 = vector.broadcast %jit3A : i32 to vector<1024x16xi32>
    %div3A_29 = arith.divsi %iota3A, %div3A_28 : vector<1024x16xi32>
    %sign3A = arith.constant 0 : i32
    %sign3A_30 = vector.broadcast %sign3A : i32 to vector<1024x16xi32>
    %sign3A_31 = arith.cmpi sgt, %iota3A, %sign3A_30 : vector<1024x16xi32>
    %sign3A_32 = arith.extui %sign3A_31 : vector<1024x16xi1> to vector<1024x16xi32>
    %sign3A_33 = arith.constant 0 : i32
    %sign3A_34 = vector.broadcast %sign3A_33 : i32 to vector<1024x16xi32>
    %sign3A_35 = arith.cmpi slt, %iota3A, %sign3A_34 : vector<1024x16xi32>
    %sign3A_36 = arith.extui %sign3A_35 : vector<1024x16xi1> to vector<1024x16xi32>
    %sign3A_37 = arith.subi %sign3A_32, %sign3A_36 : vector<1024x16xi32>
    %sign3A_38 = arith.constant 0 : i32
    %sign3A_39 = arith.cmpi sgt, %jit3A, %sign3A_38 : i32
    %sign3A_40 = arith.extui %sign3A_39 : i1 to i32
    %sign3A_41 = arith.constant 0 : i32
    %sign3A_42 = arith.cmpi slt, %jit3A, %sign3A_41 : i32
    %sign3A_43 = arith.extui %sign3A_42 : i1 to i32
    %sign3A_44 = arith.subi %sign3A_40, %sign3A_43 : i32
    %ne3A = vector.broadcast %sign3A_44 : i32 to vector<1024x16xi32>
    %ne3A_45 = arith.cmpi ne, %sign3A_37, %ne3A : vector<1024x16xi32>
    %rem3A = vector.broadcast %jit3A : i32 to vector<1024x16xi32>
    %rem3A_46 = arith.remsi %iota3A, %rem3A : vector<1024x16xi32>
    %ne3A_47 = arith.constant 0 : i32
    %ne3A_48 = vector.broadcast %ne3A_47 : i32 to vector<1024x16xi32>
    %ne3A_49 = arith.cmpi ne, %rem3A_46, %ne3A_48 : vector<1024x16xi32>
    %and3A = arith.andi %ne3A_45, %ne3A_49 : vector<1024x16xi1>
    %sub3A = arith.constant 1 : i32
    %sub3A_50 = vector.broadcast %sub3A : i32 to vector<1024x16xi32>
    %sub3A_51 = arith.subi %div3A_29, %sub3A_50 : vector<1024x16xi32>
    %select_n3A = arith.select %and3A, %sub3A_51, %div3A_29 : vector<1024x16xi1>, vector<1024x16xi32>
    %iota3A_52 = tpu.iota {dimensions = array<i32: 1>} : vector<1024x16xi32>
    %eq3A_53 = arith.cmpi eq, %select_n3A, %iota3A_52 : vector<1024x16xi32>
    %convert_element_type3A_54 = arith.extui %eq3A_53 : vector<1024x16xi1> to vector<1024x16xi32>
    %convert_element_type3A_55 = arith.sitofp %convert_element_type3A_54 : vector<1024x16xi32> to vector<1024x16xf32>
    %mul3A_56 = arith.mulf %slice3A, %slice3A : vector<256x1024xf32>
    %dot_general3A_57 = arith.constant dense<0.000000e+00> : vector<256x16xf32>
    %dot_general3A_58 = tpu.matmul %mul3A_56, %convert_element_type3A_55, %dot_general3A_57 {dimension_numbers = #tpu.dot_dimension_numbers<[1], [0], [0], [1], [0, 0, 1, 1], [], []>, transpose_lhs_hint = false} : vector<256x1024xf32>, vector<1024x16xf32>, vector<256x16xf32> -> vector<256x16xf32>
    %mul3A_59 = arith.constant 1.562500e-02 : f32
    %mul3A_60 = vector.broadcast %mul3A_59 : f32 to vector<256x16xf32>
    %mul3A_61 = arith.mulf %dot_general3A_58, %mul3A_60 : vector<256x16xf32>
    %add3A_62 = arith.constant 9.99999997E-7 : f32
    %add3A_63 = vector.broadcast %add3A_62 : f32 to vector<256x16xf32>
    %add3A_64 = arith.addf %mul3A_61, %add3A_63 : vector<256x16xf32>
    %rsqrt3A_65 = math.rsqrt %add3A_64 : vector<256x16xf32>
    %transpose3A = tpu.transpose %convert_element_type3A_55, [1, 0] : vector<1024x16xf32> -> vector<16x1024xf32>
    %dot_general3A_66 = arith.constant dense<0.000000e+00> : vector<256x1024xf32>
    %dot_general3A_67 = tpu.matmul %rsqrt3A_65, %transpose3A, %dot_general3A_66 {dimension_numbers = #tpu.dot_dimension_numbers<[1], [0], [0], [1], [0, 0, 1, 1], [], []>, transpose_lhs_hint = false} : vector<256x16xf32>, vector<16x1024xf32>, vector<256x1024xf32> -> vector<256x1024xf32>
    %mul3A_68 = arith.mulf %slice3A, %dot_general3A_67 : vector<256x1024xf32>
    %mul3A_69 = vector.broadcast %get3A_27 : vector<1x1024xf32> to vector<256x1024xf32>
    %mul3A_70 = arith.mulf %mul3A_68, %mul3A_69 : vector<256x1024xf32>
    %iota3A_71 = tpu.iota {dimensions = array<i32: 0>} : vector<1024x1024xi32>
    %iota3A_72 = tpu.iota {dimensions = array<i32: 1>} : vector<1024x1024xi32>
    %jit3A_73 = arith.constant 64 : i32
    %eq3A_74 = arith.constant 0 : i32
    %eq3A_75 = arith.cmpi eq, %jit3A_73, %eq3A_74 : i32
    %jit3A_76 = arith.constant 1 : i32
    %select_n3A_77 = arith.select %eq3A_75, %jit3A_76, %jit3A_73 : i32
    %rem3A_78 = vector.broadcast %select_n3A_77 : i32 to vector<1024x1024xi32>
    %rem3A_79 = arith.remsi %iota3A_72, %rem3A_78 : vector<1024x1024xi32>
    %ne3A_80 = arith.constant 0 : i32
    %ne3A_81 = vector.broadcast %ne3A_80 : i32 to vector<1024x1024xi32>
    %ne3A_82 = arith.cmpi ne, %rem3A_79, %ne3A_81 : vector<1024x1024xi32>
    %lt3A = arith.constant 0 : i32
    %lt3A_83 = vector.broadcast %lt3A : i32 to vector<1024x1024xi32>
    %lt3A_84 = arith.cmpi slt, %rem3A_79, %lt3A_83 : vector<1024x1024xi32>
    %lt3A_85 = arith.constant 0 : i32
    %lt3A_86 = arith.cmpi slt, %select_n3A_77, %lt3A_85 : i32
    %ne3A_87 = vector.broadcast %lt3A_86 : i1 to vector<1024x1024xi1>
    %ne3A_88 = vector.broadcast %ne3A_87 : vector<1024x1024xi1> to vector<1024x1024xi1>
    %ne3A_89 = arith.xori %lt3A_84, %ne3A_88 : vector<1024x1024xi1>
    %and3A_90 = arith.andi %ne3A_89, %ne3A_82 : vector<1024x1024xi1>
    %add3A_91 = vector.broadcast %select_n3A_77 : i32 to vector<1024x1024xi32>
    %add3A_92 = arith.addi %rem3A_79, %add3A_91 : vector<1024x1024xi32>
    %select_n3A_93 = arith.select %and3A_90, %add3A_92, %rem3A_79 : vector<1024x1024xi1>, vector<1024x1024xi32>
    %lt3A_94 = arith.constant 32 : i32
    %lt3A_95 = vector.broadcast %lt3A_94 : i32 to vector<1024x1024xi32>
    %lt3A_96 = arith.cmpi slt, %select_n3A_93, %lt3A_95 : vector<1024x1024xi32>
    %add3A_97 = arith.constant 32 : i32
    %add3A_98 = vector.broadcast %add3A_97 : i32 to vector<1024x1024xi32>
    %add3A_99 = arith.addi %iota3A_72, %add3A_98 : vector<1024x1024xi32>
    %eq3A_100 = arith.cmpi eq, %iota3A_71, %add3A_99 : vector<1024x1024xi32>
    %and3A_101 = arith.andi %lt3A_96, %eq3A_100 : vector<1024x1024xi1>
    %jit3A_102 = arith.constant 64 : i32
    %eq3A_103 = arith.constant 0 : i32
    %eq3A_104 = arith.cmpi eq, %jit3A_102, %eq3A_103 : i32
    %jit3A_105 = arith.constant 1 : i32
    %select_n3A_106 = arith.select %eq3A_104, %jit3A_105, %jit3A_102 : i32
    %rem3A_107 = vector.broadcast %select_n3A_106 : i32 to vector<1024x1024xi32>
    %rem3A_108 = arith.remsi %iota3A_72, %rem3A_107 : vector<1024x1024xi32>
    %ne3A_109 = arith.constant 0 : i32
    %ne3A_110 = vector.broadcast %ne3A_109 : i32 to vector<1024x1024xi32>
    %ne3A_111 = arith.cmpi ne, %rem3A_108, %ne3A_110 : vector<1024x1024xi32>
    %lt3A_112 = arith.constant 0 : i32
    %lt3A_113 = vector.broadcast %lt3A_112 : i32 to vector<1024x1024xi32>
    %lt3A_114 = arith.cmpi slt, %rem3A_108, %lt3A_113 : vector<1024x1024xi32>
    %lt3A_115 = arith.constant 0 : i32
    %lt3A_116 = arith.cmpi slt, %select_n3A_106, %lt3A_115 : i32
    %ne3A_117 = vector.broadcast %lt3A_116 : i1 to vector<1024x1024xi1>
    %ne3A_118 = vector.broadcast %ne3A_117 : vector<1024x1024xi1> to vector<1024x1024xi1>
    %ne3A_119 = arith.xori %lt3A_114, %ne3A_118 : vector<1024x1024xi1>
    %and3A_120 = arith.andi %ne3A_119, %ne3A_111 : vector<1024x1024xi1>
    %add3A_121 = vector.broadcast %select_n3A_106 : i32 to vector<1024x1024xi32>
    %add3A_122 = arith.addi %rem3A_108, %add3A_121 : vector<1024x1024xi32>
    %select_n3A_123 = arith.select %and3A_120, %add3A_122, %rem3A_108 : vector<1024x1024xi1>, vector<1024x1024xi32>
    %ge3A = arith.constant 32 : i32
    %ge3A_124 = vector.broadcast %ge3A : i32 to vector<1024x1024xi32>
    %ge3A_125 = arith.cmpi sge, %select_n3A_123, %ge3A_124 : vector<1024x1024xi32>
    %sub3A_126 = arith.constant 32 : i32
    %sub3A_127 = vector.broadcast %sub3A_126 : i32 to vector<1024x1024xi32>
    %sub3A_128 = arith.subi %iota3A_72, %sub3A_127 : vector<1024x1024xi32>
    %eq3A_129 = arith.cmpi eq, %iota3A_71, %sub3A_128 : vector<1024x1024xi32>
    %and3A_130 = arith.andi %ge3A_125, %eq3A_129 : vector<1024x1024xi1>
    %jit3A_131 = arith.constant -1.000000e+00 : f32
    %jit3A_132 = arith.constant 0.000000e+00 : f32
    %broadcast_in_dim3A_133 = vector.broadcast %jit3A_131 : f32 to vector<1024x1024xf32>
    %broadcast_in_dim3A_134 = vector.broadcast %jit3A_132 : f32 to vector<1024x1024xf32>
    %select_n3A_135 = arith.select %and3A_101, %broadcast_in_dim3A_133, %broadcast_in_dim3A_134 : vector<1024x1024xi1>, vector<1024x1024xf32>
    %jit3A_136 = arith.constant 1.000000e+00 : f32
    %jit3A_137 = arith.constant 0.000000e+00 : f32
    %broadcast_in_dim3A_138 = vector.broadcast %jit3A_136 : f32 to vector<1024x1024xf32>
    %broadcast_in_dim3A_139 = vector.broadcast %jit3A_137 : f32 to vector<1024x1024xf32>
    %select_n3A_140 = arith.select %and3A_130, %broadcast_in_dim3A_138, %broadcast_in_dim3A_139 : vector<1024x1024xi1>, vector<1024x1024xf32>
    %add3A_141 = arith.addf %select_n3A_135, %select_n3A_140 : vector<1024x1024xf32>
    %dot_general3A_142 = arith.constant dense<0.000000e+00> : vector<256x1024xf32>
    %dot_general3A_143 = tpu.matmul %mul3A_70, %add3A_141, %dot_general3A_142 {dimension_numbers = #tpu.dot_dimension_numbers<[1], [0], [0], [1], [0, 0, 1, 1], [], []>, transpose_lhs_hint = false} : vector<256x1024xf32>, vector<1024x1024xf32>, vector<256x1024xf32> -> vector<256x1024xf32>
    %iota3A_144 = tpu.iota {dimensions = array<i32: 1>} : vector<1x1024xi32>
    %jit3A_145 = arith.constant 32 : i32
    %eq3A_146 = arith.constant 0 : i32
    %eq3A_147 = arith.cmpi eq, %jit3A_145, %eq3A_146 : i32
    %jit3A_148 = arith.constant 1 : i32
    %select_n3A_149 = arith.select %eq3A_147, %jit3A_148, %jit3A_145 : i32
    %rem3A_150 = vector.broadcast %select_n3A_149 : i32 to vector<1x1024xi32>
    %rem3A_151 = arith.remsi %iota3A_144, %rem3A_150 : vector<1x1024xi32>
    %ne3A_152 = arith.constant 0 : i32
    %ne3A_153 = vector.broadcast %ne3A_152 : i32 to vector<1x1024xi32>
    %ne3A_154 = arith.cmpi ne, %rem3A_151, %ne3A_153 : vector<1x1024xi32>
    %lt3A_155 = arith.constant 0 : i32
    %lt3A_156 = vector.broadcast %lt3A_155 : i32 to vector<1x1024xi32>
    %lt3A_157 = arith.cmpi slt, %rem3A_151, %lt3A_156 : vector<1x1024xi32>
    %lt3A_158 = arith.constant 0 : i32
    %lt3A_159 = arith.cmpi slt, %select_n3A_149, %lt3A_158 : i32
    %ne3A_160 = vector.broadcast %lt3A_159 : i1 to vector<1x1024xi1>
    %ne3A_161 = vector.broadcast %ne3A_160 : vector<1x1024xi1> to vector<1x1024xi1>
    %ne3A_162 = arith.xori %lt3A_157, %ne3A_161 : vector<1x1024xi1>
    %and3A_163 = arith.andi %ne3A_162, %ne3A_154 : vector<1x1024xi1>
    %add3A_164 = vector.broadcast %select_n3A_149 : i32 to vector<1x1024xi32>
    %add3A_165 = arith.addi %rem3A_151, %add3A_164 : vector<1x1024xi32>
    %select_n3A_166 = arith.select %and3A_163, %add3A_165, %rem3A_151 : vector<1x1024xi1>, vector<1x1024xi32>
    %convert_element_type3A_167 = arith.sitofp %select_n3A_166 : vector<1x1024xi32> to vector<1x1024xf32>
    %log3A = arith.constant 1.000000e+04 : f32
    %log3A_168 = math.log %log3A : f32
    %mul3A_169 = arith.constant -2.000000e+00 : f32
    %mul3A_170 = arith.mulf %mul3A_169, %log3A_168 : f32
    %div3A_171 = arith.constant 6.400000e+01 : f32
    %div3A_172 = arith.divf %mul3A_170, %div3A_171 : f32
    %mul3A_173 = vector.broadcast %div3A_172 : f32 to vector<1x1024xf32>
    %mul3A_174 = arith.mulf %convert_element_type3A_167, %mul3A_173 : vector<1x1024xf32>
    %exp3A = math.exp %mul3A_174 : vector<1x1024xf32>
    %mul3A_175 = vector.broadcast %convert_element_type3A_24 : vector<256x1xf32> to vector<256x1024xf32>
    %mul3A_176 = vector.broadcast %exp3A : vector<1x1024xf32> to vector<256x1024xf32>
    %mul3A_177 = arith.mulf %mul3A_175, %mul3A_176 : vector<256x1024xf32>
    %cos3A = math.cos %mul3A_177 : vector<256x1024xf32>
    %sin3A = math.sin %mul3A_177 : vector<256x1024xf32>
    %mul3A_178 = arith.mulf %mul3A_70, %cos3A : vector<256x1024xf32>
    %mul3A_179 = arith.mulf %dot_general3A_143, %sin3A : vector<256x1024xf32>
    %add3A_180 = arith.addf %mul3A_178, %mul3A_179 : vector<256x1024xf32>
    %slice3A_181 = vector.extract_strided_slice %dot_general3A_20 {offsets = [0, 1024], sizes = [256, 256], strides = [1, 1]} : vector<256x1536xf32> to vector<256x256xf32>
    %get3A_182 = arith.constant 0 : index
    %get3A_183 = arith.constant 0 : index
    %get3A_184 = vector.load %arg5[%get3A_182, %get3A_183] : memref<1x256xf32, #tpu.memory_space<vmem>>, vector<1x256xf32>
    %iota3A_185 = tpu.iota {dimensions = array<i32: 0>} : vector<256x4xi32>
    %jit3A_186 = arith.constant 64 : i32
    %div3A_187 = vector.broadcast %jit3A_186 : i32 to vector<256x4xi32>
    %div3A_188 = arith.divsi %iota3A_185, %div3A_187 : vector<256x4xi32>
    %sign3A_189 = arith.constant 0 : i32
    %sign3A_190 = vector.broadcast %sign3A_189 : i32 to vector<256x4xi32>
    %sign3A_191 = arith.cmpi sgt, %iota3A_185, %sign3A_190 : vector<256x4xi32>
    %sign3A_192 = arith.extui %sign3A_191 : vector<256x4xi1> to vector<256x4xi32>
    %sign3A_193 = arith.constant 0 : i32
    %sign3A_194 = vector.broadcast %sign3A_193 : i32 to vector<256x4xi32>
    %sign3A_195 = arith.cmpi slt, %iota3A_185, %sign3A_194 : vector<256x4xi32>
    %sign3A_196 = arith.extui %sign3A_195 : vector<256x4xi1> to vector<256x4xi32>
    %sign3A_197 = arith.subi %sign3A_192, %sign3A_196 : vector<256x4xi32>
    %sign3A_198 = arith.constant 0 : i32
    %sign3A_199 = arith.cmpi sgt, %jit3A_186, %sign3A_198 : i32
    %sign3A_200 = arith.extui %sign3A_199 : i1 to i32
    %sign3A_201 = arith.constant 0 : i32
    %sign3A_202 = arith.cmpi slt, %jit3A_186, %sign3A_201 : i32
    %sign3A_203 = arith.extui %sign3A_202 : i1 to i32
    %sign3A_204 = arith.subi %sign3A_200, %sign3A_203 : i32
    %ne3A_205 = vector.broadcast %sign3A_204 : i32 to vector<256x4xi32>
    %ne3A_206 = arith.cmpi ne, %sign3A_197, %ne3A_205 : vector<256x4xi32>
    %rem3A_207 = vector.broadcast %jit3A_186 : i32 to vector<256x4xi32>
    %rem3A_208 = arith.remsi %iota3A_185, %rem3A_207 : vector<256x4xi32>
    %ne3A_209 = arith.constant 0 : i32
    %ne3A_210 = vector.broadcast %ne3A_209 : i32 to vector<256x4xi32>
    %ne3A_211 = arith.cmpi ne, %rem3A_208, %ne3A_210 : vector<256x4xi32>
    %and3A_212 = arith.andi %ne3A_206, %ne3A_211 : vector<256x4xi1>
    %sub3A_213 = arith.constant 1 : i32
    %sub3A_214 = vector.broadcast %sub3A_213 : i32 to vector<256x4xi32>
    %sub3A_215 = arith.subi %div3A_188, %sub3A_214 : vector<256x4xi32>
    %select_n3A_216 = arith.select %and3A_212, %sub3A_215, %div3A_188 : vector<256x4xi1>, vector<256x4xi32>
    %iota3A_217 = tpu.iota {dimensions = array<i32: 1>} : vector<256x4xi32>
    %eq3A_218 = arith.cmpi eq, %select_n3A_216, %iota3A_217 : vector<256x4xi32>
    %convert_element_type3A_219 = arith.extui %eq3A_218 : vector<256x4xi1> to vector<256x4xi32>
    %convert_element_type3A_220 = arith.sitofp %convert_element_type3A_219 : vector<256x4xi32> to vector<256x4xf32>
    %mul3A_221 = arith.mulf %slice3A_181, %slice3A_181 : vector<256x256xf32>
    %dot_general3A_222 = arith.constant dense<0.000000e+00> : vector<256x4xf32>
    %dot_general3A_223 = tpu.matmul %mul3A_221, %convert_element_type3A_220, %dot_general3A_222 {dimension_numbers = #tpu.dot_dimension_numbers<[1], [0], [0], [1], [0, 0, 1, 1], [], []>, transpose_lhs_hint = false} : vector<256x256xf32>, vector<256x4xf32>, vector<256x4xf32> -> vector<256x4xf32>
    %mul3A_224 = arith.constant 1.562500e-02 : f32
    %mul3A_225 = vector.broadcast %mul3A_224 : f32 to vector<256x4xf32>
    %mul3A_226 = arith.mulf %dot_general3A_223, %mul3A_225 : vector<256x4xf32>
    %add3A_227 = arith.constant 9.99999997E-7 : f32
    %add3A_228 = vector.broadcast %add3A_227 : f32 to vector<256x4xf32>
    %add3A_229 = arith.addf %mul3A_226, %add3A_228 : vector<256x4xf32>
    %rsqrt3A_230 = math.rsqrt %add3A_229 : vector<256x4xf32>
    %transpose3A_231 = tpu.transpose %convert_element_type3A_220, [1, 0] : vector<256x4xf32> -> vector<4x256xf32>
    %dot_general3A_232 = arith.constant dense<0.000000e+00> : vector<256x256xf32>
    %dot_general3A_233 = tpu.matmul %rsqrt3A_230, %transpose3A_231, %dot_general3A_232 {dimension_numbers = #tpu.dot_dimension_numbers<[1], [0], [0], [1], [0, 0, 1, 1], [], []>, transpose_lhs_hint = false} : vector<256x4xf32>, vector<4x256xf32>, vector<256x256xf32> -> vector<256x256xf32>
    %mul3A_234 = arith.mulf %slice3A_181, %dot_general3A_233 : vector<256x256xf32>
    %mul3A_235 = vector.broadcast %get3A_184 : vector<1x256xf32> to vector<256x256xf32>
    %mul3A_236 = arith.mulf %mul3A_234, %mul3A_235 : vector<256x256xf32>
    %iota3A_237 = tpu.iota {dimensions = array<i32: 0>} : vector<256x256xi32>
    %iota3A_238 = tpu.iota {dimensions = array<i32: 1>} : vector<256x256xi32>
    %jit3A_239 = arith.constant 64 : i32
    %eq3A_240 = arith.constant 0 : i32
    %eq3A_241 = arith.cmpi eq, %jit3A_239, %eq3A_240 : i32
    %jit3A_242 = arith.constant 1 : i32
    %select_n3A_243 = arith.select %eq3A_241, %jit3A_242, %jit3A_239 : i32
    %rem3A_244 = vector.broadcast %select_n3A_243 : i32 to vector<256x256xi32>
    %rem3A_245 = arith.remsi %iota3A_238, %rem3A_244 : vector<256x256xi32>
    %ne3A_246 = arith.constant 0 : i32
    %ne3A_247 = vector.broadcast %ne3A_246 : i32 to vector<256x256xi32>
    %ne3A_248 = arith.cmpi ne, %rem3A_245, %ne3A_247 : vector<256x256xi32>
    %lt3A_249 = arith.constant 0 : i32
    %lt3A_250 = vector.broadcast %lt3A_249 : i32 to vector<256x256xi32>
    %lt3A_251 = arith.cmpi slt, %rem3A_245, %lt3A_250 : vector<256x256xi32>
    %lt3A_252 = arith.constant 0 : i32
    %lt3A_253 = arith.cmpi slt, %select_n3A_243, %lt3A_252 : i32
    %ne3A_254 = vector.broadcast %lt3A_253 : i1 to vector<256x256xi1>
    %ne3A_255 = vector.broadcast %ne3A_254 : vector<256x256xi1> to vector<256x256xi1>
    %ne3A_256 = arith.xori %lt3A_251, %ne3A_255 : vector<256x256xi1>
    %and3A_257 = arith.andi %ne3A_256, %ne3A_248 : vector<256x256xi1>
    %add3A_258 = vector.broadcast %select_n3A_243 : i32 to vector<256x256xi32>
    %add3A_259 = arith.addi %rem3A_245, %add3A_258 : vector<256x256xi32>
    %select_n3A_260 = arith.select %and3A_257, %add3A_259, %rem3A_245 : vector<256x256xi1>, vector<256x256xi32>
    %lt3A_261 = arith.constant 32 : i32
    %lt3A_262 = vector.broadcast %lt3A_261 : i32 to vector<256x256xi32>
    %lt3A_263 = arith.cmpi slt, %select_n3A_260, %lt3A_262 : vector<256x256xi32>
    %add3A_264 = arith.constant 32 : i32
    %add3A_265 = vector.broadcast %add3A_264 : i32 to vector<256x256xi32>
    %add3A_266 = arith.addi %iota3A_238, %add3A_265 : vector<256x256xi32>
    %eq3A_267 = arith.cmpi eq, %iota3A_237, %add3A_266 : vector<256x256xi32>
    %and3A_268 = arith.andi %lt3A_263, %eq3A_267 : vector<256x256xi1>
    %jit3A_269 = arith.constant 64 : i32
    %eq3A_270 = arith.constant 0 : i32
    %eq3A_271 = arith.cmpi eq, %jit3A_269, %eq3A_270 : i32
    %jit3A_272 = arith.constant 1 : i32
    %select_n3A_273 = arith.select %eq3A_271, %jit3A_272, %jit3A_269 : i32
    %rem3A_274 = vector.broadcast %select_n3A_273 : i32 to vector<256x256xi32>
    %rem3A_275 = arith.remsi %iota3A_238, %rem3A_274 : vector<256x256xi32>
    %ne3A_276 = arith.constant 0 : i32
    %ne3A_277 = vector.broadcast %ne3A_276 : i32 to vector<256x256xi32>
    %ne3A_278 = arith.cmpi ne, %rem3A_275, %ne3A_277 : vector<256x256xi32>
    %lt3A_279 = arith.constant 0 : i32
    %lt3A_280 = vector.broadcast %lt3A_279 : i32 to vector<256x256xi32>
    %lt3A_281 = arith.cmpi slt, %rem3A_275, %lt3A_280 : vector<256x256xi32>
    %lt3A_282 = arith.constant 0 : i32
    %lt3A_283 = arith.cmpi slt, %select_n3A_273, %lt3A_282 : i32
    %ne3A_284 = vector.broadcast %lt3A_283 : i1 to vector<256x256xi1>
    %ne3A_285 = vector.broadcast %ne3A_284 : vector<256x256xi1> to vector<256x256xi1>
    %ne3A_286 = arith.xori %lt3A_281, %ne3A_285 : vector<256x256xi1>
    %and3A_287 = arith.andi %ne3A_286, %ne3A_278 : vector<256x256xi1>
    %add3A_288 = vector.broadcast %select_n3A_273 : i32 to vector<256x256xi32>
    %add3A_289 = arith.addi %rem3A_275, %add3A_288 : vector<256x256xi32>
    %select_n3A_290 = arith.select %and3A_287, %add3A_289, %rem3A_275 : vector<256x256xi1>, vector<256x256xi32>
    %ge3A_291 = arith.constant 32 : i32
    %ge3A_292 = vector.broadcast %ge3A_291 : i32 to vector<256x256xi32>
    %ge3A_293 = arith.cmpi sge, %select_n3A_290, %ge3A_292 : vector<256x256xi32>
    %sub3A_294 = arith.constant 32 : i32
    %sub3A_295 = vector.broadcast %sub3A_294 : i32 to vector<256x256xi32>
    %sub3A_296 = arith.subi %iota3A_238, %sub3A_295 : vector<256x256xi32>
    %eq3A_297 = arith.cmpi eq, %iota3A_237, %sub3A_296 : vector<256x256xi32>
    %and3A_298 = arith.andi %ge3A_293, %eq3A_297 : vector<256x256xi1>
    %jit3A_299 = arith.constant -1.000000e+00 : f32
    %jit3A_300 = arith.constant 0.000000e+00 : f32
    %broadcast_in_dim3A_301 = vector.broadcast %jit3A_299 : f32 to vector<256x256xf32>
    %broadcast_in_dim3A_302 = vector.broadcast %jit3A_300 : f32 to vector<256x256xf32>
    %select_n3A_303 = arith.select %and3A_268, %broadcast_in_dim3A_301, %broadcast_in_dim3A_302 : vector<256x256xi1>, vector<256x256xf32>
    %jit3A_304 = arith.constant 1.000000e+00 : f32
    %jit3A_305 = arith.constant 0.000000e+00 : f32
    %broadcast_in_dim3A_306 = vector.broadcast %jit3A_304 : f32 to vector<256x256xf32>
    %broadcast_in_dim3A_307 = vector.broadcast %jit3A_305 : f32 to vector<256x256xf32>
    %select_n3A_308 = arith.select %and3A_298, %broadcast_in_dim3A_306, %broadcast_in_dim3A_307 : vector<256x256xi1>, vector<256x256xf32>
    %add3A_309 = arith.addf %select_n3A_303, %select_n3A_308 : vector<256x256xf32>
    %dot_general3A_310 = arith.constant dense<0.000000e+00> : vector<256x256xf32>
    %dot_general3A_311 = tpu.matmul %mul3A_236, %add3A_309, %dot_general3A_310 {dimension_numbers = #tpu.dot_dimension_numbers<[1], [0], [0], [1], [0, 0, 1, 1], [], []>, transpose_lhs_hint = false} : vector<256x256xf32>, vector<256x256xf32>, vector<256x256xf32> -> vector<256x256xf32>
    %iota3A_312 = tpu.iota {dimensions = array<i32: 1>} : vector<1x256xi32>
    %jit3A_313 = arith.constant 32 : i32
    %eq3A_314 = arith.constant 0 : i32
    %eq3A_315 = arith.cmpi eq, %jit3A_313, %eq3A_314 : i32
    %jit3A_316 = arith.constant 1 : i32
    %select_n3A_317 = arith.select %eq3A_315, %jit3A_316, %jit3A_313 : i32
    %rem3A_318 = vector.broadcast %select_n3A_317 : i32 to vector<1x256xi32>
    %rem3A_319 = arith.remsi %iota3A_312, %rem3A_318 : vector<1x256xi32>
    %ne3A_320 = arith.constant 0 : i32
    %ne3A_321 = vector.broadcast %ne3A_320 : i32 to vector<1x256xi32>
    %ne3A_322 = arith.cmpi ne, %rem3A_319, %ne3A_321 : vector<1x256xi32>
    %lt3A_323 = arith.constant 0 : i32
    %lt3A_324 = vector.broadcast %lt3A_323 : i32 to vector<1x256xi32>
    %lt3A_325 = arith.cmpi slt, %rem3A_319, %lt3A_324 : vector<1x256xi32>
    %lt3A_326 = arith.constant 0 : i32
    %lt3A_327 = arith.cmpi slt, %select_n3A_317, %lt3A_326 : i32
    %ne3A_328 = vector.broadcast %lt3A_327 : i1 to vector<1x256xi1>
    %ne3A_329 = vector.broadcast %ne3A_328 : vector<1x256xi1> to vector<1x256xi1>
    %ne3A_330 = arith.xori %lt3A_325, %ne3A_329 : vector<1x256xi1>
    %and3A_331 = arith.andi %ne3A_330, %ne3A_322 : vector<1x256xi1>
    %add3A_332 = vector.broadcast %select_n3A_317 : i32 to vector<1x256xi32>
    %add3A_333 = arith.addi %rem3A_319, %add3A_332 : vector<1x256xi32>
    %select_n3A_334 = arith.select %and3A_331, %add3A_333, %rem3A_319 : vector<1x256xi1>, vector<1x256xi32>
    %convert_element_type3A_335 = arith.sitofp %select_n3A_334 : vector<1x256xi32> to vector<1x256xf32>
    %log3A_336 = arith.constant 1.000000e+04 : f32
    %log3A_337 = math.log %log3A_336 : f32
    %mul3A_338 = arith.constant -2.000000e+00 : f32
    %mul3A_339 = arith.mulf %mul3A_338, %log3A_337 : f32
    %div3A_340 = arith.constant 6.400000e+01 : f32
    %div3A_341 = arith.divf %mul3A_339, %div3A_340 : f32
    %mul3A_342 = vector.broadcast %div3A_341 : f32 to vector<1x256xf32>
    %mul3A_343 = arith.mulf %convert_element_type3A_335, %mul3A_342 : vector<1x256xf32>
    %exp3A_344 = math.exp %mul3A_343 : vector<1x256xf32>
    %mul3A_345 = vector.broadcast %convert_element_type3A_24 : vector<256x1xf32> to vector<256x256xf32>
    %mul3A_346 = vector.broadcast %exp3A_344 : vector<1x256xf32> to vector<256x256xf32>
    %mul3A_347 = arith.mulf %mul3A_345, %mul3A_346 : vector<256x256xf32>
    %cos3A_348 = math.cos %mul3A_347 : vector<256x256xf32>
    %sin3A_349 = math.sin %mul3A_347 : vector<256x256xf32>
    %mul3A_350 = arith.mulf %mul3A_236, %cos3A_348 : vector<256x256xf32>
    %mul3A_351 = arith.mulf %dot_general3A_311, %sin3A_349 : vector<256x256xf32>
    %add3A_352 = arith.addf %mul3A_350, %mul3A_351 : vector<256x256xf32>
    %slice3A_353 = vector.extract_strided_slice %add3A_352 {offsets = [0, 0], sizes = [256, 64], strides = [1, 1]} : vector<256x256xf32> to vector<256x64xf32>
    %convert_element_type3A_354 = arith.truncf %slice3A_353 : vector<256x64xf32> to vector<256x64xbf16>
    %mul3A_355 = arith.constant 256 : i32
    %mul3A_356 = arith.muli %arg0, %mul3A_355 : i32
    %swap3A = arith.constant 0 : index
    %swap3A_357 = arith.index_cast %mul3A_356 : i32 to index
    %swap3A_358 = arith.constant 0 : index
    %swap3A_359 = vector.load %arg16[%swap3A, %swap3A_357, %swap3A_358] : memref<4x2048x64xbf16, #tpu.memory_space<vmem>>, vector<1x256x64xbf16>
    %swap3A_360 = vector.shape_cast %swap3A_359 : vector<1x256x64xbf16> to vector<256x64xbf16>
    %swap3A_361 = vector.shape_cast %convert_element_type3A_354 : vector<256x64xbf16> to vector<1x256x64xbf16>
    tpu.vector_store %arg16[%swap3A, %swap3A_357, %swap3A_358], %swap3A_361 {strides = array<i32>} : memref<4x2048x64xbf16, #tpu.memory_space<vmem>>, vector<1x256x64xbf16>,
    %slice3A_362 = vector.extract_strided_slice %dot_general3A_20 {offsets = [0, 1280], sizes = [256, 64], strides = [1, 1]} : vector<256x1536xf32> to vector<256x64xf32>
    %convert_element_type3A_363 = arith.truncf %slice3A_362 : vector<256x64xf32> to vector<256x64xbf16>
    %mul3A_364 = arith.constant 256 : i32
    %mul3A_365 = arith.muli %arg0, %mul3A_364 : i32
    %swap3A_366 = arith.constant 0 : index
    %swap3A_367 = arith.index_cast %mul3A_365 : i32 to index
    %swap3A_368 = arith.constant 0 : index
    %swap3A_369 = vector.load %arg17[%swap3A_366, %swap3A_367, %swap3A_368] : memref<4x2048x64xbf16, #tpu.memory_space<vmem>>, vector<1x256x64xbf16>
    %swap3A_370 = vector.shape_cast %swap3A_369 : vector<1x256x64xbf16> to vector<256x64xbf16>
    %swap3A_371 = vector.shape_cast %convert_element_type3A_363 : vector<256x64xbf16> to vector<1x256x64xbf16>
    tpu.vector_store %arg17[%swap3A_366, %swap3A_367, %swap3A_368], %swap3A_371 {strides = array<i32>} : memref<4x2048x64xbf16, #tpu.memory_space<vmem>>, vector<1x256x64xbf16>,
    %slice3A_372 = vector.extract_strided_slice %add3A_352 {offsets = [0, 64], sizes = [256, 64], strides = [1, 1]} : vector<256x256xf32> to vector<256x64xf32>
    %convert_element_type3A_373 = arith.truncf %slice3A_372 : vector<256x64xf32> to vector<256x64xbf16>
    %mul3A_374 = arith.constant 256 : i32
    %mul3A_375 = arith.muli %arg0, %mul3A_374 : i32
    %swap3A_376 = arith.constant 1 : index
    %swap3A_377 = arith.index_cast %mul3A_375 : i32 to index
    %swap3A_378 = arith.constant 0 : index
    %swap3A_379 = vector.load %arg16[%swap3A_376, %swap3A_377, %swap3A_378] : memref<4x2048x64xbf16, #tpu.memory_space<vmem>>, vector<1x256x64xbf16>
    %swap3A_380 = vector.shape_cast %swap3A_379 : vector<1x256x64xbf16> to vector<256x64xbf16>
    %swap3A_381 = vector.shape_cast %convert_element_type3A_373 : vector<256x64xbf16> to vector<1x256x64xbf16>
    tpu.vector_store %arg16[%swap3A_376, %swap3A_377, %swap3A_378], %swap3A_381 {strides = array<i32>} : memref<4x2048x64xbf16, #tpu.memory_space<vmem>>, vector<1x256x64xbf16>,
    %slice3A_382 = vector.extract_strided_slice %dot_general3A_20 {offsets = [0, 1344], sizes = [256, 64], strides = [1, 1]} : vector<256x1536xf32> to vector<256x64xf32>
    %convert_element_type3A_383 = arith.truncf %slice3A_382 : vector<256x64xf32> to vector<256x64xbf16>
    %mul3A_384 = arith.constant 256 : i32
    %mul3A_385 = arith.muli %arg0, %mul3A_384 : i32
    %swap3A_386 = arith.constant 1 : index
    %swap3A_387 = arith.index_cast %mul3A_385 : i32 to index
    %swap3A_388 = arith.constant 0 : index
    %swap3A_389 = vector.load %arg17[%swap3A_386, %swap3A_387, %swap3A_388] : memref<4x2048x64xbf16, #tpu.memory_space<vmem>>, vector<1x256x64xbf16>
    %swap3A_390 = vector.shape_cast %swap3A_389 : vector<1x256x64xbf16> to vector<256x64xbf16>
    %swap3A_391 = vector.shape_cast %convert_element_type3A_383 : vector<256x64xbf16> to vector<1x256x64xbf16>
    tpu.vector_store %arg17[%swap3A_386, %swap3A_387, %swap3A_388], %swap3A_391 {strides = array<i32>} : memref<4x2048x64xbf16, #tpu.memory_space<vmem>>, vector<1x256x64xbf16>,
    %slice3A_392 = vector.extract_strided_slice %add3A_352 {offsets = [0, 128], sizes = [256, 64], strides = [1, 1]} : vector<256x256xf32> to vector<256x64xf32>
    %convert_element_type3A_393 = arith.truncf %slice3A_392 : vector<256x64xf32> to vector<256x64xbf16>
    %mul3A_394 = arith.constant 256 : i32
    %mul3A_395 = arith.muli %arg0, %mul3A_394 : i32
    %swap3A_396 = arith.constant 2 : index
    %swap3A_397 = arith.index_cast %mul3A_395 : i32 to index
    %swap3A_398 = arith.constant 0 : index
    %swap3A_399 = vector.load %arg16[%swap3A_396, %swap3A_397, %swap3A_398] : memref<4x2048x64xbf16, #tpu.memory_space<vmem>>, vector<1x256x64xbf16>
    %swap3A_400 = vector.shape_cast %swap3A_399 : vector<1x256x64xbf16> to vector<256x64xbf16>
    %swap3A_401 = vector.shape_cast %convert_element_type3A_393 : vector<256x64xbf16> to vector<1x256x64xbf16>
    tpu.vector_store %arg16[%swap3A_396, %swap3A_397, %swap3A_398], %swap3A_401 {strides = array<i32>} : memref<4x2048x64xbf16, #tpu.memory_space<vmem>>, vector<1x256x64xbf16>,
    %slice3A_402 = vector.extract_strided_slice %dot_general3A_20 {offsets = [0, 1408], sizes = [256, 64], strides = [1, 1]} : vector<256x1536xf32> to vector<256x64xf32>
    %convert_element_type3A_403 = arith.truncf %slice3A_402 : vector<256x64xf32> to vector<256x64xbf16>
    %mul3A_404 = arith.constant 256 : i32
    %mul3A_405 = arith.muli %arg0, %mul3A_404 : i32
    %swap3A_406 = arith.constant 2 : index
    %swap3A_407 = arith.index_cast %mul3A_405 : i32 to index
    %swap3A_408 = arith.constant 0 : index
    %swap3A_409 = vector.load %arg17[%swap3A_406, %swap3A_407, %swap3A_408] : memref<4x2048x64xbf16, #tpu.memory_space<vmem>>, vector<1x256x64xbf16>
    %swap3A_410 = vector.shape_cast %swap3A_409 : vector<1x256x64xbf16> to vector<256x64xbf16>
    %swap3A_411 = vector.shape_cast %convert_element_type3A_403 : vector<256x64xbf16> to vector<1x256x64xbf16>
    tpu.vector_store %arg17[%swap3A_406, %swap3A_407, %swap3A_408], %swap3A_411 {strides = array<i32>} : memref<4x2048x64xbf16, #tpu.memory_space<vmem>>, vector<1x256x64xbf16>,
    %slice3A_412 = vector.extract_strided_slice %add3A_352 {offsets = [0, 192], sizes = [256, 64], strides = [1, 1]} : vector<256x256xf32> to vector<256x64xf32>
    %convert_element_type3A_413 = arith.truncf %slice3A_412 : vector<256x64xf32> to vector<256x64xbf16>
    %mul3A_414 = arith.constant 256 : i32
    %mul3A_415 = arith.muli %arg0, %mul3A_414 : i32
    %swap3A_416 = arith.constant 3 : index
    %swap3A_417 = arith.index_cast %mul3A_415 : i32 to index
    %swap3A_418 = arith.constant 0 : index
    %swap3A_419 = vector.load %arg16[%swap3A_416, %swap3A_417, %swap3A_418] : memref<4x2048x64xbf16, #tpu.memory_space<vmem>>, vector<1x256x64xbf16>
    %swap3A_420 = vector.shape_cast %swap3A_419 : vector<1x256x64xbf16> to vector<256x64xbf16>
    %swap3A_421 = vector.shape_cast %convert_element_type3A_413 : vector<256x64xbf16> to vector<1x256x64xbf16>
    tpu.vector_store %arg16[%swap3A_416, %swap3A_417, %swap3A_418], %swap3A_421 {strides = array<i32>} : memref<4x2048x64xbf16, #tpu.memory_space<vmem>>, vector<1x256x64xbf16>,
    %slice3A_422 = vector.extract_strided_slice %dot_general3A_20 {offsets = [0, 1472], sizes = [256, 64], strides = [1, 1]} : vector<256x1536xf32> to vector<256x64xf32>
    %convert_element_type3A_423 = arith.truncf %slice3A_422 : vector<256x64xf32> to vector<256x64xbf16>
    %mul3A_424 = arith.constant 256 : i32
    %mul3A_425 = arith.muli %arg0, %mul3A_424 : i32
    %swap3A_426 = arith.constant 3 : index
    %swap3A_427 = arith.index_cast %mul3A_425 : i32 to index
    %swap3A_428 = arith.constant 0 : index
    %swap3A_429 = vector.load %arg17[%swap3A_426, %swap3A_427, %swap3A_428] : memref<4x2048x64xbf16, #tpu.memory_space<vmem>>, vector<1x256x64xbf16>
    %swap3A_430 = vector.shape_cast %swap3A_429 : vector<1x256x64xbf16> to vector<256x64xbf16>
    %swap3A_431 = vector.shape_cast %convert_element_type3A_423 : vector<256x64xbf16> to vector<1x256x64xbf16>
    tpu.vector_store %arg17[%swap3A_426, %swap3A_427, %swap3A_428], %swap3A_431 {strides = array<i32>} : memref<4x2048x64xbf16, #tpu.memory_space<vmem>>, vector<1x256x64xbf16>,
    %mul3A_432 = arith.constant 256 : i32
    %mul3A_433 = arith.muli %arg0, %mul3A_432 : i32
    %add3A_434 = arith.constant 256 : i32
    %add3A_435 = arith.addi %mul3A_433, %add3A_434 : i32
    %add3A_436 = arith.constant 1024 : i32
    %add3A_437 = arith.addi %add3A_435, %add3A_436 : i32
    %sub3A_438 = arith.constant 1 : i32
    %sub3A_439 = arith.subi %add3A_437, %sub3A_438 : i32
    %jit3A_440 = arith.constant 1024 : i32
    %div3A_441 = arith.divsi %sub3A_439, %jit3A_440 : i32
    %sign3A_442 = arith.constant 0 : i32
    %sign3A_443 = arith.cmpi sgt, %sub3A_439, %sign3A_442 : i32
    %sign3A_444 = arith.extui %sign3A_443 : i1 to i32
    %sign3A_445 = arith.constant 0 : i32
    %sign3A_446 = arith.cmpi slt, %sub3A_439, %sign3A_445 : i32
    %sign3A_447 = arith.extui %sign3A_446 : i1 to i32
    %sign3A_448 = arith.subi %sign3A_444, %sign3A_447 : i32
    %sign3A_449 = arith.constant 0 : i32
    %sign3A_450 = arith.cmpi sgt, %jit3A_440, %sign3A_449 : i32
    %sign3A_451 = arith.extui %sign3A_450 : i1 to i32
    %sign3A_452 = arith.constant 0 : i32
    %sign3A_453 = arith.cmpi slt, %jit3A_440, %sign3A_452 : i32
    %sign3A_454 = arith.extui %sign3A_453 : i1 to i32
    %sign3A_455 = arith.subi %sign3A_451, %sign3A_454 : i32
    %ne3A_456 = arith.cmpi ne, %sign3A_448, %sign3A_455 : i32
    %rem3A_457 = arith.remsi %sub3A_439, %jit3A_440 : i32
    %ne3A_458 = arith.constant 0 : i32
    %ne3A_459 = arith.cmpi ne, %rem3A_457, %ne3A_458 : i32
    %and3A_460 = arith.andi %ne3A_456, %ne3A_459 : i1
    %sub3A_461 = arith.constant 1 : i32
    %sub3A_462 = arith.subi %div3A_441, %sub3A_461 : i32
    %select_n3A_463 = arith.select %and3A_460, %sub3A_462, %div3A_441 : i32
    %slice3A_464 = vector.extract_strided_slice %add3A_180 {offsets = [0, 0], sizes = [256, 64], strides = [1, 1]} : vector<256x1024xf32> to vector<256x64xf32>
    %convert_element_type3A_465 = arith.truncf %slice3A_464 : vector<256x64xf32> to vector<256x64xbf16>
    %broadcast_in_dim3A_466 = arith.constant -1.000000e+30 : f32
    %broadcast_in_dim3A_467 = vector.broadcast %broadcast_in_dim3A_466 : f32 to vector<256x1xf32>
    %broadcast_in_dim3A_468 = arith.constant 0.000000e+00 : f32
    %broadcast_in_dim3A_469 = vector.broadcast %broadcast_in_dim3A_468 : f32 to vector<256x1xf32>
    %broadcast_in_dim3A_470 = arith.constant 0.000000e+00 : f32
    %broadcast_in_dim3A_471 = vector.broadcast %broadcast_in_dim3A_470 : f32 to vector<256x64xf32>
    %while3A = arith.constant 0 : i32
    %while3A_472 = arith.subi %select_n3A_463, %while3A : i32
    %while3A_473 = arith.addi %while3A, %while3A_472 : i32
    %while3A_474 = arith.constant 1 : i32
    %while3A_475 = arith.divsi %while3A_472, %while3A_474 : i32
    %while3A_476 = arith.muli %while3A_475, %while3A_474 : i32
    %while3A_477 = arith.addi %while3A, %while3A_476 : i32
    %while3A_478 = arith.constant 1 : i32
    %while3A_479:3 = scf.for %while3A_946 = %while3A to %while3A_477 step %while3A_478 iter_args(%while3A_947 = %broadcast_in_dim3A_467, %while3A_948 = %broadcast_in_dim3A_469, %while3A_949 = %broadcast_in_dim3A_471) -> (vector<256x1xf32>, vector<256x1xf32>, vector<256x64xf32>)  : i32 {
      %mul3A_950 = arith.constant 1024 : i32
      %mul3A_951 = arith.muli %while3A_946, %mul3A_950 : i32
      %get3A_952 = arith.constant 0 : index
      %get3A_953 = arith.index_cast %mul3A_951 : i32 to index
      %get3A_954 = arith.constant 0 : index
      %get3A_955 = vector.load %arg16[%get3A_952, %get3A_953, %get3A_954] : memref<4x2048x64xbf16, #tpu.memory_space<vmem>>, vector<1x1024x64xbf16>
      %get3A_956 = vector.shape_cast %get3A_955 : vector<1x1024x64xbf16> to vector<1024x64xbf16>
      %mul3A_957 = arith.constant 1024 : i32
      %mul3A_958 = arith.muli %while3A_946, %mul3A_957 : i32
      %get3A_959 = arith.constant 0 : index
      %get3A_960 = arith.index_cast %mul3A_958 : i32 to index
      %get3A_961 = arith.constant 0 : index
      %get3A_962 = vector.load %arg17[%get3A_959, %get3A_960, %get3A_961] : memref<4x2048x64xbf16, #tpu.memory_space<vmem>>, vector<1x1024x64xbf16>
      %get3A_963 = vector.shape_cast %get3A_962 : vector<1x1024x64xbf16> to vector<1024x64xbf16>
      %dot_general3A_964 = arith.constant dense<0.000000e+00> : vector<256x1024xf32>
      %dot_general3A_965 = tpu.matmul %convert_element_type3A_465, %get3A_956, %dot_general3A_964 {dimension_numbers = #tpu.dot_dimension_numbers<[1], [1], [0], [0], [0, 0, 1, 0], [], []>, transpose_lhs_hint = false} : vector<256x64xbf16>, vector<1024x64xbf16>, vector<256x1024xf32> -> vector<256x1024xf32>
      %mul3A_966 = arith.constant 1.250000e-01 : f32
      %mul3A_967 = vector.broadcast %mul3A_966 : f32 to vector<256x1024xf32>
      %mul3A_968 = arith.mulf %dot_general3A_965, %mul3A_967 : vector<256x1024xf32>
      %mul3A_969 = arith.constant 256 : i32
      %mul3A_970 = arith.muli %arg0, %mul3A_969 : i32
      %iota3A_971 = tpu.iota {dimensions = array<i32: 0>} : vector<256x1024xi32>
      %add3A_972 = vector.broadcast %mul3A_970 : i32 to vector<256x1024xi32>
      %add3A_973 = arith.addi %add3A_972, %iota3A_971 : vector<256x1024xi32>
      %mul3A_974 = arith.constant 1024 : i32
      %mul3A_975 = arith.muli %while3A_946, %mul3A_974 : i32
      %iota3A_976 = tpu.iota {dimensions = array<i32: 1>} : vector<256x1024xi32>
      %add3A_977 = vector.broadcast %mul3A_975 : i32 to vector<256x1024xi32>
      %add3A_978 = arith.addi %add3A_977, %iota3A_976 : vector<256x1024xi32>
      %ge3A_979 = arith.cmpi sge, %add3A_973, %add3A_978 : vector<256x1024xi32>
      %jit3A_980 = arith.constant -1.000000e+30 : f32
      %broadcast_in_dim3A_981 = vector.broadcast %jit3A_980 : f32 to vector<256x1024xf32>
      %select_n3A_982 = arith.select %ge3A_979, %mul3A_968, %broadcast_in_dim3A_981 : vector<256x1024xi1>, vector<256x1024xf32>
      %reduce_max3A_983 = arith.constant dense<0xFF800000> : vector<256xf32>
      %reduce_max3A_984 = vector.multi_reduction <maximumf>, %select_n3A_982, %reduce_max3A_983 [1] : vector<256x1024xf32> to vector<256xf32>
      %broadcast_in_dim3A_985 = vector.shape_cast %reduce_max3A_984 : vector<256xf32> to vector<256x1xf32>
      %max3A = arith.maximumf %while3A_947, %broadcast_in_dim3A_985 : vector<256x1xf32>
      %sub3A_986 = arith.subf %while3A_947, %max3A : vector<256x1xf32>
      %exp3A_987 = math.exp %sub3A_986 : vector<256x1xf32>
      %sub3A_988 = vector.broadcast %max3A : vector<256x1xf32> to vector<256x1024xf32>
      %sub3A_989 = arith.subf %select_n3A_982, %sub3A_988 : vector<256x1024xf32>
      %exp3A_990 = math.exp %sub3A_989 : vector<256x1024xf32>
      %mul3A_991 = arith.mulf %while3A_948, %exp3A_987 : vector<256x1xf32>
      %reduce_sum3A_992 = arith.constant dense<0.000000e+00> : vector<256xf32>
      %reduce_sum3A_993 = vector.multi_reduction <add>, %exp3A_990, %reduce_sum3A_992 [1] : vector<256x1024xf32> to vector<256xf32>
      %broadcast_in_dim3A_994 = vector.shape_cast %reduce_sum3A_993 : vector<256xf32> to vector<256x1xf32>
      %add3A_995 = arith.addf %mul3A_991, %broadcast_in_dim3A_994 : vector<256x1xf32>
      %mul3A_996 = vector.broadcast %exp3A_987 : vector<256x1xf32> to vector<256x64xf32>
      %mul3A_997 = arith.mulf %while3A_949, %mul3A_996 : vector<256x64xf32>
      %convert_element_type3A_998 = arith.truncf %exp3A_990 : vector<256x1024xf32> to vector<256x1024xbf16>
      %dot_general3A_999 = arith.constant dense<0.000000e+00> : vector<256x64xf32>
      %dot_general3A_1000 = tpu.matmul %convert_element_type3A_998, %get3A_963, %dot_general3A_999 {dimension_numbers = #tpu.dot_dimension_numbers<[1], [0], [0], [1], [0, 0, 1, 1], [], []>, transpose_lhs_hint = false} : vector<256x1024xbf16>, vector<1024x64xbf16>, vector<256x64xf32> -> vector<256x64xf32>
      %add3A_1001 = arith.addf %mul3A_997, %dot_general3A_1000 : vector<256x64xf32>
      scf.yield %max3A, %add3A_995, %add3A_1001 : vector<256x1xf32>, vector<256x1xf32>, vector<256x64xf32>
    }
    %while3A_480 = arith.constant 1 : i32
    %while3A_481:3 = scf.for %while3A_946 = %while3A_477 to %while3A_473 step %while3A_480 iter_args(%while3A_947 = %while3A_479#0, %while3A_948 = %while3A_479#1, %while3A_949 = %while3A_479#2) -> (vector<256x1xf32>, vector<256x1xf32>, vector<256x64xf32>)  : i32 {
      %mul3A_950 = arith.constant 1024 : i32
      %mul3A_951 = arith.muli %while3A_946, %mul3A_950 : i32
      %get3A_952 = arith.constant 0 : index
      %get3A_953 = arith.index_cast %mul3A_951 : i32 to index
      %get3A_954 = arith.constant 0 : index
      %get3A_955 = vector.load %arg16[%get3A_952, %get3A_953, %get3A_954] : memref<4x2048x64xbf16, #tpu.memory_space<vmem>>, vector<1x1024x64xbf16>
      %get3A_956 = vector.shape_cast %get3A_955 : vector<1x1024x64xbf16> to vector<1024x64xbf16>
      %mul3A_957 = arith.constant 1024 : i32
      %mul3A_958 = arith.muli %while3A_946, %mul3A_957 : i32
      %get3A_959 = arith.constant 0 : index
      %get3A_960 = arith.index_cast %mul3A_958 : i32 to index
      %get3A_961 = arith.constant 0 : index
      %get3A_962 = vector.load %arg17[%get3A_959, %get3A_960, %get3A_961] : memref<4x2048x64xbf16, #tpu.memory_space<vmem>>, vector<1x1024x64xbf16>
      %get3A_963 = vector.shape_cast %get3A_962 : vector<1x1024x64xbf16> to vector<1024x64xbf16>
      %dot_general3A_964 = arith.constant dense<0.000000e+00> : vector<256x1024xf32>
      %dot_general3A_965 = tpu.matmul %convert_element_type3A_465, %get3A_956, %dot_general3A_964 {dimension_numbers = #tpu.dot_dimension_numbers<[1], [1], [0], [0], [0, 0, 1, 0], [], []>, transpose_lhs_hint = false} : vector<256x64xbf16>, vector<1024x64xbf16>, vector<256x1024xf32> -> vector<256x1024xf32>
      %mul3A_966 = arith.constant 1.250000e-01 : f32
      %mul3A_967 = vector.broadcast %mul3A_966 : f32 to vector<256x1024xf32>
      %mul3A_968 = arith.mulf %dot_general3A_965, %mul3A_967 : vector<256x1024xf32>
      %mul3A_969 = arith.constant 256 : i32
      %mul3A_970 = arith.muli %arg0, %mul3A_969 : i32
      %iota3A_971 = tpu.iota {dimensions = array<i32: 0>} : vector<256x1024xi32>
      %add3A_972 = vector.broadcast %mul3A_970 : i32 to vector<256x1024xi32>
      %add3A_973 = arith.addi %add3A_972, %iota3A_971 : vector<256x1024xi32>
      %mul3A_974 = arith.constant 1024 : i32
      %mul3A_975 = arith.muli %while3A_946, %mul3A_974 : i32
      %iota3A_976 = tpu.iota {dimensions = array<i32: 1>} : vector<256x1024xi32>
      %add3A_977 = vector.broadcast %mul3A_975 : i32 to vector<256x1024xi32>
      %add3A_978 = arith.addi %add3A_977, %iota3A_976 : vector<256x1024xi32>
      %ge3A_979 = arith.cmpi sge, %add3A_973, %add3A_978 : vector<256x1024xi32>
      %jit3A_980 = arith.constant -1.000000e+30 : f32
      %broadcast_in_dim3A_981 = vector.broadcast %jit3A_980 : f32 to vector<256x1024xf32>
      %select_n3A_982 = arith.select %ge3A_979, %mul3A_968, %broadcast_in_dim3A_981 : vector<256x1024xi1>, vector<256x1024xf32>
      %reduce_max3A_983 = arith.constant dense<0xFF800000> : vector<256xf32>
      %reduce_max3A_984 = vector.multi_reduction <maximumf>, %select_n3A_982, %reduce_max3A_983 [1] : vector<256x1024xf32> to vector<256xf32>
      %broadcast_in_dim3A_985 = vector.shape_cast %reduce_max3A_984 : vector<256xf32> to vector<256x1xf32>
      %max3A = arith.maximumf %while3A_947, %broadcast_in_dim3A_985 : vector<256x1xf32>
      %sub3A_986 = arith.subf %while3A_947, %max3A : vector<256x1xf32>
      %exp3A_987 = math.exp %sub3A_986 : vector<256x1xf32>
      %sub3A_988 = vector.broadcast %max3A : vector<256x1xf32> to vector<256x1024xf32>
      %sub3A_989 = arith.subf %select_n3A_982, %sub3A_988 : vector<256x1024xf32>
      %exp3A_990 = math.exp %sub3A_989 : vector<256x1024xf32>
      %mul3A_991 = arith.mulf %while3A_948, %exp3A_987 : vector<256x1xf32>
      %reduce_sum3A_992 = arith.constant dense<0.000000e+00> : vector<256xf32>
      %reduce_sum3A_993 = vector.multi_reduction <add>, %exp3A_990, %reduce_sum3A_992 [1] : vector<256x1024xf32> to vector<256xf32>
      %broadcast_in_dim3A_994 = vector.shape_cast %reduce_sum3A_993 : vector<256xf32> to vector<256x1xf32>
      %add3A_995 = arith.addf %mul3A_991, %broadcast_in_dim3A_994 : vector<256x1xf32>
      %mul3A_996 = vector.broadcast %exp3A_987 : vector<256x1xf32> to vector<256x64xf32>
      %mul3A_997 = arith.mulf %while3A_949, %mul3A_996 : vector<256x64xf32>
      %convert_element_type3A_998 = arith.truncf %exp3A_990 : vector<256x1024xf32> to vector<256x1024xbf16>
      %dot_general3A_999 = arith.constant dense<0.000000e+00> : vector<256x64xf32>
      %dot_general3A_1000 = tpu.matmul %convert_element_type3A_998, %get3A_963, %dot_general3A_999 {dimension_numbers = #tpu.dot_dimension_numbers<[1], [0], [0], [1], [0, 0, 1, 1], [], []>, transpose_lhs_hint = false} : vector<256x1024xbf16>, vector<1024x64xbf16>, vector<256x64xf32> -> vector<256x64xf32>
      %add3A_1001 = arith.addf %mul3A_997, %dot_general3A_1000 : vector<256x64xf32>
      scf.yield %max3A, %add3A_995, %add3A_1001 : vector<256x1xf32>, vector<256x1xf32>, vector<256x64xf32>
    }
    %div3A_482 = vector.broadcast %while3A_481#1 : vector<256x1xf32> to vector<256x64xf32>
    %div3A_483 = arith.divf %while3A_481#2, %div3A_482 : vector<256x64xf32>
    %slice3A_484 = vector.extract_strided_slice %add3A_180 {offsets = [0, 64], sizes = [256, 64], strides = [1, 1]} : vector<256x1024xf32> to vector<256x64xf32>
    %convert_element_type3A_485 = arith.truncf %slice3A_484 : vector<256x64xf32> to vector<256x64xbf16>
    %broadcast_in_dim3A_486 = arith.constant -1.000000e+30 : f32
    %broadcast_in_dim3A_487 = vector.broadcast %broadcast_in_dim3A_486 : f32 to vector<256x1xf32>
    %broadcast_in_dim3A_488 = arith.constant 0.000000e+00 : f32
    %broadcast_in_dim3A_489 = vector.broadcast %broadcast_in_dim3A_488 : f32 to vector<256x1xf32>
    %broadcast_in_dim3A_490 = arith.constant 0.000000e+00 : f32
    %broadcast_in_dim3A_491 = vector.broadcast %broadcast_in_dim3A_490 : f32 to vector<256x64xf32>
    %while3A_492 = arith.constant 0 : i32
    %while3A_493 = arith.subi %select_n3A_463, %while3A_492 : i32
    %while3A_494 = arith.addi %while3A_492, %while3A_493 : i32
    %while3A_495 = arith.constant 1 : i32
    %while3A_496 = arith.divsi %while3A_493, %while3A_495 : i32
    %while3A_497 = arith.muli %while3A_496, %while3A_495 : i32
    %while3A_498 = arith.addi %while3A_492, %while3A_497 : i32
    %while3A_499 = arith.constant 1 : i32
    %while3A_500:3 = scf.for %while3A_946 = %while3A_492 to %while3A_498 step %while3A_499 iter_args(%while3A_947 = %broadcast_in_dim3A_487, %while3A_948 = %broadcast_in_dim3A_489, %while3A_949 = %broadcast_in_dim3A_491) -> (vector<256x1xf32>, vector<256x1xf32>, vector<256x64xf32>)  : i32 {
      %mul3A_950 = arith.constant 1024 : i32
      %mul3A_951 = arith.muli %while3A_946, %mul3A_950 : i32
      %get3A_952 = arith.constant 0 : index
      %get3A_953 = arith.index_cast %mul3A_951 : i32 to index
      %get3A_954 = arith.constant 0 : index
      %get3A_955 = vector.load %arg16[%get3A_952, %get3A_953, %get3A_954] : memref<4x2048x64xbf16, #tpu.memory_space<vmem>>, vector<1x1024x64xbf16>
      %get3A_956 = vector.shape_cast %get3A_955 : vector<1x1024x64xbf16> to vector<1024x64xbf16>
      %mul3A_957 = arith.constant 1024 : i32
      %mul3A_958 = arith.muli %while3A_946, %mul3A_957 : i32
      %get3A_959 = arith.constant 0 : index
      %get3A_960 = arith.index_cast %mul3A_958 : i32 to index
      %get3A_961 = arith.constant 0 : index
      %get3A_962 = vector.load %arg17[%get3A_959, %get3A_960, %get3A_961] : memref<4x2048x64xbf16, #tpu.memory_space<vmem>>, vector<1x1024x64xbf16>
      %get3A_963 = vector.shape_cast %get3A_962 : vector<1x1024x64xbf16> to vector<1024x64xbf16>
      %dot_general3A_964 = arith.constant dense<0.000000e+00> : vector<256x1024xf32>
      %dot_general3A_965 = tpu.matmul %convert_element_type3A_485, %get3A_956, %dot_general3A_964 {dimension_numbers = #tpu.dot_dimension_numbers<[1], [1], [0], [0], [0, 0, 1, 0], [], []>, transpose_lhs_hint = false} : vector<256x64xbf16>, vector<1024x64xbf16>, vector<256x1024xf32> -> vector<256x1024xf32>
      %mul3A_966 = arith.constant 1.250000e-01 : f32
      %mul3A_967 = vector.broadcast %mul3A_966 : f32 to vector<256x1024xf32>
      %mul3A_968 = arith.mulf %dot_general3A_965, %mul3A_967 : vector<256x1024xf32>
      %mul3A_969 = arith.constant 256 : i32
      %mul3A_970 = arith.muli %arg0, %mul3A_969 : i32
      %iota3A_971 = tpu.iota {dimensions = array<i32: 0>} : vector<256x1024xi32>
      %add3A_972 = vector.broadcast %mul3A_970 : i32 to vector<256x1024xi32>
      %add3A_973 = arith.addi %add3A_972, %iota3A_971 : vector<256x1024xi32>
      %mul3A_974 = arith.constant 1024 : i32
      %mul3A_975 = arith.muli %while3A_946, %mul3A_974 : i32
      %iota3A_976 = tpu.iota {dimensions = array<i32: 1>} : vector<256x1024xi32>
      %add3A_977 = vector.broadcast %mul3A_975 : i32 to vector<256x1024xi32>
      %add3A_978 = arith.addi %add3A_977, %iota3A_976 : vector<256x1024xi32>
      %ge3A_979 = arith.cmpi sge, %add3A_973, %add3A_978 : vector<256x1024xi32>
      %jit3A_980 = arith.constant -1.000000e+30 : f32
      %broadcast_in_dim3A_981 = vector.broadcast %jit3A_980 : f32 to vector<256x1024xf32>
      %select_n3A_982 = arith.select %ge3A_979, %mul3A_968, %broadcast_in_dim3A_981 : vector<256x1024xi1>, vector<256x1024xf32>
      %reduce_max3A_983 = arith.constant dense<0xFF800000> : vector<256xf32>
      %reduce_max3A_984 = vector.multi_reduction <maximumf>, %select_n3A_982, %reduce_max3A_983 [1] : vector<256x1024xf32> to vector<256xf32>
      %broadcast_in_dim3A_985 = vector.shape_cast %reduce_max3A_984 : vector<256xf32> to vector<256x1xf32>
      %max3A = arith.maximumf %while3A_947, %broadcast_in_dim3A_985 : vector<256x1xf32>
      %sub3A_986 = arith.subf %while3A_947, %max3A : vector<256x1xf32>
      %exp3A_987 = math.exp %sub3A_986 : vector<256x1xf32>
      %sub3A_988 = vector.broadcast %max3A : vector<256x1xf32> to vector<256x1024xf32>
      %sub3A_989 = arith.subf %select_n3A_982, %sub3A_988 : vector<256x1024xf32>
      %exp3A_990 = math.exp %sub3A_989 : vector<256x1024xf32>
      %mul3A_991 = arith.mulf %while3A_948, %exp3A_987 : vector<256x1xf32>
      %reduce_sum3A_992 = arith.constant dense<0.000000e+00> : vector<256xf32>
      %reduce_sum3A_993 = vector.multi_reduction <add>, %exp3A_990, %reduce_sum3A_992 [1] : vector<256x1024xf32> to vector<256xf32>
      %broadcast_in_dim3A_994 = vector.shape_cast %reduce_sum3A_993 : vector<256xf32> to vector<256x1xf32>
      %add3A_995 = arith.addf %mul3A_991, %broadcast_in_dim3A_994 : vector<256x1xf32>
      %mul3A_996 = vector.broadcast %exp3A_987 : vector<256x1xf32> to vector<256x64xf32>
      %mul3A_997 = arith.mulf %while3A_949, %mul3A_996 : vector<256x64xf32>
      %convert_element_type3A_998 = arith.truncf %exp3A_990 : vector<256x1024xf32> to vector<256x1024xbf16>
      %dot_general3A_999 = arith.constant dense<0.000000e+00> : vector<256x64xf32>
      %dot_general3A_1000 = tpu.matmul %convert_element_type3A_998, %get3A_963, %dot_general3A_999 {dimension_numbers = #tpu.dot_dimension_numbers<[1], [0], [0], [1], [0, 0, 1, 1], [], []>, transpose_lhs_hint = false} : vector<256x1024xbf16>, vector<1024x64xbf16>, vector<256x64xf32> -> vector<256x64xf32>
      %add3A_1001 = arith.addf %mul3A_997, %dot_general3A_1000 : vector<256x64xf32>
      scf.yield %max3A, %add3A_995, %add3A_1001 : vector<256x1xf32>, vector<256x1xf32>, vector<256x64xf32>
    }
    %while3A_501 = arith.constant 1 : i32
    %while3A_502:3 = scf.for %while3A_946 = %while3A_498 to %while3A_494 step %while3A_501 iter_args(%while3A_947 = %while3A_500#0, %while3A_948 = %while3A_500#1, %while3A_949 = %while3A_500#2) -> (vector<256x1xf32>, vector<256x1xf32>, vector<256x64xf32>)  : i32 {
      %mul3A_950 = arith.constant 1024 : i32
      %mul3A_951 = arith.muli %while3A_946, %mul3A_950 : i32
      %get3A_952 = arith.constant 0 : index
      %get3A_953 = arith.index_cast %mul3A_951 : i32 to index
      %get3A_954 = arith.constant 0 : index
      %get3A_955 = vector.load %arg16[%get3A_952, %get3A_953, %get3A_954] : memref<4x2048x64xbf16, #tpu.memory_space<vmem>>, vector<1x1024x64xbf16>
      %get3A_956 = vector.shape_cast %get3A_955 : vector<1x1024x64xbf16> to vector<1024x64xbf16>
      %mul3A_957 = arith.constant 1024 : i32
      %mul3A_958 = arith.muli %while3A_946, %mul3A_957 : i32
      %get3A_959 = arith.constant 0 : index
      %get3A_960 = arith.index_cast %mul3A_958 : i32 to index
      %get3A_961 = arith.constant 0 : index
      %get3A_962 = vector.load %arg17[%get3A_959, %get3A_960, %get3A_961] : memref<4x2048x64xbf16, #tpu.memory_space<vmem>>, vector<1x1024x64xbf16>
      %get3A_963 = vector.shape_cast %get3A_962 : vector<1x1024x64xbf16> to vector<1024x64xbf16>
      %dot_general3A_964 = arith.constant dense<0.000000e+00> : vector<256x1024xf32>
      %dot_general3A_965 = tpu.matmul %convert_element_type3A_485, %get3A_956, %dot_general3A_964 {dimension_numbers = #tpu.dot_dimension_numbers<[1], [1], [0], [0], [0, 0, 1, 0], [], []>, transpose_lhs_hint = false} : vector<256x64xbf16>, vector<1024x64xbf16>, vector<256x1024xf32> -> vector<256x1024xf32>
      %mul3A_966 = arith.constant 1.250000e-01 : f32
      %mul3A_967 = vector.broadcast %mul3A_966 : f32 to vector<256x1024xf32>
      %mul3A_968 = arith.mulf %dot_general3A_965, %mul3A_967 : vector<256x1024xf32>
      %mul3A_969 = arith.constant 256 : i32
      %mul3A_970 = arith.muli %arg0, %mul3A_969 : i32
      %iota3A_971 = tpu.iota {dimensions = array<i32: 0>} : vector<256x1024xi32>
      %add3A_972 = vector.broadcast %mul3A_970 : i32 to vector<256x1024xi32>
      %add3A_973 = arith.addi %add3A_972, %iota3A_971 : vector<256x1024xi32>
      %mul3A_974 = arith.constant 1024 : i32
      %mul3A_975 = arith.muli %while3A_946, %mul3A_974 : i32
      %iota3A_976 = tpu.iota {dimensions = array<i32: 1>} : vector<256x1024xi32>
      %add3A_977 = vector.broadcast %mul3A_975 : i32 to vector<256x1024xi32>
      %add3A_978 = arith.addi %add3A_977, %iota3A_976 : vector<256x1024xi32>
      %ge3A_979 = arith.cmpi sge, %add3A_973, %add3A_978 : vector<256x1024xi32>
      %jit3A_980 = arith.constant -1.000000e+30 : f32
      %broadcast_in_dim3A_981 = vector.broadcast %jit3A_980 : f32 to vector<256x1024xf32>
      %select_n3A_982 = arith.select %ge3A_979, %mul3A_968, %broadcast_in_dim3A_981 : vector<256x1024xi1>, vector<256x1024xf32>
      %reduce_max3A_983 = arith.constant dense<0xFF800000> : vector<256xf32>
      %reduce_max3A_984 = vector.multi_reduction <maximumf>, %select_n3A_982, %reduce_max3A_983 [1] : vector<256x1024xf32> to vector<256xf32>
      %broadcast_in_dim3A_985 = vector.shape_cast %reduce_max3A_984 : vector<256xf32> to vector<256x1xf32>
      %max3A = arith.maximumf %while3A_947, %broadcast_in_dim3A_985 : vector<256x1xf32>
      %sub3A_986 = arith.subf %while3A_947, %max3A : vector<256x1xf32>
      %exp3A_987 = math.exp %sub3A_986 : vector<256x1xf32>
      %sub3A_988 = vector.broadcast %max3A : vector<256x1xf32> to vector<256x1024xf32>
      %sub3A_989 = arith.subf %select_n3A_982, %sub3A_988 : vector<256x1024xf32>
      %exp3A_990 = math.exp %sub3A_989 : vector<256x1024xf32>
      %mul3A_991 = arith.mulf %while3A_948, %exp3A_987 : vector<256x1xf32>
      %reduce_sum3A_992 = arith.constant dense<0.000000e+00> : vector<256xf32>
      %reduce_sum3A_993 = vector.multi_reduction <add>, %exp3A_990, %reduce_sum3A_992 [1] : vector<256x1024xf32> to vector<256xf32>
      %broadcast_in_dim3A_994 = vector.shape_cast %reduce_sum3A_993 : vector<256xf32> to vector<256x1xf32>
      %add3A_995 = arith.addf %mul3A_991, %broadcast_in_dim3A_994 : vector<256x1xf32>
      %mul3A_996 = vector.broadcast %exp3A_987 : vector<256x1xf32> to vector<256x64xf32>
      %mul3A_997 = arith.mulf %while3A_949, %mul3A_996 : vector<256x64xf32>
      %convert_element_type3A_998 = arith.truncf %exp3A_990 : vector<256x1024xf32> to vector<256x1024xbf16>
      %dot_general3A_999 = arith.constant dense<0.000000e+00> : vector<256x64xf32>
      %dot_general3A_1000 = tpu.matmul %convert_element_type3A_998, %get3A_963, %dot_general3A_999 {dimension_numbers = #tpu.dot_dimension_numbers<[1], [0], [0], [1], [0, 0, 1, 1], [], []>, transpose_lhs_hint = false} : vector<256x1024xbf16>, vector<1024x64xbf16>, vector<256x64xf32> -> vector<256x64xf32>
      %add3A_1001 = arith.addf %mul3A_997, %dot_general3A_1000 : vector<256x64xf32>
      scf.yield %max3A, %add3A_995, %add3A_1001 : vector<256x1xf32>, vector<256x1xf32>, vector<256x64xf32>
    }
    %div3A_503 = vector.broadcast %while3A_502#1 : vector<256x1xf32> to vector<256x64xf32>
    %div3A_504 = arith.divf %while3A_502#2, %div3A_503 : vector<256x64xf32>
    %slice3A_505 = vector.extract_strided_slice %add3A_180 {offsets = [0, 128], sizes = [256, 64], strides = [1, 1]} : vector<256x1024xf32> to vector<256x64xf32>
    %convert_element_type3A_506 = arith.truncf %slice3A_505 : vector<256x64xf32> to vector<256x64xbf16>
    %broadcast_in_dim3A_507 = arith.constant -1.000000e+30 : f32
    %broadcast_in_dim3A_508 = vector.broadcast %broadcast_in_dim3A_507 : f32 to vector<256x1xf32>
    %broadcast_in_dim3A_509 = arith.constant 0.000000e+00 : f32
    %broadcast_in_dim3A_510 = vector.broadcast %broadcast_in_dim3A_509 : f32 to vector<256x1xf32>
    %broadcast_in_dim3A_511 = arith.constant 0.000000e+00 : f32
    %broadcast_in_dim3A_512 = vector.broadcast %broadcast_in_dim3A_511 : f32 to vector<256x64xf32>
    %while3A_513 = arith.constant 0 : i32
    %while3A_514 = arith.subi %select_n3A_463, %while3A_513 : i32
    %while3A_515 = arith.addi %while3A_513, %while3A_514 : i32
    %while3A_516 = arith.constant 1 : i32
    %while3A_517 = arith.divsi %while3A_514, %while3A_516 : i32
    %while3A_518 = arith.muli %while3A_517, %while3A_516 : i32
    %while3A_519 = arith.addi %while3A_513, %while3A_518 : i32
    %while3A_520 = arith.constant 1 : i32
    %while3A_521:3 = scf.for %while3A_946 = %while3A_513 to %while3A_519 step %while3A_520 iter_args(%while3A_947 = %broadcast_in_dim3A_508, %while3A_948 = %broadcast_in_dim3A_510, %while3A_949 = %broadcast_in_dim3A_512) -> (vector<256x1xf32>, vector<256x1xf32>, vector<256x64xf32>)  : i32 {
      %mul3A_950 = arith.constant 1024 : i32
      %mul3A_951 = arith.muli %while3A_946, %mul3A_950 : i32
      %get3A_952 = arith.constant 0 : index
      %get3A_953 = arith.index_cast %mul3A_951 : i32 to index
      %get3A_954 = arith.constant 0 : index
      %get3A_955 = vector.load %arg16[%get3A_952, %get3A_953, %get3A_954] : memref<4x2048x64xbf16, #tpu.memory_space<vmem>>, vector<1x1024x64xbf16>
      %get3A_956 = vector.shape_cast %get3A_955 : vector<1x1024x64xbf16> to vector<1024x64xbf16>
      %mul3A_957 = arith.constant 1024 : i32
      %mul3A_958 = arith.muli %while3A_946, %mul3A_957 : i32
      %get3A_959 = arith.constant 0 : index
      %get3A_960 = arith.index_cast %mul3A_958 : i32 to index
      %get3A_961 = arith.constant 0 : index
      %get3A_962 = vector.load %arg17[%get3A_959, %get3A_960, %get3A_961] : memref<4x2048x64xbf16, #tpu.memory_space<vmem>>, vector<1x1024x64xbf16>
      %get3A_963 = vector.shape_cast %get3A_962 : vector<1x1024x64xbf16> to vector<1024x64xbf16>
      %dot_general3A_964 = arith.constant dense<0.000000e+00> : vector<256x1024xf32>
      %dot_general3A_965 = tpu.matmul %convert_element_type3A_506, %get3A_956, %dot_general3A_964 {dimension_numbers = #tpu.dot_dimension_numbers<[1], [1], [0], [0], [0, 0, 1, 0], [], []>, transpose_lhs_hint = false} : vector<256x64xbf16>, vector<1024x64xbf16>, vector<256x1024xf32> -> vector<256x1024xf32>
      %mul3A_966 = arith.constant 1.250000e-01 : f32
      %mul3A_967 = vector.broadcast %mul3A_966 : f32 to vector<256x1024xf32>
      %mul3A_968 = arith.mulf %dot_general3A_965, %mul3A_967 : vector<256x1024xf32>
      %mul3A_969 = arith.constant 256 : i32
      %mul3A_970 = arith.muli %arg0, %mul3A_969 : i32
      %iota3A_971 = tpu.iota {dimensions = array<i32: 0>} : vector<256x1024xi32>
      %add3A_972 = vector.broadcast %mul3A_970 : i32 to vector<256x1024xi32>
      %add3A_973 = arith.addi %add3A_972, %iota3A_971 : vector<256x1024xi32>
      %mul3A_974 = arith.constant 1024 : i32
      %mul3A_975 = arith.muli %while3A_946, %mul3A_974 : i32
      %iota3A_976 = tpu.iota {dimensions = array<i32: 1>} : vector<256x1024xi32>
      %add3A_977 = vector.broadcast %mul3A_975 : i32 to vector<256x1024xi32>
      %add3A_978 = arith.addi %add3A_977, %iota3A_976 : vector<256x1024xi32>
      %ge3A_979 = arith.cmpi sge, %add3A_973, %add3A_978 : vector<256x1024xi32>
      %jit3A_980 = arith.constant -1.000000e+30 : f32
      %broadcast_in_dim3A_981 = vector.broadcast %jit3A_980 : f32 to vector<256x1024xf32>
      %select_n3A_982 = arith.select %ge3A_979, %mul3A_968, %broadcast_in_dim3A_981 : vector<256x1024xi1>, vector<256x1024xf32>
      %reduce_max3A_983 = arith.constant dense<0xFF800000> : vector<256xf32>
      %reduce_max3A_984 = vector.multi_reduction <maximumf>, %select_n3A_982, %reduce_max3A_983 [1] : vector<256x1024xf32> to vector<256xf32>
      %broadcast_in_dim3A_985 = vector.shape_cast %reduce_max3A_984 : vector<256xf32> to vector<256x1xf32>
      %max3A = arith.maximumf %while3A_947, %broadcast_in_dim3A_985 : vector<256x1xf32>
      %sub3A_986 = arith.subf %while3A_947, %max3A : vector<256x1xf32>
      %exp3A_987 = math.exp %sub3A_986 : vector<256x1xf32>
      %sub3A_988 = vector.broadcast %max3A : vector<256x1xf32> to vector<256x1024xf32>
      %sub3A_989 = arith.subf %select_n3A_982, %sub3A_988 : vector<256x1024xf32>
      %exp3A_990 = math.exp %sub3A_989 : vector<256x1024xf32>
      %mul3A_991 = arith.mulf %while3A_948, %exp3A_987 : vector<256x1xf32>
      %reduce_sum3A_992 = arith.constant dense<0.000000e+00> : vector<256xf32>
      %reduce_sum3A_993 = vector.multi_reduction <add>, %exp3A_990, %reduce_sum3A_992 [1] : vector<256x1024xf32> to vector<256xf32>
      %broadcast_in_dim3A_994 = vector.shape_cast %reduce_sum3A_993 : vector<256xf32> to vector<256x1xf32>
      %add3A_995 = arith.addf %mul3A_991, %broadcast_in_dim3A_994 : vector<256x1xf32>
      %mul3A_996 = vector.broadcast %exp3A_987 : vector<256x1xf32> to vector<256x64xf32>
      %mul3A_997 = arith.mulf %while3A_949, %mul3A_996 : vector<256x64xf32>
      %convert_element_type3A_998 = arith.truncf %exp3A_990 : vector<256x1024xf32> to vector<256x1024xbf16>
      %dot_general3A_999 = arith.constant dense<0.000000e+00> : vector<256x64xf32>
      %dot_general3A_1000 = tpu.matmul %convert_element_type3A_998, %get3A_963, %dot_general3A_999 {dimension_numbers = #tpu.dot_dimension_numbers<[1], [0], [0], [1], [0, 0, 1, 1], [], []>, transpose_lhs_hint = false} : vector<256x1024xbf16>, vector<1024x64xbf16>, vector<256x64xf32> -> vector<256x64xf32>
      %add3A_1001 = arith.addf %mul3A_997, %dot_general3A_1000 : vector<256x64xf32>
      scf.yield %max3A, %add3A_995, %add3A_1001 : vector<256x1xf32>, vector<256x1xf32>, vector<256x64xf32>
    }
    %while3A_522 = arith.constant 1 : i32
    %while3A_523:3 = scf.for %while3A_946 = %while3A_519 to %while3A_515 step %while3A_522 iter_args(%while3A_947 = %while3A_521#0, %while3A_948 = %while3A_521#1, %while3A_949 = %while3A_521#2) -> (vector<256x1xf32>, vector<256x1xf32>, vector<256x64xf32>)  : i32 {
      %mul3A_950 = arith.constant 1024 : i32
      %mul3A_951 = arith.muli %while3A_946, %mul3A_950 : i32
      %get3A_952 = arith.constant 0 : index
      %get3A_953 = arith.index_cast %mul3A_951 : i32 to index
      %get3A_954 = arith.constant 0 : index
      %get3A_955 = vector.load %arg16[%get3A_952, %get3A_953, %get3A_954] : memref<4x2048x64xbf16, #tpu.memory_space<vmem>>, vector<1x1024x64xbf16>
      %get3A_956 = vector.shape_cast %get3A_955 : vector<1x1024x64xbf16> to vector<1024x64xbf16>
      %mul3A_957 = arith.constant 1024 : i32
      %mul3A_958 = arith.muli %while3A_946, %mul3A_957 : i32
      %get3A_959 = arith.constant 0 : index
      %get3A_960 = arith.index_cast %mul3A_958 : i32 to index
      %get3A_961 = arith.constant 0 : index
      %get3A_962 = vector.load %arg17[%get3A_959, %get3A_960, %get3A_961] : memref<4x2048x64xbf16, #tpu.memory_space<vmem>>, vector<1x1024x64xbf16>
      %get3A_963 = vector.shape_cast %get3A_962 : vector<1x1024x64xbf16> to vector<1024x64xbf16>
      %dot_general3A_964 = arith.constant dense<0.000000e+00> : vector<256x1024xf32>
      %dot_general3A_965 = tpu.matmul %convert_element_type3A_506, %get3A_956, %dot_general3A_964 {dimension_numbers = #tpu.dot_dimension_numbers<[1], [1], [0], [0], [0, 0, 1, 0], [], []>, transpose_lhs_hint = false} : vector<256x64xbf16>, vector<1024x64xbf16>, vector<256x1024xf32> -> vector<256x1024xf32>
      %mul3A_966 = arith.constant 1.250000e-01 : f32
      %mul3A_967 = vector.broadcast %mul3A_966 : f32 to vector<256x1024xf32>
      %mul3A_968 = arith.mulf %dot_general3A_965, %mul3A_967 : vector<256x1024xf32>
      %mul3A_969 = arith.constant 256 : i32
      %mul3A_970 = arith.muli %arg0, %mul3A_969 : i32
      %iota3A_971 = tpu.iota {dimensions = array<i32: 0>} : vector<256x1024xi32>
      %add3A_972 = vector.broadcast %mul3A_970 : i32 to vector<256x1024xi32>
      %add3A_973 = arith.addi %add3A_972, %iota3A_971 : vector<256x1024xi32>
      %mul3A_974 = arith.constant 1024 : i32
      %mul3A_975 = arith.muli %while3A_946, %mul3A_974 : i32
      %iota3A_976 = tpu.iota {dimensions = array<i32: 1>} : vector<256x1024xi32>
      %add3A_977 = vector.broadcast %mul3A_975 : i32 to vector<256x1024xi32>
      %add3A_978 = arith.addi %add3A_977, %iota3A_976 : vector<256x1024xi32>
      %ge3A_979 = arith.cmpi sge, %add3A_973, %add3A_978 : vector<256x1024xi32>
      %jit3A_980 = arith.constant -1.000000e+30 : f32
      %broadcast_in_dim3A_981 = vector.broadcast %jit3A_980 : f32 to vector<256x1024xf32>
      %select_n3A_982 = arith.select %ge3A_979, %mul3A_968, %broadcast_in_dim3A_981 : vector<256x1024xi1>, vector<256x1024xf32>
      %reduce_max3A_983 = arith.constant dense<0xFF800000> : vector<256xf32>
      %reduce_max3A_984 = vector.multi_reduction <maximumf>, %select_n3A_982, %reduce_max3A_983 [1] : vector<256x1024xf32> to vector<256xf32>
      %broadcast_in_dim3A_985 = vector.shape_cast %reduce_max3A_984 : vector<256xf32> to vector<256x1xf32>
      %max3A = arith.maximumf %while3A_947, %broadcast_in_dim3A_985 : vector<256x1xf32>
      %sub3A_986 = arith.subf %while3A_947, %max3A : vector<256x1xf32>
      %exp3A_987 = math.exp %sub3A_986 : vector<256x1xf32>
      %sub3A_988 = vector.broadcast %max3A : vector<256x1xf32> to vector<256x1024xf32>
      %sub3A_989 = arith.subf %select_n3A_982, %sub3A_988 : vector<256x1024xf32>
      %exp3A_990 = math.exp %sub3A_989 : vector<256x1024xf32>
      %mul3A_991 = arith.mulf %while3A_948, %exp3A_987 : vector<256x1xf32>
      %reduce_sum3A_992 = arith.constant dense<0.000000e+00> : vector<256xf32>
      %reduce_sum3A_993 = vector.multi_reduction <add>, %exp3A_990, %reduce_sum3A_992 [1] : vector<256x1024xf32> to vector<256xf32>
      %broadcast_in_dim3A_994 = vector.shape_cast %reduce_sum3A_993 : vector<256xf32> to vector<256x1xf32>
      %add3A_995 = arith.addf %mul3A_991, %broadcast_in_dim3A_994 : vector<256x1xf32>
      %mul3A_996 = vector.broadcast %exp3A_987 : vector<256x1xf32> to vector<256x64xf32>
      %mul3A_997 = arith.mulf %while3A_949, %mul3A_996 : vector<256x64xf32>
      %convert_element_type3A_998 = arith.truncf %exp3A_990 : vector<256x1024xf32> to vector<256x1024xbf16>
      %dot_general3A_999 = arith.constant dense<0.000000e+00> : vector<256x64xf32>
      %dot_general3A_1000 = tpu.matmul %convert_element_type3A_998, %get3A_963, %dot_general3A_999 {dimension_numbers = #tpu.dot_dimension_numbers<[1], [0], [0], [1], [0, 0, 1, 1], [], []>, transpose_lhs_hint = false} : vector<256x1024xbf16>, vector<1024x64xbf16>, vector<256x64xf32> -> vector<256x64xf32>
      %add3A_1001 = arith.addf %mul3A_997, %dot_general3A_1000 : vector<256x64xf32>
      scf.yield %max3A, %add3A_995, %add3A_1001 : vector<256x1xf32>, vector<256x1xf32>, vector<256x64xf32>
    }
    %div3A_524 = vector.broadcast %while3A_523#1 : vector<256x1xf32> to vector<256x64xf32>
    %div3A_525 = arith.divf %while3A_523#2, %div3A_524 : vector<256x64xf32>
    %slice3A_526 = vector.extract_strided_slice %add3A_180 {offsets = [0, 192], sizes = [256, 64], strides = [1, 1]} : vector<256x1024xf32> to vector<256x64xf32>
    %convert_element_type3A_527 = arith.truncf %slice3A_526 : vector<256x64xf32> to vector<256x64xbf16>
    %broadcast_in_dim3A_528 = arith.constant -1.000000e+30 : f32
    %broadcast_in_dim3A_529 = vector.broadcast %broadcast_in_dim3A_528 : f32 to vector<256x1xf32>
    %broadcast_in_dim3A_530 = arith.constant 0.000000e+00 : f32
    %broadcast_in_dim3A_531 = vector.broadcast %broadcast_in_dim3A_530 : f32 to vector<256x1xf32>
    %broadcast_in_dim3A_532 = arith.constant 0.000000e+00 : f32
    %broadcast_in_dim3A_533 = vector.broadcast %broadcast_in_dim3A_532 : f32 to vector<256x64xf32>
    %while3A_534 = arith.constant 0 : i32
    %while3A_535 = arith.subi %select_n3A_463, %while3A_534 : i32
    %while3A_536 = arith.addi %while3A_534, %while3A_535 : i32
    %while3A_537 = arith.constant 1 : i32
    %while3A_538 = arith.divsi %while3A_535, %while3A_537 : i32
    %while3A_539 = arith.muli %while3A_538, %while3A_537 : i32
    %while3A_540 = arith.addi %while3A_534, %while3A_539 : i32
    %while3A_541 = arith.constant 1 : i32
    %while3A_542:3 = scf.for %while3A_946 = %while3A_534 to %while3A_540 step %while3A_541 iter_args(%while3A_947 = %broadcast_in_dim3A_529, %while3A_948 = %broadcast_in_dim3A_531, %while3A_949 = %broadcast_in_dim3A_533) -> (vector<256x1xf32>, vector<256x1xf32>, vector<256x64xf32>)  : i32 {
      %mul3A_950 = arith.constant 1024 : i32
      %mul3A_951 = arith.muli %while3A_946, %mul3A_950 : i32
      %get3A_952 = arith.constant 0 : index
      %get3A_953 = arith.index_cast %mul3A_951 : i32 to index
      %get3A_954 = arith.constant 0 : index
      %get3A_955 = vector.load %arg16[%get3A_952, %get3A_953, %get3A_954] : memref<4x2048x64xbf16, #tpu.memory_space<vmem>>, vector<1x1024x64xbf16>
      %get3A_956 = vector.shape_cast %get3A_955 : vector<1x1024x64xbf16> to vector<1024x64xbf16>
      %mul3A_957 = arith.constant 1024 : i32
      %mul3A_958 = arith.muli %while3A_946, %mul3A_957 : i32
      %get3A_959 = arith.constant 0 : index
      %get3A_960 = arith.index_cast %mul3A_958 : i32 to index
      %get3A_961 = arith.constant 0 : index
      %get3A_962 = vector.load %arg17[%get3A_959, %get3A_960, %get3A_961] : memref<4x2048x64xbf16, #tpu.memory_space<vmem>>, vector<1x1024x64xbf16>
      %get3A_963 = vector.shape_cast %get3A_962 : vector<1x1024x64xbf16> to vector<1024x64xbf16>
      %dot_general3A_964 = arith.constant dense<0.000000e+00> : vector<256x1024xf32>
      %dot_general3A_965 = tpu.matmul %convert_element_type3A_527, %get3A_956, %dot_general3A_964 {dimension_numbers = #tpu.dot_dimension_numbers<[1], [1], [0], [0], [0, 0, 1, 0], [], []>, transpose_lhs_hint = false} : vector<256x64xbf16>, vector<1024x64xbf16>, vector<256x1024xf32> -> vector<256x1024xf32>
      %mul3A_966 = arith.constant 1.250000e-01 : f32
      %mul3A_967 = vector.broadcast %mul3A_966 : f32 to vector<256x1024xf32>
      %mul3A_968 = arith.mulf %dot_general3A_965, %mul3A_967 : vector<256x1024xf32>
      %mul3A_969 = arith.constant 256 : i32
      %mul3A_970 = arith.muli %arg0, %mul3A_969 : i32
      %iota3A_971 = tpu.iota {dimensions = array<i32: 0>} : vector<256x1024xi32>
      %add3A_972 = vector.broadcast %mul3A_970 : i32 to vector<256x1024xi32>
      %add3A_973 = arith.addi %add3A_972, %iota3A_971 : vector<256x1024xi32>
      %mul3A_974 = arith.constant 1024 : i32
      %mul3A_975 = arith.muli %while3A_946, %mul3A_974 : i32
      %iota3A_976 = tpu.iota {dimensions = array<i32: 1>} : vector<256x1024xi32>
      %add3A_977 = vector.broadcast %mul3A_975 : i32 to vector<256x1024xi32>
      %add3A_978 = arith.addi %add3A_977, %iota3A_976 : vector<256x1024xi32>
      %ge3A_979 = arith.cmpi sge, %add3A_973, %add3A_978 : vector<256x1024xi32>
      %jit3A_980 = arith.constant -1.000000e+30 : f32
      %broadcast_in_dim3A_981 = vector.broadcast %jit3A_980 : f32 to vector<256x1024xf32>
      %select_n3A_982 = arith.select %ge3A_979, %mul3A_968, %broadcast_in_dim3A_981 : vector<256x1024xi1>, vector<256x1024xf32>
      %reduce_max3A_983 = arith.constant dense<0xFF800000> : vector<256xf32>
      %reduce_max3A_984 = vector.multi_reduction <maximumf>, %select_n3A_982, %reduce_max3A_983 [1] : vector<256x1024xf32> to vector<256xf32>
      %broadcast_in_dim3A_985 = vector.shape_cast %reduce_max3A_984 : vector<256xf32> to vector<256x1xf32>
      %max3A = arith.maximumf %while3A_947, %broadcast_in_dim3A_985 : vector<256x1xf32>
      %sub3A_986 = arith.subf %while3A_947, %max3A : vector<256x1xf32>
      %exp3A_987 = math.exp %sub3A_986 : vector<256x1xf32>
      %sub3A_988 = vector.broadcast %max3A : vector<256x1xf32> to vector<256x1024xf32>
      %sub3A_989 = arith.subf %select_n3A_982, %sub3A_988 : vector<256x1024xf32>
      %exp3A_990 = math.exp %sub3A_989 : vector<256x1024xf32>
      %mul3A_991 = arith.mulf %while3A_948, %exp3A_987 : vector<256x1xf32>
      %reduce_sum3A_992 = arith.constant dense<0.000000e+00> : vector<256xf32>
      %reduce_sum3A_993 = vector.multi_reduction <add>, %exp3A_990, %reduce_sum3A_992 [1] : vector<256x1024xf32> to vector<256xf32>
      %broadcast_in_dim3A_994 = vector.shape_cast %reduce_sum3A_993 : vector<256xf32> to vector<256x1xf32>
      %add3A_995 = arith.addf %mul3A_991, %broadcast_in_dim3A_994 : vector<256x1xf32>
      %mul3A_996 = vector.broadcast %exp3A_987 : vector<256x1xf32> to vector<256x64xf32>
      %mul3A_997 = arith.mulf %while3A_949, %mul3A_996 : vector<256x64xf32>
      %convert_element_type3A_998 = arith.truncf %exp3A_990 : vector<256x1024xf32> to vector<256x1024xbf16>
      %dot_general3A_999 = arith.constant dense<0.000000e+00> : vector<256x64xf32>
      %dot_general3A_1000 = tpu.matmul %convert_element_type3A_998, %get3A_963, %dot_general3A_999 {dimension_numbers = #tpu.dot_dimension_numbers<[1], [0], [0], [1], [0, 0, 1, 1], [], []>, transpose_lhs_hint = false} : vector<256x1024xbf16>, vector<1024x64xbf16>, vector<256x64xf32> -> vector<256x64xf32>
      %add3A_1001 = arith.addf %mul3A_997, %dot_general3A_1000 : vector<256x64xf32>
      scf.yield %max3A, %add3A_995, %add3A_1001 : vector<256x1xf32>, vector<256x1xf32>, vector<256x64xf32>
    }
    %while3A_543 = arith.constant 1 : i32
    %while3A_544:3 = scf.for %while3A_946 = %while3A_540 to %while3A_536 step %while3A_543 iter_args(%while3A_947 = %while3A_542#0, %while3A_948 = %while3A_542#1, %while3A_949 = %while3A_542#2) -> (vector<256x1xf32>, vector<256x1xf32>, vector<256x64xf32>)  : i32 {
      %mul3A_950 = arith.constant 1024 : i32
      %mul3A_951 = arith.muli %while3A_946, %mul3A_950 : i32
      %get3A_952 = arith.constant 0 : index
      %get3A_953 = arith.index_cast %mul3A_951 : i32 to index
      %get3A_954 = arith.constant 0 : index
      %get3A_955 = vector.load %arg16[%get3A_952, %get3A_953, %get3A_954] : memref<4x2048x64xbf16, #tpu.memory_space<vmem>>, vector<1x1024x64xbf16>
      %get3A_956 = vector.shape_cast %get3A_955 : vector<1x1024x64xbf16> to vector<1024x64xbf16>
      %mul3A_957 = arith.constant 1024 : i32
      %mul3A_958 = arith.muli %while3A_946, %mul3A_957 : i32
      %get3A_959 = arith.constant 0 : index
      %get3A_960 = arith.index_cast %mul3A_958 : i32 to index
      %get3A_961 = arith.constant 0 : index
      %get3A_962 = vector.load %arg17[%get3A_959, %get3A_960, %get3A_961] : memref<4x2048x64xbf16, #tpu.memory_space<vmem>>, vector<1x1024x64xbf16>
      %get3A_963 = vector.shape_cast %get3A_962 : vector<1x1024x64xbf16> to vector<1024x64xbf16>
      %dot_general3A_964 = arith.constant dense<0.000000e+00> : vector<256x1024xf32>
      %dot_general3A_965 = tpu.matmul %convert_element_type3A_527, %get3A_956, %dot_general3A_964 {dimension_numbers = #tpu.dot_dimension_numbers<[1], [1], [0], [0], [0, 0, 1, 0], [], []>, transpose_lhs_hint = false} : vector<256x64xbf16>, vector<1024x64xbf16>, vector<256x1024xf32> -> vector<256x1024xf32>
      %mul3A_966 = arith.constant 1.250000e-01 : f32
      %mul3A_967 = vector.broadcast %mul3A_966 : f32 to vector<256x1024xf32>
      %mul3A_968 = arith.mulf %dot_general3A_965, %mul3A_967 : vector<256x1024xf32>
      %mul3A_969 = arith.constant 256 : i32
      %mul3A_970 = arith.muli %arg0, %mul3A_969 : i32
      %iota3A_971 = tpu.iota {dimensions = array<i32: 0>} : vector<256x1024xi32>
      %add3A_972 = vector.broadcast %mul3A_970 : i32 to vector<256x1024xi32>
      %add3A_973 = arith.addi %add3A_972, %iota3A_971 : vector<256x1024xi32>
      %mul3A_974 = arith.constant 1024 : i32
      %mul3A_975 = arith.muli %while3A_946, %mul3A_974 : i32
      %iota3A_976 = tpu.iota {dimensions = array<i32: 1>} : vector<256x1024xi32>
      %add3A_977 = vector.broadcast %mul3A_975 : i32 to vector<256x1024xi32>
      %add3A_978 = arith.addi %add3A_977, %iota3A_976 : vector<256x1024xi32>
      %ge3A_979 = arith.cmpi sge, %add3A_973, %add3A_978 : vector<256x1024xi32>
      %jit3A_980 = arith.constant -1.000000e+30 : f32
      %broadcast_in_dim3A_981 = vector.broadcast %jit3A_980 : f32 to vector<256x1024xf32>
      %select_n3A_982 = arith.select %ge3A_979, %mul3A_968, %broadcast_in_dim3A_981 : vector<256x1024xi1>, vector<256x1024xf32>
      %reduce_max3A_983 = arith.constant dense<0xFF800000> : vector<256xf32>
      %reduce_max3A_984 = vector.multi_reduction <maximumf>, %select_n3A_982, %reduce_max3A_983 [1] : vector<256x1024xf32> to vector<256xf32>
      %broadcast_in_dim3A_985 = vector.shape_cast %reduce_max3A_984 : vector<256xf32> to vector<256x1xf32>
      %max3A = arith.maximumf %while3A_947, %broadcast_in_dim3A_985 : vector<256x1xf32>
      %sub3A_986 = arith.subf %while3A_947, %max3A : vector<256x1xf32>
      %exp3A_987 = math.exp %sub3A_986 : vector<256x1xf32>
      %sub3A_988 = vector.broadcast %max3A : vector<256x1xf32> to vector<256x1024xf32>
      %sub3A_989 = arith.subf %select_n3A_982, %sub3A_988 : vector<256x1024xf32>
      %exp3A_990 = math.exp %sub3A_989 : vector<256x1024xf32>
      %mul3A_991 = arith.mulf %while3A_948, %exp3A_987 : vector<256x1xf32>
      %reduce_sum3A_992 = arith.constant dense<0.000000e+00> : vector<256xf32>
      %reduce_sum3A_993 = vector.multi_reduction <add>, %exp3A_990, %reduce_sum3A_992 [1] : vector<256x1024xf32> to vector<256xf32>
      %broadcast_in_dim3A_994 = vector.shape_cast %reduce_sum3A_993 : vector<256xf32> to vector<256x1xf32>
      %add3A_995 = arith.addf %mul3A_991, %broadcast_in_dim3A_994 : vector<256x1xf32>
      %mul3A_996 = vector.broadcast %exp3A_987 : vector<256x1xf32> to vector<256x64xf32>
      %mul3A_997 = arith.mulf %while3A_949, %mul3A_996 : vector<256x64xf32>
      %convert_element_type3A_998 = arith.truncf %exp3A_990 : vector<256x1024xf32> to vector<256x1024xbf16>
      %dot_general3A_999 = arith.constant dense<0.000000e+00> : vector<256x64xf32>
      %dot_general3A_1000 = tpu.matmul %convert_element_type3A_998, %get3A_963, %dot_general3A_999 {dimension_numbers = #tpu.dot_dimension_numbers<[1], [0], [0], [1], [0, 0, 1, 1], [], []>, transpose_lhs_hint = false} : vector<256x1024xbf16>, vector<1024x64xbf16>, vector<256x64xf32> -> vector<256x64xf32>
      %add3A_1001 = arith.addf %mul3A_997, %dot_general3A_1000 : vector<256x64xf32>
      scf.yield %max3A, %add3A_995, %add3A_1001 : vector<256x1xf32>, vector<256x1xf32>, vector<256x64xf32>
    }
    %div3A_545 = vector.broadcast %while3A_544#1 : vector<256x1xf32> to vector<256x64xf32>
    %div3A_546 = arith.divf %while3A_544#2, %div3A_545 : vector<256x64xf32>
    %slice3A_547 = vector.extract_strided_slice %add3A_180 {offsets = [0, 256], sizes = [256, 64], strides = [1, 1]} : vector<256x1024xf32> to vector<256x64xf32>
    %convert_element_type3A_548 = arith.truncf %slice3A_547 : vector<256x64xf32> to vector<256x64xbf16>
    %broadcast_in_dim3A_549 = arith.constant -1.000000e+30 : f32
    %broadcast_in_dim3A_550 = vector.broadcast %broadcast_in_dim3A_549 : f32 to vector<256x1xf32>
    %broadcast_in_dim3A_551 = arith.constant 0.000000e+00 : f32
    %broadcast_in_dim3A_552 = vector.broadcast %broadcast_in_dim3A_551 : f32 to vector<256x1xf32>
    %broadcast_in_dim3A_553 = arith.constant 0.000000e+00 : f32
    %broadcast_in_dim3A_554 = vector.broadcast %broadcast_in_dim3A_553 : f32 to vector<256x64xf32>
    %while3A_555 = arith.constant 0 : i32
    %while3A_556 = arith.subi %select_n3A_463, %while3A_555 : i32
    %while3A_557 = arith.addi %while3A_555, %while3A_556 : i32
    %while3A_558 = arith.constant 1 : i32
    %while3A_559 = arith.divsi %while3A_556, %while3A_558 : i32
    %while3A_560 = arith.muli %while3A_559, %while3A_558 : i32
    %while3A_561 = arith.addi %while3A_555, %while3A_560 : i32
    %while3A_562 = arith.constant 1 : i32
    %while3A_563:3 = scf.for %while3A_946 = %while3A_555 to %while3A_561 step %while3A_562 iter_args(%while3A_947 = %broadcast_in_dim3A_550, %while3A_948 = %broadcast_in_dim3A_552, %while3A_949 = %broadcast_in_dim3A_554) -> (vector<256x1xf32>, vector<256x1xf32>, vector<256x64xf32>)  : i32 {
      %mul3A_950 = arith.constant 1024 : i32
      %mul3A_951 = arith.muli %while3A_946, %mul3A_950 : i32
      %get3A_952 = arith.constant 1 : index
      %get3A_953 = arith.index_cast %mul3A_951 : i32 to index
      %get3A_954 = arith.constant 0 : index
      %get3A_955 = vector.load %arg16[%get3A_952, %get3A_953, %get3A_954] : memref<4x2048x64xbf16, #tpu.memory_space<vmem>>, vector<1x1024x64xbf16>
      %get3A_956 = vector.shape_cast %get3A_955 : vector<1x1024x64xbf16> to vector<1024x64xbf16>
      %mul3A_957 = arith.constant 1024 : i32
      %mul3A_958 = arith.muli %while3A_946, %mul3A_957 : i32
      %get3A_959 = arith.constant 1 : index
      %get3A_960 = arith.index_cast %mul3A_958 : i32 to index
      %get3A_961 = arith.constant 0 : index
      %get3A_962 = vector.load %arg17[%get3A_959, %get3A_960, %get3A_961] : memref<4x2048x64xbf16, #tpu.memory_space<vmem>>, vector<1x1024x64xbf16>
      %get3A_963 = vector.shape_cast %get3A_962 : vector<1x1024x64xbf16> to vector<1024x64xbf16>
      %dot_general3A_964 = arith.constant dense<0.000000e+00> : vector<256x1024xf32>
      %dot_general3A_965 = tpu.matmul %convert_element_type3A_548, %get3A_956, %dot_general3A_964 {dimension_numbers = #tpu.dot_dimension_numbers<[1], [1], [0], [0], [0, 0, 1, 0], [], []>, transpose_lhs_hint = false} : vector<256x64xbf16>, vector<1024x64xbf16>, vector<256x1024xf32> -> vector<256x1024xf32>
      %mul3A_966 = arith.constant 1.250000e-01 : f32
      %mul3A_967 = vector.broadcast %mul3A_966 : f32 to vector<256x1024xf32>
      %mul3A_968 = arith.mulf %dot_general3A_965, %mul3A_967 : vector<256x1024xf32>
      %mul3A_969 = arith.constant 256 : i32
      %mul3A_970 = arith.muli %arg0, %mul3A_969 : i32
      %iota3A_971 = tpu.iota {dimensions = array<i32: 0>} : vector<256x1024xi32>
      %add3A_972 = vector.broadcast %mul3A_970 : i32 to vector<256x1024xi32>
      %add3A_973 = arith.addi %add3A_972, %iota3A_971 : vector<256x1024xi32>
      %mul3A_974 = arith.constant 1024 : i32
      %mul3A_975 = arith.muli %while3A_946, %mul3A_974 : i32
      %iota3A_976 = tpu.iota {dimensions = array<i32: 1>} : vector<256x1024xi32>
      %add3A_977 = vector.broadcast %mul3A_975 : i32 to vector<256x1024xi32>
      %add3A_978 = arith.addi %add3A_977, %iota3A_976 : vector<256x1024xi32>
      %ge3A_979 = arith.cmpi sge, %add3A_973, %add3A_978 : vector<256x1024xi32>
      %jit3A_980 = arith.constant -1.000000e+30 : f32
      %broadcast_in_dim3A_981 = vector.broadcast %jit3A_980 : f32 to vector<256x1024xf32>
      %select_n3A_982 = arith.select %ge3A_979, %mul3A_968, %broadcast_in_dim3A_981 : vector<256x1024xi1>, vector<256x1024xf32>
      %reduce_max3A_983 = arith.constant dense<0xFF800000> : vector<256xf32>
      %reduce_max3A_984 = vector.multi_reduction <maximumf>, %select_n3A_982, %reduce_max3A_983 [1] : vector<256x1024xf32> to vector<256xf32>
      %broadcast_in_dim3A_985 = vector.shape_cast %reduce_max3A_984 : vector<256xf32> to vector<256x1xf32>
      %max3A = arith.maximumf %while3A_947, %broadcast_in_dim3A_985 : vector<256x1xf32>
      %sub3A_986 = arith.subf %while3A_947, %max3A : vector<256x1xf32>
      %exp3A_987 = math.exp %sub3A_986 : vector<256x1xf32>
      %sub3A_988 = vector.broadcast %max3A : vector<256x1xf32> to vector<256x1024xf32>
      %sub3A_989 = arith.subf %select_n3A_982, %sub3A_988 : vector<256x1024xf32>
      %exp3A_990 = math.exp %sub3A_989 : vector<256x1024xf32>
      %mul3A_991 = arith.mulf %while3A_948, %exp3A_987 : vector<256x1xf32>
      %reduce_sum3A_992 = arith.constant dense<0.000000e+00> : vector<256xf32>
      %reduce_sum3A_993 = vector.multi_reduction <add>, %exp3A_990, %reduce_sum3A_992 [1] : vector<256x1024xf32> to vector<256xf32>
      %broadcast_in_dim3A_994 = vector.shape_cast %reduce_sum3A_993 : vector<256xf32> to vector<256x1xf32>
      %add3A_995 = arith.addf %mul3A_991, %broadcast_in_dim3A_994 : vector<256x1xf32>
      %mul3A_996 = vector.broadcast %exp3A_987 : vector<256x1xf32> to vector<256x64xf32>
      %mul3A_997 = arith.mulf %while3A_949, %mul3A_996 : vector<256x64xf32>
      %convert_element_type3A_998 = arith.truncf %exp3A_990 : vector<256x1024xf32> to vector<256x1024xbf16>
      %dot_general3A_999 = arith.constant dense<0.000000e+00> : vector<256x64xf32>
      %dot_general3A_1000 = tpu.matmul %convert_element_type3A_998, %get3A_963, %dot_general3A_999 {dimension_numbers = #tpu.dot_dimension_numbers<[1], [0], [0], [1], [0, 0, 1, 1], [], []>, transpose_lhs_hint = false} : vector<256x1024xbf16>, vector<1024x64xbf16>, vector<256x64xf32> -> vector<256x64xf32>
      %add3A_1001 = arith.addf %mul3A_997, %dot_general3A_1000 : vector<256x64xf32>
      scf.yield %max3A, %add3A_995, %add3A_1001 : vector<256x1xf32>, vector<256x1xf32>, vector<256x64xf32>
    }
    %while3A_564 = arith.constant 1 : i32
    %while3A_565:3 = scf.for %while3A_946 = %while3A_561 to %while3A_557 step %while3A_564 iter_args(%while3A_947 = %while3A_563#0, %while3A_948 = %while3A_563#1, %while3A_949 = %while3A_563#2) -> (vector<256x1xf32>, vector<256x1xf32>, vector<256x64xf32>)  : i32 {
      %mul3A_950 = arith.constant 1024 : i32
      %mul3A_951 = arith.muli %while3A_946, %mul3A_950 : i32
      %get3A_952 = arith.constant 1 : index
      %get3A_953 = arith.index_cast %mul3A_951 : i32 to index
      %get3A_954 = arith.constant 0 : index
      %get3A_955 = vector.load %arg16[%get3A_952, %get3A_953, %get3A_954] : memref<4x2048x64xbf16, #tpu.memory_space<vmem>>, vector<1x1024x64xbf16>
      %get3A_956 = vector.shape_cast %get3A_955 : vector<1x1024x64xbf16> to vector<1024x64xbf16>
      %mul3A_957 = arith.constant 1024 : i32
      %mul3A_958 = arith.muli %while3A_946, %mul3A_957 : i32
      %get3A_959 = arith.constant 1 : index
      %get3A_960 = arith.index_cast %mul3A_958 : i32 to index
      %get3A_961 = arith.constant 0 : index
      %get3A_962 = vector.load %arg17[%get3A_959, %get3A_960, %get3A_961] : memref<4x2048x64xbf16, #tpu.memory_space<vmem>>, vector<1x1024x64xbf16>
      %get3A_963 = vector.shape_cast %get3A_962 : vector<1x1024x64xbf16> to vector<1024x64xbf16>
      %dot_general3A_964 = arith.constant dense<0.000000e+00> : vector<256x1024xf32>
      %dot_general3A_965 = tpu.matmul %convert_element_type3A_548, %get3A_956, %dot_general3A_964 {dimension_numbers = #tpu.dot_dimension_numbers<[1], [1], [0], [0], [0, 0, 1, 0], [], []>, transpose_lhs_hint = false} : vector<256x64xbf16>, vector<1024x64xbf16>, vector<256x1024xf32> -> vector<256x1024xf32>
      %mul3A_966 = arith.constant 1.250000e-01 : f32
      %mul3A_967 = vector.broadcast %mul3A_966 : f32 to vector<256x1024xf32>
      %mul3A_968 = arith.mulf %dot_general3A_965, %mul3A_967 : vector<256x1024xf32>
      %mul3A_969 = arith.constant 256 : i32
      %mul3A_970 = arith.muli %arg0, %mul3A_969 : i32
      %iota3A_971 = tpu.iota {dimensions = array<i32: 0>} : vector<256x1024xi32>
      %add3A_972 = vector.broadcast %mul3A_970 : i32 to vector<256x1024xi32>
      %add3A_973 = arith.addi %add3A_972, %iota3A_971 : vector<256x1024xi32>
      %mul3A_974 = arith.constant 1024 : i32
      %mul3A_975 = arith.muli %while3A_946, %mul3A_974 : i32
      %iota3A_976 = tpu.iota {dimensions = array<i32: 1>} : vector<256x1024xi32>
      %add3A_977 = vector.broadcast %mul3A_975 : i32 to vector<256x1024xi32>
      %add3A_978 = arith.addi %add3A_977, %iota3A_976 : vector<256x1024xi32>
      %ge3A_979 = arith.cmpi sge, %add3A_973, %add3A_978 : vector<256x1024xi32>
      %jit3A_980 = arith.constant -1.000000e+30 : f32
      %broadcast_in_dim3A_981 = vector.broadcast %jit3A_980 : f32 to vector<256x1024xf32>
      %select_n3A_982 = arith.select %ge3A_979, %mul3A_968, %broadcast_in_dim3A_981 : vector<256x1024xi1>, vector<256x1024xf32>
      %reduce_max3A_983 = arith.constant dense<0xFF800000> : vector<256xf32>
      %reduce_max3A_984 = vector.multi_reduction <maximumf>, %select_n3A_982, %reduce_max3A_983 [1] : vector<256x1024xf32> to vector<256xf32>
      %broadcast_in_dim3A_985 = vector.shape_cast %reduce_max3A_984 : vector<256xf32> to vector<256x1xf32>
      %max3A = arith.maximumf %while3A_947, %broadcast_in_dim3A_985 : vector<256x1xf32>
      %sub3A_986 = arith.subf %while3A_947, %max3A : vector<256x1xf32>
      %exp3A_987 = math.exp %sub3A_986 : vector<256x1xf32>
      %sub3A_988 = vector.broadcast %max3A : vector<256x1xf32> to vector<256x1024xf32>
      %sub3A_989 = arith.subf %select_n3A_982, %sub3A_988 : vector<256x1024xf32>
      %exp3A_990 = math.exp %sub3A_989 : vector<256x1024xf32>
      %mul3A_991 = arith.mulf %while3A_948, %exp3A_987 : vector<256x1xf32>
      %reduce_sum3A_992 = arith.constant dense<0.000000e+00> : vector<256xf32>
      %reduce_sum3A_993 = vector.multi_reduction <add>, %exp3A_990, %reduce_sum3A_992 [1] : vector<256x1024xf32> to vector<256xf32>
      %broadcast_in_dim3A_994 = vector.shape_cast %reduce_sum3A_993 : vector<256xf32> to vector<256x1xf32>
      %add3A_995 = arith.addf %mul3A_991, %broadcast_in_dim3A_994 : vector<256x1xf32>
      %mul3A_996 = vector.broadcast %exp3A_987 : vector<256x1xf32> to vector<256x64xf32>
      %mul3A_997 = arith.mulf %while3A_949, %mul3A_996 : vector<256x64xf32>
      %convert_element_type3A_998 = arith.truncf %exp3A_990 : vector<256x1024xf32> to vector<256x1024xbf16>
      %dot_general3A_999 = arith.constant dense<0.000000e+00> : vector<256x64xf32>
      %dot_general3A_1000 = tpu.matmul %convert_element_type3A_998, %get3A_963, %dot_general3A_999 {dimension_numbers = #tpu.dot_dimension_numbers<[1], [0], [0], [1], [0, 0, 1, 1], [], []>, transpose_lhs_hint = false} : vector<256x1024xbf16>, vector<1024x64xbf16>, vector<256x64xf32> -> vector<256x64xf32>
      %add3A_1001 = arith.addf %mul3A_997, %dot_general3A_1000 : vector<256x64xf32>
      scf.yield %max3A, %add3A_995, %add3A_1001 : vector<256x1xf32>, vector<256x1xf32>, vector<256x64xf32>
    }
    %div3A_566 = vector.broadcast %while3A_565#1 : vector<256x1xf32> to vector<256x64xf32>
    %div3A_567 = arith.divf %while3A_565#2, %div3A_566 : vector<256x64xf32>
    %slice3A_568 = vector.extract_strided_slice %add3A_180 {offsets = [0, 320], sizes = [256, 64], strides = [1, 1]} : vector<256x1024xf32> to vector<256x64xf32>
    %convert_element_type3A_569 = arith.truncf %slice3A_568 : vector<256x64xf32> to vector<256x64xbf16>
    %broadcast_in_dim3A_570 = arith.constant -1.000000e+30 : f32
    %broadcast_in_dim3A_571 = vector.broadcast %broadcast_in_dim3A_570 : f32 to vector<256x1xf32>
    %broadcast_in_dim3A_572 = arith.constant 0.000000e+00 : f32
    %broadcast_in_dim3A_573 = vector.broadcast %broadcast_in_dim3A_572 : f32 to vector<256x1xf32>
    %broadcast_in_dim3A_574 = arith.constant 0.000000e+00 : f32
    %broadcast_in_dim3A_575 = vector.broadcast %broadcast_in_dim3A_574 : f32 to vector<256x64xf32>
    %while3A_576 = arith.constant 0 : i32
    %while3A_577 = arith.subi %select_n3A_463, %while3A_576 : i32
    %while3A_578 = arith.addi %while3A_576, %while3A_577 : i32
    %while3A_579 = arith.constant 1 : i32
    %while3A_580 = arith.divsi %while3A_577, %while3A_579 : i32
    %while3A_581 = arith.muli %while3A_580, %while3A_579 : i32
    %while3A_582 = arith.addi %while3A_576, %while3A_581 : i32
    %while3A_583 = arith.constant 1 : i32
    %while3A_584:3 = scf.for %while3A_946 = %while3A_576 to %while3A_582 step %while3A_583 iter_args(%while3A_947 = %broadcast_in_dim3A_571, %while3A_948 = %broadcast_in_dim3A_573, %while3A_949 = %broadcast_in_dim3A_575) -> (vector<256x1xf32>, vector<256x1xf32>, vector<256x64xf32>)  : i32 {
      %mul3A_950 = arith.constant 1024 : i32
      %mul3A_951 = arith.muli %while3A_946, %mul3A_950 : i32
      %get3A_952 = arith.constant 1 : index
      %get3A_953 = arith.index_cast %mul3A_951 : i32 to index
      %get3A_954 = arith.constant 0 : index
      %get3A_955 = vector.load %arg16[%get3A_952, %get3A_953, %get3A_954] : memref<4x2048x64xbf16, #tpu.memory_space<vmem>>, vector<1x1024x64xbf16>
      %get3A_956 = vector.shape_cast %get3A_955 : vector<1x1024x64xbf16> to vector<1024x64xbf16>
      %mul3A_957 = arith.constant 1024 : i32
      %mul3A_958 = arith.muli %while3A_946, %mul3A_957 : i32
      %get3A_959 = arith.constant 1 : index
      %get3A_960 = arith.index_cast %mul3A_958 : i32 to index
      %get3A_961 = arith.constant 0 : index
      %get3A_962 = vector.load %arg17[%get3A_959, %get3A_960, %get3A_961] : memref<4x2048x64xbf16, #tpu.memory_space<vmem>>, vector<1x1024x64xbf16>
      %get3A_963 = vector.shape_cast %get3A_962 : vector<1x1024x64xbf16> to vector<1024x64xbf16>
      %dot_general3A_964 = arith.constant dense<0.000000e+00> : vector<256x1024xf32>
      %dot_general3A_965 = tpu.matmul %convert_element_type3A_569, %get3A_956, %dot_general3A_964 {dimension_numbers = #tpu.dot_dimension_numbers<[1], [1], [0], [0], [0, 0, 1, 0], [], []>, transpose_lhs_hint = false} : vector<256x64xbf16>, vector<1024x64xbf16>, vector<256x1024xf32> -> vector<256x1024xf32>
      %mul3A_966 = arith.constant 1.250000e-01 : f32
      %mul3A_967 = vector.broadcast %mul3A_966 : f32 to vector<256x1024xf32>
      %mul3A_968 = arith.mulf %dot_general3A_965, %mul3A_967 : vector<256x1024xf32>
      %mul3A_969 = arith.constant 256 : i32
      %mul3A_970 = arith.muli %arg0, %mul3A_969 : i32
      %iota3A_971 = tpu.iota {dimensions = array<i32: 0>} : vector<256x1024xi32>
      %add3A_972 = vector.broadcast %mul3A_970 : i32 to vector<256x1024xi32>
      %add3A_973 = arith.addi %add3A_972, %iota3A_971 : vector<256x1024xi32>
      %mul3A_974 = arith.constant 1024 : i32
      %mul3A_975 = arith.muli %while3A_946, %mul3A_974 : i32
      %iota3A_976 = tpu.iota {dimensions = array<i32: 1>} : vector<256x1024xi32>
      %add3A_977 = vector.broadcast %mul3A_975 : i32 to vector<256x1024xi32>
      %add3A_978 = arith.addi %add3A_977, %iota3A_976 : vector<256x1024xi32>
      %ge3A_979 = arith.cmpi sge, %add3A_973, %add3A_978 : vector<256x1024xi32>
      %jit3A_980 = arith.constant -1.000000e+30 : f32
      %broadcast_in_dim3A_981 = vector.broadcast %jit3A_980 : f32 to vector<256x1024xf32>
      %select_n3A_982 = arith.select %ge3A_979, %mul3A_968, %broadcast_in_dim3A_981 : vector<256x1024xi1>, vector<256x1024xf32>
      %reduce_max3A_983 = arith.constant dense<0xFF800000> : vector<256xf32>
      %reduce_max3A_984 = vector.multi_reduction <maximumf>, %select_n3A_982, %reduce_max3A_983 [1] : vector<256x1024xf32> to vector<256xf32>
      %broadcast_in_dim3A_985 = vector.shape_cast %reduce_max3A_984 : vector<256xf32> to vector<256x1xf32>
      %max3A = arith.maximumf %while3A_947, %broadcast_in_dim3A_985 : vector<256x1xf32>
      %sub3A_986 = arith.subf %while3A_947, %max3A : vector<256x1xf32>
      %exp3A_987 = math.exp %sub3A_986 : vector<256x1xf32>
      %sub3A_988 = vector.broadcast %max3A : vector<256x1xf32> to vector<256x1024xf32>
      %sub3A_989 = arith.subf %select_n3A_982, %sub3A_988 : vector<256x1024xf32>
      %exp3A_990 = math.exp %sub3A_989 : vector<256x1024xf32>
      %mul3A_991 = arith.mulf %while3A_948, %exp3A_987 : vector<256x1xf32>
      %reduce_sum3A_992 = arith.constant dense<0.000000e+00> : vector<256xf32>
      %reduce_sum3A_993 = vector.multi_reduction <add>, %exp3A_990, %reduce_sum3A_992 [1] : vector<256x1024xf32> to vector<256xf32>
      %broadcast_in_dim3A_994 = vector.shape_cast %reduce_sum3A_993 : vector<256xf32> to vector<256x1xf32>
      %add3A_995 = arith.addf %mul3A_991, %broadcast_in_dim3A_994 : vector<256x1xf32>
      %mul3A_996 = vector.broadcast %exp3A_987 : vector<256x1xf32> to vector<256x64xf32>
      %mul3A_997 = arith.mulf %while3A_949, %mul3A_996 : vector<256x64xf32>
      %convert_element_type3A_998 = arith.truncf %exp3A_990 : vector<256x1024xf32> to vector<256x1024xbf16>
      %dot_general3A_999 = arith.constant dense<0.000000e+00> : vector<256x64xf32>
      %dot_general3A_1000 = tpu.matmul %convert_element_type3A_998, %get3A_963, %dot_general3A_999 {dimension_numbers = #tpu.dot_dimension_numbers<[1], [0], [0], [1], [0, 0, 1, 1], [], []>, transpose_lhs_hint = false} : vector<256x1024xbf16>, vector<1024x64xbf16>, vector<256x64xf32> -> vector<256x64xf32>
      %add3A_1001 = arith.addf %mul3A_997, %dot_general3A_1000 : vector<256x64xf32>
      scf.yield %max3A, %add3A_995, %add3A_1001 : vector<256x1xf32>, vector<256x1xf32>, vector<256x64xf32>
    }
    %while3A_585 = arith.constant 1 : i32
    %while3A_586:3 = scf.for %while3A_946 = %while3A_582 to %while3A_578 step %while3A_585 iter_args(%while3A_947 = %while3A_584#0, %while3A_948 = %while3A_584#1, %while3A_949 = %while3A_584#2) -> (vector<256x1xf32>, vector<256x1xf32>, vector<256x64xf32>)  : i32 {
      %mul3A_950 = arith.constant 1024 : i32
      %mul3A_951 = arith.muli %while3A_946, %mul3A_950 : i32
      %get3A_952 = arith.constant 1 : index
      %get3A_953 = arith.index_cast %mul3A_951 : i32 to index
      %get3A_954 = arith.constant 0 : index
      %get3A_955 = vector.load %arg16[%get3A_952, %get3A_953, %get3A_954] : memref<4x2048x64xbf16, #tpu.memory_space<vmem>>, vector<1x1024x64xbf16>
      %get3A_956 = vector.shape_cast %get3A_955 : vector<1x1024x64xbf16> to vector<1024x64xbf16>
      %mul3A_957 = arith.constant 1024 : i32
      %mul3A_958 = arith.muli %while3A_946, %mul3A_957 : i32
      %get3A_959 = arith.constant 1 : index
      %get3A_960 = arith.index_cast %mul3A_958 : i32 to index
      %get3A_961 = arith.constant 0 : index
      %get3A_962 = vector.load %arg17[%get3A_959, %get3A_960, %get3A_961] : memref<4x2048x64xbf16, #tpu.memory_space<vmem>>, vector<1x1024x64xbf16>
      %get3A_963 = vector.shape_cast %get3A_962 : vector<1x1024x64xbf16> to vector<1024x64xbf16>
      %dot_general3A_964 = arith.constant dense<0.000000e+00> : vector<256x1024xf32>
      %dot_general3A_965 = tpu.matmul %convert_element_type3A_569, %get3A_956, %dot_general3A_964 {dimension_numbers = #tpu.dot_dimension_numbers<[1], [1], [0], [0], [0, 0, 1, 0], [], []>, transpose_lhs_hint = false} : vector<256x64xbf16>, vector<1024x64xbf16>, vector<256x1024xf32> -> vector<256x1024xf32>
      %mul3A_966 = arith.constant 1.250000e-01 : f32
      %mul3A_967 = vector.broadcast %mul3A_966 : f32 to vector<256x1024xf32>
      %mul3A_968 = arith.mulf %dot_general3A_965, %mul3A_967 : vector<256x1024xf32>
      %mul3A_969 = arith.constant 256 : i32
      %mul3A_970 = arith.muli %arg0, %mul3A_969 : i32
      %iota3A_971 = tpu.iota {dimensions = array<i32: 0>} : vector<256x1024xi32>
      %add3A_972 = vector.broadcast %mul3A_970 : i32 to vector<256x1024xi32>
      %add3A_973 = arith.addi %add3A_972, %iota3A_971 : vector<256x1024xi32>
      %mul3A_974 = arith.constant 1024 : i32
      %mul3A_975 = arith.muli %while3A_946, %mul3A_974 : i32
      %iota3A_976 = tpu.iota {dimensions = array<i32: 1>} : vector<256x1024xi32>
      %add3A_977 = vector.broadcast %mul3A_975 : i32 to vector<256x1024xi32>
      %add3A_978 = arith.addi %add3A_977, %iota3A_976 : vector<256x1024xi32>
      %ge3A_979 = arith.cmpi sge, %add3A_973, %add3A_978 : vector<256x1024xi32>
      %jit3A_980 = arith.constant -1.000000e+30 : f32
      %broadcast_in_dim3A_981 = vector.broadcast %jit3A_980 : f32 to vector<256x1024xf32>
      %select_n3A_982 = arith.select %ge3A_979, %mul3A_968, %broadcast_in_dim3A_981 : vector<256x1024xi1>, vector<256x1024xf32>
      %reduce_max3A_983 = arith.constant dense<0xFF800000> : vector<256xf32>
      %reduce_max3A_984 = vector.multi_reduction <maximumf>, %select_n3A_982, %reduce_max3A_983 [1] : vector<256x1024xf32> to vector<256xf32>
      %broadcast_in_dim3A_985 = vector.shape_cast %reduce_max3A_984 : vector<256xf32> to vector<256x1xf32>
      %max3A = arith.maximumf %while3A_947, %broadcast_in_dim3A_985 : vector<256x1xf32>
      %sub3A_986 = arith.subf %while3A_947, %max3A : vector<256x1xf32>
      %exp3A_987 = math.exp %sub3A_986 : vector<256x1xf32>
      %sub3A_988 = vector.broadcast %max3A : vector<256x1xf32> to vector<256x1024xf32>
      %sub3A_989 = arith.subf %select_n3A_982, %sub3A_988 : vector<256x1024xf32>
      %exp3A_990 = math.exp %sub3A_989 : vector<256x1024xf32>
      %mul3A_991 = arith.mulf %while3A_948, %exp3A_987 : vector<256x1xf32>
      %reduce_sum3A_992 = arith.constant dense<0.000000e+00> : vector<256xf32>
      %reduce_sum3A_993 = vector.multi_reduction <add>, %exp3A_990, %reduce_sum3A_992 [1] : vector<256x1024xf32> to vector<256xf32>
      %broadcast_in_dim3A_994 = vector.shape_cast %reduce_sum3A_993 : vector<256xf32> to vector<256x1xf32>
      %add3A_995 = arith.addf %mul3A_991, %broadcast_in_dim3A_994 : vector<256x1xf32>
      %mul3A_996 = vector.broadcast %exp3A_987 : vector<256x1xf32> to vector<256x64xf32>
      %mul3A_997 = arith.mulf %while3A_949, %mul3A_996 : vector<256x64xf32>
      %convert_element_type3A_998 = arith.truncf %exp3A_990 : vector<256x1024xf32> to vector<256x1024xbf16>
      %dot_general3A_999 = arith.constant dense<0.000000e+00> : vector<256x64xf32>
      %dot_general3A_1000 = tpu.matmul %convert_element_type3A_998, %get3A_963, %dot_general3A_999 {dimension_numbers = #tpu.dot_dimension_numbers<[1], [0], [0], [1], [0, 0, 1, 1], [], []>, transpose_lhs_hint = false} : vector<256x1024xbf16>, vector<1024x64xbf16>, vector<256x64xf32> -> vector<256x64xf32>
      %add3A_1001 = arith.addf %mul3A_997, %dot_general3A_1000 : vector<256x64xf32>
      scf.yield %max3A, %add3A_995, %add3A_1001 : vector<256x1xf32>, vector<256x1xf32>, vector<256x64xf32>
    }
    %div3A_587 = vector.broadcast %while3A_586#1 : vector<256x1xf32> to vector<256x64xf32>
    %div3A_588 = arith.divf %while3A_586#2, %div3A_587 : vector<256x64xf32>
    %slice3A_589 = vector.extract_strided_slice %add3A_180 {offsets = [0, 384], sizes = [256, 64], strides = [1, 1]} : vector<256x1024xf32> to vector<256x64xf32>
    %convert_element_type3A_590 = arith.truncf %slice3A_589 : vector<256x64xf32> to vector<256x64xbf16>
    %broadcast_in_dim3A_591 = arith.constant -1.000000e+30 : f32
    %broadcast_in_dim3A_592 = vector.broadcast %broadcast_in_dim3A_591 : f32 to vector<256x1xf32>
    %broadcast_in_dim3A_593 = arith.constant 0.000000e+00 : f32
    %broadcast_in_dim3A_594 = vector.broadcast %broadcast_in_dim3A_593 : f32 to vector<256x1xf32>
    %broadcast_in_dim3A_595 = arith.constant 0.000000e+00 : f32
    %broadcast_in_dim3A_596 = vector.broadcast %broadcast_in_dim3A_595 : f32 to vector<256x64xf32>
    %while3A_597 = arith.constant 0 : i32
    %while3A_598 = arith.subi %select_n3A_463, %while3A_597 : i32
    %while3A_599 = arith.addi %while3A_597, %while3A_598 : i32
    %while3A_600 = arith.constant 1 : i32
    %while3A_601 = arith.divsi %while3A_598, %while3A_600 : i32
    %while3A_602 = arith.muli %while3A_601, %while3A_600 : i32
    %while3A_603 = arith.addi %while3A_597, %while3A_602 : i32
    %while3A_604 = arith.constant 1 : i32
    %while3A_605:3 = scf.for %while3A_946 = %while3A_597 to %while3A_603 step %while3A_604 iter_args(%while3A_947 = %broadcast_in_dim3A_592, %while3A_948 = %broadcast_in_dim3A_594, %while3A_949 = %broadcast_in_dim3A_596) -> (vector<256x1xf32>, vector<256x1xf32>, vector<256x64xf32>)  : i32 {
      %mul3A_950 = arith.constant 1024 : i32
      %mul3A_951 = arith.muli %while3A_946, %mul3A_950 : i32
      %get3A_952 = arith.constant 1 : index
      %get3A_953 = arith.index_cast %mul3A_951 : i32 to index
      %get3A_954 = arith.constant 0 : index
      %get3A_955 = vector.load %arg16[%get3A_952, %get3A_953, %get3A_954] : memref<4x2048x64xbf16, #tpu.memory_space<vmem>>, vector<1x1024x64xbf16>
      %get3A_956 = vector.shape_cast %get3A_955 : vector<1x1024x64xbf16> to vector<1024x64xbf16>
      %mul3A_957 = arith.constant 1024 : i32
      %mul3A_958 = arith.muli %while3A_946, %mul3A_957 : i32
      %get3A_959 = arith.constant 1 : index
      %get3A_960 = arith.index_cast %mul3A_958 : i32 to index
      %get3A_961 = arith.constant 0 : index
      %get3A_962 = vector.load %arg17[%get3A_959, %get3A_960, %get3A_961] : memref<4x2048x64xbf16, #tpu.memory_space<vmem>>, vector<1x1024x64xbf16>
      %get3A_963 = vector.shape_cast %get3A_962 : vector<1x1024x64xbf16> to vector<1024x64xbf16>
      %dot_general3A_964 = arith.constant dense<0.000000e+00> : vector<256x1024xf32>
      %dot_general3A_965 = tpu.matmul %convert_element_type3A_590, %get3A_956, %dot_general3A_964 {dimension_numbers = #tpu.dot_dimension_numbers<[1], [1], [0], [0], [0, 0, 1, 0], [], []>, transpose_lhs_hint = false} : vector<256x64xbf16>, vector<1024x64xbf16>, vector<256x1024xf32> -> vector<256x1024xf32>
      %mul3A_966 = arith.constant 1.250000e-01 : f32
      %mul3A_967 = vector.broadcast %mul3A_966 : f32 to vector<256x1024xf32>
      %mul3A_968 = arith.mulf %dot_general3A_965, %mul3A_967 : vector<256x1024xf32>
      %mul3A_969 = arith.constant 256 : i32
      %mul3A_970 = arith.muli %arg0, %mul3A_969 : i32
      %iota3A_971 = tpu.iota {dimensions = array<i32: 0>} : vector<256x1024xi32>
      %add3A_972 = vector.broadcast %mul3A_970 : i32 to vector<256x1024xi32>
      %add3A_973 = arith.addi %add3A_972, %iota3A_971 : vector<256x1024xi32>
      %mul3A_974 = arith.constant 1024 : i32
      %mul3A_975 = arith.muli %while3A_946, %mul3A_974 : i32
      %iota3A_976 = tpu.iota {dimensions = array<i32: 1>} : vector<256x1024xi32>
      %add3A_977 = vector.broadcast %mul3A_975 : i32 to vector<256x1024xi32>
      %add3A_978 = arith.addi %add3A_977, %iota3A_976 : vector<256x1024xi32>
      %ge3A_979 = arith.cmpi sge, %add3A_973, %add3A_978 : vector<256x1024xi32>
      %jit3A_980 = arith.constant -1.000000e+30 : f32
      %broadcast_in_dim3A_981 = vector.broadcast %jit3A_980 : f32 to vector<256x1024xf32>
      %select_n3A_982 = arith.select %ge3A_979, %mul3A_968, %broadcast_in_dim3A_981 : vector<256x1024xi1>, vector<256x1024xf32>
      %reduce_max3A_983 = arith.constant dense<0xFF800000> : vector<256xf32>
      %reduce_max3A_984 = vector.multi_reduction <maximumf>, %select_n3A_982, %reduce_max3A_983 [1] : vector<256x1024xf32> to vector<256xf32>
      %broadcast_in_dim3A_985 = vector.shape_cast %reduce_max3A_984 : vector<256xf32> to vector<256x1xf32>
      %max3A = arith.maximumf %while3A_947, %broadcast_in_dim3A_985 : vector<256x1xf32>
      %sub3A_986 = arith.subf %while3A_947, %max3A : vector<256x1xf32>
      %exp3A_987 = math.exp %sub3A_986 : vector<256x1xf32>
      %sub3A_988 = vector.broadcast %max3A : vector<256x1xf32> to vector<256x1024xf32>
      %sub3A_989 = arith.subf %select_n3A_982, %sub3A_988 : vector<256x1024xf32>
      %exp3A_990 = math.exp %sub3A_989 : vector<256x1024xf32>
      %mul3A_991 = arith.mulf %while3A_948, %exp3A_987 : vector<256x1xf32>
      %reduce_sum3A_992 = arith.constant dense<0.000000e+00> : vector<256xf32>
      %reduce_sum3A_993 = vector.multi_reduction <add>, %exp3A_990, %reduce_sum3A_992 [1] : vector<256x1024xf32> to vector<256xf32>
      %broadcast_in_dim3A_994 = vector.shape_cast %reduce_sum3A_993 : vector<256xf32> to vector<256x1xf32>
      %add3A_995 = arith.addf %mul3A_991, %broadcast_in_dim3A_994 : vector<256x1xf32>
      %mul3A_996 = vector.broadcast %exp3A_987 : vector<256x1xf32> to vector<256x64xf32>
      %mul3A_997 = arith.mulf %while3A_949, %mul3A_996 : vector<256x64xf32>
      %convert_element_type3A_998 = arith.truncf %exp3A_990 : vector<256x1024xf32> to vector<256x1024xbf16>
      %dot_general3A_999 = arith.constant dense<0.000000e+00> : vector<256x64xf32>
      %dot_general3A_1000 = tpu.matmul %convert_element_type3A_998, %get3A_963, %dot_general3A_999 {dimension_numbers = #tpu.dot_dimension_numbers<[1], [0], [0], [1], [0, 0, 1, 1], [], []>, transpose_lhs_hint = false} : vector<256x1024xbf16>, vector<1024x64xbf16>, vector<256x64xf32> -> vector<256x64xf32>
      %add3A_1001 = arith.addf %mul3A_997, %dot_general3A_1000 : vector<256x64xf32>
      scf.yield %max3A, %add3A_995, %add3A_1001 : vector<256x1xf32>, vector<256x1xf32>, vector<256x64xf32>
    }
    %while3A_606 = arith.constant 1 : i32
    %while3A_607:3 = scf.for %while3A_946 = %while3A_603 to %while3A_599 step %while3A_606 iter_args(%while3A_947 = %while3A_605#0, %while3A_948 = %while3A_605#1, %while3A_949 = %while3A_605#2) -> (vector<256x1xf32>, vector<256x1xf32>, vector<256x64xf32>)  : i32 {
      %mul3A_950 = arith.constant 1024 : i32
      %mul3A_951 = arith.muli %while3A_946, %mul3A_950 : i32
      %get3A_952 = arith.constant 1 : index
      %get3A_953 = arith.index_cast %mul3A_951 : i32 to index
      %get3A_954 = arith.constant 0 : index
      %get3A_955 = vector.load %arg16[%get3A_952, %get3A_953, %get3A_954] : memref<4x2048x64xbf16, #tpu.memory_space<vmem>>, vector<1x1024x64xbf16>
      %get3A_956 = vector.shape_cast %get3A_955 : vector<1x1024x64xbf16> to vector<1024x64xbf16>
      %mul3A_957 = arith.constant 1024 : i32
      %mul3A_958 = arith.muli %while3A_946, %mul3A_957 : i32
      %get3A_959 = arith.constant 1 : index
      %get3A_960 = arith.index_cast %mul3A_958 : i32 to index
      %get3A_961 = arith.constant 0 : index
      %get3A_962 = vector.load %arg17[%get3A_959, %get3A_960, %get3A_961] : memref<4x2048x64xbf16, #tpu.memory_space<vmem>>, vector<1x1024x64xbf16>
      %get3A_963 = vector.shape_cast %get3A_962 : vector<1x1024x64xbf16> to vector<1024x64xbf16>
      %dot_general3A_964 = arith.constant dense<0.000000e+00> : vector<256x1024xf32>
      %dot_general3A_965 = tpu.matmul %convert_element_type3A_590, %get3A_956, %dot_general3A_964 {dimension_numbers = #tpu.dot_dimension_numbers<[1], [1], [0], [0], [0, 0, 1, 0], [], []>, transpose_lhs_hint = false} : vector<256x64xbf16>, vector<1024x64xbf16>, vector<256x1024xf32> -> vector<256x1024xf32>
      %mul3A_966 = arith.constant 1.250000e-01 : f32
      %mul3A_967 = vector.broadcast %mul3A_966 : f32 to vector<256x1024xf32>
      %mul3A_968 = arith.mulf %dot_general3A_965, %mul3A_967 : vector<256x1024xf32>
      %mul3A_969 = arith.constant 256 : i32
      %mul3A_970 = arith.muli %arg0, %mul3A_969 : i32
      %iota3A_971 = tpu.iota {dimensions = array<i32: 0>} : vector<256x1024xi32>
      %add3A_972 = vector.broadcast %mul3A_970 : i32 to vector<256x1024xi32>
      %add3A_973 = arith.addi %add3A_972, %iota3A_971 : vector<256x1024xi32>
      %mul3A_974 = arith.constant 1024 : i32
      %mul3A_975 = arith.muli %while3A_946, %mul3A_974 : i32
      %iota3A_976 = tpu.iota {dimensions = array<i32: 1>} : vector<256x1024xi32>
      %add3A_977 = vector.broadcast %mul3A_975 : i32 to vector<256x1024xi32>
      %add3A_978 = arith.addi %add3A_977, %iota3A_976 : vector<256x1024xi32>
      %ge3A_979 = arith.cmpi sge, %add3A_973, %add3A_978 : vector<256x1024xi32>
      %jit3A_980 = arith.constant -1.000000e+30 : f32
      %broadcast_in_dim3A_981 = vector.broadcast %jit3A_980 : f32 to vector<256x1024xf32>
      %select_n3A_982 = arith.select %ge3A_979, %mul3A_968, %broadcast_in_dim3A_981 : vector<256x1024xi1>, vector<256x1024xf32>
      %reduce_max3A_983 = arith.constant dense<0xFF800000> : vector<256xf32>
      %reduce_max3A_984 = vector.multi_reduction <maximumf>, %select_n3A_982, %reduce_max3A_983 [1] : vector<256x1024xf32> to vector<256xf32>
      %broadcast_in_dim3A_985 = vector.shape_cast %reduce_max3A_984 : vector<256xf32> to vector<256x1xf32>
      %max3A = arith.maximumf %while3A_947, %broadcast_in_dim3A_985 : vector<256x1xf32>
      %sub3A_986 = arith.subf %while3A_947, %max3A : vector<256x1xf32>
      %exp3A_987 = math.exp %sub3A_986 : vector<256x1xf32>
      %sub3A_988 = vector.broadcast %max3A : vector<256x1xf32> to vector<256x1024xf32>
      %sub3A_989 = arith.subf %select_n3A_982, %sub3A_988 : vector<256x1024xf32>
      %exp3A_990 = math.exp %sub3A_989 : vector<256x1024xf32>
      %mul3A_991 = arith.mulf %while3A_948, %exp3A_987 : vector<256x1xf32>
      %reduce_sum3A_992 = arith.constant dense<0.000000e+00> : vector<256xf32>
      %reduce_sum3A_993 = vector.multi_reduction <add>, %exp3A_990, %reduce_sum3A_992 [1] : vector<256x1024xf32> to vector<256xf32>
      %broadcast_in_dim3A_994 = vector.shape_cast %reduce_sum3A_993 : vector<256xf32> to vector<256x1xf32>
      %add3A_995 = arith.addf %mul3A_991, %broadcast_in_dim3A_994 : vector<256x1xf32>
      %mul3A_996 = vector.broadcast %exp3A_987 : vector<256x1xf32> to vector<256x64xf32>
      %mul3A_997 = arith.mulf %while3A_949, %mul3A_996 : vector<256x64xf32>
      %convert_element_type3A_998 = arith.truncf %exp3A_990 : vector<256x1024xf32> to vector<256x1024xbf16>
      %dot_general3A_999 = arith.constant dense<0.000000e+00> : vector<256x64xf32>
      %dot_general3A_1000 = tpu.matmul %convert_element_type3A_998, %get3A_963, %dot_general3A_999 {dimension_numbers = #tpu.dot_dimension_numbers<[1], [0], [0], [1], [0, 0, 1, 1], [], []>, transpose_lhs_hint = false} : vector<256x1024xbf16>, vector<1024x64xbf16>, vector<256x64xf32> -> vector<256x64xf32>
      %add3A_1001 = arith.addf %mul3A_997, %dot_general3A_1000 : vector<256x64xf32>
      scf.yield %max3A, %add3A_995, %add3A_1001 : vector<256x1xf32>, vector<256x1xf32>, vector<256x64xf32>
    }
    %div3A_608 = vector.broadcast %while3A_607#1 : vector<256x1xf32> to vector<256x64xf32>
    %div3A_609 = arith.divf %while3A_607#2, %div3A_608 : vector<256x64xf32>
    %slice3A_610 = vector.extract_strided_slice %add3A_180 {offsets = [0, 448], sizes = [256, 64], strides = [1, 1]} : vector<256x1024xf32> to vector<256x64xf32>
    %convert_element_type3A_611 = arith.truncf %slice3A_610 : vector<256x64xf32> to vector<256x64xbf16>
    %broadcast_in_dim3A_612 = arith.constant -1.000000e+30 : f32
    %broadcast_in_dim3A_613 = vector.broadcast %broadcast_in_dim3A_612 : f32 to vector<256x1xf32>
    %broadcast_in_dim3A_614 = arith.constant 0.000000e+00 : f32
    %broadcast_in_dim3A_615 = vector.broadcast %broadcast_in_dim3A_614 : f32 to vector<256x1xf32>
    %broadcast_in_dim3A_616 = arith.constant 0.000000e+00 : f32
    %broadcast_in_dim3A_617 = vector.broadcast %broadcast_in_dim3A_616 : f32 to vector<256x64xf32>
    %while3A_618 = arith.constant 0 : i32
    %while3A_619 = arith.subi %select_n3A_463, %while3A_618 : i32
    %while3A_620 = arith.addi %while3A_618, %while3A_619 : i32
    %while3A_621 = arith.constant 1 : i32
    %while3A_622 = arith.divsi %while3A_619, %while3A_621 : i32
    %while3A_623 = arith.muli %while3A_622, %while3A_621 : i32
    %while3A_624 = arith.addi %while3A_618, %while3A_623 : i32
    %while3A_625 = arith.constant 1 : i32
    %while3A_626:3 = scf.for %while3A_946 = %while3A_618 to %while3A_624 step %while3A_625 iter_args(%while3A_947 = %broadcast_in_dim3A_613, %while3A_948 = %broadcast_in_dim3A_615, %while3A_949 = %broadcast_in_dim3A_617) -> (vector<256x1xf32>, vector<256x1xf32>, vector<256x64xf32>)  : i32 {
      %mul3A_950 = arith.constant 1024 : i32
      %mul3A_951 = arith.muli %while3A_946, %mul3A_950 : i32
      %get3A_952 = arith.constant 1 : index
      %get3A_953 = arith.index_cast %mul3A_951 : i32 to index
      %get3A_954 = arith.constant 0 : index
      %get3A_955 = vector.load %arg16[%get3A_952, %get3A_953, %get3A_954] : memref<4x2048x64xbf16, #tpu.memory_space<vmem>>, vector<1x1024x64xbf16>
      %get3A_956 = vector.shape_cast %get3A_955 : vector<1x1024x64xbf16> to vector<1024x64xbf16>
      %mul3A_957 = arith.constant 1024 : i32
      %mul3A_958 = arith.muli %while3A_946, %mul3A_957 : i32
      %get3A_959 = arith.constant 1 : index
      %get3A_960 = arith.index_cast %mul3A_958 : i32 to index
      %get3A_961 = arith.constant 0 : index
      %get3A_962 = vector.load %arg17[%get3A_959, %get3A_960, %get3A_961] : memref<4x2048x64xbf16, #tpu.memory_space<vmem>>, vector<1x1024x64xbf16>
      %get3A_963 = vector.shape_cast %get3A_962 : vector<1x1024x64xbf16> to vector<1024x64xbf16>
      %dot_general3A_964 = arith.constant dense<0.000000e+00> : vector<256x1024xf32>
      %dot_general3A_965 = tpu.matmul %convert_element_type3A_611, %get3A_956, %dot_general3A_964 {dimension_numbers = #tpu.dot_dimension_numbers<[1], [1], [0], [0], [0, 0, 1, 0], [], []>, transpose_lhs_hint = false} : vector<256x64xbf16>, vector<1024x64xbf16>, vector<256x1024xf32> -> vector<256x1024xf32>
      %mul3A_966 = arith.constant 1.250000e-01 : f32
      %mul3A_967 = vector.broadcast %mul3A_966 : f32 to vector<256x1024xf32>
      %mul3A_968 = arith.mulf %dot_general3A_965, %mul3A_967 : vector<256x1024xf32>
      %mul3A_969 = arith.constant 256 : i32
      %mul3A_970 = arith.muli %arg0, %mul3A_969 : i32
      %iota3A_971 = tpu.iota {dimensions = array<i32: 0>} : vector<256x1024xi32>
      %add3A_972 = vector.broadcast %mul3A_970 : i32 to vector<256x1024xi32>
      %add3A_973 = arith.addi %add3A_972, %iota3A_971 : vector<256x1024xi32>
      %mul3A_974 = arith.constant 1024 : i32
      %mul3A_975 = arith.muli %while3A_946, %mul3A_974 : i32
      %iota3A_976 = tpu.iota {dimensions = array<i32: 1>} : vector<256x1024xi32>
      %add3A_977 = vector.broadcast %mul3A_975 : i32 to vector<256x1024xi32>
      %add3A_978 = arith.addi %add3A_977, %iota3A_976 : vector<256x1024xi32>
      %ge3A_979 = arith.cmpi sge, %add3A_973, %add3A_978 : vector<256x1024xi32>
      %jit3A_980 = arith.constant -1.000000e+30 : f32
      %broadcast_in_dim3A_981 = vector.broadcast %jit3A_980 : f32 to vector<256x1024xf32>
      %select_n3A_982 = arith.select %ge3A_979, %mul3A_968, %broadcast_in_dim3A_981 : vector<256x1024xi1>, vector<256x1024xf32>
      %reduce_max3A_983 = arith.constant dense<0xFF800000> : vector<256xf32>
      %reduce_max3A_984 = vector.multi_reduction <maximumf>, %select_n3A_982, %reduce_max3A_983 [1] : vector<256x1024xf32> to vector<256xf32>
      %broadcast_in_dim3A_985 = vector.shape_cast %reduce_max3A_984 : vector<256xf32> to vector<256x1xf32>
      %max3A = arith.maximumf %while3A_947, %broadcast_in_dim3A_985 : vector<256x1xf32>
      %sub3A_986 = arith.subf %while3A_947, %max3A : vector<256x1xf32>
      %exp3A_987 = math.exp %sub3A_986 : vector<256x1xf32>
      %sub3A_988 = vector.broadcast %max3A : vector<256x1xf32> to vector<256x1024xf32>
      %sub3A_989 = arith.subf %select_n3A_982, %sub3A_988 : vector<256x1024xf32>
      %exp3A_990 = math.exp %sub3A_989 : vector<256x1024xf32>
      %mul3A_991 = arith.mulf %while3A_948, %exp3A_987 : vector<256x1xf32>
      %reduce_sum3A_992 = arith.constant dense<0.000000e+00> : vector<256xf32>
      %reduce_sum3A_993 = vector.multi_reduction <add>, %exp3A_990, %reduce_sum3A_992 [1] : vector<256x1024xf32> to vector<256xf32>
      %broadcast_in_dim3A_994 = vector.shape_cast %reduce_sum3A_993 : vector<256xf32> to vector<256x1xf32>
      %add3A_995 = arith.addf %mul3A_991, %broadcast_in_dim3A_994 : vector<256x1xf32>
      %mul3A_996 = vector.broadcast %exp3A_987 : vector<256x1xf32> to vector<256x64xf32>
      %mul3A_997 = arith.mulf %while3A_949, %mul3A_996 : vector<256x64xf32>
      %convert_element_type3A_998 = arith.truncf %exp3A_990 : vector<256x1024xf32> to vector<256x1024xbf16>
      %dot_general3A_999 = arith.constant dense<0.000000e+00> : vector<256x64xf32>
      %dot_general3A_1000 = tpu.matmul %convert_element_type3A_998, %get3A_963, %dot_general3A_999 {dimension_numbers = #tpu.dot_dimension_numbers<[1], [0], [0], [1], [0, 0, 1, 1], [], []>, transpose_lhs_hint = false} : vector<256x1024xbf16>, vector<1024x64xbf16>, vector<256x64xf32> -> vector<256x64xf32>
      %add3A_1001 = arith.addf %mul3A_997, %dot_general3A_1000 : vector<256x64xf32>
      scf.yield %max3A, %add3A_995, %add3A_1001 : vector<256x1xf32>, vector<256x1xf32>, vector<256x64xf32>
    }
    %while3A_627 = arith.constant 1 : i32
    %while3A_628:3 = scf.for %while3A_946 = %while3A_624 to %while3A_620 step %while3A_627 iter_args(%while3A_947 = %while3A_626#0, %while3A_948 = %while3A_626#1, %while3A_949 = %while3A_626#2) -> (vector<256x1xf32>, vector<256x1xf32>, vector<256x64xf32>)  : i32 {
      %mul3A_950 = arith.constant 1024 : i32
      %mul3A_951 = arith.muli %while3A_946, %mul3A_950 : i32
      %get3A_952 = arith.constant 1 : index
      %get3A_953 = arith.index_cast %mul3A_951 : i32 to index
      %get3A_954 = arith.constant 0 : index
      %get3A_955 = vector.load %arg16[%get3A_952, %get3A_953, %get3A_954] : memref<4x2048x64xbf16, #tpu.memory_space<vmem>>, vector<1x1024x64xbf16>
      %get3A_956 = vector.shape_cast %get3A_955 : vector<1x1024x64xbf16> to vector<1024x64xbf16>
      %mul3A_957 = arith.constant 1024 : i32
      %mul3A_958 = arith.muli %while3A_946, %mul3A_957 : i32
      %get3A_959 = arith.constant 1 : index
      %get3A_960 = arith.index_cast %mul3A_958 : i32 to index
      %get3A_961 = arith.constant 0 : index
      %get3A_962 = vector.load %arg17[%get3A_959, %get3A_960, %get3A_961] : memref<4x2048x64xbf16, #tpu.memory_space<vmem>>, vector<1x1024x64xbf16>
      %get3A_963 = vector.shape_cast %get3A_962 : vector<1x1024x64xbf16> to vector<1024x64xbf16>
      %dot_general3A_964 = arith.constant dense<0.000000e+00> : vector<256x1024xf32>
      %dot_general3A_965 = tpu.matmul %convert_element_type3A_611, %get3A_956, %dot_general3A_964 {dimension_numbers = #tpu.dot_dimension_numbers<[1], [1], [0], [0], [0, 0, 1, 0], [], []>, transpose_lhs_hint = false} : vector<256x64xbf16>, vector<1024x64xbf16>, vector<256x1024xf32> -> vector<256x1024xf32>
      %mul3A_966 = arith.constant 1.250000e-01 : f32
      %mul3A_967 = vector.broadcast %mul3A_966 : f32 to vector<256x1024xf32>
      %mul3A_968 = arith.mulf %dot_general3A_965, %mul3A_967 : vector<256x1024xf32>
      %mul3A_969 = arith.constant 256 : i32
      %mul3A_970 = arith.muli %arg0, %mul3A_969 : i32
      %iota3A_971 = tpu.iota {dimensions = array<i32: 0>} : vector<256x1024xi32>
      %add3A_972 = vector.broadcast %mul3A_970 : i32 to vector<256x1024xi32>
      %add3A_973 = arith.addi %add3A_972, %iota3A_971 : vector<256x1024xi32>
      %mul3A_974 = arith.constant 1024 : i32
      %mul3A_975 = arith.muli %while3A_946, %mul3A_974 : i32
      %iota3A_976 = tpu.iota {dimensions = array<i32: 1>} : vector<256x1024xi32>
      %add3A_977 = vector.broadcast %mul3A_975 : i32 to vector<256x1024xi32>
      %add3A_978 = arith.addi %add3A_977, %iota3A_976 : vector<256x1024xi32>
      %ge3A_979 = arith.cmpi sge, %add3A_973, %add3A_978 : vector<256x1024xi32>
      %jit3A_980 = arith.constant -1.000000e+30 : f32
      %broadcast_in_dim3A_981 = vector.broadcast %jit3A_980 : f32 to vector<256x1024xf32>
      %select_n3A_982 = arith.select %ge3A_979, %mul3A_968, %broadcast_in_dim3A_981 : vector<256x1024xi1>, vector<256x1024xf32>
      %reduce_max3A_983 = arith.constant dense<0xFF800000> : vector<256xf32>
      %reduce_max3A_984 = vector.multi_reduction <maximumf>, %select_n3A_982, %reduce_max3A_983 [1] : vector<256x1024xf32> to vector<256xf32>
      %broadcast_in_dim3A_985 = vector.shape_cast %reduce_max3A_984 : vector<256xf32> to vector<256x1xf32>
      %max3A = arith.maximumf %while3A_947, %broadcast_in_dim3A_985 : vector<256x1xf32>
      %sub3A_986 = arith.subf %while3A_947, %max3A : vector<256x1xf32>
      %exp3A_987 = math.exp %sub3A_986 : vector<256x1xf32>
      %sub3A_988 = vector.broadcast %max3A : vector<256x1xf32> to vector<256x1024xf32>
      %sub3A_989 = arith.subf %select_n3A_982, %sub3A_988 : vector<256x1024xf32>
      %exp3A_990 = math.exp %sub3A_989 : vector<256x1024xf32>
      %mul3A_991 = arith.mulf %while3A_948, %exp3A_987 : vector<256x1xf32>
      %reduce_sum3A_992 = arith.constant dense<0.000000e+00> : vector<256xf32>
      %reduce_sum3A_993 = vector.multi_reduction <add>, %exp3A_990, %reduce_sum3A_992 [1] : vector<256x1024xf32> to vector<256xf32>
      %broadcast_in_dim3A_994 = vector.shape_cast %reduce_sum3A_993 : vector<256xf32> to vector<256x1xf32>
      %add3A_995 = arith.addf %mul3A_991, %broadcast_in_dim3A_994 : vector<256x1xf32>
      %mul3A_996 = vector.broadcast %exp3A_987 : vector<256x1xf32> to vector<256x64xf32>
      %mul3A_997 = arith.mulf %while3A_949, %mul3A_996 : vector<256x64xf32>
      %convert_element_type3A_998 = arith.truncf %exp3A_990 : vector<256x1024xf32> to vector<256x1024xbf16>
      %dot_general3A_999 = arith.constant dense<0.000000e+00> : vector<256x64xf32>
      %dot_general3A_1000 = tpu.matmul %convert_element_type3A_998, %get3A_963, %dot_general3A_999 {dimension_numbers = #tpu.dot_dimension_numbers<[1], [0], [0], [1], [0, 0, 1, 1], [], []>, transpose_lhs_hint = false} : vector<256x1024xbf16>, vector<1024x64xbf16>, vector<256x64xf32> -> vector<256x64xf32>
      %add3A_1001 = arith.addf %mul3A_997, %dot_general3A_1000 : vector<256x64xf32>
      scf.yield %max3A, %add3A_995, %add3A_1001 : vector<256x1xf32>, vector<256x1xf32>, vector<256x64xf32>
    }
    %div3A_629 = vector.broadcast %while3A_628#1 : vector<256x1xf32> to vector<256x64xf32>
    %div3A_630 = arith.divf %while3A_628#2, %div3A_629 : vector<256x64xf32>
    %slice3A_631 = vector.extract_strided_slice %add3A_180 {offsets = [0, 512], sizes = [256, 64], strides = [1, 1]} : vector<256x1024xf32> to vector<256x64xf32>
    %convert_element_type3A_632 = arith.truncf %slice3A_631 : vector<256x64xf32> to vector<256x64xbf16>
    %broadcast_in_dim3A_633 = arith.constant -1.000000e+30 : f32
    %broadcast_in_dim3A_634 = vector.broadcast %broadcast_in_dim3A_633 : f32 to vector<256x1xf32>
    %broadcast_in_dim3A_635 = arith.constant 0.000000e+00 : f32
    %broadcast_in_dim3A_636 = vector.broadcast %broadcast_in_dim3A_635 : f32 to vector<256x1xf32>
    %broadcast_in_dim3A_637 = arith.constant 0.000000e+00 : f32
    %broadcast_in_dim3A_638 = vector.broadcast %broadcast_in_dim3A_637 : f32 to vector<256x64xf32>
    %while3A_639 = arith.constant 0 : i32
    %while3A_640 = arith.subi %select_n3A_463, %while3A_639 : i32
    %while3A_641 = arith.addi %while3A_639, %while3A_640 : i32
    %while3A_642 = arith.constant 1 : i32
    %while3A_643 = arith.divsi %while3A_640, %while3A_642 : i32
    %while3A_644 = arith.muli %while3A_643, %while3A_642 : i32
    %while3A_645 = arith.addi %while3A_639, %while3A_644 : i32
    %while3A_646 = arith.constant 1 : i32
    %while3A_647:3 = scf.for %while3A_946 = %while3A_639 to %while3A_645 step %while3A_646 iter_args(%while3A_947 = %broadcast_in_dim3A_634, %while3A_948 = %broadcast_in_dim3A_636, %while3A_949 = %broadcast_in_dim3A_638) -> (vector<256x1xf32>, vector<256x1xf32>, vector<256x64xf32>)  : i32 {
      %mul3A_950 = arith.constant 1024 : i32
      %mul3A_951 = arith.muli %while3A_946, %mul3A_950 : i32
      %get3A_952 = arith.constant 2 : index
      %get3A_953 = arith.index_cast %mul3A_951 : i32 to index
      %get3A_954 = arith.constant 0 : index
      %get3A_955 = vector.load %arg16[%get3A_952, %get3A_953, %get3A_954] : memref<4x2048x64xbf16, #tpu.memory_space<vmem>>, vector<1x1024x64xbf16>
      %get3A_956 = vector.shape_cast %get3A_955 : vector<1x1024x64xbf16> to vector<1024x64xbf16>
      %mul3A_957 = arith.constant 1024 : i32
      %mul3A_958 = arith.muli %while3A_946, %mul3A_957 : i32
      %get3A_959 = arith.constant 2 : index
      %get3A_960 = arith.index_cast %mul3A_958 : i32 to index
      %get3A_961 = arith.constant 0 : index
      %get3A_962 = vector.load %arg17[%get3A_959, %get3A_960, %get3A_961] : memref<4x2048x64xbf16, #tpu.memory_space<vmem>>, vector<1x1024x64xbf16>
      %get3A_963 = vector.shape_cast %get3A_962 : vector<1x1024x64xbf16> to vector<1024x64xbf16>
      %dot_general3A_964 = arith.constant dense<0.000000e+00> : vector<256x1024xf32>
      %dot_general3A_965 = tpu.matmul %convert_element_type3A_632, %get3A_956, %dot_general3A_964 {dimension_numbers = #tpu.dot_dimension_numbers<[1], [1], [0], [0], [0, 0, 1, 0], [], []>, transpose_lhs_hint = false} : vector<256x64xbf16>, vector<1024x64xbf16>, vector<256x1024xf32> -> vector<256x1024xf32>
      %mul3A_966 = arith.constant 1.250000e-01 : f32
      %mul3A_967 = vector.broadcast %mul3A_966 : f32 to vector<256x1024xf32>
      %mul3A_968 = arith.mulf %dot_general3A_965, %mul3A_967 : vector<256x1024xf32>
      %mul3A_969 = arith.constant 256 : i32
      %mul3A_970 = arith.muli %arg0, %mul3A_969 : i32
      %iota3A_971 = tpu.iota {dimensions = array<i32: 0>} : vector<256x1024xi32>
      %add3A_972 = vector.broadcast %mul3A_970 : i32 to vector<256x1024xi32>
      %add3A_973 = arith.addi %add3A_972, %iota3A_971 : vector<256x1024xi32>
      %mul3A_974 = arith.constant 1024 : i32
      %mul3A_975 = arith.muli %while3A_946, %mul3A_974 : i32
      %iota3A_976 = tpu.iota {dimensions = array<i32: 1>} : vector<256x1024xi32>
      %add3A_977 = vector.broadcast %mul3A_975 : i32 to vector<256x1024xi32>
      %add3A_978 = arith.addi %add3A_977, %iota3A_976 : vector<256x1024xi32>
      %ge3A_979 = arith.cmpi sge, %add3A_973, %add3A_978 : vector<256x1024xi32>
      %jit3A_980 = arith.constant -1.000000e+30 : f32
      %broadcast_in_dim3A_981 = vector.broadcast %jit3A_980 : f32 to vector<256x1024xf32>
      %select_n3A_982 = arith.select %ge3A_979, %mul3A_968, %broadcast_in_dim3A_981 : vector<256x1024xi1>, vector<256x1024xf32>
      %reduce_max3A_983 = arith.constant dense<0xFF800000> : vector<256xf32>
      %reduce_max3A_984 = vector.multi_reduction <maximumf>, %select_n3A_982, %reduce_max3A_983 [1] : vector<256x1024xf32> to vector<256xf32>
      %broadcast_in_dim3A_985 = vector.shape_cast %reduce_max3A_984 : vector<256xf32> to vector<256x1xf32>
      %max3A = arith.maximumf %while3A_947, %broadcast_in_dim3A_985 : vector<256x1xf32>
      %sub3A_986 = arith.subf %while3A_947, %max3A : vector<256x1xf32>
      %exp3A_987 = math.exp %sub3A_986 : vector<256x1xf32>
      %sub3A_988 = vector.broadcast %max3A : vector<256x1xf32> to vector<256x1024xf32>
      %sub3A_989 = arith.subf %select_n3A_982, %sub3A_988 : vector<256x1024xf32>
      %exp3A_990 = math.exp %sub3A_989 : vector<256x1024xf32>
      %mul3A_991 = arith.mulf %while3A_948, %exp3A_987 : vector<256x1xf32>
      %reduce_sum3A_992 = arith.constant dense<0.000000e+00> : vector<256xf32>
      %reduce_sum3A_993 = vector.multi_reduction <add>, %exp3A_990, %reduce_sum3A_992 [1] : vector<256x1024xf32> to vector<256xf32>
      %broadcast_in_dim3A_994 = vector.shape_cast %reduce_sum3A_993 : vector<256xf32> to vector<256x1xf32>
      %add3A_995 = arith.addf %mul3A_991, %broadcast_in_dim3A_994 : vector<256x1xf32>
      %mul3A_996 = vector.broadcast %exp3A_987 : vector<256x1xf32> to vector<256x64xf32>
      %mul3A_997 = arith.mulf %while3A_949, %mul3A_996 : vector<256x64xf32>
      %convert_element_type3A_998 = arith.truncf %exp3A_990 : vector<256x1024xf32> to vector<256x1024xbf16>
      %dot_general3A_999 = arith.constant dense<0.000000e+00> : vector<256x64xf32>
      %dot_general3A_1000 = tpu.matmul %convert_element_type3A_998, %get3A_963, %dot_general3A_999 {dimension_numbers = #tpu.dot_dimension_numbers<[1], [0], [0], [1], [0, 0, 1, 1], [], []>, transpose_lhs_hint = false} : vector<256x1024xbf16>, vector<1024x64xbf16>, vector<256x64xf32> -> vector<256x64xf32>
      %add3A_1001 = arith.addf %mul3A_997, %dot_general3A_1000 : vector<256x64xf32>
      scf.yield %max3A, %add3A_995, %add3A_1001 : vector<256x1xf32>, vector<256x1xf32>, vector<256x64xf32>
    }
    %while3A_648 = arith.constant 1 : i32
    %while3A_649:3 = scf.for %while3A_946 = %while3A_645 to %while3A_641 step %while3A_648 iter_args(%while3A_947 = %while3A_647#0, %while3A_948 = %while3A_647#1, %while3A_949 = %while3A_647#2) -> (vector<256x1xf32>, vector<256x1xf32>, vector<256x64xf32>)  : i32 {
      %mul3A_950 = arith.constant 1024 : i32
      %mul3A_951 = arith.muli %while3A_946, %mul3A_950 : i32
      %get3A_952 = arith.constant 2 : index
      %get3A_953 = arith.index_cast %mul3A_951 : i32 to index
      %get3A_954 = arith.constant 0 : index
      %get3A_955 = vector.load %arg16[%get3A_952, %get3A_953, %get3A_954] : memref<4x2048x64xbf16, #tpu.memory_space<vmem>>, vector<1x1024x64xbf16>
      %get3A_956 = vector.shape_cast %get3A_955 : vector<1x1024x64xbf16> to vector<1024x64xbf16>
      %mul3A_957 = arith.constant 1024 : i32
      %mul3A_958 = arith.muli %while3A_946, %mul3A_957 : i32
      %get3A_959 = arith.constant 2 : index
      %get3A_960 = arith.index_cast %mul3A_958 : i32 to index
      %get3A_961 = arith.constant 0 : index
      %get3A_962 = vector.load %arg17[%get3A_959, %get3A_960, %get3A_961] : memref<4x2048x64xbf16, #tpu.memory_space<vmem>>, vector<1x1024x64xbf16>
      %get3A_963 = vector.shape_cast %get3A_962 : vector<1x1024x64xbf16> to vector<1024x64xbf16>
      %dot_general3A_964 = arith.constant dense<0.000000e+00> : vector<256x1024xf32>
      %dot_general3A_965 = tpu.matmul %convert_element_type3A_632, %get3A_956, %dot_general3A_964 {dimension_numbers = #tpu.dot_dimension_numbers<[1], [1], [0], [0], [0, 0, 1, 0], [], []>, transpose_lhs_hint = false} : vector<256x64xbf16>, vector<1024x64xbf16>, vector<256x1024xf32> -> vector<256x1024xf32>
      %mul3A_966 = arith.constant 1.250000e-01 : f32
      %mul3A_967 = vector.broadcast %mul3A_966 : f32 to vector<256x1024xf32>
      %mul3A_968 = arith.mulf %dot_general3A_965, %mul3A_967 : vector<256x1024xf32>
      %mul3A_969 = arith.constant 256 : i32
      %mul3A_970 = arith.muli %arg0, %mul3A_969 : i32
      %iota3A_971 = tpu.iota {dimensions = array<i32: 0>} : vector<256x1024xi32>
      %add3A_972 = vector.broadcast %mul3A_970 : i32 to vector<256x1024xi32>
      %add3A_973 = arith.addi %add3A_972, %iota3A_971 : vector<256x1024xi32>
      %mul3A_974 = arith.constant 1024 : i32
      %mul3A_975 = arith.muli %while3A_946, %mul3A_974 : i32
      %iota3A_976 = tpu.iota {dimensions = array<i32: 1>} : vector<256x1024xi32>
      %add3A_977 = vector.broadcast %mul3A_975 : i32 to vector<256x1024xi32>
      %add3A_978 = arith.addi %add3A_977, %iota3A_976 : vector<256x1024xi32>
      %ge3A_979 = arith.cmpi sge, %add3A_973, %add3A_978 : vector<256x1024xi32>
      %jit3A_980 = arith.constant -1.000000e+30 : f32
      %broadcast_in_dim3A_981 = vector.broadcast %jit3A_980 : f32 to vector<256x1024xf32>
      %select_n3A_982 = arith.select %ge3A_979, %mul3A_968, %broadcast_in_dim3A_981 : vector<256x1024xi1>, vector<256x1024xf32>
      %reduce_max3A_983 = arith.constant dense<0xFF800000> : vector<256xf32>
      %reduce_max3A_984 = vector.multi_reduction <maximumf>, %select_n3A_982, %reduce_max3A_983 [1] : vector<256x1024xf32> to vector<256xf32>
      %broadcast_in_dim3A_985 = vector.shape_cast %reduce_max3A_984 : vector<256xf32> to vector<256x1xf32>
      %max3A = arith.maximumf %while3A_947, %broadcast_in_dim3A_985 : vector<256x1xf32>
      %sub3A_986 = arith.subf %while3A_947, %max3A : vector<256x1xf32>
      %exp3A_987 = math.exp %sub3A_986 : vector<256x1xf32>
      %sub3A_988 = vector.broadcast %max3A : vector<256x1xf32> to vector<256x1024xf32>
      %sub3A_989 = arith.subf %select_n3A_982, %sub3A_988 : vector<256x1024xf32>
      %exp3A_990 = math.exp %sub3A_989 : vector<256x1024xf32>
      %mul3A_991 = arith.mulf %while3A_948, %exp3A_987 : vector<256x1xf32>
      %reduce_sum3A_992 = arith.constant dense<0.000000e+00> : vector<256xf32>
      %reduce_sum3A_993 = vector.multi_reduction <add>, %exp3A_990, %reduce_sum3A_992 [1] : vector<256x1024xf32> to vector<256xf32>
      %broadcast_in_dim3A_994 = vector.shape_cast %reduce_sum3A_993 : vector<256xf32> to vector<256x1xf32>
      %add3A_995 = arith.addf %mul3A_991, %broadcast_in_dim3A_994 : vector<256x1xf32>
      %mul3A_996 = vector.broadcast %exp3A_987 : vector<256x1xf32> to vector<256x64xf32>
      %mul3A_997 = arith.mulf %while3A_949, %mul3A_996 : vector<256x64xf32>
      %convert_element_type3A_998 = arith.truncf %exp3A_990 : vector<256x1024xf32> to vector<256x1024xbf16>
      %dot_general3A_999 = arith.constant dense<0.000000e+00> : vector<256x64xf32>
      %dot_general3A_1000 = tpu.matmul %convert_element_type3A_998, %get3A_963, %dot_general3A_999 {dimension_numbers = #tpu.dot_dimension_numbers<[1], [0], [0], [1], [0, 0, 1, 1], [], []>, transpose_lhs_hint = false} : vector<256x1024xbf16>, vector<1024x64xbf16>, vector<256x64xf32> -> vector<256x64xf32>
      %add3A_1001 = arith.addf %mul3A_997, %dot_general3A_1000 : vector<256x64xf32>
      scf.yield %max3A, %add3A_995, %add3A_1001 : vector<256x1xf32>, vector<256x1xf32>, vector<256x64xf32>
    }
    %div3A_650 = vector.broadcast %while3A_649#1 : vector<256x1xf32> to vector<256x64xf32>
    %div3A_651 = arith.divf %while3A_649#2, %div3A_650 : vector<256x64xf32>
    %slice3A_652 = vector.extract_strided_slice %add3A_180 {offsets = [0, 576], sizes = [256, 64], strides = [1, 1]} : vector<256x1024xf32> to vector<256x64xf32>
    %convert_element_type3A_653 = arith.truncf %slice3A_652 : vector<256x64xf32> to vector<256x64xbf16>
    %broadcast_in_dim3A_654 = arith.constant -1.000000e+30 : f32
    %broadcast_in_dim3A_655 = vector.broadcast %broadcast_in_dim3A_654 : f32 to vector<256x1xf32>
    %broadcast_in_dim3A_656 = arith.constant 0.000000e+00 : f32
    %broadcast_in_dim3A_657 = vector.broadcast %broadcast_in_dim3A_656 : f32 to vector<256x1xf32>
    %broadcast_in_dim3A_658 = arith.constant 0.000000e+00 : f32
    %broadcast_in_dim3A_659 = vector.broadcast %broadcast_in_dim3A_658 : f32 to vector<256x64xf32>
    %while3A_660 = arith.constant 0 : i32
    %while3A_661 = arith.subi %select_n3A_463, %while3A_660 : i32
    %while3A_662 = arith.addi %while3A_660, %while3A_661 : i32
    %while3A_663 = arith.constant 1 : i32
    %while3A_664 = arith.divsi %while3A_661, %while3A_663 : i32
    %while3A_665 = arith.muli %while3A_664, %while3A_663 : i32
    %while3A_666 = arith.addi %while3A_660, %while3A_665 : i32
    %while3A_667 = arith.constant 1 : i32
    %while3A_668:3 = scf.for %while3A_946 = %while3A_660 to %while3A_666 step %while3A_667 iter_args(%while3A_947 = %broadcast_in_dim3A_655, %while3A_948 = %broadcast_in_dim3A_657, %while3A_949 = %broadcast_in_dim3A_659) -> (vector<256x1xf32>, vector<256x1xf32>, vector<256x64xf32>)  : i32 {
      %mul3A_950 = arith.constant 1024 : i32
      %mul3A_951 = arith.muli %while3A_946, %mul3A_950 : i32
      %get3A_952 = arith.constant 2 : index
      %get3A_953 = arith.index_cast %mul3A_951 : i32 to index
      %get3A_954 = arith.constant 0 : index
      %get3A_955 = vector.load %arg16[%get3A_952, %get3A_953, %get3A_954] : memref<4x2048x64xbf16, #tpu.memory_space<vmem>>, vector<1x1024x64xbf16>
      %get3A_956 = vector.shape_cast %get3A_955 : vector<1x1024x64xbf16> to vector<1024x64xbf16>
      %mul3A_957 = arith.constant 1024 : i32
      %mul3A_958 = arith.muli %while3A_946, %mul3A_957 : i32
      %get3A_959 = arith.constant 2 : index
      %get3A_960 = arith.index_cast %mul3A_958 : i32 to index
      %get3A_961 = arith.constant 0 : index
      %get3A_962 = vector.load %arg17[%get3A_959, %get3A_960, %get3A_961] : memref<4x2048x64xbf16, #tpu.memory_space<vmem>>, vector<1x1024x64xbf16>
      %get3A_963 = vector.shape_cast %get3A_962 : vector<1x1024x64xbf16> to vector<1024x64xbf16>
      %dot_general3A_964 = arith.constant dense<0.000000e+00> : vector<256x1024xf32>
      %dot_general3A_965 = tpu.matmul %convert_element_type3A_653, %get3A_956, %dot_general3A_964 {dimension_numbers = #tpu.dot_dimension_numbers<[1], [1], [0], [0], [0, 0, 1, 0], [], []>, transpose_lhs_hint = false} : vector<256x64xbf16>, vector<1024x64xbf16>, vector<256x1024xf32> -> vector<256x1024xf32>
      %mul3A_966 = arith.constant 1.250000e-01 : f32
      %mul3A_967 = vector.broadcast %mul3A_966 : f32 to vector<256x1024xf32>
      %mul3A_968 = arith.mulf %dot_general3A_965, %mul3A_967 : vector<256x1024xf32>
      %mul3A_969 = arith.constant 256 : i32
      %mul3A_970 = arith.muli %arg0, %mul3A_969 : i32
      %iota3A_971 = tpu.iota {dimensions = array<i32: 0>} : vector<256x1024xi32>
      %add3A_972 = vector.broadcast %mul3A_970 : i32 to vector<256x1024xi32>
      %add3A_973 = arith.addi %add3A_972, %iota3A_971 : vector<256x1024xi32>
      %mul3A_974 = arith.constant 1024 : i32
      %mul3A_975 = arith.muli %while3A_946, %mul3A_974 : i32
      %iota3A_976 = tpu.iota {dimensions = array<i32: 1>} : vector<256x1024xi32>
      %add3A_977 = vector.broadcast %mul3A_975 : i32 to vector<256x1024xi32>
      %add3A_978 = arith.addi %add3A_977, %iota3A_976 : vector<256x1024xi32>
      %ge3A_979 = arith.cmpi sge, %add3A_973, %add3A_978 : vector<256x1024xi32>
      %jit3A_980 = arith.constant -1.000000e+30 : f32
      %broadcast_in_dim3A_981 = vector.broadcast %jit3A_980 : f32 to vector<256x1024xf32>
      %select_n3A_982 = arith.select %ge3A_979, %mul3A_968, %broadcast_in_dim3A_981 : vector<256x1024xi1>, vector<256x1024xf32>
      %reduce_max3A_983 = arith.constant dense<0xFF800000> : vector<256xf32>
      %reduce_max3A_984 = vector.multi_reduction <maximumf>, %select_n3A_982, %reduce_max3A_983 [1] : vector<256x1024xf32> to vector<256xf32>
      %broadcast_in_dim3A_985 = vector.shape_cast %reduce_max3A_984 : vector<256xf32> to vector<256x1xf32>
      %max3A = arith.maximumf %while3A_947, %broadcast_in_dim3A_985 : vector<256x1xf32>
      %sub3A_986 = arith.subf %while3A_947, %max3A : vector<256x1xf32>
      %exp3A_987 = math.exp %sub3A_986 : vector<256x1xf32>
      %sub3A_988 = vector.broadcast %max3A : vector<256x1xf32> to vector<256x1024xf32>
      %sub3A_989 = arith.subf %select_n3A_982, %sub3A_988 : vector<256x1024xf32>
      %exp3A_990 = math.exp %sub3A_989 : vector<256x1024xf32>
      %mul3A_991 = arith.mulf %while3A_948, %exp3A_987 : vector<256x1xf32>
      %reduce_sum3A_992 = arith.constant dense<0.000000e+00> : vector<256xf32>
      %reduce_sum3A_993 = vector.multi_reduction <add>, %exp3A_990, %reduce_sum3A_992 [1] : vector<256x1024xf32> to vector<256xf32>
      %broadcast_in_dim3A_994 = vector.shape_cast %reduce_sum3A_993 : vector<256xf32> to vector<256x1xf32>
      %add3A_995 = arith.addf %mul3A_991, %broadcast_in_dim3A_994 : vector<256x1xf32>
      %mul3A_996 = vector.broadcast %exp3A_987 : vector<256x1xf32> to vector<256x64xf32>
      %mul3A_997 = arith.mulf %while3A_949, %mul3A_996 : vector<256x64xf32>
      %convert_element_type3A_998 = arith.truncf %exp3A_990 : vector<256x1024xf32> to vector<256x1024xbf16>
      %dot_general3A_999 = arith.constant dense<0.000000e+00> : vector<256x64xf32>
      %dot_general3A_1000 = tpu.matmul %convert_element_type3A_998, %get3A_963, %dot_general3A_999 {dimension_numbers = #tpu.dot_dimension_numbers<[1], [0], [0], [1], [0, 0, 1, 1], [], []>, transpose_lhs_hint = false} : vector<256x1024xbf16>, vector<1024x64xbf16>, vector<256x64xf32> -> vector<256x64xf32>
      %add3A_1001 = arith.addf %mul3A_997, %dot_general3A_1000 : vector<256x64xf32>
      scf.yield %max3A, %add3A_995, %add3A_1001 : vector<256x1xf32>, vector<256x1xf32>, vector<256x64xf32>
    }
    %while3A_669 = arith.constant 1 : i32
    %while3A_670:3 = scf.for %while3A_946 = %while3A_666 to %while3A_662 step %while3A_669 iter_args(%while3A_947 = %while3A_668#0, %while3A_948 = %while3A_668#1, %while3A_949 = %while3A_668#2) -> (vector<256x1xf32>, vector<256x1xf32>, vector<256x64xf32>)  : i32 {
      %mul3A_950 = arith.constant 1024 : i32
      %mul3A_951 = arith.muli %while3A_946, %mul3A_950 : i32
      %get3A_952 = arith.constant 2 : index
      %get3A_953 = arith.index_cast %mul3A_951 : i32 to index
      %get3A_954 = arith.constant 0 : index
      %get3A_955 = vector.load %arg16[%get3A_952, %get3A_953, %get3A_954] : memref<4x2048x64xbf16, #tpu.memory_space<vmem>>, vector<1x1024x64xbf16>
      %get3A_956 = vector.shape_cast %get3A_955 : vector<1x1024x64xbf16> to vector<1024x64xbf16>
      %mul3A_957 = arith.constant 1024 : i32
      %mul3A_958 = arith.muli %while3A_946, %mul3A_957 : i32
      %get3A_959 = arith.constant 2 : index
      %get3A_960 = arith.index_cast %mul3A_958 : i32 to index
      %get3A_961 = arith.constant 0 : index
      %get3A_962 = vector.load %arg17[%get3A_959, %get3A_960, %get3A_961] : memref<4x2048x64xbf16, #tpu.memory_space<vmem>>, vector<1x1024x64xbf16>
      %get3A_963 = vector.shape_cast %get3A_962 : vector<1x1024x64xbf16> to vector<1024x64xbf16>
      %dot_general3A_964 = arith.constant dense<0.000000e+00> : vector<256x1024xf32>
      %dot_general3A_965 = tpu.matmul %convert_element_type3A_653, %get3A_956, %dot_general3A_964 {dimension_numbers = #tpu.dot_dimension_numbers<[1], [1], [0], [0], [0, 0, 1, 0], [], []>, transpose_lhs_hint = false} : vector<256x64xbf16>, vector<1024x64xbf16>, vector<256x1024xf32> -> vector<256x1024xf32>
      %mul3A_966 = arith.constant 1.250000e-01 : f32
      %mul3A_967 = vector.broadcast %mul3A_966 : f32 to vector<256x1024xf32>
      %mul3A_968 = arith.mulf %dot_general3A_965, %mul3A_967 : vector<256x1024xf32>
      %mul3A_969 = arith.constant 256 : i32
      %mul3A_970 = arith.muli %arg0, %mul3A_969 : i32
      %iota3A_971 = tpu.iota {dimensions = array<i32: 0>} : vector<256x1024xi32>
      %add3A_972 = vector.broadcast %mul3A_970 : i32 to vector<256x1024xi32>
      %add3A_973 = arith.addi %add3A_972, %iota3A_971 : vector<256x1024xi32>
      %mul3A_974 = arith.constant 1024 : i32
      %mul3A_975 = arith.muli %while3A_946, %mul3A_974 : i32
      %iota3A_976 = tpu.iota {dimensions = array<i32: 1>} : vector<256x1024xi32>
      %add3A_977 = vector.broadcast %mul3A_975 : i32 to vector<256x1024xi32>
      %add3A_978 = arith.addi %add3A_977, %iota3A_976 : vector<256x1024xi32>
      %ge3A_979 = arith.cmpi sge, %add3A_973, %add3A_978 : vector<256x1024xi32>
      %jit3A_980 = arith.constant -1.000000e+30 : f32
      %broadcast_in_dim3A_981 = vector.broadcast %jit3A_980 : f32 to vector<256x1024xf32>
      %select_n3A_982 = arith.select %ge3A_979, %mul3A_968, %broadcast_in_dim3A_981 : vector<256x1024xi1>, vector<256x1024xf32>
      %reduce_max3A_983 = arith.constant dense<0xFF800000> : vector<256xf32>
      %reduce_max3A_984 = vector.multi_reduction <maximumf>, %select_n3A_982, %reduce_max3A_983 [1] : vector<256x1024xf32> to vector<256xf32>
      %broadcast_in_dim3A_985 = vector.shape_cast %reduce_max3A_984 : vector<256xf32> to vector<256x1xf32>
      %max3A = arith.maximumf %while3A_947, %broadcast_in_dim3A_985 : vector<256x1xf32>
      %sub3A_986 = arith.subf %while3A_947, %max3A : vector<256x1xf32>
      %exp3A_987 = math.exp %sub3A_986 : vector<256x1xf32>
      %sub3A_988 = vector.broadcast %max3A : vector<256x1xf32> to vector<256x1024xf32>
      %sub3A_989 = arith.subf %select_n3A_982, %sub3A_988 : vector<256x1024xf32>
      %exp3A_990 = math.exp %sub3A_989 : vector<256x1024xf32>
      %mul3A_991 = arith.mulf %while3A_948, %exp3A_987 : vector<256x1xf32>
      %reduce_sum3A_992 = arith.constant dense<0.000000e+00> : vector<256xf32>
      %reduce_sum3A_993 = vector.multi_reduction <add>, %exp3A_990, %reduce_sum3A_992 [1] : vector<256x1024xf32> to vector<256xf32>
      %broadcast_in_dim3A_994 = vector.shape_cast %reduce_sum3A_993 : vector<256xf32> to vector<256x1xf32>
      %add3A_995 = arith.addf %mul3A_991, %broadcast_in_dim3A_994 : vector<256x1xf32>
      %mul3A_996 = vector.broadcast %exp3A_987 : vector<256x1xf32> to vector<256x64xf32>
      %mul3A_997 = arith.mulf %while3A_949, %mul3A_996 : vector<256x64xf32>
      %convert_element_type3A_998 = arith.truncf %exp3A_990 : vector<256x1024xf32> to vector<256x1024xbf16>
      %dot_general3A_999 = arith.constant dense<0.000000e+00> : vector<256x64xf32>
      %dot_general3A_1000 = tpu.matmul %convert_element_type3A_998, %get3A_963, %dot_general3A_999 {dimension_numbers = #tpu.dot_dimension_numbers<[1], [0], [0], [1], [0, 0, 1, 1], [], []>, transpose_lhs_hint = false} : vector<256x1024xbf16>, vector<1024x64xbf16>, vector<256x64xf32> -> vector<256x64xf32>
      %add3A_1001 = arith.addf %mul3A_997, %dot_general3A_1000 : vector<256x64xf32>
      scf.yield %max3A, %add3A_995, %add3A_1001 : vector<256x1xf32>, vector<256x1xf32>, vector<256x64xf32>
    }
    %div3A_671 = vector.broadcast %while3A_670#1 : vector<256x1xf32> to vector<256x64xf32>
    %div3A_672 = arith.divf %while3A_670#2, %div3A_671 : vector<256x64xf32>
    %slice3A_673 = vector.extract_strided_slice %add3A_180 {offsets = [0, 640], sizes = [256, 64], strides = [1, 1]} : vector<256x1024xf32> to vector<256x64xf32>
    %convert_element_type3A_674 = arith.truncf %slice3A_673 : vector<256x64xf32> to vector<256x64xbf16>
    %broadcast_in_dim3A_675 = arith.constant -1.000000e+30 : f32
    %broadcast_in_dim3A_676 = vector.broadcast %broadcast_in_dim3A_675 : f32 to vector<256x1xf32>
    %broadcast_in_dim3A_677 = arith.constant 0.000000e+00 : f32
    %broadcast_in_dim3A_678 = vector.broadcast %broadcast_in_dim3A_677 : f32 to vector<256x1xf32>
    %broadcast_in_dim3A_679 = arith.constant 0.000000e+00 : f32
    %broadcast_in_dim3A_680 = vector.broadcast %broadcast_in_dim3A_679 : f32 to vector<256x64xf32>
    %while3A_681 = arith.constant 0 : i32
    %while3A_682 = arith.subi %select_n3A_463, %while3A_681 : i32
    %while3A_683 = arith.addi %while3A_681, %while3A_682 : i32
    %while3A_684 = arith.constant 1 : i32
    %while3A_685 = arith.divsi %while3A_682, %while3A_684 : i32
    %while3A_686 = arith.muli %while3A_685, %while3A_684 : i32
    %while3A_687 = arith.addi %while3A_681, %while3A_686 : i32
    %while3A_688 = arith.constant 1 : i32
    %while3A_689:3 = scf.for %while3A_946 = %while3A_681 to %while3A_687 step %while3A_688 iter_args(%while3A_947 = %broadcast_in_dim3A_676, %while3A_948 = %broadcast_in_dim3A_678, %while3A_949 = %broadcast_in_dim3A_680) -> (vector<256x1xf32>, vector<256x1xf32>, vector<256x64xf32>)  : i32 {
      %mul3A_950 = arith.constant 1024 : i32
      %mul3A_951 = arith.muli %while3A_946, %mul3A_950 : i32
      %get3A_952 = arith.constant 2 : index
      %get3A_953 = arith.index_cast %mul3A_951 : i32 to index
      %get3A_954 = arith.constant 0 : index
      %get3A_955 = vector.load %arg16[%get3A_952, %get3A_953, %get3A_954] : memref<4x2048x64xbf16, #tpu.memory_space<vmem>>, vector<1x1024x64xbf16>
      %get3A_956 = vector.shape_cast %get3A_955 : vector<1x1024x64xbf16> to vector<1024x64xbf16>
      %mul3A_957 = arith.constant 1024 : i32
      %mul3A_958 = arith.muli %while3A_946, %mul3A_957 : i32
      %get3A_959 = arith.constant 2 : index
      %get3A_960 = arith.index_cast %mul3A_958 : i32 to index
      %get3A_961 = arith.constant 0 : index
      %get3A_962 = vector.load %arg17[%get3A_959, %get3A_960, %get3A_961] : memref<4x2048x64xbf16, #tpu.memory_space<vmem>>, vector<1x1024x64xbf16>
      %get3A_963 = vector.shape_cast %get3A_962 : vector<1x1024x64xbf16> to vector<1024x64xbf16>
      %dot_general3A_964 = arith.constant dense<0.000000e+00> : vector<256x1024xf32>
      %dot_general3A_965 = tpu.matmul %convert_element_type3A_674, %get3A_956, %dot_general3A_964 {dimension_numbers = #tpu.dot_dimension_numbers<[1], [1], [0], [0], [0, 0, 1, 0], [], []>, transpose_lhs_hint = false} : vector<256x64xbf16>, vector<1024x64xbf16>, vector<256x1024xf32> -> vector<256x1024xf32>
      %mul3A_966 = arith.constant 1.250000e-01 : f32
      %mul3A_967 = vector.broadcast %mul3A_966 : f32 to vector<256x1024xf32>
      %mul3A_968 = arith.mulf %dot_general3A_965, %mul3A_967 : vector<256x1024xf32>
      %mul3A_969 = arith.constant 256 : i32
      %mul3A_970 = arith.muli %arg0, %mul3A_969 : i32
      %iota3A_971 = tpu.iota {dimensions = array<i32: 0>} : vector<256x1024xi32>
      %add3A_972 = vector.broadcast %mul3A_970 : i32 to vector<256x1024xi32>
      %add3A_973 = arith.addi %add3A_972, %iota3A_971 : vector<256x1024xi32>
      %mul3A_974 = arith.constant 1024 : i32
      %mul3A_975 = arith.muli %while3A_946, %mul3A_974 : i32
      %iota3A_976 = tpu.iota {dimensions = array<i32: 1>} : vector<256x1024xi32>
      %add3A_977 = vector.broadcast %mul3A_975 : i32 to vector<256x1024xi32>
      %add3A_978 = arith.addi %add3A_977, %iota3A_976 : vector<256x1024xi32>
      %ge3A_979 = arith.cmpi sge, %add3A_973, %add3A_978 : vector<256x1024xi32>
      %jit3A_980 = arith.constant -1.000000e+30 : f32
      %broadcast_in_dim3A_981 = vector.broadcast %jit3A_980 : f32 to vector<256x1024xf32>
      %select_n3A_982 = arith.select %ge3A_979, %mul3A_968, %broadcast_in_dim3A_981 : vector<256x1024xi1>, vector<256x1024xf32>
      %reduce_max3A_983 = arith.constant dense<0xFF800000> : vector<256xf32>
      %reduce_max3A_984 = vector.multi_reduction <maximumf>, %select_n3A_982, %reduce_max3A_983 [1] : vector<256x1024xf32> to vector<256xf32>
      %broadcast_in_dim3A_985 = vector.shape_cast %reduce_max3A_984 : vector<256xf32> to vector<256x1xf32>
      %max3A = arith.maximumf %while3A_947, %broadcast_in_dim3A_985 : vector<256x1xf32>
      %sub3A_986 = arith.subf %while3A_947, %max3A : vector<256x1xf32>
      %exp3A_987 = math.exp %sub3A_986 : vector<256x1xf32>
      %sub3A_988 = vector.broadcast %max3A : vector<256x1xf32> to vector<256x1024xf32>
      %sub3A_989 = arith.subf %select_n3A_982, %sub3A_988 : vector<256x1024xf32>
      %exp3A_990 = math.exp %sub3A_989 : vector<256x1024xf32>
      %mul3A_991 = arith.mulf %while3A_948, %exp3A_987 : vector<256x1xf32>
      %reduce_sum3A_992 = arith.constant dense<0.000000e+00> : vector<256xf32>
      %reduce_sum3A_993 = vector.multi_reduction <add>, %exp3A_990, %reduce_sum3A_992 [1] : vector<256x1024xf32> to vector<256xf32>
      %broadcast_in_dim3A_994 = vector.shape_cast %reduce_sum3A_993 : vector<256xf32> to vector<256x1xf32>
      %add3A_995 = arith.addf %mul3A_991, %broadcast_in_dim3A_994 : vector<256x1xf32>
      %mul3A_996 = vector.broadcast %exp3A_987 : vector<256x1xf32> to vector<256x64xf32>
      %mul3A_997 = arith.mulf %while3A_949, %mul3A_996 : vector<256x64xf32>
      %convert_element_type3A_998 = arith.truncf %exp3A_990 : vector<256x1024xf32> to vector<256x1024xbf16>
      %dot_general3A_999 = arith.constant dense<0.000000e+00> : vector<256x64xf32>
      %dot_general3A_1000 = tpu.matmul %convert_element_type3A_998, %get3A_963, %dot_general3A_999 {dimension_numbers = #tpu.dot_dimension_numbers<[1], [0], [0], [1], [0, 0, 1, 1], [], []>, transpose_lhs_hint = false} : vector<256x1024xbf16>, vector<1024x64xbf16>, vector<256x64xf32> -> vector<256x64xf32>
      %add3A_1001 = arith.addf %mul3A_997, %dot_general3A_1000 : vector<256x64xf32>
      scf.yield %max3A, %add3A_995, %add3A_1001 : vector<256x1xf32>, vector<256x1xf32>, vector<256x64xf32>
    }
    %while3A_690 = arith.constant 1 : i32
    %while3A_691:3 = scf.for %while3A_946 = %while3A_687 to %while3A_683 step %while3A_690 iter_args(%while3A_947 = %while3A_689#0, %while3A_948 = %while3A_689#1, %while3A_949 = %while3A_689#2) -> (vector<256x1xf32>, vector<256x1xf32>, vector<256x64xf32>)  : i32 {
      %mul3A_950 = arith.constant 1024 : i32
      %mul3A_951 = arith.muli %while3A_946, %mul3A_950 : i32
      %get3A_952 = arith.constant 2 : index
      %get3A_953 = arith.index_cast %mul3A_951 : i32 to index
      %get3A_954 = arith.constant 0 : index
      %get3A_955 = vector.load %arg16[%get3A_952, %get3A_953, %get3A_954] : memref<4x2048x64xbf16, #tpu.memory_space<vmem>>, vector<1x1024x64xbf16>
      %get3A_956 = vector.shape_cast %get3A_955 : vector<1x1024x64xbf16> to vector<1024x64xbf16>
      %mul3A_957 = arith.constant 1024 : i32
      %mul3A_958 = arith.muli %while3A_946, %mul3A_957 : i32
      %get3A_959 = arith.constant 2 : index
      %get3A_960 = arith.index_cast %mul3A_958 : i32 to index
      %get3A_961 = arith.constant 0 : index
      %get3A_962 = vector.load %arg17[%get3A_959, %get3A_960, %get3A_961] : memref<4x2048x64xbf16, #tpu.memory_space<vmem>>, vector<1x1024x64xbf16>
      %get3A_963 = vector.shape_cast %get3A_962 : vector<1x1024x64xbf16> to vector<1024x64xbf16>
      %dot_general3A_964 = arith.constant dense<0.000000e+00> : vector<256x1024xf32>
      %dot_general3A_965 = tpu.matmul %convert_element_type3A_674, %get3A_956, %dot_general3A_964 {dimension_numbers = #tpu.dot_dimension_numbers<[1], [1], [0], [0], [0, 0, 1, 0], [], []>, transpose_lhs_hint = false} : vector<256x64xbf16>, vector<1024x64xbf16>, vector<256x1024xf32> -> vector<256x1024xf32>
      %mul3A_966 = arith.constant 1.250000e-01 : f32
      %mul3A_967 = vector.broadcast %mul3A_966 : f32 to vector<256x1024xf32>
      %mul3A_968 = arith.mulf %dot_general3A_965, %mul3A_967 : vector<256x1024xf32>
      %mul3A_969 = arith.constant 256 : i32
      %mul3A_970 = arith.muli %arg0, %mul3A_969 : i32
      %iota3A_971 = tpu.iota {dimensions = array<i32: 0>} : vector<256x1024xi32>
      %add3A_972 = vector.broadcast %mul3A_970 : i32 to vector<256x1024xi32>
      %add3A_973 = arith.addi %add3A_972, %iota3A_971 : vector<256x1024xi32>
      %mul3A_974 = arith.constant 1024 : i32
      %mul3A_975 = arith.muli %while3A_946, %mul3A_974 : i32
      %iota3A_976 = tpu.iota {dimensions = array<i32: 1>} : vector<256x1024xi32>
      %add3A_977 = vector.broadcast %mul3A_975 : i32 to vector<256x1024xi32>
      %add3A_978 = arith.addi %add3A_977, %iota3A_976 : vector<256x1024xi32>
      %ge3A_979 = arith.cmpi sge, %add3A_973, %add3A_978 : vector<256x1024xi32>
      %jit3A_980 = arith.constant -1.000000e+30 : f32
      %broadcast_in_dim3A_981 = vector.broadcast %jit3A_980 : f32 to vector<256x1024xf32>
      %select_n3A_982 = arith.select %ge3A_979, %mul3A_968, %broadcast_in_dim3A_981 : vector<256x1024xi1>, vector<256x1024xf32>
      %reduce_max3A_983 = arith.constant dense<0xFF800000> : vector<256xf32>
      %reduce_max3A_984 = vector.multi_reduction <maximumf>, %select_n3A_982, %reduce_max3A_983 [1] : vector<256x1024xf32> to vector<256xf32>
      %broadcast_in_dim3A_985 = vector.shape_cast %reduce_max3A_984 : vector<256xf32> to vector<256x1xf32>
      %max3A = arith.maximumf %while3A_947, %broadcast_in_dim3A_985 : vector<256x1xf32>
      %sub3A_986 = arith.subf %while3A_947, %max3A : vector<256x1xf32>
      %exp3A_987 = math.exp %sub3A_986 : vector<256x1xf32>
      %sub3A_988 = vector.broadcast %max3A : vector<256x1xf32> to vector<256x1024xf32>
      %sub3A_989 = arith.subf %select_n3A_982, %sub3A_988 : vector<256x1024xf32>
      %exp3A_990 = math.exp %sub3A_989 : vector<256x1024xf32>
      %mul3A_991 = arith.mulf %while3A_948, %exp3A_987 : vector<256x1xf32>
      %reduce_sum3A_992 = arith.constant dense<0.000000e+00> : vector<256xf32>
      %reduce_sum3A_993 = vector.multi_reduction <add>, %exp3A_990, %reduce_sum3A_992 [1] : vector<256x1024xf32> to vector<256xf32>
      %broadcast_in_dim3A_994 = vector.shape_cast %reduce_sum3A_993 : vector<256xf32> to vector<256x1xf32>
      %add3A_995 = arith.addf %mul3A_991, %broadcast_in_dim3A_994 : vector<256x1xf32>
      %mul3A_996 = vector.broadcast %exp3A_987 : vector<256x1xf32> to vector<256x64xf32>
      %mul3A_997 = arith.mulf %while3A_949, %mul3A_996 : vector<256x64xf32>
      %convert_element_type3A_998 = arith.truncf %exp3A_990 : vector<256x1024xf32> to vector<256x1024xbf16>
      %dot_general3A_999 = arith.constant dense<0.000000e+00> : vector<256x64xf32>
      %dot_general3A_1000 = tpu.matmul %convert_element_type3A_998, %get3A_963, %dot_general3A_999 {dimension_numbers = #tpu.dot_dimension_numbers<[1], [0], [0], [1], [0, 0, 1, 1], [], []>, transpose_lhs_hint = false} : vector<256x1024xbf16>, vector<1024x64xbf16>, vector<256x64xf32> -> vector<256x64xf32>
      %add3A_1001 = arith.addf %mul3A_997, %dot_general3A_1000 : vector<256x64xf32>
      scf.yield %max3A, %add3A_995, %add3A_1001 : vector<256x1xf32>, vector<256x1xf32>, vector<256x64xf32>
    }
    %div3A_692 = vector.broadcast %while3A_691#1 : vector<256x1xf32> to vector<256x64xf32>
    %div3A_693 = arith.divf %while3A_691#2, %div3A_692 : vector<256x64xf32>
    %slice3A_694 = vector.extract_strided_slice %add3A_180 {offsets = [0, 704], sizes = [256, 64], strides = [1, 1]} : vector<256x1024xf32> to vector<256x64xf32>
    %convert_element_type3A_695 = arith.truncf %slice3A_694 : vector<256x64xf32> to vector<256x64xbf16>
    %broadcast_in_dim3A_696 = arith.constant -1.000000e+30 : f32
    %broadcast_in_dim3A_697 = vector.broadcast %broadcast_in_dim3A_696 : f32 to vector<256x1xf32>
    %broadcast_in_dim3A_698 = arith.constant 0.000000e+00 : f32
    %broadcast_in_dim3A_699 = vector.broadcast %broadcast_in_dim3A_698 : f32 to vector<256x1xf32>
    %broadcast_in_dim3A_700 = arith.constant 0.000000e+00 : f32
    %broadcast_in_dim3A_701 = vector.broadcast %broadcast_in_dim3A_700 : f32 to vector<256x64xf32>
    %while3A_702 = arith.constant 0 : i32
    %while3A_703 = arith.subi %select_n3A_463, %while3A_702 : i32
    %while3A_704 = arith.addi %while3A_702, %while3A_703 : i32
    %while3A_705 = arith.constant 1 : i32
    %while3A_706 = arith.divsi %while3A_703, %while3A_705 : i32
    %while3A_707 = arith.muli %while3A_706, %while3A_705 : i32
    %while3A_708 = arith.addi %while3A_702, %while3A_707 : i32
    %while3A_709 = arith.constant 1 : i32
    %while3A_710:3 = scf.for %while3A_946 = %while3A_702 to %while3A_708 step %while3A_709 iter_args(%while3A_947 = %broadcast_in_dim3A_697, %while3A_948 = %broadcast_in_dim3A_699, %while3A_949 = %broadcast_in_dim3A_701) -> (vector<256x1xf32>, vector<256x1xf32>, vector<256x64xf32>)  : i32 {
      %mul3A_950 = arith.constant 1024 : i32
      %mul3A_951 = arith.muli %while3A_946, %mul3A_950 : i32
      %get3A_952 = arith.constant 2 : index
      %get3A_953 = arith.index_cast %mul3A_951 : i32 to index
      %get3A_954 = arith.constant 0 : index
      %get3A_955 = vector.load %arg16[%get3A_952, %get3A_953, %get3A_954] : memref<4x2048x64xbf16, #tpu.memory_space<vmem>>, vector<1x1024x64xbf16>
      %get3A_956 = vector.shape_cast %get3A_955 : vector<1x1024x64xbf16> to vector<1024x64xbf16>
      %mul3A_957 = arith.constant 1024 : i32
      %mul3A_958 = arith.muli %while3A_946, %mul3A_957 : i32
      %get3A_959 = arith.constant 2 : index
      %get3A_960 = arith.index_cast %mul3A_958 : i32 to index
      %get3A_961 = arith.constant 0 : index
      %get3A_962 = vector.load %arg17[%get3A_959, %get3A_960, %get3A_961] : memref<4x2048x64xbf16, #tpu.memory_space<vmem>>, vector<1x1024x64xbf16>
      %get3A_963 = vector.shape_cast %get3A_962 : vector<1x1024x64xbf16> to vector<1024x64xbf16>
      %dot_general3A_964 = arith.constant dense<0.000000e+00> : vector<256x1024xf32>
      %dot_general3A_965 = tpu.matmul %convert_element_type3A_695, %get3A_956, %dot_general3A_964 {dimension_numbers = #tpu.dot_dimension_numbers<[1], [1], [0], [0], [0, 0, 1, 0], [], []>, transpose_lhs_hint = false} : vector<256x64xbf16>, vector<1024x64xbf16>, vector<256x1024xf32> -> vector<256x1024xf32>
      %mul3A_966 = arith.constant 1.250000e-01 : f32
      %mul3A_967 = vector.broadcast %mul3A_966 : f32 to vector<256x1024xf32>
      %mul3A_968 = arith.mulf %dot_general3A_965, %mul3A_967 : vector<256x1024xf32>
      %mul3A_969 = arith.constant 256 : i32
      %mul3A_970 = arith.muli %arg0, %mul3A_969 : i32
      %iota3A_971 = tpu.iota {dimensions = array<i32: 0>} : vector<256x1024xi32>
      %add3A_972 = vector.broadcast %mul3A_970 : i32 to vector<256x1024xi32>
      %add3A_973 = arith.addi %add3A_972, %iota3A_971 : vector<256x1024xi32>
      %mul3A_974 = arith.constant 1024 : i32
      %mul3A_975 = arith.muli %while3A_946, %mul3A_974 : i32
      %iota3A_976 = tpu.iota {dimensions = array<i32: 1>} : vector<256x1024xi32>
      %add3A_977 = vector.broadcast %mul3A_975 : i32 to vector<256x1024xi32>
      %add3A_978 = arith.addi %add3A_977, %iota3A_976 : vector<256x1024xi32>
      %ge3A_979 = arith.cmpi sge, %add3A_973, %add3A_978 : vector<256x1024xi32>
      %jit3A_980 = arith.constant -1.000000e+30 : f32
      %broadcast_in_dim3A_981 = vector.broadcast %jit3A_980 : f32 to vector<256x1024xf32>
      %select_n3A_982 = arith.select %ge3A_979, %mul3A_968, %broadcast_in_dim3A_981 : vector<256x1024xi1>, vector<256x1024xf32>
      %reduce_max3A_983 = arith.constant dense<0xFF800000> : vector<256xf32>
      %reduce_max3A_984 = vector.multi_reduction <maximumf>, %select_n3A_982, %reduce_max3A_983 [1] : vector<256x1024xf32> to vector<256xf32>
      %broadcast_in_dim3A_985 = vector.shape_cast %reduce_max3A_984 : vector<256xf32> to vector<256x1xf32>
      %max3A = arith.maximumf %while3A_947, %broadcast_in_dim3A_985 : vector<256x1xf32>
      %sub3A_986 = arith.subf %while3A_947, %max3A : vector<256x1xf32>
      %exp3A_987 = math.exp %sub3A_986 : vector<256x1xf32>
      %sub3A_988 = vector.broadcast %max3A : vector<256x1xf32> to vector<256x1024xf32>
      %sub3A_989 = arith.subf %select_n3A_982, %sub3A_988 : vector<256x1024xf32>
      %exp3A_990 = math.exp %sub3A_989 : vector<256x1024xf32>
      %mul3A_991 = arith.mulf %while3A_948, %exp3A_987 : vector<256x1xf32>
      %reduce_sum3A_992 = arith.constant dense<0.000000e+00> : vector<256xf32>
      %reduce_sum3A_993 = vector.multi_reduction <add>, %exp3A_990, %reduce_sum3A_992 [1] : vector<256x1024xf32> to vector<256xf32>
      %broadcast_in_dim3A_994 = vector.shape_cast %reduce_sum3A_993 : vector<256xf32> to vector<256x1xf32>
      %add3A_995 = arith.addf %mul3A_991, %broadcast_in_dim3A_994 : vector<256x1xf32>
      %mul3A_996 = vector.broadcast %exp3A_987 : vector<256x1xf32> to vector<256x64xf32>
      %mul3A_997 = arith.mulf %while3A_949, %mul3A_996 : vector<256x64xf32>
      %convert_element_type3A_998 = arith.truncf %exp3A_990 : vector<256x1024xf32> to vector<256x1024xbf16>
      %dot_general3A_999 = arith.constant dense<0.000000e+00> : vector<256x64xf32>
      %dot_general3A_1000 = tpu.matmul %convert_element_type3A_998, %get3A_963, %dot_general3A_999 {dimension_numbers = #tpu.dot_dimension_numbers<[1], [0], [0], [1], [0, 0, 1, 1], [], []>, transpose_lhs_hint = false} : vector<256x1024xbf16>, vector<1024x64xbf16>, vector<256x64xf32> -> vector<256x64xf32>
      %add3A_1001 = arith.addf %mul3A_997, %dot_general3A_1000 : vector<256x64xf32>
      scf.yield %max3A, %add3A_995, %add3A_1001 : vector<256x1xf32>, vector<256x1xf32>, vector<256x64xf32>
    }
    %while3A_711 = arith.constant 1 : i32
    %while3A_712:3 = scf.for %while3A_946 = %while3A_708 to %while3A_704 step %while3A_711 iter_args(%while3A_947 = %while3A_710#0, %while3A_948 = %while3A_710#1, %while3A_949 = %while3A_710#2) -> (vector<256x1xf32>, vector<256x1xf32>, vector<256x64xf32>)  : i32 {
      %mul3A_950 = arith.constant 1024 : i32
      %mul3A_951 = arith.muli %while3A_946, %mul3A_950 : i32
      %get3A_952 = arith.constant 2 : index
      %get3A_953 = arith.index_cast %mul3A_951 : i32 to index
      %get3A_954 = arith.constant 0 : index
      %get3A_955 = vector.load %arg16[%get3A_952, %get3A_953, %get3A_954] : memref<4x2048x64xbf16, #tpu.memory_space<vmem>>, vector<1x1024x64xbf16>
      %get3A_956 = vector.shape_cast %get3A_955 : vector<1x1024x64xbf16> to vector<1024x64xbf16>
      %mul3A_957 = arith.constant 1024 : i32
      %mul3A_958 = arith.muli %while3A_946, %mul3A_957 : i32
      %get3A_959 = arith.constant 2 : index
      %get3A_960 = arith.index_cast %mul3A_958 : i32 to index
      %get3A_961 = arith.constant 0 : index
      %get3A_962 = vector.load %arg17[%get3A_959, %get3A_960, %get3A_961] : memref<4x2048x64xbf16, #tpu.memory_space<vmem>>, vector<1x1024x64xbf16>
      %get3A_963 = vector.shape_cast %get3A_962 : vector<1x1024x64xbf16> to vector<1024x64xbf16>
      %dot_general3A_964 = arith.constant dense<0.000000e+00> : vector<256x1024xf32>
      %dot_general3A_965 = tpu.matmul %convert_element_type3A_695, %get3A_956, %dot_general3A_964 {dimension_numbers = #tpu.dot_dimension_numbers<[1], [1], [0], [0], [0, 0, 1, 0], [], []>, transpose_lhs_hint = false} : vector<256x64xbf16>, vector<1024x64xbf16>, vector<256x1024xf32> -> vector<256x1024xf32>
      %mul3A_966 = arith.constant 1.250000e-01 : f32
      %mul3A_967 = vector.broadcast %mul3A_966 : f32 to vector<256x1024xf32>
      %mul3A_968 = arith.mulf %dot_general3A_965, %mul3A_967 : vector<256x1024xf32>
      %mul3A_969 = arith.constant 256 : i32
      %mul3A_970 = arith.muli %arg0, %mul3A_969 : i32
      %iota3A_971 = tpu.iota {dimensions = array<i32: 0>} : vector<256x1024xi32>
      %add3A_972 = vector.broadcast %mul3A_970 : i32 to vector<256x1024xi32>
      %add3A_973 = arith.addi %add3A_972, %iota3A_971 : vector<256x1024xi32>
      %mul3A_974 = arith.constant 1024 : i32
      %mul3A_975 = arith.muli %while3A_946, %mul3A_974 : i32
      %iota3A_976 = tpu.iota {dimensions = array<i32: 1>} : vector<256x1024xi32>
      %add3A_977 = vector.broadcast %mul3A_975 : i32 to vector<256x1024xi32>
      %add3A_978 = arith.addi %add3A_977, %iota3A_976 : vector<256x1024xi32>
      %ge3A_979 = arith.cmpi sge, %add3A_973, %add3A_978 : vector<256x1024xi32>
      %jit3A_980 = arith.constant -1.000000e+30 : f32
      %broadcast_in_dim3A_981 = vector.broadcast %jit3A_980 : f32 to vector<256x1024xf32>
      %select_n3A_982 = arith.select %ge3A_979, %mul3A_968, %broadcast_in_dim3A_981 : vector<256x1024xi1>, vector<256x1024xf32>
      %reduce_max3A_983 = arith.constant dense<0xFF800000> : vector<256xf32>
      %reduce_max3A_984 = vector.multi_reduction <maximumf>, %select_n3A_982, %reduce_max3A_983 [1] : vector<256x1024xf32> to vector<256xf32>
      %broadcast_in_dim3A_985 = vector.shape_cast %reduce_max3A_984 : vector<256xf32> to vector<256x1xf32>
      %max3A = arith.maximumf %while3A_947, %broadcast_in_dim3A_985 : vector<256x1xf32>
      %sub3A_986 = arith.subf %while3A_947, %max3A : vector<256x1xf32>
      %exp3A_987 = math.exp %sub3A_986 : vector<256x1xf32>
      %sub3A_988 = vector.broadcast %max3A : vector<256x1xf32> to vector<256x1024xf32>
      %sub3A_989 = arith.subf %select_n3A_982, %sub3A_988 : vector<256x1024xf32>
      %exp3A_990 = math.exp %sub3A_989 : vector<256x1024xf32>
      %mul3A_991 = arith.mulf %while3A_948, %exp3A_987 : vector<256x1xf32>
      %reduce_sum3A_992 = arith.constant dense<0.000000e+00> : vector<256xf32>
      %reduce_sum3A_993 = vector.multi_reduction <add>, %exp3A_990, %reduce_sum3A_992 [1] : vector<256x1024xf32> to vector<256xf32>
      %broadcast_in_dim3A_994 = vector.shape_cast %reduce_sum3A_993 : vector<256xf32> to vector<256x1xf32>
      %add3A_995 = arith.addf %mul3A_991, %broadcast_in_dim3A_994 : vector<256x1xf32>
      %mul3A_996 = vector.broadcast %exp3A_987 : vector<256x1xf32> to vector<256x64xf32>
      %mul3A_997 = arith.mulf %while3A_949, %mul3A_996 : vector<256x64xf32>
      %convert_element_type3A_998 = arith.truncf %exp3A_990 : vector<256x1024xf32> to vector<256x1024xbf16>
      %dot_general3A_999 = arith.constant dense<0.000000e+00> : vector<256x64xf32>
      %dot_general3A_1000 = tpu.matmul %convert_element_type3A_998, %get3A_963, %dot_general3A_999 {dimension_numbers = #tpu.dot_dimension_numbers<[1], [0], [0], [1], [0, 0, 1, 1], [], []>, transpose_lhs_hint = false} : vector<256x1024xbf16>, vector<1024x64xbf16>, vector<256x64xf32> -> vector<256x64xf32>
      %add3A_1001 = arith.addf %mul3A_997, %dot_general3A_1000 : vector<256x64xf32>
      scf.yield %max3A, %add3A_995, %add3A_1001 : vector<256x1xf32>, vector<256x1xf32>, vector<256x64xf32>
    }
    %div3A_713 = vector.broadcast %while3A_712#1 : vector<256x1xf32> to vector<256x64xf32>
    %div3A_714 = arith.divf %while3A_712#2, %div3A_713 : vector<256x64xf32>
    %slice3A_715 = vector.extract_strided_slice %add3A_180 {offsets = [0, 768], sizes = [256, 64], strides = [1, 1]} : vector<256x1024xf32> to vector<256x64xf32>
    %convert_element_type3A_716 = arith.truncf %slice3A_715 : vector<256x64xf32> to vector<256x64xbf16>
    %broadcast_in_dim3A_717 = arith.constant -1.000000e+30 : f32
    %broadcast_in_dim3A_718 = vector.broadcast %broadcast_in_dim3A_717 : f32 to vector<256x1xf32>
    %broadcast_in_dim3A_719 = arith.constant 0.000000e+00 : f32
    %broadcast_in_dim3A_720 = vector.broadcast %broadcast_in_dim3A_719 : f32 to vector<256x1xf32>
    %broadcast_in_dim3A_721 = arith.constant 0.000000e+00 : f32
    %broadcast_in_dim3A_722 = vector.broadcast %broadcast_in_dim3A_721 : f32 to vector<256x64xf32>
    %while3A_723 = arith.constant 0 : i32
    %while3A_724 = arith.subi %select_n3A_463, %while3A_723 : i32
    %while3A_725 = arith.addi %while3A_723, %while3A_724 : i32
    %while3A_726 = arith.constant 1 : i32
    %while3A_727 = arith.divsi %while3A_724, %while3A_726 : i32
    %while3A_728 = arith.muli %while3A_727, %while3A_726 : i32
    %while3A_729 = arith.addi %while3A_723, %while3A_728 : i32
    %while3A_730 = arith.constant 1 : i32
    %while3A_731:3 = scf.for %while3A_946 = %while3A_723 to %while3A_729 step %while3A_730 iter_args(%while3A_947 = %broadcast_in_dim3A_718, %while3A_948 = %broadcast_in_dim3A_720, %while3A_949 = %broadcast_in_dim3A_722) -> (vector<256x1xf32>, vector<256x1xf32>, vector<256x64xf32>)  : i32 {
      %mul3A_950 = arith.constant 1024 : i32
      %mul3A_951 = arith.muli %while3A_946, %mul3A_950 : i32
      %get3A_952 = arith.constant 3 : index
      %get3A_953 = arith.index_cast %mul3A_951 : i32 to index
      %get3A_954 = arith.constant 0 : index
      %get3A_955 = vector.load %arg16[%get3A_952, %get3A_953, %get3A_954] : memref<4x2048x64xbf16, #tpu.memory_space<vmem>>, vector<1x1024x64xbf16>
      %get3A_956 = vector.shape_cast %get3A_955 : vector<1x1024x64xbf16> to vector<1024x64xbf16>
      %mul3A_957 = arith.constant 1024 : i32
      %mul3A_958 = arith.muli %while3A_946, %mul3A_957 : i32
      %get3A_959 = arith.constant 3 : index
      %get3A_960 = arith.index_cast %mul3A_958 : i32 to index
      %get3A_961 = arith.constant 0 : index
      %get3A_962 = vector.load %arg17[%get3A_959, %get3A_960, %get3A_961] : memref<4x2048x64xbf16, #tpu.memory_space<vmem>>, vector<1x1024x64xbf16>
      %get3A_963 = vector.shape_cast %get3A_962 : vector<1x1024x64xbf16> to vector<1024x64xbf16>
      %dot_general3A_964 = arith.constant dense<0.000000e+00> : vector<256x1024xf32>
      %dot_general3A_965 = tpu.matmul %convert_element_type3A_716, %get3A_956, %dot_general3A_964 {dimension_numbers = #tpu.dot_dimension_numbers<[1], [1], [0], [0], [0, 0, 1, 0], [], []>, transpose_lhs_hint = false} : vector<256x64xbf16>, vector<1024x64xbf16>, vector<256x1024xf32> -> vector<256x1024xf32>
      %mul3A_966 = arith.constant 1.250000e-01 : f32
      %mul3A_967 = vector.broadcast %mul3A_966 : f32 to vector<256x1024xf32>
      %mul3A_968 = arith.mulf %dot_general3A_965, %mul3A_967 : vector<256x1024xf32>
      %mul3A_969 = arith.constant 256 : i32
      %mul3A_970 = arith.muli %arg0, %mul3A_969 : i32
      %iota3A_971 = tpu.iota {dimensions = array<i32: 0>} : vector<256x1024xi32>
      %add3A_972 = vector.broadcast %mul3A_970 : i32 to vector<256x1024xi32>
      %add3A_973 = arith.addi %add3A_972, %iota3A_971 : vector<256x1024xi32>
      %mul3A_974 = arith.constant 1024 : i32
      %mul3A_975 = arith.muli %while3A_946, %mul3A_974 : i32
      %iota3A_976 = tpu.iota {dimensions = array<i32: 1>} : vector<256x1024xi32>
      %add3A_977 = vector.broadcast %mul3A_975 : i32 to vector<256x1024xi32>
      %add3A_978 = arith.addi %add3A_977, %iota3A_976 : vector<256x1024xi32>
      %ge3A_979 = arith.cmpi sge, %add3A_973, %add3A_978 : vector<256x1024xi32>
      %jit3A_980 = arith.constant -1.000000e+30 : f32
      %broadcast_in_dim3A_981 = vector.broadcast %jit3A_980 : f32 to vector<256x1024xf32>
      %select_n3A_982 = arith.select %ge3A_979, %mul3A_968, %broadcast_in_dim3A_981 : vector<256x1024xi1>, vector<256x1024xf32>
      %reduce_max3A_983 = arith.constant dense<0xFF800000> : vector<256xf32>
      %reduce_max3A_984 = vector.multi_reduction <maximumf>, %select_n3A_982, %reduce_max3A_983 [1] : vector<256x1024xf32> to vector<256xf32>
      %broadcast_in_dim3A_985 = vector.shape_cast %reduce_max3A_984 : vector<256xf32> to vector<256x1xf32>
      %max3A = arith.maximumf %while3A_947, %broadcast_in_dim3A_985 : vector<256x1xf32>
      %sub3A_986 = arith.subf %while3A_947, %max3A : vector<256x1xf32>
      %exp3A_987 = math.exp %sub3A_986 : vector<256x1xf32>
      %sub3A_988 = vector.broadcast %max3A : vector<256x1xf32> to vector<256x1024xf32>
      %sub3A_989 = arith.subf %select_n3A_982, %sub3A_988 : vector<256x1024xf32>
      %exp3A_990 = math.exp %sub3A_989 : vector<256x1024xf32>
      %mul3A_991 = arith.mulf %while3A_948, %exp3A_987 : vector<256x1xf32>
      %reduce_sum3A_992 = arith.constant dense<0.000000e+00> : vector<256xf32>
      %reduce_sum3A_993 = vector.multi_reduction <add>, %exp3A_990, %reduce_sum3A_992 [1] : vector<256x1024xf32> to vector<256xf32>
      %broadcast_in_dim3A_994 = vector.shape_cast %reduce_sum3A_993 : vector<256xf32> to vector<256x1xf32>
      %add3A_995 = arith.addf %mul3A_991, %broadcast_in_dim3A_994 : vector<256x1xf32>
      %mul3A_996 = vector.broadcast %exp3A_987 : vector<256x1xf32> to vector<256x64xf32>
      %mul3A_997 = arith.mulf %while3A_949, %mul3A_996 : vector<256x64xf32>
      %convert_element_type3A_998 = arith.truncf %exp3A_990 : vector<256x1024xf32> to vector<256x1024xbf16>
      %dot_general3A_999 = arith.constant dense<0.000000e+00> : vector<256x64xf32>
      %dot_general3A_1000 = tpu.matmul %convert_element_type3A_998, %get3A_963, %dot_general3A_999 {dimension_numbers = #tpu.dot_dimension_numbers<[1], [0], [0], [1], [0, 0, 1, 1], [], []>, transpose_lhs_hint = false} : vector<256x1024xbf16>, vector<1024x64xbf16>, vector<256x64xf32> -> vector<256x64xf32>
      %add3A_1001 = arith.addf %mul3A_997, %dot_general3A_1000 : vector<256x64xf32>
      scf.yield %max3A, %add3A_995, %add3A_1001 : vector<256x1xf32>, vector<256x1xf32>, vector<256x64xf32>
    }
    %while3A_732 = arith.constant 1 : i32
    %while3A_733:3 = scf.for %while3A_946 = %while3A_729 to %while3A_725 step %while3A_732 iter_args(%while3A_947 = %while3A_731#0, %while3A_948 = %while3A_731#1, %while3A_949 = %while3A_731#2) -> (vector<256x1xf32>, vector<256x1xf32>, vector<256x64xf32>)  : i32 {
      %mul3A_950 = arith.constant 1024 : i32
      %mul3A_951 = arith.muli %while3A_946, %mul3A_950 : i32
      %get3A_952 = arith.constant 3 : index
      %get3A_953 = arith.index_cast %mul3A_951 : i32 to index
      %get3A_954 = arith.constant 0 : index
      %get3A_955 = vector.load %arg16[%get3A_952, %get3A_953, %get3A_954] : memref<4x2048x64xbf16, #tpu.memory_space<vmem>>, vector<1x1024x64xbf16>
      %get3A_956 = vector.shape_cast %get3A_955 : vector<1x1024x64xbf16> to vector<1024x64xbf16>
      %mul3A_957 = arith.constant 1024 : i32
      %mul3A_958 = arith.muli %while3A_946, %mul3A_957 : i32
      %get3A_959 = arith.constant 3 : index
      %get3A_960 = arith.index_cast %mul3A_958 : i32 to index
      %get3A_961 = arith.constant 0 : index
      %get3A_962 = vector.load %arg17[%get3A_959, %get3A_960, %get3A_961] : memref<4x2048x64xbf16, #tpu.memory_space<vmem>>, vector<1x1024x64xbf16>
      %get3A_963 = vector.shape_cast %get3A_962 : vector<1x1024x64xbf16> to vector<1024x64xbf16>
      %dot_general3A_964 = arith.constant dense<0.000000e+00> : vector<256x1024xf32>
      %dot_general3A_965 = tpu.matmul %convert_element_type3A_716, %get3A_956, %dot_general3A_964 {dimension_numbers = #tpu.dot_dimension_numbers<[1], [1], [0], [0], [0, 0, 1, 0], [], []>, transpose_lhs_hint = false} : vector<256x64xbf16>, vector<1024x64xbf16>, vector<256x1024xf32> -> vector<256x1024xf32>
      %mul3A_966 = arith.constant 1.250000e-01 : f32
      %mul3A_967 = vector.broadcast %mul3A_966 : f32 to vector<256x1024xf32>
      %mul3A_968 = arith.mulf %dot_general3A_965, %mul3A_967 : vector<256x1024xf32>
      %mul3A_969 = arith.constant 256 : i32
      %mul3A_970 = arith.muli %arg0, %mul3A_969 : i32
      %iota3A_971 = tpu.iota {dimensions = array<i32: 0>} : vector<256x1024xi32>
      %add3A_972 = vector.broadcast %mul3A_970 : i32 to vector<256x1024xi32>
      %add3A_973 = arith.addi %add3A_972, %iota3A_971 : vector<256x1024xi32>
      %mul3A_974 = arith.constant 1024 : i32
      %mul3A_975 = arith.muli %while3A_946, %mul3A_974 : i32
      %iota3A_976 = tpu.iota {dimensions = array<i32: 1>} : vector<256x1024xi32>
      %add3A_977 = vector.broadcast %mul3A_975 : i32 to vector<256x1024xi32>
      %add3A_978 = arith.addi %add3A_977, %iota3A_976 : vector<256x1024xi32>
      %ge3A_979 = arith.cmpi sge, %add3A_973, %add3A_978 : vector<256x1024xi32>
      %jit3A_980 = arith.constant -1.000000e+30 : f32
      %broadcast_in_dim3A_981 = vector.broadcast %jit3A_980 : f32 to vector<256x1024xf32>
      %select_n3A_982 = arith.select %ge3A_979, %mul3A_968, %broadcast_in_dim3A_981 : vector<256x1024xi1>, vector<256x1024xf32>
      %reduce_max3A_983 = arith.constant dense<0xFF800000> : vector<256xf32>
      %reduce_max3A_984 = vector.multi_reduction <maximumf>, %select_n3A_982, %reduce_max3A_983 [1] : vector<256x1024xf32> to vector<256xf32>
      %broadcast_in_dim3A_985 = vector.shape_cast %reduce_max3A_984 : vector<256xf32> to vector<256x1xf32>
      %max3A = arith.maximumf %while3A_947, %broadcast_in_dim3A_985 : vector<256x1xf32>
      %sub3A_986 = arith.subf %while3A_947, %max3A : vector<256x1xf32>
      %exp3A_987 = math.exp %sub3A_986 : vector<256x1xf32>
      %sub3A_988 = vector.broadcast %max3A : vector<256x1xf32> to vector<256x1024xf32>
      %sub3A_989 = arith.subf %select_n3A_982, %sub3A_988 : vector<256x1024xf32>
      %exp3A_990 = math.exp %sub3A_989 : vector<256x1024xf32>
      %mul3A_991 = arith.mulf %while3A_948, %exp3A_987 : vector<256x1xf32>
      %reduce_sum3A_992 = arith.constant dense<0.000000e+00> : vector<256xf32>
      %reduce_sum3A_993 = vector.multi_reduction <add>, %exp3A_990, %reduce_sum3A_992 [1] : vector<256x1024xf32> to vector<256xf32>
      %broadcast_in_dim3A_994 = vector.shape_cast %reduce_sum3A_993 : vector<256xf32> to vector<256x1xf32>
      %add3A_995 = arith.addf %mul3A_991, %broadcast_in_dim3A_994 : vector<256x1xf32>
      %mul3A_996 = vector.broadcast %exp3A_987 : vector<256x1xf32> to vector<256x64xf32>
      %mul3A_997 = arith.mulf %while3A_949, %mul3A_996 : vector<256x64xf32>
      %convert_element_type3A_998 = arith.truncf %exp3A_990 : vector<256x1024xf32> to vector<256x1024xbf16>
      %dot_general3A_999 = arith.constant dense<0.000000e+00> : vector<256x64xf32>
      %dot_general3A_1000 = tpu.matmul %convert_element_type3A_998, %get3A_963, %dot_general3A_999 {dimension_numbers = #tpu.dot_dimension_numbers<[1], [0], [0], [1], [0, 0, 1, 1], [], []>, transpose_lhs_hint = false} : vector<256x1024xbf16>, vector<1024x64xbf16>, vector<256x64xf32> -> vector<256x64xf32>
      %add3A_1001 = arith.addf %mul3A_997, %dot_general3A_1000 : vector<256x64xf32>
      scf.yield %max3A, %add3A_995, %add3A_1001 : vector<256x1xf32>, vector<256x1xf32>, vector<256x64xf32>
    }
    %div3A_734 = vector.broadcast %while3A_733#1 : vector<256x1xf32> to vector<256x64xf32>
    %div3A_735 = arith.divf %while3A_733#2, %div3A_734 : vector<256x64xf32>
    %slice3A_736 = vector.extract_strided_slice %add3A_180 {offsets = [0, 832], sizes = [256, 64], strides = [1, 1]} : vector<256x1024xf32> to vector<256x64xf32>
    %convert_element_type3A_737 = arith.truncf %slice3A_736 : vector<256x64xf32> to vector<256x64xbf16>
    %broadcast_in_dim3A_738 = arith.constant -1.000000e+30 : f32
    %broadcast_in_dim3A_739 = vector.broadcast %broadcast_in_dim3A_738 : f32 to vector<256x1xf32>
    %broadcast_in_dim3A_740 = arith.constant 0.000000e+00 : f32
    %broadcast_in_dim3A_741 = vector.broadcast %broadcast_in_dim3A_740 : f32 to vector<256x1xf32>
    %broadcast_in_dim3A_742 = arith.constant 0.000000e+00 : f32
    %broadcast_in_dim3A_743 = vector.broadcast %broadcast_in_dim3A_742 : f32 to vector<256x64xf32>
    %while3A_744 = arith.constant 0 : i32
    %while3A_745 = arith.subi %select_n3A_463, %while3A_744 : i32
    %while3A_746 = arith.addi %while3A_744, %while3A_745 : i32
    %while3A_747 = arith.constant 1 : i32
    %while3A_748 = arith.divsi %while3A_745, %while3A_747 : i32
    %while3A_749 = arith.muli %while3A_748, %while3A_747 : i32
    %while3A_750 = arith.addi %while3A_744, %while3A_749 : i32
    %while3A_751 = arith.constant 1 : i32
    %while3A_752:3 = scf.for %while3A_946 = %while3A_744 to %while3A_750 step %while3A_751 iter_args(%while3A_947 = %broadcast_in_dim3A_739, %while3A_948 = %broadcast_in_dim3A_741, %while3A_949 = %broadcast_in_dim3A_743) -> (vector<256x1xf32>, vector<256x1xf32>, vector<256x64xf32>)  : i32 {
      %mul3A_950 = arith.constant 1024 : i32
      %mul3A_951 = arith.muli %while3A_946, %mul3A_950 : i32
      %get3A_952 = arith.constant 3 : index
      %get3A_953 = arith.index_cast %mul3A_951 : i32 to index
      %get3A_954 = arith.constant 0 : index
      %get3A_955 = vector.load %arg16[%get3A_952, %get3A_953, %get3A_954] : memref<4x2048x64xbf16, #tpu.memory_space<vmem>>, vector<1x1024x64xbf16>
      %get3A_956 = vector.shape_cast %get3A_955 : vector<1x1024x64xbf16> to vector<1024x64xbf16>
      %mul3A_957 = arith.constant 1024 : i32
      %mul3A_958 = arith.muli %while3A_946, %mul3A_957 : i32
      %get3A_959 = arith.constant 3 : index
      %get3A_960 = arith.index_cast %mul3A_958 : i32 to index
      %get3A_961 = arith.constant 0 : index
      %get3A_962 = vector.load %arg17[%get3A_959, %get3A_960, %get3A_961] : memref<4x2048x64xbf16, #tpu.memory_space<vmem>>, vector<1x1024x64xbf16>
      %get3A_963 = vector.shape_cast %get3A_962 : vector<1x1024x64xbf16> to vector<1024x64xbf16>
      %dot_general3A_964 = arith.constant dense<0.000000e+00> : vector<256x1024xf32>
      %dot_general3A_965 = tpu.matmul %convert_element_type3A_737, %get3A_956, %dot_general3A_964 {dimension_numbers = #tpu.dot_dimension_numbers<[1], [1], [0], [0], [0, 0, 1, 0], [], []>, transpose_lhs_hint = false} : vector<256x64xbf16>, vector<1024x64xbf16>, vector<256x1024xf32> -> vector<256x1024xf32>
      %mul3A_966 = arith.constant 1.250000e-01 : f32
      %mul3A_967 = vector.broadcast %mul3A_966 : f32 to vector<256x1024xf32>
      %mul3A_968 = arith.mulf %dot_general3A_965, %mul3A_967 : vector<256x1024xf32>
      %mul3A_969 = arith.constant 256 : i32
      %mul3A_970 = arith.muli %arg0, %mul3A_969 : i32
      %iota3A_971 = tpu.iota {dimensions = array<i32: 0>} : vector<256x1024xi32>
      %add3A_972 = vector.broadcast %mul3A_970 : i32 to vector<256x1024xi32>
      %add3A_973 = arith.addi %add3A_972, %iota3A_971 : vector<256x1024xi32>
      %mul3A_974 = arith.constant 1024 : i32
      %mul3A_975 = arith.muli %while3A_946, %mul3A_974 : i32
      %iota3A_976 = tpu.iota {dimensions = array<i32: 1>} : vector<256x1024xi32>
      %add3A_977 = vector.broadcast %mul3A_975 : i32 to vector<256x1024xi32>
      %add3A_978 = arith.addi %add3A_977, %iota3A_976 : vector<256x1024xi32>
      %ge3A_979 = arith.cmpi sge, %add3A_973, %add3A_978 : vector<256x1024xi32>
      %jit3A_980 = arith.constant -1.000000e+30 : f32
      %broadcast_in_dim3A_981 = vector.broadcast %jit3A_980 : f32 to vector<256x1024xf32>
      %select_n3A_982 = arith.select %ge3A_979, %mul3A_968, %broadcast_in_dim3A_981 : vector<256x1024xi1>, vector<256x1024xf32>
      %reduce_max3A_983 = arith.constant dense<0xFF800000> : vector<256xf32>
      %reduce_max3A_984 = vector.multi_reduction <maximumf>, %select_n3A_982, %reduce_max3A_983 [1] : vector<256x1024xf32> to vector<256xf32>
      %broadcast_in_dim3A_985 = vector.shape_cast %reduce_max3A_984 : vector<256xf32> to vector<256x1xf32>
      %max3A = arith.maximumf %while3A_947, %broadcast_in_dim3A_985 : vector<256x1xf32>
      %sub3A_986 = arith.subf %while3A_947, %max3A : vector<256x1xf32>
      %exp3A_987 = math.exp %sub3A_986 : vector<256x1xf32>
      %sub3A_988 = vector.broadcast %max3A : vector<256x1xf32> to vector<256x1024xf32>
      %sub3A_989 = arith.subf %select_n3A_982, %sub3A_988 : vector<256x1024xf32>
      %exp3A_990 = math.exp %sub3A_989 : vector<256x1024xf32>
      %mul3A_991 = arith.mulf %while3A_948, %exp3A_987 : vector<256x1xf32>
      %reduce_sum3A_992 = arith.constant dense<0.000000e+00> : vector<256xf32>
      %reduce_sum3A_993 = vector.multi_reduction <add>, %exp3A_990, %reduce_sum3A_992 [1] : vector<256x1024xf32> to vector<256xf32>
      %broadcast_in_dim3A_994 = vector.shape_cast %reduce_sum3A_993 : vector<256xf32> to vector<256x1xf32>
      %add3A_995 = arith.addf %mul3A_991, %broadcast_in_dim3A_994 : vector<256x1xf32>
      %mul3A_996 = vector.broadcast %exp3A_987 : vector<256x1xf32> to vector<256x64xf32>
      %mul3A_997 = arith.mulf %while3A_949, %mul3A_996 : vector<256x64xf32>
      %convert_element_type3A_998 = arith.truncf %exp3A_990 : vector<256x1024xf32> to vector<256x1024xbf16>
      %dot_general3A_999 = arith.constant dense<0.000000e+00> : vector<256x64xf32>
      %dot_general3A_1000 = tpu.matmul %convert_element_type3A_998, %get3A_963, %dot_general3A_999 {dimension_numbers = #tpu.dot_dimension_numbers<[1], [0], [0], [1], [0, 0, 1, 1], [], []>, transpose_lhs_hint = false} : vector<256x1024xbf16>, vector<1024x64xbf16>, vector<256x64xf32> -> vector<256x64xf32>
      %add3A_1001 = arith.addf %mul3A_997, %dot_general3A_1000 : vector<256x64xf32>
      scf.yield %max3A, %add3A_995, %add3A_1001 : vector<256x1xf32>, vector<256x1xf32>, vector<256x64xf32>
    }
    %while3A_753 = arith.constant 1 : i32
    %while3A_754:3 = scf.for %while3A_946 = %while3A_750 to %while3A_746 step %while3A_753 iter_args(%while3A_947 = %while3A_752#0, %while3A_948 = %while3A_752#1, %while3A_949 = %while3A_752#2) -> (vector<256x1xf32>, vector<256x1xf32>, vector<256x64xf32>)  : i32 {
      %mul3A_950 = arith.constant 1024 : i32
      %mul3A_951 = arith.muli %while3A_946, %mul3A_950 : i32
      %get3A_952 = arith.constant 3 : index
      %get3A_953 = arith.index_cast %mul3A_951 : i32 to index
      %get3A_954 = arith.constant 0 : index
      %get3A_955 = vector.load %arg16[%get3A_952, %get3A_953, %get3A_954] : memref<4x2048x64xbf16, #tpu.memory_space<vmem>>, vector<1x1024x64xbf16>
      %get3A_956 = vector.shape_cast %get3A_955 : vector<1x1024x64xbf16> to vector<1024x64xbf16>
      %mul3A_957 = arith.constant 1024 : i32
      %mul3A_958 = arith.muli %while3A_946, %mul3A_957 : i32
      %get3A_959 = arith.constant 3 : index
      %get3A_960 = arith.index_cast %mul3A_958 : i32 to index
      %get3A_961 = arith.constant 0 : index
      %get3A_962 = vector.load %arg17[%get3A_959, %get3A_960, %get3A_961] : memref<4x2048x64xbf16, #tpu.memory_space<vmem>>, vector<1x1024x64xbf16>
      %get3A_963 = vector.shape_cast %get3A_962 : vector<1x1024x64xbf16> to vector<1024x64xbf16>
      %dot_general3A_964 = arith.constant dense<0.000000e+00> : vector<256x1024xf32>
      %dot_general3A_965 = tpu.matmul %convert_element_type3A_737, %get3A_956, %dot_general3A_964 {dimension_numbers = #tpu.dot_dimension_numbers<[1], [1], [0], [0], [0, 0, 1, 0], [], []>, transpose_lhs_hint = false} : vector<256x64xbf16>, vector<1024x64xbf16>, vector<256x1024xf32> -> vector<256x1024xf32>
      %mul3A_966 = arith.constant 1.250000e-01 : f32
      %mul3A_967 = vector.broadcast %mul3A_966 : f32 to vector<256x1024xf32>
      %mul3A_968 = arith.mulf %dot_general3A_965, %mul3A_967 : vector<256x1024xf32>
      %mul3A_969 = arith.constant 256 : i32
      %mul3A_970 = arith.muli %arg0, %mul3A_969 : i32
      %iota3A_971 = tpu.iota {dimensions = array<i32: 0>} : vector<256x1024xi32>
      %add3A_972 = vector.broadcast %mul3A_970 : i32 to vector<256x1024xi32>
      %add3A_973 = arith.addi %add3A_972, %iota3A_971 : vector<256x1024xi32>
      %mul3A_974 = arith.constant 1024 : i32
      %mul3A_975 = arith.muli %while3A_946, %mul3A_974 : i32
      %iota3A_976 = tpu.iota {dimensions = array<i32: 1>} : vector<256x1024xi32>
      %add3A_977 = vector.broadcast %mul3A_975 : i32 to vector<256x1024xi32>
      %add3A_978 = arith.addi %add3A_977, %iota3A_976 : vector<256x1024xi32>
      %ge3A_979 = arith.cmpi sge, %add3A_973, %add3A_978 : vector<256x1024xi32>
      %jit3A_980 = arith.constant -1.000000e+30 : f32
      %broadcast_in_dim3A_981 = vector.broadcast %jit3A_980 : f32 to vector<256x1024xf32>
      %select_n3A_982 = arith.select %ge3A_979, %mul3A_968, %broadcast_in_dim3A_981 : vector<256x1024xi1>, vector<256x1024xf32>
      %reduce_max3A_983 = arith.constant dense<0xFF800000> : vector<256xf32>
      %reduce_max3A_984 = vector.multi_reduction <maximumf>, %select_n3A_982, %reduce_max3A_983 [1] : vector<256x1024xf32> to vector<256xf32>
      %broadcast_in_dim3A_985 = vector.shape_cast %reduce_max3A_984 : vector<256xf32> to vector<256x1xf32>
      %max3A = arith.maximumf %while3A_947, %broadcast_in_dim3A_985 : vector<256x1xf32>
      %sub3A_986 = arith.subf %while3A_947, %max3A : vector<256x1xf32>
      %exp3A_987 = math.exp %sub3A_986 : vector<256x1xf32>
      %sub3A_988 = vector.broadcast %max3A : vector<256x1xf32> to vector<256x1024xf32>
      %sub3A_989 = arith.subf %select_n3A_982, %sub3A_988 : vector<256x1024xf32>
      %exp3A_990 = math.exp %sub3A_989 : vector<256x1024xf32>
      %mul3A_991 = arith.mulf %while3A_948, %exp3A_987 : vector<256x1xf32>
      %reduce_sum3A_992 = arith.constant dense<0.000000e+00> : vector<256xf32>
      %reduce_sum3A_993 = vector.multi_reduction <add>, %exp3A_990, %reduce_sum3A_992 [1] : vector<256x1024xf32> to vector<256xf32>
      %broadcast_in_dim3A_994 = vector.shape_cast %reduce_sum3A_993 : vector<256xf32> to vector<256x1xf32>
      %add3A_995 = arith.addf %mul3A_991, %broadcast_in_dim3A_994 : vector<256x1xf32>
      %mul3A_996 = vector.broadcast %exp3A_987 : vector<256x1xf32> to vector<256x64xf32>
      %mul3A_997 = arith.mulf %while3A_949, %mul3A_996 : vector<256x64xf32>
      %convert_element_type3A_998 = arith.truncf %exp3A_990 : vector<256x1024xf32> to vector<256x1024xbf16>
      %dot_general3A_999 = arith.constant dense<0.000000e+00> : vector<256x64xf32>
      %dot_general3A_1000 = tpu.matmul %convert_element_type3A_998, %get3A_963, %dot_general3A_999 {dimension_numbers = #tpu.dot_dimension_numbers<[1], [0], [0], [1], [0, 0, 1, 1], [], []>, transpose_lhs_hint = false} : vector<256x1024xbf16>, vector<1024x64xbf16>, vector<256x64xf32> -> vector<256x64xf32>
      %add3A_1001 = arith.addf %mul3A_997, %dot_general3A_1000 : vector<256x64xf32>
      scf.yield %max3A, %add3A_995, %add3A_1001 : vector<256x1xf32>, vector<256x1xf32>, vector<256x64xf32>
    }
    %div3A_755 = vector.broadcast %while3A_754#1 : vector<256x1xf32> to vector<256x64xf32>
    %div3A_756 = arith.divf %while3A_754#2, %div3A_755 : vector<256x64xf32>
    %slice3A_757 = vector.extract_strided_slice %add3A_180 {offsets = [0, 896], sizes = [256, 64], strides = [1, 1]} : vector<256x1024xf32> to vector<256x64xf32>
    %convert_element_type3A_758 = arith.truncf %slice3A_757 : vector<256x64xf32> to vector<256x64xbf16>
    %broadcast_in_dim3A_759 = arith.constant -1.000000e+30 : f32
    %broadcast_in_dim3A_760 = vector.broadcast %broadcast_in_dim3A_759 : f32 to vector<256x1xf32>
    %broadcast_in_dim3A_761 = arith.constant 0.000000e+00 : f32
    %broadcast_in_dim3A_762 = vector.broadcast %broadcast_in_dim3A_761 : f32 to vector<256x1xf32>
    %broadcast_in_dim3A_763 = arith.constant 0.000000e+00 : f32
    %broadcast_in_dim3A_764 = vector.broadcast %broadcast_in_dim3A_763 : f32 to vector<256x64xf32>
    %while3A_765 = arith.constant 0 : i32
    %while3A_766 = arith.subi %select_n3A_463, %while3A_765 : i32
    %while3A_767 = arith.addi %while3A_765, %while3A_766 : i32
    %while3A_768 = arith.constant 1 : i32
    %while3A_769 = arith.divsi %while3A_766, %while3A_768 : i32
    %while3A_770 = arith.muli %while3A_769, %while3A_768 : i32
    %while3A_771 = arith.addi %while3A_765, %while3A_770 : i32
    %while3A_772 = arith.constant 1 : i32
    %while3A_773:3 = scf.for %while3A_946 = %while3A_765 to %while3A_771 step %while3A_772 iter_args(%while3A_947 = %broadcast_in_dim3A_760, %while3A_948 = %broadcast_in_dim3A_762, %while3A_949 = %broadcast_in_dim3A_764) -> (vector<256x1xf32>, vector<256x1xf32>, vector<256x64xf32>)  : i32 {
      %mul3A_950 = arith.constant 1024 : i32
      %mul3A_951 = arith.muli %while3A_946, %mul3A_950 : i32
      %get3A_952 = arith.constant 3 : index
      %get3A_953 = arith.index_cast %mul3A_951 : i32 to index
      %get3A_954 = arith.constant 0 : index
      %get3A_955 = vector.load %arg16[%get3A_952, %get3A_953, %get3A_954] : memref<4x2048x64xbf16, #tpu.memory_space<vmem>>, vector<1x1024x64xbf16>
      %get3A_956 = vector.shape_cast %get3A_955 : vector<1x1024x64xbf16> to vector<1024x64xbf16>
      %mul3A_957 = arith.constant 1024 : i32
      %mul3A_958 = arith.muli %while3A_946, %mul3A_957 : i32
      %get3A_959 = arith.constant 3 : index
      %get3A_960 = arith.index_cast %mul3A_958 : i32 to index
      %get3A_961 = arith.constant 0 : index
      %get3A_962 = vector.load %arg17[%get3A_959, %get3A_960, %get3A_961] : memref<4x2048x64xbf16, #tpu.memory_space<vmem>>, vector<1x1024x64xbf16>
      %get3A_963 = vector.shape_cast %get3A_962 : vector<1x1024x64xbf16> to vector<1024x64xbf16>
      %dot_general3A_964 = arith.constant dense<0.000000e+00> : vector<256x1024xf32>
      %dot_general3A_965 = tpu.matmul %convert_element_type3A_758, %get3A_956, %dot_general3A_964 {dimension_numbers = #tpu.dot_dimension_numbers<[1], [1], [0], [0], [0, 0, 1, 0], [], []>, transpose_lhs_hint = false} : vector<256x64xbf16>, vector<1024x64xbf16>, vector<256x1024xf32> -> vector<256x1024xf32>
      %mul3A_966 = arith.constant 1.250000e-01 : f32
      %mul3A_967 = vector.broadcast %mul3A_966 : f32 to vector<256x1024xf32>
      %mul3A_968 = arith.mulf %dot_general3A_965, %mul3A_967 : vector<256x1024xf32>
      %mul3A_969 = arith.constant 256 : i32
      %mul3A_970 = arith.muli %arg0, %mul3A_969 : i32
      %iota3A_971 = tpu.iota {dimensions = array<i32: 0>} : vector<256x1024xi32>
      %add3A_972 = vector.broadcast %mul3A_970 : i32 to vector<256x1024xi32>
      %add3A_973 = arith.addi %add3A_972, %iota3A_971 : vector<256x1024xi32>
      %mul3A_974 = arith.constant 1024 : i32
      %mul3A_975 = arith.muli %while3A_946, %mul3A_974 : i32
      %iota3A_976 = tpu.iota {dimensions = array<i32: 1>} : vector<256x1024xi32>
      %add3A_977 = vector.broadcast %mul3A_975 : i32 to vector<256x1024xi32>
      %add3A_978 = arith.addi %add3A_977, %iota3A_976 : vector<256x1024xi32>
      %ge3A_979 = arith.cmpi sge, %add3A_973, %add3A_978 : vector<256x1024xi32>
      %jit3A_980 = arith.constant -1.000000e+30 : f32
      %broadcast_in_dim3A_981 = vector.broadcast %jit3A_980 : f32 to vector<256x1024xf32>
      %select_n3A_982 = arith.select %ge3A_979, %mul3A_968, %broadcast_in_dim3A_981 : vector<256x1024xi1>, vector<256x1024xf32>
      %reduce_max3A_983 = arith.constant dense<0xFF800000> : vector<256xf32>
      %reduce_max3A_984 = vector.multi_reduction <maximumf>, %select_n3A_982, %reduce_max3A_983 [1] : vector<256x1024xf32> to vector<256xf32>
      %broadcast_in_dim3A_985 = vector.shape_cast %reduce_max3A_984 : vector<256xf32> to vector<256x1xf32>
      %max3A = arith.maximumf %while3A_947, %broadcast_in_dim3A_985 : vector<256x1xf32>
      %sub3A_986 = arith.subf %while3A_947, %max3A : vector<256x1xf32>
      %exp3A_987 = math.exp %sub3A_986 : vector<256x1xf32>
      %sub3A_988 = vector.broadcast %max3A : vector<256x1xf32> to vector<256x1024xf32>
      %sub3A_989 = arith.subf %select_n3A_982, %sub3A_988 : vector<256x1024xf32>
      %exp3A_990 = math.exp %sub3A_989 : vector<256x1024xf32>
      %mul3A_991 = arith.mulf %while3A_948, %exp3A_987 : vector<256x1xf32>
      %reduce_sum3A_992 = arith.constant dense<0.000000e+00> : vector<256xf32>
      %reduce_sum3A_993 = vector.multi_reduction <add>, %exp3A_990, %reduce_sum3A_992 [1] : vector<256x1024xf32> to vector<256xf32>
      %broadcast_in_dim3A_994 = vector.shape_cast %reduce_sum3A_993 : vector<256xf32> to vector<256x1xf32>
      %add3A_995 = arith.addf %mul3A_991, %broadcast_in_dim3A_994 : vector<256x1xf32>
      %mul3A_996 = vector.broadcast %exp3A_987 : vector<256x1xf32> to vector<256x64xf32>
      %mul3A_997 = arith.mulf %while3A_949, %mul3A_996 : vector<256x64xf32>
      %convert_element_type3A_998 = arith.truncf %exp3A_990 : vector<256x1024xf32> to vector<256x1024xbf16>
      %dot_general3A_999 = arith.constant dense<0.000000e+00> : vector<256x64xf32>
      %dot_general3A_1000 = tpu.matmul %convert_element_type3A_998, %get3A_963, %dot_general3A_999 {dimension_numbers = #tpu.dot_dimension_numbers<[1], [0], [0], [1], [0, 0, 1, 1], [], []>, transpose_lhs_hint = false} : vector<256x1024xbf16>, vector<1024x64xbf16>, vector<256x64xf32> -> vector<256x64xf32>
      %add3A_1001 = arith.addf %mul3A_997, %dot_general3A_1000 : vector<256x64xf32>
      scf.yield %max3A, %add3A_995, %add3A_1001 : vector<256x1xf32>, vector<256x1xf32>, vector<256x64xf32>
    }
    %while3A_774 = arith.constant 1 : i32
    %while3A_775:3 = scf.for %while3A_946 = %while3A_771 to %while3A_767 step %while3A_774 iter_args(%while3A_947 = %while3A_773#0, %while3A_948 = %while3A_773#1, %while3A_949 = %while3A_773#2) -> (vector<256x1xf32>, vector<256x1xf32>, vector<256x64xf32>)  : i32 {
      %mul3A_950 = arith.constant 1024 : i32
      %mul3A_951 = arith.muli %while3A_946, %mul3A_950 : i32
      %get3A_952 = arith.constant 3 : index
      %get3A_953 = arith.index_cast %mul3A_951 : i32 to index
      %get3A_954 = arith.constant 0 : index
      %get3A_955 = vector.load %arg16[%get3A_952, %get3A_953, %get3A_954] : memref<4x2048x64xbf16, #tpu.memory_space<vmem>>, vector<1x1024x64xbf16>
      %get3A_956 = vector.shape_cast %get3A_955 : vector<1x1024x64xbf16> to vector<1024x64xbf16>
      %mul3A_957 = arith.constant 1024 : i32
      %mul3A_958 = arith.muli %while3A_946, %mul3A_957 : i32
      %get3A_959 = arith.constant 3 : index
      %get3A_960 = arith.index_cast %mul3A_958 : i32 to index
      %get3A_961 = arith.constant 0 : index
      %get3A_962 = vector.load %arg17[%get3A_959, %get3A_960, %get3A_961] : memref<4x2048x64xbf16, #tpu.memory_space<vmem>>, vector<1x1024x64xbf16>
      %get3A_963 = vector.shape_cast %get3A_962 : vector<1x1024x64xbf16> to vector<1024x64xbf16>
      %dot_general3A_964 = arith.constant dense<0.000000e+00> : vector<256x1024xf32>
      %dot_general3A_965 = tpu.matmul %convert_element_type3A_758, %get3A_956, %dot_general3A_964 {dimension_numbers = #tpu.dot_dimension_numbers<[1], [1], [0], [0], [0, 0, 1, 0], [], []>, transpose_lhs_hint = false} : vector<256x64xbf16>, vector<1024x64xbf16>, vector<256x1024xf32> -> vector<256x1024xf32>
      %mul3A_966 = arith.constant 1.250000e-01 : f32
      %mul3A_967 = vector.broadcast %mul3A_966 : f32 to vector<256x1024xf32>
      %mul3A_968 = arith.mulf %dot_general3A_965, %mul3A_967 : vector<256x1024xf32>
      %mul3A_969 = arith.constant 256 : i32
      %mul3A_970 = arith.muli %arg0, %mul3A_969 : i32
      %iota3A_971 = tpu.iota {dimensions = array<i32: 0>} : vector<256x1024xi32>
      %add3A_972 = vector.broadcast %mul3A_970 : i32 to vector<256x1024xi32>
      %add3A_973 = arith.addi %add3A_972, %iota3A_971 : vector<256x1024xi32>
      %mul3A_974 = arith.constant 1024 : i32
      %mul3A_975 = arith.muli %while3A_946, %mul3A_974 : i32
      %iota3A_976 = tpu.iota {dimensions = array<i32: 1>} : vector<256x1024xi32>
      %add3A_977 = vector.broadcast %mul3A_975 : i32 to vector<256x1024xi32>
      %add3A_978 = arith.addi %add3A_977, %iota3A_976 : vector<256x1024xi32>
      %ge3A_979 = arith.cmpi sge, %add3A_973, %add3A_978 : vector<256x1024xi32>
      %jit3A_980 = arith.constant -1.000000e+30 : f32
      %broadcast_in_dim3A_981 = vector.broadcast %jit3A_980 : f32 to vector<256x1024xf32>
      %select_n3A_982 = arith.select %ge3A_979, %mul3A_968, %broadcast_in_dim3A_981 : vector<256x1024xi1>, vector<256x1024xf32>
      %reduce_max3A_983 = arith.constant dense<0xFF800000> : vector<256xf32>
      %reduce_max3A_984 = vector.multi_reduction <maximumf>, %select_n3A_982, %reduce_max3A_983 [1] : vector<256x1024xf32> to vector<256xf32>
      %broadcast_in_dim3A_985 = vector.shape_cast %reduce_max3A_984 : vector<256xf32> to vector<256x1xf32>
      %max3A = arith.maximumf %while3A_947, %broadcast_in_dim3A_985 : vector<256x1xf32>
      %sub3A_986 = arith.subf %while3A_947, %max3A : vector<256x1xf32>
      %exp3A_987 = math.exp %sub3A_986 : vector<256x1xf32>
      %sub3A_988 = vector.broadcast %max3A : vector<256x1xf32> to vector<256x1024xf32>
      %sub3A_989 = arith.subf %select_n3A_982, %sub3A_988 : vector<256x1024xf32>
      %exp3A_990 = math.exp %sub3A_989 : vector<256x1024xf32>
      %mul3A_991 = arith.mulf %while3A_948, %exp3A_987 : vector<256x1xf32>
      %reduce_sum3A_992 = arith.constant dense<0.000000e+00> : vector<256xf32>
      %reduce_sum3A_993 = vector.multi_reduction <add>, %exp3A_990, %reduce_sum3A_992 [1] : vector<256x1024xf32> to vector<256xf32>
      %broadcast_in_dim3A_994 = vector.shape_cast %reduce_sum3A_993 : vector<256xf32> to vector<256x1xf32>
      %add3A_995 = arith.addf %mul3A_991, %broadcast_in_dim3A_994 : vector<256x1xf32>
      %mul3A_996 = vector.broadcast %exp3A_987 : vector<256x1xf32> to vector<256x64xf32>
      %mul3A_997 = arith.mulf %while3A_949, %mul3A_996 : vector<256x64xf32>
      %convert_element_type3A_998 = arith.truncf %exp3A_990 : vector<256x1024xf32> to vector<256x1024xbf16>
      %dot_general3A_999 = arith.constant dense<0.000000e+00> : vector<256x64xf32>
      %dot_general3A_1000 = tpu.matmul %convert_element_type3A_998, %get3A_963, %dot_general3A_999 {dimension_numbers = #tpu.dot_dimension_numbers<[1], [0], [0], [1], [0, 0, 1, 1], [], []>, transpose_lhs_hint = false} : vector<256x1024xbf16>, vector<1024x64xbf16>, vector<256x64xf32> -> vector<256x64xf32>
      %add3A_1001 = arith.addf %mul3A_997, %dot_general3A_1000 : vector<256x64xf32>
      scf.yield %max3A, %add3A_995, %add3A_1001 : vector<256x1xf32>, vector<256x1xf32>, vector<256x64xf32>
    }
    %div3A_776 = vector.broadcast %while3A_775#1 : vector<256x1xf32> to vector<256x64xf32>
    %div3A_777 = arith.divf %while3A_775#2, %div3A_776 : vector<256x64xf32>
    %slice3A_778 = vector.extract_strided_slice %add3A_180 {offsets = [0, 960], sizes = [256, 64], strides = [1, 1]} : vector<256x1024xf32> to vector<256x64xf32>
    %convert_element_type3A_779 = arith.truncf %slice3A_778 : vector<256x64xf32> to vector<256x64xbf16>
    %broadcast_in_dim3A_780 = arith.constant -1.000000e+30 : f32
    %broadcast_in_dim3A_781 = vector.broadcast %broadcast_in_dim3A_780 : f32 to vector<256x1xf32>
    %broadcast_in_dim3A_782 = arith.constant 0.000000e+00 : f32
    %broadcast_in_dim3A_783 = vector.broadcast %broadcast_in_dim3A_782 : f32 to vector<256x1xf32>
    %broadcast_in_dim3A_784 = arith.constant 0.000000e+00 : f32
    %broadcast_in_dim3A_785 = vector.broadcast %broadcast_in_dim3A_784 : f32 to vector<256x64xf32>
    %while3A_786 = arith.constant 0 : i32
    %while3A_787 = arith.subi %select_n3A_463, %while3A_786 : i32
    %while3A_788 = arith.addi %while3A_786, %while3A_787 : i32
    %while3A_789 = arith.constant 1 : i32
    %while3A_790 = arith.divsi %while3A_787, %while3A_789 : i32
    %while3A_791 = arith.muli %while3A_790, %while3A_789 : i32
    %while3A_792 = arith.addi %while3A_786, %while3A_791 : i32
    %while3A_793 = arith.constant 1 : i32
    %while3A_794:3 = scf.for %while3A_946 = %while3A_786 to %while3A_792 step %while3A_793 iter_args(%while3A_947 = %broadcast_in_dim3A_781, %while3A_948 = %broadcast_in_dim3A_783, %while3A_949 = %broadcast_in_dim3A_785) -> (vector<256x1xf32>, vector<256x1xf32>, vector<256x64xf32>)  : i32 {
      %mul3A_950 = arith.constant 1024 : i32
      %mul3A_951 = arith.muli %while3A_946, %mul3A_950 : i32
      %get3A_952 = arith.constant 3 : index
      %get3A_953 = arith.index_cast %mul3A_951 : i32 to index
      %get3A_954 = arith.constant 0 : index
      %get3A_955 = vector.load %arg16[%get3A_952, %get3A_953, %get3A_954] : memref<4x2048x64xbf16, #tpu.memory_space<vmem>>, vector<1x1024x64xbf16>
      %get3A_956 = vector.shape_cast %get3A_955 : vector<1x1024x64xbf16> to vector<1024x64xbf16>
      %mul3A_957 = arith.constant 1024 : i32
      %mul3A_958 = arith.muli %while3A_946, %mul3A_957 : i32
      %get3A_959 = arith.constant 3 : index
      %get3A_960 = arith.index_cast %mul3A_958 : i32 to index
      %get3A_961 = arith.constant 0 : index
      %get3A_962 = vector.load %arg17[%get3A_959, %get3A_960, %get3A_961] : memref<4x2048x64xbf16, #tpu.memory_space<vmem>>, vector<1x1024x64xbf16>
      %get3A_963 = vector.shape_cast %get3A_962 : vector<1x1024x64xbf16> to vector<1024x64xbf16>
      %dot_general3A_964 = arith.constant dense<0.000000e+00> : vector<256x1024xf32>
      %dot_general3A_965 = tpu.matmul %convert_element_type3A_779, %get3A_956, %dot_general3A_964 {dimension_numbers = #tpu.dot_dimension_numbers<[1], [1], [0], [0], [0, 0, 1, 0], [], []>, transpose_lhs_hint = false} : vector<256x64xbf16>, vector<1024x64xbf16>, vector<256x1024xf32> -> vector<256x1024xf32>
      %mul3A_966 = arith.constant 1.250000e-01 : f32
      %mul3A_967 = vector.broadcast %mul3A_966 : f32 to vector<256x1024xf32>
      %mul3A_968 = arith.mulf %dot_general3A_965, %mul3A_967 : vector<256x1024xf32>
      %mul3A_969 = arith.constant 256 : i32
      %mul3A_970 = arith.muli %arg0, %mul3A_969 : i32
      %iota3A_971 = tpu.iota {dimensions = array<i32: 0>} : vector<256x1024xi32>
      %add3A_972 = vector.broadcast %mul3A_970 : i32 to vector<256x1024xi32>
      %add3A_973 = arith.addi %add3A_972, %iota3A_971 : vector<256x1024xi32>
      %mul3A_974 = arith.constant 1024 : i32
      %mul3A_975 = arith.muli %while3A_946, %mul3A_974 : i32
      %iota3A_976 = tpu.iota {dimensions = array<i32: 1>} : vector<256x1024xi32>
      %add3A_977 = vector.broadcast %mul3A_975 : i32 to vector<256x1024xi32>
      %add3A_978 = arith.addi %add3A_977, %iota3A_976 : vector<256x1024xi32>
      %ge3A_979 = arith.cmpi sge, %add3A_973, %add3A_978 : vector<256x1024xi32>
      %jit3A_980 = arith.constant -1.000000e+30 : f32
      %broadcast_in_dim3A_981 = vector.broadcast %jit3A_980 : f32 to vector<256x1024xf32>
      %select_n3A_982 = arith.select %ge3A_979, %mul3A_968, %broadcast_in_dim3A_981 : vector<256x1024xi1>, vector<256x1024xf32>
      %reduce_max3A_983 = arith.constant dense<0xFF800000> : vector<256xf32>
      %reduce_max3A_984 = vector.multi_reduction <maximumf>, %select_n3A_982, %reduce_max3A_983 [1] : vector<256x1024xf32> to vector<256xf32>
      %broadcast_in_dim3A_985 = vector.shape_cast %reduce_max3A_984 : vector<256xf32> to vector<256x1xf32>
      %max3A = arith.maximumf %while3A_947, %broadcast_in_dim3A_985 : vector<256x1xf32>
      %sub3A_986 = arith.subf %while3A_947, %max3A : vector<256x1xf32>
      %exp3A_987 = math.exp %sub3A_986 : vector<256x1xf32>
      %sub3A_988 = vector.broadcast %max3A : vector<256x1xf32> to vector<256x1024xf32>
      %sub3A_989 = arith.subf %select_n3A_982, %sub3A_988 : vector<256x1024xf32>
      %exp3A_990 = math.exp %sub3A_989 : vector<256x1024xf32>
      %mul3A_991 = arith.mulf %while3A_948, %exp3A_987 : vector<256x1xf32>
      %reduce_sum3A_992 = arith.constant dense<0.000000e+00> : vector<256xf32>
      %reduce_sum3A_993 = vector.multi_reduction <add>, %exp3A_990, %reduce_sum3A_992 [1] : vector<256x1024xf32> to vector<256xf32>
      %broadcast_in_dim3A_994 = vector.shape_cast %reduce_sum3A_993 : vector<256xf32> to vector<256x1xf32>
      %add3A_995 = arith.addf %mul3A_991, %broadcast_in_dim3A_994 : vector<256x1xf32>
      %mul3A_996 = vector.broadcast %exp3A_987 : vector<256x1xf32> to vector<256x64xf32>
      %mul3A_997 = arith.mulf %while3A_949, %mul3A_996 : vector<256x64xf32>
      %convert_element_type3A_998 = arith.truncf %exp3A_990 : vector<256x1024xf32> to vector<256x1024xbf16>
      %dot_general3A_999 = arith.constant dense<0.000000e+00> : vector<256x64xf32>
      %dot_general3A_1000 = tpu.matmul %convert_element_type3A_998, %get3A_963, %dot_general3A_999 {dimension_numbers = #tpu.dot_dimension_numbers<[1], [0], [0], [1], [0, 0, 1, 1], [], []>, transpose_lhs_hint = false} : vector<256x1024xbf16>, vector<1024x64xbf16>, vector<256x64xf32> -> vector<256x64xf32>
      %add3A_1001 = arith.addf %mul3A_997, %dot_general3A_1000 : vector<256x64xf32>
      scf.yield %max3A, %add3A_995, %add3A_1001 : vector<256x1xf32>, vector<256x1xf32>, vector<256x64xf32>
    }
    %while3A_795 = arith.constant 1 : i32
    %while3A_796:3 = scf.for %while3A_946 = %while3A_792 to %while3A_788 step %while3A_795 iter_args(%while3A_947 = %while3A_794#0, %while3A_948 = %while3A_794#1, %while3A_949 = %while3A_794#2) -> (vector<256x1xf32>, vector<256x1xf32>, vector<256x64xf32>)  : i32 {
      %mul3A_950 = arith.constant 1024 : i32
      %mul3A_951 = arith.muli %while3A_946, %mul3A_950 : i32
      %get3A_952 = arith.constant 3 : index
      %get3A_953 = arith.index_cast %mul3A_951 : i32 to index
      %get3A_954 = arith.constant 0 : index
      %get3A_955 = vector.load %arg16[%get3A_952, %get3A_953, %get3A_954] : memref<4x2048x64xbf16, #tpu.memory_space<vmem>>, vector<1x1024x64xbf16>
      %get3A_956 = vector.shape_cast %get3A_955 : vector<1x1024x64xbf16> to vector<1024x64xbf16>
      %mul3A_957 = arith.constant 1024 : i32
      %mul3A_958 = arith.muli %while3A_946, %mul3A_957 : i32
      %get3A_959 = arith.constant 3 : index
      %get3A_960 = arith.index_cast %mul3A_958 : i32 to index
      %get3A_961 = arith.constant 0 : index
      %get3A_962 = vector.load %arg17[%get3A_959, %get3A_960, %get3A_961] : memref<4x2048x64xbf16, #tpu.memory_space<vmem>>, vector<1x1024x64xbf16>
      %get3A_963 = vector.shape_cast %get3A_962 : vector<1x1024x64xbf16> to vector<1024x64xbf16>
      %dot_general3A_964 = arith.constant dense<0.000000e+00> : vector<256x1024xf32>
      %dot_general3A_965 = tpu.matmul %convert_element_type3A_779, %get3A_956, %dot_general3A_964 {dimension_numbers = #tpu.dot_dimension_numbers<[1], [1], [0], [0], [0, 0, 1, 0], [], []>, transpose_lhs_hint = false} : vector<256x64xbf16>, vector<1024x64xbf16>, vector<256x1024xf32> -> vector<256x1024xf32>
      %mul3A_966 = arith.constant 1.250000e-01 : f32
      %mul3A_967 = vector.broadcast %mul3A_966 : f32 to vector<256x1024xf32>
      %mul3A_968 = arith.mulf %dot_general3A_965, %mul3A_967 : vector<256x1024xf32>
      %mul3A_969 = arith.constant 256 : i32
      %mul3A_970 = arith.muli %arg0, %mul3A_969 : i32
      %iota3A_971 = tpu.iota {dimensions = array<i32: 0>} : vector<256x1024xi32>
      %add3A_972 = vector.broadcast %mul3A_970 : i32 to vector<256x1024xi32>
      %add3A_973 = arith.addi %add3A_972, %iota3A_971 : vector<256x1024xi32>
      %mul3A_974 = arith.constant 1024 : i32
      %mul3A_975 = arith.muli %while3A_946, %mul3A_974 : i32
      %iota3A_976 = tpu.iota {dimensions = array<i32: 1>} : vector<256x1024xi32>
      %add3A_977 = vector.broadcast %mul3A_975 : i32 to vector<256x1024xi32>
      %add3A_978 = arith.addi %add3A_977, %iota3A_976 : vector<256x1024xi32>
      %ge3A_979 = arith.cmpi sge, %add3A_973, %add3A_978 : vector<256x1024xi32>
      %jit3A_980 = arith.constant -1.000000e+30 : f32
      %broadcast_in_dim3A_981 = vector.broadcast %jit3A_980 : f32 to vector<256x1024xf32>
      %select_n3A_982 = arith.select %ge3A_979, %mul3A_968, %broadcast_in_dim3A_981 : vector<256x1024xi1>, vector<256x1024xf32>
      %reduce_max3A_983 = arith.constant dense<0xFF800000> : vector<256xf32>
      %reduce_max3A_984 = vector.multi_reduction <maximumf>, %select_n3A_982, %reduce_max3A_983 [1] : vector<256x1024xf32> to vector<256xf32>
      %broadcast_in_dim3A_985 = vector.shape_cast %reduce_max3A_984 : vector<256xf32> to vector<256x1xf32>
      %max3A = arith.maximumf %while3A_947, %broadcast_in_dim3A_985 : vector<256x1xf32>
      %sub3A_986 = arith.subf %while3A_947, %max3A : vector<256x1xf32>
      %exp3A_987 = math.exp %sub3A_986 : vector<256x1xf32>
      %sub3A_988 = vector.broadcast %max3A : vector<256x1xf32> to vector<256x1024xf32>
      %sub3A_989 = arith.subf %select_n3A_982, %sub3A_988 : vector<256x1024xf32>
      %exp3A_990 = math.exp %sub3A_989 : vector<256x1024xf32>
      %mul3A_991 = arith.mulf %while3A_948, %exp3A_987 : vector<256x1xf32>
      %reduce_sum3A_992 = arith.constant dense<0.000000e+00> : vector<256xf32>
      %reduce_sum3A_993 = vector.multi_reduction <add>, %exp3A_990, %reduce_sum3A_992 [1] : vector<256x1024xf32> to vector<256xf32>
      %broadcast_in_dim3A_994 = vector.shape_cast %reduce_sum3A_993 : vector<256xf32> to vector<256x1xf32>
      %add3A_995 = arith.addf %mul3A_991, %broadcast_in_dim3A_994 : vector<256x1xf32>
      %mul3A_996 = vector.broadcast %exp3A_987 : vector<256x1xf32> to vector<256x64xf32>
      %mul3A_997 = arith.mulf %while3A_949, %mul3A_996 : vector<256x64xf32>
      %convert_element_type3A_998 = arith.truncf %exp3A_990 : vector<256x1024xf32> to vector<256x1024xbf16>
      %dot_general3A_999 = arith.constant dense<0.000000e+00> : vector<256x64xf32>
      %dot_general3A_1000 = tpu.matmul %convert_element_type3A_998, %get3A_963, %dot_general3A_999 {dimension_numbers = #tpu.dot_dimension_numbers<[1], [0], [0], [1], [0, 0, 1, 1], [], []>, transpose_lhs_hint = false} : vector<256x1024xbf16>, vector<1024x64xbf16>, vector<256x64xf32> -> vector<256x64xf32>
      %add3A_1001 = arith.addf %mul3A_997, %dot_general3A_1000 : vector<256x64xf32>
      scf.yield %max3A, %add3A_995, %add3A_1001 : vector<256x1xf32>, vector<256x1xf32>, vector<256x64xf32>
    }
    %div3A_797 = vector.broadcast %while3A_796#1 : vector<256x1xf32> to vector<256x64xf32>
    %div3A_798 = arith.divf %while3A_796#2, %div3A_797 : vector<256x64xf32>
    %concatenate3A = tpu.concatenate %div3A_483, %div3A_504, %div3A_525, %div3A_546, %div3A_567, %div3A_588, %div3A_609, %div3A_630, %div3A_651, %div3A_672, %div3A_693, %div3A_714, %div3A_735, %div3A_756, %div3A_777, %div3A_798 in 1 : vector<256x64xf32>, vector<256x64xf32>, vector<256x64xf32>, vector<256x64xf32>, vector<256x64xf32>, vector<256x64xf32>, vector<256x64xf32>, vector<256x64xf32>, vector<256x64xf32>, vector<256x64xf32>, vector<256x64xf32>, vector<256x64xf32>, vector<256x64xf32>, vector<256x64xf32>, vector<256x64xf32>, vector<256x64xf32> -> vector<256x1024xf32>
    %convert_element_type3A_799 = arith.truncf %concatenate3A : vector<256x1024xf32> to vector<256x1024xbf16>
    %get3A_800 = arith.constant 0 : index
    %get3A_801 = arith.constant 0 : index
    %get3A_802 = vector.load %arg7[%get3A_800, %get3A_801] : memref<1024x1024xbf16, #tpu.memory_space<vmem>>, vector<1024x1024xbf16>
    %dot_general3A_803 = arith.constant dense<0.000000e+00> : vector<256x1024xf32>
    %dot_general3A_804 = tpu.matmul %convert_element_type3A_799, %get3A_802, %dot_general3A_803 {dimension_numbers = #tpu.dot_dimension_numbers<[1], [0], [0], [1], [0, 0, 1, 1], [], []>, transpose_lhs_hint = false} : vector<256x1024xbf16>, vector<1024x1024xbf16>, vector<256x1024xf32> -> vector<256x1024xf32>
    %add3A_805 = arith.addf %get3A_3, %dot_general3A_804 : vector<256x1024xf32>
    %get3A_806 = arith.constant 0 : index
    %get3A_807 = arith.constant 0 : index
    %get3A_808 = vector.load %arg8[%get3A_806, %get3A_807] : memref<1x1024xf32, #tpu.memory_space<vmem>>, vector<1x1024xf32>
    %mul3A_809 = arith.mulf %add3A_805, %add3A_805 : vector<256x1024xf32>
    %reduce_sum3A_810 = arith.constant dense<0.000000e+00> : vector<256xf32>
    %reduce_sum3A_811 = vector.multi_reduction <add>, %mul3A_809, %reduce_sum3A_810 [1] : vector<256x1024xf32> to vector<256xf32>
    %broadcast_in_dim3A_812 = vector.shape_cast %reduce_sum3A_811 : vector<256xf32> to vector<256x1xf32>
    %div3A_813 = arith.constant 1.024000e+03 : f32
    %div3A_814 = vector.broadcast %div3A_813 : f32 to vector<256x1xf32>
    %div3A_815 = arith.divf %broadcast_in_dim3A_812, %div3A_814 : vector<256x1xf32>
    %add3A_816 = arith.constant 9.99999997E-7 : f32
    %add3A_817 = vector.broadcast %add3A_816 : f32 to vector<256x1xf32>
    %add3A_818 = arith.addf %div3A_815, %add3A_817 : vector<256x1xf32>
    %rsqrt3A_819 = math.rsqrt %add3A_818 : vector<256x1xf32>
    %mul3A_820 = vector.broadcast %rsqrt3A_819 : vector<256x1xf32> to vector<256x1024xf32>
    %mul3A_821 = arith.mulf %add3A_805, %mul3A_820 : vector<256x1024xf32>
    %mul3A_822 = vector.broadcast %get3A_808 : vector<1x1024xf32> to vector<256x1024xf32>
    %mul3A_823 = arith.mulf %mul3A_821, %mul3A_822 : vector<256x1024xf32>
    %swap3A_824 = arith.constant 0 : index
    %swap3A_825 = arith.constant 0 : index
    %swap3A_826 = vector.load %arg10[%swap3A_824, %swap3A_825] : memref<256x1024xf32, #tpu.memory_space<vmem>>, vector<256x1024xf32>
    tpu.vector_store %arg10[%swap3A_824, %swap3A_825], %add3A_805 {strides = array<i32>} : memref<256x1024xf32, #tpu.memory_space<vmem>>, vector<256x1024xf32>,
    %swap3A_827 = arith.constant 0 : index
    %swap3A_828 = arith.constant 0 : index
    %swap3A_829 = vector.load %arg11[%swap3A_827, %swap3A_828] : memref<256x1024xf32, #tpu.memory_space<vmem>>, vector<256x1024xf32>
    tpu.vector_store %arg11[%swap3A_827, %swap3A_828], %mul3A_823 {strides = array<i32>} : memref<256x1024xf32, #tpu.memory_space<vmem>>, vector<256x1024xf32>,
    %get3A_830 = arith.constant 0 : index
    %get3A_831 = arith.constant 0 : index
    %get3A_832 = vector.load %arg9[%get3A_830, %get3A_831] : memref<1024x8xf32, #tpu.memory_space<vmem>>, vector<1024x8xf32>
    %dot_general3A_833 = arith.constant dense<0.000000e+00> : vector<256x8xf32>
    %dot_general3A_834 = tpu.matmul %mul3A_823, %get3A_832, %dot_general3A_833 {dimension_numbers = #tpu.dot_dimension_numbers<[1], [0], [0], [1], [0, 0, 1, 1], [], []>, transpose_lhs_hint = false} : vector<256x1024xf32>, vector<1024x8xf32>, vector<256x8xf32> -> vector<256x8xf32>
    %reduce_max3A = arith.constant dense<0xFF800000> : vector<256xf32>
    %reduce_max3A_835 = vector.multi_reduction <maximumf>, %dot_general3A_834, %reduce_max3A [1] : vector<256x8xf32> to vector<256xf32>
    %broadcast_in_dim3A_836 = vector.shape_cast %reduce_max3A_835 : vector<256xf32> to vector<256x1xf32>
    %sub3A_837 = vector.broadcast %broadcast_in_dim3A_836 : vector<256x1xf32> to vector<256x8xf32>
    %sub3A_838 = arith.subf %dot_general3A_834, %sub3A_837 : vector<256x8xf32>
    %exp3A_839 = math.exp %sub3A_838 : vector<256x8xf32>
    %reduce_sum3A_840 = arith.constant dense<0.000000e+00> : vector<256xf32>
    %reduce_sum3A_841 = vector.multi_reduction <add>, %exp3A_839, %reduce_sum3A_840 [1] : vector<256x8xf32> to vector<256xf32>
    %broadcast_in_dim3A_842 = vector.shape_cast %reduce_sum3A_841 : vector<256xf32> to vector<256x1xf32>
    %div3A_843 = vector.broadcast %broadcast_in_dim3A_842 : vector<256x1xf32> to vector<256x8xf32>
    %div3A_844 = arith.divf %exp3A_839, %div3A_843 : vector<256x8xf32>
    %iota3A_845 = tpu.iota {dimensions = array<i32: 1>} : vector<256x8xi32>
    %reduce_max3A_846 = arith.constant dense<0xFF800000> : vector<256xf32>
    %reduce_max3A_847 = vector.multi_reduction <maximumf>, %div3A_844, %reduce_max3A_846 [1] : vector<256x8xf32> to vector<256xf32>
    %broadcast_in_dim3A_848 = vector.shape_cast %reduce_max3A_847 : vector<256xf32> to vector<256x1xf32>
    %eq3A_849 = vector.broadcast %broadcast_in_dim3A_848 : vector<256x1xf32> to vector<256x8xf32>
    %eq3A_850 = arith.cmpf oeq, %div3A_844, %eq3A_849 : vector<256x8xf32>
    %jit3A_851 = arith.constant 8 : i32
    %broadcast_in_dim3A_852 = vector.broadcast %jit3A_851 : i32 to vector<256x8xi32>
    %select_n3A_853 = arith.select %eq3A_850, %iota3A_845, %broadcast_in_dim3A_852 : vector<256x8xi1>, vector<256x8xi32>
    %reduce_min3A = arith.constant dense<2147483647> : vector<256xi32>
    %reduce_min3A_854 = vector.multi_reduction <minsi>, %select_n3A_853, %reduce_min3A [1] : vector<256x8xi32> to vector<256xi32>
    %broadcast_in_dim3A_855 = vector.shape_cast %reduce_min3A_854 : vector<256xi32> to vector<256x1xi32>
    %eq3A_856 = vector.broadcast %broadcast_in_dim3A_855 : vector<256x1xi32> to vector<256x8xi32>
    %eq3A_857 = arith.cmpi eq, %iota3A_845, %eq3A_856 : vector<256x8xi32>
    %jit3A_858 = arith.constant -1.000000e+00 : f32
    %broadcast_in_dim3A_859 = vector.broadcast %jit3A_858 : f32 to vector<256x8xf32>
    %select_n3A_860 = arith.select %eq3A_857, %broadcast_in_dim3A_859, %div3A_844 : vector<256x8xi1>, vector<256x8xf32>
    %reduce_max3A_861 = arith.constant dense<0xFF800000> : vector<256xf32>
    %reduce_max3A_862 = vector.multi_reduction <maximumf>, %select_n3A_860, %reduce_max3A_861 [1] : vector<256x8xf32> to vector<256xf32>
    %broadcast_in_dim3A_863 = vector.shape_cast %reduce_max3A_862 : vector<256xf32> to vector<256x1xf32>
    %eq3A_864 = vector.broadcast %broadcast_in_dim3A_863 : vector<256x1xf32> to vector<256x8xf32>
    %eq3A_865 = arith.cmpf oeq, %select_n3A_860, %eq3A_864 : vector<256x8xf32>
    %jit3A_866 = arith.constant 8 : i32
    %broadcast_in_dim3A_867 = vector.broadcast %jit3A_866 : i32 to vector<256x8xi32>
    %select_n3A_868 = arith.select %eq3A_865, %iota3A_845, %broadcast_in_dim3A_867 : vector<256x8xi1>, vector<256x8xi32>
    %reduce_min3A_869 = arith.constant dense<2147483647> : vector<256xi32>
    %reduce_min3A_870 = vector.multi_reduction <minsi>, %select_n3A_868, %reduce_min3A_869 [1] : vector<256x8xi32> to vector<256xi32>
    %broadcast_in_dim3A_871 = vector.shape_cast %reduce_min3A_870 : vector<256xi32> to vector<256x1xi32>
    %add3A_872 = arith.addf %broadcast_in_dim3A_848, %broadcast_in_dim3A_863 : vector<256x1xf32>
    %div3A_873 = arith.divf %broadcast_in_dim3A_848, %add3A_872 : vector<256x1xf32>
    %swap3A_874 = arith.constant 0 : index
    %swap3A_875 = arith.constant 0 : index
    %swap3A_876 = vector.load %arg12[%swap3A_874, %swap3A_875] : memref<256x2xf32, #tpu.memory_space<vmem>>, vector<256x1xf32>
    tpu.vector_store %arg12[%swap3A_874, %swap3A_875], %div3A_873 {strides = array<i32>} : memref<256x2xf32, #tpu.memory_space<vmem>>, vector<256x1xf32>,
    %div3A_877 = arith.divf %broadcast_in_dim3A_863, %add3A_872 : vector<256x1xf32>
    %swap3A_878 = arith.constant 0 : index
    %swap3A_879 = arith.constant 1 : index
    %swap3A_880 = vector.load %arg12[%swap3A_878, %swap3A_879] : memref<256x2xf32, #tpu.memory_space<vmem>>, vector<256x1xf32>
    tpu.vector_store %arg12[%swap3A_878, %swap3A_879], %div3A_877 {strides = array<i32>} : memref<256x2xf32, #tpu.memory_space<vmem>>, vector<256x1xf32>,
    %mul3A_881 = arith.constant 256 : i32
    %mul3A_882 = arith.muli %arg0, %mul3A_881 : i32
    %swap3A_883 = arith.index_cast %mul3A_882 : i32 to index
    %swap3A_884 = arith.constant 0 : index
    %swap3A_885 = vector.load %arg19[%swap3A_883, %swap3A_884] : memref<2048x2xi32, #tpu.memory_space<vmem>>, vector<256x1xi32>
    tpu.vector_store %arg19[%swap3A_883, %swap3A_884], %broadcast_in_dim3A_855 {strides = array<i32>} : memref<2048x2xi32, #tpu.memory_space<vmem>>, vector<256x1xi32>,
    %mul3A_886 = arith.constant 256 : i32
    %mul3A_887 = arith.muli %arg0, %mul3A_886 : i32
    %swap3A_888 = arith.index_cast %mul3A_887 : i32 to index
    %swap3A_889 = arith.constant 1 : index
    %swap3A_890 = vector.load %arg19[%swap3A_888, %swap3A_889] : memref<2048x2xi32, #tpu.memory_space<vmem>>, vector<256x1xi32>
    tpu.vector_store %arg19[%swap3A_888, %swap3A_889], %broadcast_in_dim3A_871 {strides = array<i32>} : memref<2048x2xi32, #tpu.memory_space<vmem>>, vector<256x1xi32>,
    %eq3A_891 = vector.broadcast %broadcast_in_dim3A_855 : vector<256x1xi32> to vector<256x8xi32>
    %eq3A_892 = arith.cmpi eq, %iota3A_845, %eq3A_891 : vector<256x8xi32>
    %convert_element_type3A_893 = arith.extui %eq3A_892 : vector<256x8xi1> to vector<256x8xi32>
    %convert_element_type3A_894 = arith.sitofp %convert_element_type3A_893 : vector<256x8xi32> to vector<256x8xf32>
    %eq3A_895 = vector.broadcast %broadcast_in_dim3A_871 : vector<256x1xi32> to vector<256x8xi32>
    %eq3A_896 = arith.cmpi eq, %iota3A_845, %eq3A_895 : vector<256x8xi32>
    %convert_element_type3A_897 = arith.extui %eq3A_896 : vector<256x8xi1> to vector<256x8xi32>
    %convert_element_type3A_898 = arith.sitofp %convert_element_type3A_897 : vector<256x8xi32> to vector<256x8xf32>
    %add3A_899 = arith.addf %convert_element_type3A_894, %convert_element_type3A_898 : vector<256x8xf32>
    %iota3A_900 = tpu.iota {dimensions = array<i32: 0>} : vector<256x256xi32>
    %iota3A_901 = tpu.iota {dimensions = array<i32: 1>} : vector<256x256xi32>
    %gt3A = arith.cmpi sgt, %iota3A_900, %iota3A_901 : vector<256x256xi32>
    %convert_element_type3A_902 = arith.extui %gt3A : vector<256x256xi1> to vector<256x256xi32>
    %convert_element_type3A_903 = arith.sitofp %convert_element_type3A_902 : vector<256x256xi32> to vector<256x256xf32>
    %dot_general3A_904 = arith.constant dense<0.000000e+00> : vector<256x8xf32>
    %dot_general3A_905 = tpu.matmul %convert_element_type3A_903, %add3A_899, %dot_general3A_904 {dimension_numbers = #tpu.dot_dimension_numbers<[1], [0], [0], [1], [0, 0, 1, 1], [], []>, transpose_lhs_hint = false} : vector<256x256xf32>, vector<256x8xf32>, vector<256x8xf32> -> vector<256x8xf32>
    %get3A_906 = arith.constant 0 : index
    %get3A_907 = arith.constant 0 : index
    %get3A_908 = vector.load %arg18[%get3A_906, %get3A_907] : memref<1x8xf32, #tpu.memory_space<vmem>>, vector<1x8xf32>
    %add3A_909 = vector.broadcast %get3A_908 : vector<1x8xf32> to vector<256x8xf32>
    %add3A_910 = arith.addf %dot_general3A_905, %add3A_909 : vector<256x8xf32>
    %mul3A_911 = arith.mulf %add3A_910, %convert_element_type3A_894 : vector<256x8xf32>
    %reduce_sum3A_912 = arith.constant dense<0.000000e+00> : vector<256xf32>
    %reduce_sum3A_913 = vector.multi_reduction <add>, %mul3A_911, %reduce_sum3A_912 [1] : vector<256x8xf32> to vector<256xf32>
    %broadcast_in_dim3A_914 = vector.shape_cast %reduce_sum3A_913 : vector<256xf32> to vector<256x1xf32>
    %convert_element_type3A_915 = arith.fptosi %broadcast_in_dim3A_914 : vector<256x1xf32> to vector<256x1xi32>
    %mul3A_916 = arith.constant 256 : i32
    %mul3A_917 = arith.muli %arg0, %mul3A_916 : i32
    %swap3A_918 = arith.index_cast %mul3A_917 : i32 to index
    %swap3A_919 = arith.constant 0 : index
    %swap3A_920 = vector.load %arg20[%swap3A_918, %swap3A_919] : memref<2048x2xi32, #tpu.memory_space<vmem>>, vector<256x1xi32>
    tpu.vector_store %arg20[%swap3A_918, %swap3A_919], %convert_element_type3A_915 {strides = array<i32>} : memref<2048x2xi32, #tpu.memory_space<vmem>>, vector<256x1xi32>,
    %mul3A_921 = arith.mulf %add3A_910, %convert_element_type3A_898 : vector<256x8xf32>
    %reduce_sum3A_922 = arith.constant dense<0.000000e+00> : vector<256xf32>
    %reduce_sum3A_923 = vector.multi_reduction <add>, %mul3A_921, %reduce_sum3A_922 [1] : vector<256x8xf32> to vector<256xf32>
    %broadcast_in_dim3A_924 = vector.shape_cast %reduce_sum3A_923 : vector<256xf32> to vector<256x1xf32>
    %convert_element_type3A_925 = arith.fptosi %broadcast_in_dim3A_924 : vector<256x1xf32> to vector<256x1xi32>
    %mul3A_926 = arith.constant 256 : i32
    %mul3A_927 = arith.muli %arg0, %mul3A_926 : i32
    %swap3A_928 = arith.index_cast %mul3A_927 : i32 to index
    %swap3A_929 = arith.constant 1 : index
    %swap3A_930 = vector.load %arg20[%swap3A_928, %swap3A_929] : memref<2048x2xi32, #tpu.memory_space<vmem>>, vector<256x1xi32>
    tpu.vector_store %arg20[%swap3A_928, %swap3A_929], %convert_element_type3A_925 {strides = array<i32>} : memref<2048x2xi32, #tpu.memory_space<vmem>>, vector<256x1xi32>,
    %get3A_931 = arith.constant 0 : index
    %get3A_932 = arith.constant 0 : index
    %get3A_933 = vector.load %arg18[%get3A_931, %get3A_932] : memref<1x8xf32, #tpu.memory_space<vmem>>, vector<1x8xf32>
    %reduce_sum3A_934 = arith.constant dense<0.000000e+00> : vector<8xf32>
    %reduce_sum3A_935 = vector.multi_reduction <add>, %add3A_899, %reduce_sum3A_934 [0] : vector<256x8xf32> to vector<8xf32>
    %broadcast_in_dim3A_936 = vector.shape_cast %reduce_sum3A_935 : vector<8xf32> to vector<1x8xf32>
    %add3A_937 = arith.addf %get3A_933, %broadcast_in_dim3A_936 : vector<1x8xf32>
    %swap3A_938 = arith.constant 0 : index
    %swap3A_939 = arith.constant 0 : index
    %swap3A_940 = vector.load %arg18[%swap3A_938, %swap3A_939] : memref<1x8xf32, #tpu.memory_space<vmem>>, vector<1x8xf32>
    tpu.vector_store %arg18[%swap3A_938, %swap3A_939], %add3A_937 {strides = array<i32>} : memref<1x8xf32, #tpu.memory_space<vmem>>, vector<1x8xf32>,
    %eq3A_941 = arith.constant 7 : i32
    %eq3A_942 = arith.cmpi eq, %arg0, %eq3A_941 : i32
    %convert_element_type3A_943 = arith.extui %eq3A_942 : i1 to i32
    %cond3A_944 = arith.constant 0 : i32
    %cond3A_945 = arith.cmpi ne, %convert_element_type3A_943, %cond3A_944 : i32
    scf.if %cond3A_945 {
      %get3A_946 = arith.constant 0 : index
      %get3A_947 = arith.constant 0 : index
      %get3A_948 = vector.load %arg18[%get3A_946, %get3A_947] : memref<1x8xf32, #tpu.memory_space<vmem>>, vector<1x8xf32>
      %convert_element_type3A_949 = arith.fptosi %get3A_948 : vector<1x8xf32> to vector<1x8xi32>
      %add3A_950 = arith.constant 255 : i32
      %add3A_951 = vector.broadcast %add3A_950 : i32 to vector<1x8xi32>
      %add3A_952 = arith.addi %convert_element_type3A_949, %add3A_951 : vector<1x8xi32>
      %jit3A_953 = arith.constant 256 : i32
      %div3A_954 = vector.broadcast %jit3A_953 : i32 to vector<1x8xi32>
      %div3A_955 = arith.divsi %add3A_952, %div3A_954 : vector<1x8xi32>
      %sign3A_956 = arith.constant 0 : i32
      %sign3A_957 = vector.broadcast %sign3A_956 : i32 to vector<1x8xi32>
      %sign3A_958 = arith.cmpi sgt, %add3A_952, %sign3A_957 : vector<1x8xi32>
      %sign3A_959 = arith.extui %sign3A_958 : vector<1x8xi1> to vector<1x8xi32>
      %sign3A_960 = arith.constant 0 : i32
      %sign3A_961 = vector.broadcast %sign3A_960 : i32 to vector<1x8xi32>
      %sign3A_962 = arith.cmpi slt, %add3A_952, %sign3A_961 : vector<1x8xi32>
      %sign3A_963 = arith.extui %sign3A_962 : vector<1x8xi1> to vector<1x8xi32>
      %sign3A_964 = arith.subi %sign3A_959, %sign3A_963 : vector<1x8xi32>
      %sign3A_965 = arith.constant 0 : i32
      %sign3A_966 = arith.cmpi sgt, %jit3A_953, %sign3A_965 : i32
      %sign3A_967 = arith.extui %sign3A_966 : i1 to i32
      %sign3A_968 = arith.constant 0 : i32
      %sign3A_969 = arith.cmpi slt, %jit3A_953, %sign3A_968 : i32
      %sign3A_970 = arith.extui %sign3A_969 : i1 to i32
      %sign3A_971 = arith.subi %sign3A_967, %sign3A_970 : i32
      %ne3A_972 = vector.broadcast %sign3A_971 : i32 to vector<1x8xi32>
      %ne3A_973 = arith.cmpi ne, %sign3A_964, %ne3A_972 : vector<1x8xi32>
      %rem3A_974 = vector.broadcast %jit3A_953 : i32 to vector<1x8xi32>
      %rem3A_975 = arith.remsi %add3A_952, %rem3A_974 : vector<1x8xi32>
      %ne3A_976 = arith.constant 0 : i32
      %ne3A_977 = vector.broadcast %ne3A_976 : i32 to vector<1x8xi32>
      %ne3A_978 = arith.cmpi ne, %rem3A_975, %ne3A_977 : vector<1x8xi32>
      %and3A_979 = arith.andi %ne3A_973, %ne3A_978 : vector<1x8xi1>
      %sub3A_980 = arith.constant 1 : i32
      %sub3A_981 = vector.broadcast %sub3A_980 : i32 to vector<1x8xi32>
      %sub3A_982 = arith.subi %div3A_955, %sub3A_981 : vector<1x8xi32>
      %select_n3A_983 = arith.select %and3A_979, %sub3A_982, %div3A_955 : vector<1x8xi1>, vector<1x8xi32>
      %mul3A_984 = arith.constant 256 : i32
      %mul3A_985 = vector.broadcast %mul3A_984 : i32 to vector<1x8xi32>
      %mul3A_986 = arith.muli %select_n3A_983, %mul3A_985 : vector<1x8xi32>
      %iota3A_987 = tpu.iota {dimensions = array<i32: 0>} : vector<8x8xi32>
      %iota3A_988 = tpu.iota {dimensions = array<i32: 1>} : vector<8x8xi32>
      %lt3A_989 = arith.cmpi slt, %iota3A_987, %iota3A_988 : vector<8x8xi32>
      %convert_element_type3A_990 = arith.extui %lt3A_989 : vector<8x8xi1> to vector<8x8xi32>
      %convert_element_type3A_991 = arith.sitofp %convert_element_type3A_990 : vector<8x8xi32> to vector<8x8xf32>
      %convert_element_type3A_992 = arith.sitofp %mul3A_986 : vector<1x8xi32> to vector<1x8xf32>
      %dot_general3A_993 = arith.constant dense<0.000000e+00> : vector<1x8xf32>
      %dot_general3A_994 = tpu.matmul %convert_element_type3A_992, %convert_element_type3A_991, %dot_general3A_993 {dimension_numbers = #tpu.dot_dimension_numbers<[1], [0], [0], [1], [0, 0, 1, 1], [], []>, transpose_lhs_hint = false} : vector<1x8xf32>, vector<8x8xf32>, vector<1x8xf32> -> vector<1x8xf32>
      %convert_element_type3A_995 = arith.fptosi %dot_general3A_994 : vector<1x8xf32> to vector<1x8xi32>
      %add3A_996 = arith.addi %convert_element_type3A_995, %mul3A_986 : vector<1x8xi32>
      %reduce_sum3A_997 = vector.shape_cast %mul3A_986 : vector<1x8xi32> to vector<1x1x8xi32>
      %reduce_sum3A_998 = arith.constant dense<0> : vector<1xi32>
      %reduce_sum3A_999 = vector.multi_reduction <add>, %reduce_sum3A_997, %reduce_sum3A_998 [1, 2] : vector<1x1x8xi32> to vector<1xi32>
      %reduce_sum3A_1000 = vector.shape_cast %reduce_sum3A_999 : vector<1xi32> to vector<1x1x1xi32>
      %reduce_sum3A_1001 = vector.extract %reduce_sum3A_1000[0, 0, 0] : i32 from vector<1x1x1xi32>
      %get3A_1002 = arith.constant 0 : index
      %get3A_1003 = arith.constant 0 : index
      %get3A_1004 = vector.load %arg19[%get3A_1002, %get3A_1003] : memref<2048x2xi32, #tpu.memory_space<vmem>>, vector<2048x2xi32>
      %broadcast_in_dim3A_1005 = arith.constant 0 : i32
      %broadcast_in_dim3A_1006 = vector.broadcast %broadcast_in_dim3A_1005 : i32 to vector<2048x2xi32>
      %eq3A_1007 = arith.constant 0 : i32
      %eq3A_1008 = vector.broadcast %eq3A_1007 : i32 to vector<2048x2xi32>
      %eq3A_1009 = arith.cmpi eq, %get3A_1004, %eq3A_1008 : vector<2048x2xi32>
      %slice3A_1010 = vector.extract_strided_slice %convert_element_type3A_995 {offsets = [0, 0], sizes = [1, 1], strides = [1, 1]} : vector<1x8xi32> to vector<1x1xi32>
      %squeeze3A = vector.extract %slice3A_1010[0, 0] : i32 from vector<1x1xi32>
      %jit3A_1011 = arith.constant 0 : i32
      %broadcast_in_dim3A_1012 = vector.broadcast %squeeze3A : i32 to vector<2048x2xi32>
      %broadcast_in_dim3A_1013 = vector.broadcast %jit3A_1011 : i32 to vector<2048x2xi32>
      %select_n3A_1014 = arith.select %eq3A_1009, %broadcast_in_dim3A_1012, %broadcast_in_dim3A_1013 : vector<2048x2xi1>, vector<2048x2xi32>
      %add3A_1015 = arith.addi %broadcast_in_dim3A_1006, %select_n3A_1014 : vector<2048x2xi32>
      %eq3A_1016 = arith.constant 1 : i32
      %eq3A_1017 = vector.broadcast %eq3A_1016 : i32 to vector<2048x2xi32>
      %eq3A_1018 = arith.cmpi eq, %get3A_1004, %eq3A_1017 : vector<2048x2xi32>
      %slice3A_1019 = vector.extract_strided_slice %convert_element_type3A_995 {offsets = [0, 1], sizes = [1, 1], strides = [1, 1]} : vector<1x8xi32> to vector<1x1xi32>
      %squeeze3A_1020 = vector.extract %slice3A_1019[0, 0] : i32 from vector<1x1xi32>
      %jit3A_1021 = arith.constant 0 : i32
      %broadcast_in_dim3A_1022 = vector.broadcast %squeeze3A_1020 : i32 to vector<2048x2xi32>
      %broadcast_in_dim3A_1023 = vector.broadcast %jit3A_1021 : i32 to vector<2048x2xi32>
      %select_n3A_1024 = arith.select %eq3A_1018, %broadcast_in_dim3A_1022, %broadcast_in_dim3A_1023 : vector<2048x2xi1>, vector<2048x2xi32>
      %add3A_1025 = arith.addi %add3A_1015, %select_n3A_1024 : vector<2048x2xi32>
      %eq3A_1026 = arith.constant 2 : i32
      %eq3A_1027 = vector.broadcast %eq3A_1026 : i32 to vector<2048x2xi32>
      %eq3A_1028 = arith.cmpi eq, %get3A_1004, %eq3A_1027 : vector<2048x2xi32>
      %slice3A_1029 = vector.extract_strided_slice %convert_element_type3A_995 {offsets = [0, 2], sizes = [1, 1], strides = [1, 1]} : vector<1x8xi32> to vector<1x1xi32>
      %squeeze3A_1030 = vector.extract %slice3A_1029[0, 0] : i32 from vector<1x1xi32>
      %jit3A_1031 = arith.constant 0 : i32
      %broadcast_in_dim3A_1032 = vector.broadcast %squeeze3A_1030 : i32 to vector<2048x2xi32>
      %broadcast_in_dim3A_1033 = vector.broadcast %jit3A_1031 : i32 to vector<2048x2xi32>
      %select_n3A_1034 = arith.select %eq3A_1028, %broadcast_in_dim3A_1032, %broadcast_in_dim3A_1033 : vector<2048x2xi1>, vector<2048x2xi32>
      %add3A_1035 = arith.addi %add3A_1025, %select_n3A_1034 : vector<2048x2xi32>
      %eq3A_1036 = arith.constant 3 : i32
      %eq3A_1037 = vector.broadcast %eq3A_1036 : i32 to vector<2048x2xi32>
      %eq3A_1038 = arith.cmpi eq, %get3A_1004, %eq3A_1037 : vector<2048x2xi32>
      %slice3A_1039 = vector.extract_strided_slice %convert_element_type3A_995 {offsets = [0, 3], sizes = [1, 1], strides = [1, 1]} : vector<1x8xi32> to vector<1x1xi32>
      %squeeze3A_1040 = vector.extract %slice3A_1039[0, 0] : i32 from vector<1x1xi32>
      %jit3A_1041 = arith.constant 0 : i32
      %broadcast_in_dim3A_1042 = vector.broadcast %squeeze3A_1040 : i32 to vector<2048x2xi32>
      %broadcast_in_dim3A_1043 = vector.broadcast %jit3A_1041 : i32 to vector<2048x2xi32>
      %select_n3A_1044 = arith.select %eq3A_1038, %broadcast_in_dim3A_1042, %broadcast_in_dim3A_1043 : vector<2048x2xi1>, vector<2048x2xi32>
      %add3A_1045 = arith.addi %add3A_1035, %select_n3A_1044 : vector<2048x2xi32>
      %eq3A_1046 = arith.constant 4 : i32
      %eq3A_1047 = vector.broadcast %eq3A_1046 : i32 to vector<2048x2xi32>
      %eq3A_1048 = arith.cmpi eq, %get3A_1004, %eq3A_1047 : vector<2048x2xi32>
      %slice3A_1049 = vector.extract_strided_slice %convert_element_type3A_995 {offsets = [0, 4], sizes = [1, 1], strides = [1, 1]} : vector<1x8xi32> to vector<1x1xi32>
      %squeeze3A_1050 = vector.extract %slice3A_1049[0, 0] : i32 from vector<1x1xi32>
      %jit3A_1051 = arith.constant 0 : i32
      %broadcast_in_dim3A_1052 = vector.broadcast %squeeze3A_1050 : i32 to vector<2048x2xi32>
      %broadcast_in_dim3A_1053 = vector.broadcast %jit3A_1051 : i32 to vector<2048x2xi32>
      %select_n3A_1054 = arith.select %eq3A_1048, %broadcast_in_dim3A_1052, %broadcast_in_dim3A_1053 : vector<2048x2xi1>, vector<2048x2xi32>
      %add3A_1055 = arith.addi %add3A_1045, %select_n3A_1054 : vector<2048x2xi32>
      %eq3A_1056 = arith.constant 5 : i32
      %eq3A_1057 = vector.broadcast %eq3A_1056 : i32 to vector<2048x2xi32>
      %eq3A_1058 = arith.cmpi eq, %get3A_1004, %eq3A_1057 : vector<2048x2xi32>
      %slice3A_1059 = vector.extract_strided_slice %convert_element_type3A_995 {offsets = [0, 5], sizes = [1, 1], strides = [1, 1]} : vector<1x8xi32> to vector<1x1xi32>
      %squeeze3A_1060 = vector.extract %slice3A_1059[0, 0] : i32 from vector<1x1xi32>
      %jit3A_1061 = arith.constant 0 : i32
      %broadcast_in_dim3A_1062 = vector.broadcast %squeeze3A_1060 : i32 to vector<2048x2xi32>
      %broadcast_in_dim3A_1063 = vector.broadcast %jit3A_1061 : i32 to vector<2048x2xi32>
      %select_n3A_1064 = arith.select %eq3A_1058, %broadcast_in_dim3A_1062, %broadcast_in_dim3A_1063 : vector<2048x2xi1>, vector<2048x2xi32>
      %add3A_1065 = arith.addi %add3A_1055, %select_n3A_1064 : vector<2048x2xi32>
      %eq3A_1066 = arith.constant 6 : i32
      %eq3A_1067 = vector.broadcast %eq3A_1066 : i32 to vector<2048x2xi32>
      %eq3A_1068 = arith.cmpi eq, %get3A_1004, %eq3A_1067 : vector<2048x2xi32>
      %slice3A_1069 = vector.extract_strided_slice %convert_element_type3A_995 {offsets = [0, 6], sizes = [1, 1], strides = [1, 1]} : vector<1x8xi32> to vector<1x1xi32>
      %squeeze3A_1070 = vector.extract %slice3A_1069[0, 0] : i32 from vector<1x1xi32>
      %jit3A_1071 = arith.constant 0 : i32
      %broadcast_in_dim3A_1072 = vector.broadcast %squeeze3A_1070 : i32 to vector<2048x2xi32>
      %broadcast_in_dim3A_1073 = vector.broadcast %jit3A_1071 : i32 to vector<2048x2xi32>
      %select_n3A_1074 = arith.select %eq3A_1068, %broadcast_in_dim3A_1072, %broadcast_in_dim3A_1073 : vector<2048x2xi1>, vector<2048x2xi32>
      %add3A_1075 = arith.addi %add3A_1065, %select_n3A_1074 : vector<2048x2xi32>
      %eq3A_1076 = arith.constant 7 : i32
      %eq3A_1077 = vector.broadcast %eq3A_1076 : i32 to vector<2048x2xi32>
      %eq3A_1078 = arith.cmpi eq, %get3A_1004, %eq3A_1077 : vector<2048x2xi32>
      %slice3A_1079 = vector.extract_strided_slice %convert_element_type3A_995 {offsets = [0, 7], sizes = [1, 1], strides = [1, 1]} : vector<1x8xi32> to vector<1x1xi32>
      %squeeze3A_1080 = vector.extract %slice3A_1079[0, 0] : i32 from vector<1x1xi32>
      %jit3A_1081 = arith.constant 0 : i32
      %broadcast_in_dim3A_1082 = vector.broadcast %squeeze3A_1080 : i32 to vector<2048x2xi32>
      %broadcast_in_dim3A_1083 = vector.broadcast %jit3A_1081 : i32 to vector<2048x2xi32>
      %select_n3A_1084 = arith.select %eq3A_1078, %broadcast_in_dim3A_1082, %broadcast_in_dim3A_1083 : vector<2048x2xi1>, vector<2048x2xi32>
      %add3A_1085 = arith.addi %add3A_1075, %select_n3A_1084 : vector<2048x2xi32>
      %get3A_1086 = arith.constant 0 : index
      %get3A_1087 = arith.constant 0 : index
      %get3A_1088 = vector.load %arg20[%get3A_1086, %get3A_1087] : memref<2048x2xi32, #tpu.memory_space<vmem>>, vector<2048x2xi32>
      %add3A_1089 = arith.addi %get3A_1088, %add3A_1085 : vector<2048x2xi32>
      %swap3A_1090 = arith.constant 0 : index
      %swap3A_1091 = arith.constant 0 : index
      %swap3A_1092 = vector.load %arg13[%swap3A_1090, %swap3A_1091] : memref<2048x2xi32, #tpu.memory_space<vmem>>, vector<2048x2xi32>
      tpu.vector_store %arg13[%swap3A_1090, %swap3A_1091], %add3A_1089 {strides = array<i32>} : memref<2048x2xi32, #tpu.memory_space<vmem>>, vector<2048x2xi32>,
      %iota3A_1093 = tpu.iota {dimensions = array<i32: 1>} : vector<1x24xi32>
      %mul3A_1094 = arith.constant 256 : i32
      %mul3A_1095 = vector.broadcast %mul3A_1094 : i32 to vector<1x24xi32>
      %mul3A_1096 = arith.muli %iota3A_1093, %mul3A_1095 : vector<1x24xi32>
      %broadcast_in_dim3A_1097 = arith.constant 0 : i32
      %broadcast_in_dim3A_1098 = vector.broadcast %broadcast_in_dim3A_1097 : i32 to vector<1x24xi32>
      %slice3A_1099 = vector.extract_strided_slice %add3A_996 {offsets = [0, 0], sizes = [1, 1], strides = [1, 1]} : vector<1x8xi32> to vector<1x1xi32>
      %squeeze3A_1100 = vector.extract %slice3A_1099[0, 0] : i32 from vector<1x1xi32>
      %ge3A_1101 = vector.broadcast %squeeze3A_1100 : i32 to vector<1x24xi32>
      %ge3A_1102 = arith.cmpi sge, %mul3A_1096, %ge3A_1101 : vector<1x24xi32>
      %jit3A_1103 = arith.constant 1 : i32
      %jit3A_1104 = arith.constant 0 : i32
      %broadcast_in_dim3A_1105 = vector.broadcast %jit3A_1103 : i32 to vector<1x24xi32>
      %broadcast_in_dim3A_1106 = vector.broadcast %jit3A_1104 : i32 to vector<1x24xi32>
      %select_n3A_1107 = arith.select %ge3A_1102, %broadcast_in_dim3A_1105, %broadcast_in_dim3A_1106 : vector<1x24xi1>, vector<1x24xi32>
      %add3A_1108 = arith.addi %broadcast_in_dim3A_1098, %select_n3A_1107 : vector<1x24xi32>
      %slice3A_1109 = vector.extract_strided_slice %add3A_996 {offsets = [0, 1], sizes = [1, 1], strides = [1, 1]} : vector<1x8xi32> to vector<1x1xi32>
      %squeeze3A_1110 = vector.extract %slice3A_1109[0, 0] : i32 from vector<1x1xi32>
      %ge3A_1111 = vector.broadcast %squeeze3A_1110 : i32 to vector<1x24xi32>
      %ge3A_1112 = arith.cmpi sge, %mul3A_1096, %ge3A_1111 : vector<1x24xi32>
      %jit3A_1113 = arith.constant 1 : i32
      %jit3A_1114 = arith.constant 0 : i32
      %broadcast_in_dim3A_1115 = vector.broadcast %jit3A_1113 : i32 to vector<1x24xi32>
      %broadcast_in_dim3A_1116 = vector.broadcast %jit3A_1114 : i32 to vector<1x24xi32>
      %select_n3A_1117 = arith.select %ge3A_1112, %broadcast_in_dim3A_1115, %broadcast_in_dim3A_1116 : vector<1x24xi1>, vector<1x24xi32>
      %add3A_1118 = arith.addi %add3A_1108, %select_n3A_1117 : vector<1x24xi32>
      %slice3A_1119 = vector.extract_strided_slice %add3A_996 {offsets = [0, 2], sizes = [1, 1], strides = [1, 1]} : vector<1x8xi32> to vector<1x1xi32>
      %squeeze3A_1120 = vector.extract %slice3A_1119[0, 0] : i32 from vector<1x1xi32>
      %ge3A_1121 = vector.broadcast %squeeze3A_1120 : i32 to vector<1x24xi32>
      %ge3A_1122 = arith.cmpi sge, %mul3A_1096, %ge3A_1121 : vector<1x24xi32>
      %jit3A_1123 = arith.constant 1 : i32
      %jit3A_1124 = arith.constant 0 : i32
      %broadcast_in_dim3A_1125 = vector.broadcast %jit3A_1123 : i32 to vector<1x24xi32>
      %broadcast_in_dim3A_1126 = vector.broadcast %jit3A_1124 : i32 to vector<1x24xi32>
      %select_n3A_1127 = arith.select %ge3A_1122, %broadcast_in_dim3A_1125, %broadcast_in_dim3A_1126 : vector<1x24xi1>, vector<1x24xi32>
      %add3A_1128 = arith.addi %add3A_1118, %select_n3A_1127 : vector<1x24xi32>
      %slice3A_1129 = vector.extract_strided_slice %add3A_996 {offsets = [0, 3], sizes = [1, 1], strides = [1, 1]} : vector<1x8xi32> to vector<1x1xi32>
      %squeeze3A_1130 = vector.extract %slice3A_1129[0, 0] : i32 from vector<1x1xi32>
      %ge3A_1131 = vector.broadcast %squeeze3A_1130 : i32 to vector<1x24xi32>
      %ge3A_1132 = arith.cmpi sge, %mul3A_1096, %ge3A_1131 : vector<1x24xi32>
      %jit3A_1133 = arith.constant 1 : i32
      %jit3A_1134 = arith.constant 0 : i32
      %broadcast_in_dim3A_1135 = vector.broadcast %jit3A_1133 : i32 to vector<1x24xi32>
      %broadcast_in_dim3A_1136 = vector.broadcast %jit3A_1134 : i32 to vector<1x24xi32>
      %select_n3A_1137 = arith.select %ge3A_1132, %broadcast_in_dim3A_1135, %broadcast_in_dim3A_1136 : vector<1x24xi1>, vector<1x24xi32>
      %add3A_1138 = arith.addi %add3A_1128, %select_n3A_1137 : vector<1x24xi32>
      %slice3A_1139 = vector.extract_strided_slice %add3A_996 {offsets = [0, 4], sizes = [1, 1], strides = [1, 1]} : vector<1x8xi32> to vector<1x1xi32>
      %squeeze3A_1140 = vector.extract %slice3A_1139[0, 0] : i32 from vector<1x1xi32>
      %ge3A_1141 = vector.broadcast %squeeze3A_1140 : i32 to vector<1x24xi32>
      %ge3A_1142 = arith.cmpi sge, %mul3A_1096, %ge3A_1141 : vector<1x24xi32>
      %jit3A_1143 = arith.constant 1 : i32
      %jit3A_1144 = arith.constant 0 : i32
      %broadcast_in_dim3A_1145 = vector.broadcast %jit3A_1143 : i32 to vector<1x24xi32>
      %broadcast_in_dim3A_1146 = vector.broadcast %jit3A_1144 : i32 to vector<1x24xi32>
      %select_n3A_1147 = arith.select %ge3A_1142, %broadcast_in_dim3A_1145, %broadcast_in_dim3A_1146 : vector<1x24xi1>, vector<1x24xi32>
      %add3A_1148 = arith.addi %add3A_1138, %select_n3A_1147 : vector<1x24xi32>
      %slice3A_1149 = vector.extract_strided_slice %add3A_996 {offsets = [0, 5], sizes = [1, 1], strides = [1, 1]} : vector<1x8xi32> to vector<1x1xi32>
      %squeeze3A_1150 = vector.extract %slice3A_1149[0, 0] : i32 from vector<1x1xi32>
      %ge3A_1151 = vector.broadcast %squeeze3A_1150 : i32 to vector<1x24xi32>
      %ge3A_1152 = arith.cmpi sge, %mul3A_1096, %ge3A_1151 : vector<1x24xi32>
      %jit3A_1153 = arith.constant 1 : i32
      %jit3A_1154 = arith.constant 0 : i32
      %broadcast_in_dim3A_1155 = vector.broadcast %jit3A_1153 : i32 to vector<1x24xi32>
      %broadcast_in_dim3A_1156 = vector.broadcast %jit3A_1154 : i32 to vector<1x24xi32>
      %select_n3A_1157 = arith.select %ge3A_1152, %broadcast_in_dim3A_1155, %broadcast_in_dim3A_1156 : vector<1x24xi1>, vector<1x24xi32>
      %add3A_1158 = arith.addi %add3A_1148, %select_n3A_1157 : vector<1x24xi32>
      %slice3A_1159 = vector.extract_strided_slice %add3A_996 {offsets = [0, 6], sizes = [1, 1], strides = [1, 1]} : vector<1x8xi32> to vector<1x1xi32>
      %squeeze3A_1160 = vector.extract %slice3A_1159[0, 0] : i32 from vector<1x1xi32>
      %ge3A_1161 = vector.broadcast %squeeze3A_1160 : i32 to vector<1x24xi32>
      %ge3A_1162 = arith.cmpi sge, %mul3A_1096, %ge3A_1161 : vector<1x24xi32>
      %jit3A_1163 = arith.constant 1 : i32
      %jit3A_1164 = arith.constant 0 : i32
      %broadcast_in_dim3A_1165 = vector.broadcast %jit3A_1163 : i32 to vector<1x24xi32>
      %broadcast_in_dim3A_1166 = vector.broadcast %jit3A_1164 : i32 to vector<1x24xi32>
      %select_n3A_1167 = arith.select %ge3A_1162, %broadcast_in_dim3A_1165, %broadcast_in_dim3A_1166 : vector<1x24xi1>, vector<1x24xi32>
      %add3A_1168 = arith.addi %add3A_1158, %select_n3A_1167 : vector<1x24xi32>
      %slice3A_1169 = vector.extract_strided_slice %add3A_996 {offsets = [0, 7], sizes = [1, 1], strides = [1, 1]} : vector<1x8xi32> to vector<1x1xi32>
      %squeeze3A_1170 = vector.extract %slice3A_1169[0, 0] : i32 from vector<1x1xi32>
      %ge3A_1171 = vector.broadcast %squeeze3A_1170 : i32 to vector<1x24xi32>
      %ge3A_1172 = arith.cmpi sge, %mul3A_1096, %ge3A_1171 : vector<1x24xi32>
      %jit3A_1173 = arith.constant 1 : i32
      %jit3A_1174 = arith.constant 0 : i32
      %broadcast_in_dim3A_1175 = vector.broadcast %jit3A_1173 : i32 to vector<1x24xi32>
      %broadcast_in_dim3A_1176 = vector.broadcast %jit3A_1174 : i32 to vector<1x24xi32>
      %select_n3A_1177 = arith.select %ge3A_1172, %broadcast_in_dim3A_1175, %broadcast_in_dim3A_1176 : vector<1x24xi1>, vector<1x24xi32>
      %add3A_1178 = arith.addi %add3A_1168, %select_n3A_1177 : vector<1x24xi32>
      %min3A = arith.constant 7 : i32
      %min3A_1179 = vector.broadcast %min3A : i32 to vector<1x24xi32>
      %min3A_1180 = arith.minsi %add3A_1178, %min3A_1179 : vector<1x24xi32>
      %swap3A_1181 = arith.constant 0 : index
      %swap3A_1182 = arith.constant 0 : index
      %swap3A_1183 = vector.load %arg14[%swap3A_1181, %swap3A_1182] : memref<1x24xi32, #tpu.memory_space<vmem>>, vector<1x24xi32>
      tpu.vector_store %arg14[%swap3A_1181, %swap3A_1182], %min3A_1180 {strides = array<i32>} : memref<1x24xi32, #tpu.memory_space<vmem>>, vector<1x24xi32>,
      %lt3A_1184 = vector.broadcast %reduce_sum3A_1001 : i32 to vector<1x24xi32>
      %lt3A_1185 = arith.cmpi slt, %mul3A_1096, %lt3A_1184 : vector<1x24xi32>
      %jit3A_1186 = arith.constant 1 : i32
      %jit3A_1187 = arith.constant 0 : i32
      %broadcast_in_dim3A_1188 = vector.broadcast %jit3A_1186 : i32 to vector<1x24xi32>
      %broadcast_in_dim3A_1189 = vector.broadcast %jit3A_1187 : i32 to vector<1x24xi32>
      %select_n3A_1190 = arith.select %lt3A_1185, %broadcast_in_dim3A_1188, %broadcast_in_dim3A_1189 : vector<1x24xi1>, vector<1x24xi32>
      %swap3A_1191 = arith.constant 0 : index
      %swap3A_1192 = arith.constant 0 : index
      %swap3A_1193 = vector.load %arg15[%swap3A_1191, %swap3A_1192] : memref<1x24xi32, #tpu.memory_space<vmem>>, vector<1x24xi32>
      tpu.vector_store %arg15[%swap3A_1191, %swap3A_1192], %select_n3A_1190 {strides = array<i32>} : memref<1x24xi32, #tpu.memory_space<vmem>>, vector<1x24xi32>,
    } else {
    }
    return
  }
  func.func @transform_0(%arg0: i32) -> (i32, i32) {
    %c0_i32 = arith.constant 0 : i32
    %c0_i32_0 = arith.constant 0 : i32
    return %arg0, %c0_i32 : i32, i32
  }
  func.func @transform_1(%arg0: i32) -> (i32, i32) {
    %c0_i32 = arith.constant 0 : i32
    %c0_i32_0 = arith.constant 0 : i32
    %c0_i32_1 = arith.constant 0 : i32
    return %c0_i32, %c0_i32_0 : i32, i32
  }
  func.func @transform_2(%arg0: i32) -> (i32, i32) {
    %c0_i32 = arith.constant 0 : i32
    %c0_i32_0 = arith.constant 0 : i32
    %c0_i32_1 = arith.constant 0 : i32
    return %c0_i32, %c0_i32_0 : i32, i32
  }
  func.func @transform_3(%arg0: i32) -> (i32, i32) {
    %c0_i32 = arith.constant 0 : i32
    %c0_i32_0 = arith.constant 0 : i32
    %c0_i32_1 = arith.constant 0 : i32
    return %c0_i32, %c0_i32_0 : i32, i32
  }
  func.func @transform_4(%arg0: i32) -> (i32, i32) {
    %c0_i32 = arith.constant 0 : i32
    %c0_i32_0 = arith.constant 0 : i32
    %c0_i32_1 = arith.constant 0 : i32
    return %c0_i32, %c0_i32_0 : i32, i32
  }
  func.func @transform_5(%arg0: i32) -> (i32, i32) {
    %c0_i32 = arith.constant 0 : i32
    %c0_i32_0 = arith.constant 0 : i32
    return %arg0, %c0_i32 : i32, i32
  }
  func.func @transform_6(%arg0: i32) -> (i32, i32) {
    %c0_i32 = arith.constant 0 : i32
    %c0_i32_0 = arith.constant 0 : i32
    %c0_i32_1 = arith.constant 0 : i32
    return %c0_i32, %c0_i32_0 : i32, i32
  }
  func.func @transform_7(%arg0: i32) -> (i32, i32) {
    %c0_i32 = arith.constant 0 : i32
    %c0_i32_0 = arith.constant 0 : i32
    %c0_i32_1 = arith.constant 0 : i32
    return %c0_i32, %c0_i32_0 : i32, i32
  }
  func.func @transform_8(%arg0: i32) -> (i32, i32) {
    %c0_i32 = arith.constant 0 : i32
    %c0_i32_0 = arith.constant 0 : i32
    %c0_i32_1 = arith.constant 0 : i32
    return %c0_i32, %c0_i32_0 : i32, i32
  }
  func.func @transform_9(%arg0: i32) -> (i32, i32) {
    %c0_i32 = arith.constant 0 : i32
    %c0_i32_0 = arith.constant 0 : i32
    return %arg0, %c0_i32 : i32, i32
  }
  func.func @transform_10(%arg0: i32) -> (i32, i32) {
    %c0_i32 = arith.constant 0 : i32
    %c0_i32_0 = arith.constant 0 : i32
    return %arg0, %c0_i32 : i32, i32
  }
  func.func @transform_11(%arg0: i32) -> (i32, i32) {
    %c0_i32 = arith.constant 0 : i32
    %c0_i32_0 = arith.constant 0 : i32
    return %arg0, %c0_i32 : i32, i32
  }
  func.func @transform_12(%arg0: i32) -> (i32, i32) {
    %c0_i32 = arith.constant 0 : i32
    %c0_i32_0 = arith.constant 0 : i32
    %c0_i32_1 = arith.constant 0 : i32
    return %c0_i32, %c0_i32_0 : i32, i32
  }
  func.func @transform_13(%arg0: i32) -> (i32, i32) {
    %c0_i32 = arith.constant 0 : i32
    %c0_i32_0 = arith.constant 0 : i32
    %c0_i32_1 = arith.constant 0 : i32
    return %c0_i32, %c0_i32_0 : i32, i32
  }
  func.func @transform_14(%arg0: i32) -> (i32, i32) {
    %c0_i32 = arith.constant 0 : i32
    %c0_i32_0 = arith.constant 0 : i32
    %c0_i32_1 = arith.constant 0 : i32
    return %c0_i32, %c0_i32_0 : i32, i32
  }
}

module attributes {stable_mosaic.version = 14 : i64} {
  func.func @_gemm_kernel(%arg0: i32, %arg1: memref<24xi32, #tpu.memory_space<smem>>, %arg2: memref<24xi32, #tpu.memory_space<smem>>, %arg3: memref<256x1024xf32, #tpu.memory_space<vmem>>, %arg4: memref<1x1024x2048xf32, #tpu.memory_space<vmem>>, %arg5: memref<1x1024x1024xf32, #tpu.memory_space<vmem>>, %arg6: memref<256x1024xf32, #tpu.memory_space<vmem>>) attributes {dimension_semantics = [#tpu.dimension_semantics<arbitrary>], iteration_bounds = array<i64: 24>, scalar_prefetch = 2 : i64, scratch_operands = 0 : i64, tpu.core_type = #tpu.core_type<tc>, window_params = [{transform_indices = @transform_0, window_bounds = array<i64: 256, 1024>}, {transform_indices = @transform_1, window_bounds = array<i64: 1, 1024, 2048>}, {transform_indices = @transform_2, window_bounds = array<i64: 1, 1024, 1024>}, {transform_indices = @transform_3, window_bounds = array<i64: 256, 1024>}]} {
    %get3A = arith.index_cast %arg0 : i32 to index
    %get3A_0 = memref.load %arg2[%get3A] : memref<24xi32, #tpu.memory_space<smem>>
    %eq3A = arith.constant 1 : i32
    %eq3A_1 = arith.cmpi eq, %get3A_0, %eq3A : i32
    %convert_element_type3A = arith.extui %eq3A_1 : i1 to i32
    %cond3A = arith.constant 0 : i32
    %cond3A_2 = arith.cmpi ne, %convert_element_type3A, %cond3A : i32
    scf.if %cond3A_2 {
      %get3A_3 = arith.constant 0 : index
      %get3A_4 = arith.constant 0 : index
      %get3A_5 = vector.load %arg3[%get3A_3, %get3A_4] : memref<256x1024xf32, #tpu.memory_space<vmem>>, vector<256x1024xf32>
      %get3A_6 = arith.constant 0 : index
      %get3A_7 = arith.constant 0 : index
      %get3A_8 = arith.constant 0 : index
      %get3A_9 = vector.load %arg4[%get3A_6, %get3A_7, %get3A_8] : memref<1x1024x2048xf32, #tpu.memory_space<vmem>>, vector<1x1024x2048xf32>
      %get3A_10 = vector.shape_cast %get3A_9 : vector<1x1024x2048xf32> to vector<1024x2048xf32>
      %dot_general3A = arith.constant dense<0.000000e+00> : vector<256x2048xf32>
      %dot_general3A_11 = tpu.matmul %get3A_5, %get3A_10, %dot_general3A {dimension_numbers = #tpu.dot_dimension_numbers<[1], [0], [0], [1], [0, 0, 1, 1], [], []>, transpose_lhs_hint = false} : vector<256x1024xf32>, vector<1024x2048xf32>, vector<256x2048xf32> -> vector<256x2048xf32>
      %slice3A = vector.extract_strided_slice %dot_general3A_11 {offsets = [0, 0], sizes = [256, 1024], strides = [1, 1]} : vector<256x2048xf32> to vector<256x1024xf32>
      %slice3A_12 = vector.extract_strided_slice %dot_general3A_11 {offsets = [0, 1024], sizes = [256, 1024], strides = [1, 1]} : vector<256x2048xf32> to vector<256x1024xf32>
      %neg3A = arith.constant 0.000000e+00 : f32
      %neg3A_13 = vector.broadcast %neg3A : f32 to vector<256x1024xf32>
      %neg3A_14 = arith.subf %neg3A_13, %slice3A : vector<256x1024xf32>
      %exp3A = math.exp %neg3A_14 : vector<256x1024xf32>
      %add3A = arith.constant 1.000000e+00 : f32
      %add3A_15 = vector.broadcast %add3A : f32 to vector<256x1024xf32>
      %add3A_16 = arith.addf %add3A_15, %exp3A : vector<256x1024xf32>
      %div3A = arith.constant 1.000000e+00 : f32
      %div3A_17 = vector.broadcast %div3A : f32 to vector<256x1024xf32>
      %div3A_18 = arith.divf %div3A_17, %add3A_16 : vector<256x1024xf32>
      %mul3A = arith.mulf %slice3A, %div3A_18 : vector<256x1024xf32>
      %mul3A_19 = arith.mulf %mul3A, %slice3A_12 : vector<256x1024xf32>
      %get3A_20 = arith.constant 0 : index
      %get3A_21 = arith.constant 0 : index
      %get3A_22 = arith.constant 0 : index
      %get3A_23 = vector.load %arg5[%get3A_20, %get3A_21, %get3A_22] : memref<1x1024x1024xf32, #tpu.memory_space<vmem>>, vector<1x1024x1024xf32>
      %get3A_24 = vector.shape_cast %get3A_23 : vector<1x1024x1024xf32> to vector<1024x1024xf32>
      %dot_general3A_25 = arith.constant dense<0.000000e+00> : vector<256x1024xf32>
      %dot_general3A_26 = tpu.matmul %mul3A_19, %get3A_24, %dot_general3A_25 {dimension_numbers = #tpu.dot_dimension_numbers<[1], [0], [0], [1], [0, 0, 1, 1], [], []>, transpose_lhs_hint = false} : vector<256x1024xf32>, vector<1024x1024xf32>, vector<256x1024xf32> -> vector<256x1024xf32>
      %swap3A = arith.constant 0 : index
      %swap3A_27 = arith.constant 0 : index
      %swap3A_28 = vector.load %arg6[%swap3A, %swap3A_27] : memref<256x1024xf32, #tpu.memory_space<vmem>>, vector<256x1024xf32>
      tpu.vector_store %arg6[%swap3A, %swap3A_27], %dot_general3A_26 {strides = array<i32>} : memref<256x1024xf32, #tpu.memory_space<vmem>>, vector<256x1024xf32>,
    } else {
    }
    return
  }
  func.func @transform_0(%arg0: i32, %arg1: memref<24xi32, #tpu.memory_space<smem>>, %arg2: memref<24xi32, #tpu.memory_space<smem>>) -> (i32, i32) {
    %c0_i32 = arith.constant 0 : i32
    %c0_i32_0 = arith.constant 0 : i32
    return %arg0, %c0_i32 : i32, i32
  }
  func.func @transform_1(%arg0: i32, %arg1: memref<24xi32, #tpu.memory_space<smem>>, %arg2: memref<24xi32, #tpu.memory_space<smem>>) -> (i32, i32, i32) {
    %get3A = arith.index_cast %arg0 : i32 to index
    %get3A_0 = memref.load %arg1[%get3A] : memref<24xi32, #tpu.memory_space<smem>>
    %c0_i32 = arith.constant 0 : i32
    %c0_i32_1 = arith.constant 0 : i32
    %c0_i32_2 = arith.constant 0 : i32
    return %get3A_0, %c0_i32, %c0_i32_1 : i32, i32, i32
  }
  func.func @transform_2(%arg0: i32, %arg1: memref<24xi32, #tpu.memory_space<smem>>, %arg2: memref<24xi32, #tpu.memory_space<smem>>) -> (i32, i32, i32) {
    %get3A = arith.index_cast %arg0 : i32 to index
    %get3A_0 = memref.load %arg1[%get3A] : memref<24xi32, #tpu.memory_space<smem>>
    %c0_i32 = arith.constant 0 : i32
    %c0_i32_1 = arith.constant 0 : i32
    %c0_i32_2 = arith.constant 0 : i32
    return %get3A_0, %c0_i32, %c0_i32_1 : i32, i32, i32
  }
  func.func @transform_3(%arg0: i32, %arg1: memref<24xi32, #tpu.memory_space<smem>>, %arg2: memref<24xi32, #tpu.memory_space<smem>>) -> (i32, i32) {
    %c0_i32 = arith.constant 0 : i32
    %c0_i32_0 = arith.constant 0 : i32
    return %arg0, %c0_i32 : i32, i32
  }
}

module attributes {stable_mosaic.version = 14 : i64} {
  func.func @_combine_kernel(%arg0: i32, %arg1: memref<256x1024xf32, #tpu.memory_space<vmem>>, %arg2: memref<1x256x1024xf32, #tpu.memory_space<vmem>>, %arg3: memref<1x256x1024xf32, #tpu.memory_space<vmem>>, %arg4: memref<256x2xf32, #tpu.memory_space<vmem>>, %arg5: memref<256x1024xf32, #tpu.memory_space<vmem>>) attributes {dimension_semantics = [#tpu.dimension_semantics<arbitrary>], iteration_bounds = array<i64: 8>, scalar_prefetch = 0 : i64, scratch_operands = 0 : i64, tpu.core_type = #tpu.core_type<tc>, window_params = [{transform_indices = @transform_0, window_bounds = array<i64: 256, 1024>}, {transform_indices = @transform_1, window_bounds = array<i64: 1, 256, 1024>}, {transform_indices = @transform_2, window_bounds = array<i64: 1, 256, 1024>}, {transform_indices = @transform_3, window_bounds = array<i64: 256, 2>}, {transform_indices = @transform_4, window_bounds = array<i64: 256, 1024>}]} {
    %get3A = arith.constant 0 : index
    %get3A_0 = arith.constant 0 : index
    %get3A_1 = vector.load %arg4[%get3A, %get3A_0] : memref<256x2xf32, #tpu.memory_space<vmem>>, vector<256x1xf32>
    %get3A_2 = arith.constant 0 : index
    %get3A_3 = arith.constant 1 : index
    %get3A_4 = vector.load %arg4[%get3A_2, %get3A_3] : memref<256x2xf32, #tpu.memory_space<vmem>>, vector<256x1xf32>
    %get3A_5 = arith.constant 0 : index
    %get3A_6 = arith.constant 0 : index
    %get3A_7 = vector.load %arg1[%get3A_5, %get3A_6] : memref<256x1024xf32, #tpu.memory_space<vmem>>, vector<256x1024xf32>
    %get3A_8 = arith.constant 0 : index
    %get3A_9 = arith.constant 0 : index
    %get3A_10 = arith.constant 0 : index
    %get3A_11 = vector.load %arg2[%get3A_8, %get3A_9, %get3A_10] : memref<1x256x1024xf32, #tpu.memory_space<vmem>>, vector<1x256x1024xf32>
    %get3A_12 = vector.shape_cast %get3A_11 : vector<1x256x1024xf32> to vector<256x1024xf32>
    %mul3A = vector.broadcast %get3A_1 : vector<256x1xf32> to vector<256x1024xf32>
    %mul3A_13 = arith.mulf %mul3A, %get3A_12 : vector<256x1024xf32>
    %add3A = arith.addf %get3A_7, %mul3A_13 : vector<256x1024xf32>
    %get3A_14 = arith.constant 0 : index
    %get3A_15 = arith.constant 0 : index
    %get3A_16 = arith.constant 0 : index
    %get3A_17 = vector.load %arg3[%get3A_14, %get3A_15, %get3A_16] : memref<1x256x1024xf32, #tpu.memory_space<vmem>>, vector<1x256x1024xf32>
    %get3A_18 = vector.shape_cast %get3A_17 : vector<1x256x1024xf32> to vector<256x1024xf32>
    %mul3A_19 = vector.broadcast %get3A_4 : vector<256x1xf32> to vector<256x1024xf32>
    %mul3A_20 = arith.mulf %mul3A_19, %get3A_18 : vector<256x1024xf32>
    %add3A_21 = arith.addf %add3A, %mul3A_20 : vector<256x1024xf32>
    %swap3A = arith.constant 0 : index
    %swap3A_22 = arith.constant 0 : index
    %swap3A_23 = vector.load %arg5[%swap3A, %swap3A_22] : memref<256x1024xf32, #tpu.memory_space<vmem>>, vector<256x1024xf32>
    tpu.vector_store %arg5[%swap3A, %swap3A_22], %add3A_21 {strides = array<i32>} : memref<256x1024xf32, #tpu.memory_space<vmem>>, vector<256x1024xf32>,
    return
  }
  func.func @transform_0(%arg0: i32) -> (i32, i32) {
    %c0_i32 = arith.constant 0 : i32
    %c0_i32_0 = arith.constant 0 : i32
    return %arg0, %c0_i32 : i32, i32
  }
  func.func @transform_1(%arg0: i32) -> (i32, i32, i32) {
    %c0_i32 = arith.constant 0 : i32
    %c0_i32_0 = arith.constant 0 : i32
    %c0_i32_1 = arith.constant 0 : i32
    return %c0_i32, %arg0, %c0_i32_0 : i32, i32, i32
  }
  func.func @transform_2(%arg0: i32) -> (i32, i32, i32) {
    %c1_i32 = arith.constant 1 : i32
    %c0_i32 = arith.constant 0 : i32
    %c0_i32_0 = arith.constant 0 : i32
    return %c1_i32, %arg0, %c0_i32 : i32, i32, i32
  }
  func.func @transform_3(%arg0: i32) -> (i32, i32) {
    %c0_i32 = arith.constant 0 : i32
    %c0_i32_0 = arith.constant 0 : i32
    return %arg0, %c0_i32 : i32, i32
  }
  func.func @transform_4(%arg0: i32) -> (i32, i32) {
    %c0_i32 = arith.constant 0 : i32
    %c0_i32_0 = arith.constant 0 : i32
    return %arg0, %c0_i32 : i32, i32
  }
}

</mosaic_0001>

<sc_bundles>
// kernel: _layer.10.cloned.1.call-start
scs
__scs_entry_jumppad:
0x0: {  	(pc) =	sbr.rel $0x88, $3  }
0x1: {  	(tag) =	ssettag $0x0;
	lr =	simm.s32 $0x1  }
0x2: {  	[smem:$0x3F96] =	sst lr;
	_ =	strace $0xD0000000  }
0x3: {  	_ = 	snop  }
0x4: {  	_ = 	snop  }
0x5: {  	_ = 	snop  }
0x6: {  	_ = 	snop  }
0x7: {  	_ = 	snop  }
__scs_overlays_trampoline_lowered:
0x8: {  	[smem:$0x3FA5] =	sst s0  }
0x9: {  	[smem:$0x3FA6] =	sst s1  }
0xa: {  	[smem:$0x3FA7] =	sst s2  }
0xb: {  	[smem:$0x3FA8] =	sst s3  }
0xc: {  	[smem:$0x3FA9] =	sst s4  }
0xd: {  	[smem:$0x3FAA] =	sst s5  }
0xe: {  	[smem:$0x3FAB] =	sst s6  }
0xf: {  	[smem:$0x3FAC] =	sst s7  }
0x10: {  	[smem:$0x3FAD] =	sst s8  }
0x11: {  	[smem:$0x3FAE] =	sst s9;
	s0 =	simm.s32 @!p0 $0x0  }
0x12: {  	s1 =	sld [smem:$0x3F94];
	s0 =	simm.s32 @p0 $0x1  }
0x13: {  	[smem:$0x3FAF] =	sst s0;
	s0 =	simm.s32 @!p1 $0x0  }
0x14: {  	s2 =	sld [smem:$0x3F93];
	s0 =	simm.s32 @p1 $0x1  }
0x15: {  	[smem:$0x3FB0] =	sst s0;
	s0 =	simm.s32 @!p2 $0x0  }
0x16: {  	s3 =	sld [smem:$0x3FDB];
	s0 =	simm.s32 @p2 $0x1  }
0x17: {  	s4 =	simm.s32 $0x1BF5;
	[smem:$0x3FB2] =	sst s0  }
0x18: {  	s0 =	sld [smem:$0x3F95];
	_ =	swait.ge [sflag:s4], $0x0  }
0x19: {  	s7 =	sld [smem:$0x3F96]  }
0x1a: {  	s8 =	sadd.s32 $0xFFFFE003, lr  }
0x1b: {  	s9 =	sadd.s32 $0xFFFFFEF7, lr;
	s5 =	simm.s32 $0xFFFFFFFF;
	p2 =	slt.u32 s8, $0xFFFFF086  }
0x1c: {  	p1 =	slt.u32 s9, $0xF7A;
	s5 =	simm.s32 @!p2 $0x0  }
0x1d: {  	s5 =	simm.s32 @p1 $0x1;
	p0 =	seq.s32 s7, s2  }
0x1e: {  	s7 =	smul.u32 @!p0 $0xF7A, s2;
	p2 =	seq.s32 @!p0 s5, $0x0  }
0x1f: {  	s9 =	smul.u32 $0xF7A, s1;
	s8 =	simm.s32 @!p0 $0x1BF5;
	p2 =	por !p2, p0  }
0x20: {  	[sflag:s8] =	ssyncset.s32 @!p0 $0xFFFFF086;
	s6 =	sadd.s32 @!p0 s3, s7;
	s7 =	simm.s32 @!p0 $0x108  }
0x21: {  	s3 =	sadd.s32 s3, s9;
	s6 =	sadd.s32 @!p0 $0x88, s6;
	s7 =	simm.s32 @p2 $0x1082  }
0x22: {  	[simem:s7], [sflag:s8] =	dma.local @!p0 [hbm:s6], $0xF7A  }
0x23: {  	s9 =	sor.u32 $0xD0000000, s2;
	s6 =	simm.s32 $0x108;
	_ =	swait.ge @!p0 [sflag:s8], $0x0  }
0x24: {  	s3 =	sadd.s32 $0x88, s3;
	s6 =	simm.s32 @!p1 $0x1082;
	[sflag:s4] =	ssyncset.s32 $0xFFFFF086  }
0x25: {  	[simem:s6], [sflag:s4] =	dma.local [hbm:s3], $0xF7A  }
0x26: {  	[smem:$0x3F96] =	sst s1;
	(tag) =	ssettag s2;
	_ =	strace s9  }
0x27: {  	s1 =	sld [smem:$0x3FA6]  }
0x28: {  	s2 =	sld [smem:$0x3FA7]  }
0x29: {  	s4 =	sld [smem:$0x3FA9]  }
0x2a: {  	p0 =	seq.s32 s5, $0x0;
	s5 =	sld [smem:$0x3FAA]  }
0x2b: {  	s6 =	sld [smem:$0x3FAB]  }
0x2c: {  	s7 =	sld [smem:$0x3FAC]  }
0x2d: {  	s3 =	simm.s32 $0x108;
	s8 =	sld [smem:$0x3FAD]  }
0x2e: {  	s3 =	simm.s32 @!p0 $0x1082;
	s9 =	sld [smem:$0x3FAE]  }
0x2f: {  	lr =	sadd.s32 s0, s3;
	s0 =	sld [smem:$0x3FA5]  }
0x30: {  	s3 =	sld [smem:$0x3FA8]  }
0x31: {  	[smem:$0x3FB1] =	sst s10  }
0x32: {  	s10 =	sld [smem:$0x3FAF];
	_ =	sdelay $0x3  }
0x33: {  	p0 =	seq.s32 s10, $0x1;
	s10 =	sld [smem:$0x3FB1];
	_ =	sdelay $0x3  }
0x34: {  	[smem:$0x3FB1] =	sst s10  }
0x35: {  	s10 =	sld [smem:$0x3FB0];
	_ =	sdelay $0x3  }
0x36: {  	p1 =	seq.s32 s10, $0x1;
	s10 =	sld [smem:$0x3FB1];
	_ =	sdelay $0x3  }
0x37: {  	[smem:$0x3FB1] =	sst s10  }
0x38: {  	s10 =	sld [smem:$0x3FB2]  }
0x39: {  	_ = 	snop;
	(pc) =	sbr.ind lr, $3  }
0x3a: {  	_ = 	snop  }
0x3b: {  	_ = 	snop  }
0x3c: {  	p2 =	seq.s32 s10, $0x1;
	s10 =	sld [smem:$0x3FB1]  }
0x3d: {  	_ =	shalt  }
0x3e: {  	_ =	shalt  }
0x3f: {  	_ =	shalt  }
0x40: {  	_ =	shalt  }
0x41: {  	_ =	shalt  }
0x42: {  	_ =	shalt  }
0x43: {  	_ =	shalt  }
0x44: {  	_ =	shalt  }
0x45: {  	_ =	shalt  }
0x46: {  	_ =	shalt  }
0x47: {  	_ =	shalt  }
0x48: {  	_ =	shalt  }
0x49: {  	_ =	shalt  }
0x4a: {  	_ =	shalt  }
0x4b: {  	_ =	shalt  }
0x4c: {  	_ =	shalt  }
0x4d: {  	_ =	shalt  }
0x4e: {  	_ =	shalt  }
0x4f: {  	_ =	shalt  }
0x50: {  	_ =	shalt  }
0x51: {  	_ =	shalt  }
0x52: {  	_ =	shalt  }
0x53: {  	_ =	shalt  }
0x54: {  	_ =	shalt  }
0x55: {  	_ =	shalt  }
0x56: {  	_ =	shalt  }
0x57: {  	_ =	shalt  }
0x58: {  	_ =	shalt  }
0x59: {  	_ =	shalt  }
0x5a: {  	_ =	shalt  }
0x5b: {  	_ =	shalt  }
0x5c: {  	_ =	shalt  }
0x5d: {  	_ =	shalt  }
0x5e: {  	_ =	shalt  }
0x5f: {  	_ =	shalt  }
0x60: {  	_ =	shalt  }
0x61: {  	_ =	shalt  }
0x62: {  	_ =	shalt  }
0x63: {  	_ =	shalt  }
0x64: {  	_ =	shalt  }
0x65: {  	_ =	shalt  }
0x66: {  	_ =	shalt  }
0x67: {  	_ =	shalt  }
0x68: {  	_ =	shalt  }
0x69: {  	_ =	shalt  }
0x6a: {  	_ =	shalt  }
0x6b: {  	_ =	shalt  }
0x6c: {  	_ =	shalt  }
0x6d: {  	_ =	shalt  }
0x6e: {  	_ =	shalt  }
0x6f: {  	_ =	shalt  }
0x70: {  	_ =	shalt  }
0x71: {  	_ =	shalt  }
0x72: {  	_ =	shalt  }
0x73: {  	_ =	shalt  }
0x74: {  	_ =	shalt  }
0x75: {  	_ =	shalt  }
0x76: {  	_ =	shalt  }
0x77: {  	_ =	shalt  }
0x78: {  	_ =	shalt  }
0x79: {  	_ =	shalt  }
0x7a: {  	_ =	shalt  }
0x7b: {  	_ =	shalt  }
0x7c: {  	_ =	shalt  }
0x7d: {  	_ =	shalt  }
0x7e: {  	_ =	shalt  }
0x7f: {  	_ =	shalt  }
0x80: {  	_ =	shalt  }
0x81: {  	_ =	shalt  }
0x82: {  	_ =	shalt  }
0x83: {  	_ =	shalt  }
0x84: {  	_ =	shalt  }
0x85: {  	_ =	shalt  }
0x86: {  	_ =	shalt  }
0x87: {  	_ =	shalt  }
.Lfunc_end0:
.L_simem_size_0:
called_computation.1_lowered:
.L_overlay_start_0:
0x88: {  	s2 =	sld [smem:$0x3FD9]  }
0x89: {  	s3 =	sld [smem:$0x3FFE];
	_ =	sdelay $0x1  }
0x8a: {  	s1 =	srdreg.scid  }
0x8b: {  	s0 =	sand.u32 $0x1, s1  }
0x8c: {  	s16 =	sshll.u32 s0, $0xA;
	s2 =	sadd.s32 s3, s2  }
0x8d: {  	s2 =	sadd.s32 s2, s16  }
0x8e: {  	[smem:$0x3FBD] =	sst s2  }
0x8f: {  	_ = 	snop  }
0x90: {  	(tm) =	ssettm $0x1  }
0x91: {  	s17 =	sld [smem:$0x3FFB];
	_ =	sdelay $0x3  }
0x92: {  	_ =	strace s17  }
0x93: {  	s2 =	sld [smem:$0x3FFC];
	_ =	sdelay $0x3  }
0x94: {  	_ =	strace s2  }
0x95: {  	s2 =	sld [smem:$0x3FFD];
	_ =	sdelay $0x3  }
0x96: {  	_ =	strace s2  }
0x97: {  	_ =	strace $0x8FFFFFFF  }
0x98: {  	s18 =	sld [smem:$0x3FDB];
	_ =	sdelay $0x1  }
0x99: {  	s19 =	simm.s32 $_scs_section_size  }
0x9a: {  	s4 =	simm.s32 $_size__tile_overlayer_lowered;
	s5 =	simm.s32 $_tile_overlayer_lowered  }
0x9b: {  	s22 =	simm.s32 $0x1BFF;
	s21 =	sshll.u32 s5, $0x1;
	s2 =	sadd.s32 s19, s18  }
0x9c: {  	s6 =	simm.s32 $0x0;
	s20 =	sshll.u32 s4, $0x1;
	s4 =	sadd.s32 s21, s2  }
0x9d: {  	[timem:s6], [sflag:s22] =	dma.local [hbm:s4], s20  }
0x9e: {  	_ =	swait.ge [sflag:s22], s20  }
0x9f: {  	s3 =	ssub.s32 $0x0, s20;
	[sflag:s22] =	ssyncset.done $0x0  }
0xa0: {  	[sflag:s22] =	ssyncadd.s32 s3;
	_ =	sdelay $0x1  }
0xa1: {  	s23 =	simm.s32 $0x1B8B  }
0xa2: {  	_ =	swait.ge [sflag:s23], $0x1  }
0xa3: {  	[sflag:s23] =	ssyncset.done $0x0  }
0xa4: {  	s25 =	simm.s32 $0x1B8E;
	s24 =	sld [smem:$0x3FFE];
	[sflag:s23] =	ssyncadd.s32 $0xFFFFFFFF  }
0xa5: {  	s26 =	simm.s32 $execute0_lowered;
	[smem:$0x3FD2] =	sst s25  }
0xa6: {  	s4 =	sshll.u32 s26, $0x1;
	_ =	strace $0x80000049;
	[dreg:$0x1] =	wrdreg $0xFFFFFFFF  }
0xa7: {  	s28 =	simm.s32 $_size_execute0_lowered;
	s2 =	sadd.s32 s2, s4;
	[dreg:$0x0] =	wrdreg $0x0  }
0xa8: {  	s4 =	sshll.u32 s28, $0x1;
	[dreg:$0x2] =	wrdreg s2  }
0xa9: {  	[dreg:$0x3] =	wrdreg s4  }
0xaa: {  	[dreg:$0x4] =	wrdreg $0xC0  }
0xab: {  	_ =	task [dreg:s6], $0x5FFFF  }
0xac: {  	[dreg:$0x1] =	wrdreg $0xFFFFFFFF  }
0xad: {  	[dreg:$0x0] =	wrdreg $0x60  }
0xae: {  	[dreg:$0x2] =	wrdreg s24  }
0xaf: {  	[dreg:$0x3] =	wrdreg $0x9  }
0xb0: {  	_ =	task.clear_ibuf [dreg:s6], $0x4FFFF;
	_ =	strace $0x90000049  }
0xb1: {  	s29 =	simm.s32 $0x9;
	_ =	strace $0x8000004B  }
0xb2: {  	_ =	swait.ge [sflag:s29], $0x1  }
0xb3: {  	[sflag:s29] =	ssyncadd.s32 $0xFFFFFFFF  }
0xb4: {  	_ =	strace $0x9000004B  }
0xb5: {  	_ =	sfence  }
0xb6: {  	s30 =	sld [smem:$0x0];
	_ =	sdelay $0x2  }
0xb7: {  	s31 =	sshll.u32 s1, $0xD;
	s1 =	sshrl.u32 s1, $0x2  }
0xb8: {  	s3 =	sand.u32 $0x4000, s31;
	s1 =	sadd.s32 s1, s30  }
0xb9: {  	s0 =	sor.u32 s3, s0;
	s1 =	sshll.u32 s1, $0x11  }
0xba: {  	s0 =	sor.u32 s1, s0  }
0xbb: {  	s0 =	sadd.s32 $0x8F2B, s0  }
0xbc: {  	[sflag:s0] =	ssyncadd.remote.s32 $0x1  }
0xbd: {  	_ =	sfence.sel $0xFFFF  }
0xbe: {  	[dreg:$0x0] =	wrdreg $0xFFFFFFFF;
	(pc) =	sbr.abs _section_cstart, $3  }
0xbf: {  	[dreg:$0x1] =	wrdreg $0xFFFFFFFF  }
0xc0: {  	_ =	task.clear_ibuf [dreg:s6], $0x2FFFF;
	_ =	strace $0x9FFFFFFF  }
0xc1: {  	(tm) =	ssettm $0x7FFFFFFF  }
tec
execute0_lowered:
.L_overlay_start_1:
0x0: {  	(tag) =	ssettag $0x1  }
0x1: {  	s0 =	rddreg [dreg:$0x0];
	s1 =	srdreg.scid  }
0x2: {  	s2 =	simm.s32 $0x0;
	s3 =	stileid.u32;
	s18 =	simm.s32 $0x1  }
0x3: {  	s20 =	simm.s32 $0x880;
	s21 =	simm.s32 $0x1080;
	s22 =	simm.s32 $0x1880  }
0x4: {  	s28 =	simm.s32 $0x4080;
	s29 =	simm.s32 $0x4880;
	s30 =	simm.s32 $0x5080  }
0x5: {  	s31 =	simm.s32 $0x5880;
	s10 =	simm.s32 $0x7080;
	s11 =	simm.s32 $0x7880  }
0x6: {  	s12 =	simm.s32 $0x8080;
	s13 =	simm.s32 $0x8880;
	s14 =	simm.s32 $0x9080  }
0x7: {  	s15 =	simm.s32 $0x9880;
	s16 =	simm.s32 $0xA080;
	s17 =	simm.s32 $0xA880  }
0x8: {  	s9 =	simm.s32 $0xB080;
	s1 =	sand.u32 $0x1, s1;
	[smem:$0x7FF] =	sst s2  }
0x9: {  	s3 =	sshll.u32 s3, $0x7;
	s4 =	sshll.u32 s1, $0x6;
	_ =	strace $0x8000004A  }
0xa: {  	s1 =	ssub.s32 $0x2, s1;
	s4 =	sor.u32 s4, s3;
	s3 =	sadd.s32 $0xC0C00, s0  }
0xb: {  	s23 =	sshrl.u32 s1, $0x1;
	s5 =	sshrl.u32 s4, $0x3;
	s4 =	sshll.u32 s4, $0x7  }
0xc: {  	s1 =	ssub.s32 s1, s23;
	s23 =	simm.s32 $0x2080;
	s6 =	sadd.s32 s5, s0  }
0xd: {  	s7 =	sadd.s32 s4, s0;
	s4 =	sadd.s32 $0xC0D00, s0;
	s24 =	sadd.s32 $0xA00, s6  }
0xe: {  	s5 =	sadd.s32 $0xC0E00, s0;
	s8 =	sadd.s32 $0xC00, s7;
	[dreg:$0x2] =	wrdreg s24  }
0xf: {  	s25 =	sadd.s32 $0x800, s6;
	s6 =	sadd.s32 $0xC0F00, s0;
	[dreg:$0x3] =	wrdreg s8  }
0x10: {  	v2 =	vlaneseq.u32;
	s26 =	sadd.s32 $0x40C00, s7;
	s7 =	smax.u32 s1, $0x1;
	[dreg:$0x4] =	wrdreg s25  }
0x11: {  	vm0 =	vmmov $0xffff;
	v1 =	vshrl.u32 v2, $0x3;
	s0 =	simm.s32 $0x80;
	[dreg:$0x5] =	wrdreg s26;
	s8 =	simm.s32 $0x2  }
0x12: {  	v0 =	vand.u32 $0x7, v2;
	v2 =	vor.u32 $0x8, v2;
	v1 =	vmul.u32 $0x8, v1;
	s24 =	simm.s32 $0x2880;
	s25 =	simm.s32 $0x3080;
	s26 =	simm.s32 $0x3880  }
.LBB2_1:
0x13: {  	s19 =	rddreg [dreg:$0x2]  }
0x14: {  	[tilespmem:s2], [sflag:$0x2] =	stream.linear.gather [hbm4b:s19+s2], $0x40, $0x38;
	[tilespmem:$0x10080] =	vst v63  }
0x15: {  	_ =	swait.ge [sflag:s8], $0x40  }
0x16: {  	[sflag:s8] =	ssyncset.done $0x0  }
0x17: {  	[sflag:s8] =	ssyncadd.s32 $0xFFFFFFC0  }
0x18: {  	v3 =	vld [tilespmem:$0x0];
	_ =	sdelay $0x4  }
0x19: {  	v4 =	vshll.u32 v3, $0x3  }
0x1a: {  	v3 =	vand.u32 $0x7, v3;
	v4 =	vand.u32 $0xFFFFFFC0, v4  }
0x1b: {  	v3 =	vor.u32 v3, v4  }
0x1c: {  	v4 =	vperm.xlane v3, v0;
	_ =	sdelay $0x1  }
0x1d: {  	v4 =	vadd.s32 v1, v4;
	_ =	sdelay $0x4  }
0x1e: {  	[tilespmem:s0], [sflag:$0x1] =	stream.indirect_vreg.gather [hbm4b:s3+s2], $0x80, v4, vm0, $0xb8;
	[tilespmem:$0x10080] =	vst v63  }
0x1f: {  	v3 =	vperm.xlane v3, v2  }
0x20: {  	[tilespmem:s20], [sflag:$0x1] =	stream.indirect_vreg.gather [hbm4b:s4+s2], $0x80, v4, vm0, $0xb8;
	[tilespmem:$0x10080] =	vst v63  }
0x21: {  	v3 =	vadd.s32 v1, v3  }
0x22: {  	[tilespmem:s21], [sflag:$0x1] =	stream.indirect_vreg.gather [hbm4b:s5+s2], $0x80, v4, vm0, $0xb8;
	[tilespmem:$0x10080] =	vst v63  }
0x23: {  	_ = 	snop  }
0x24: {  	[tilespmem:s22], [sflag:$0x1] =	stream.indirect_vreg.gather [hbm4b:s6+s2], $0x80, v4, vm0, $0xb8;
	[tilespmem:$0x10080] =	vst v63  }
0x25: {  	_ = 	snop  }
0x26: {  	[tilespmem:s23], [sflag:$0x1] =	stream.indirect_vreg.gather [hbm4b:s3+s2], $0x80, v3, vm0, $0xb8;
	[tilespmem:$0x10080] =	vst v63  }
0x27: {  	_ = 	snop  }
0x28: {  	[tilespmem:s24], [sflag:$0x1] =	stream.indirect_vreg.gather [hbm4b:s4+s2], $0x80, v3, vm0, $0xb8;
	[tilespmem:$0x10080] =	vst v63  }
0x29: {  	_ = 	snop  }
0x2a: {  	[tilespmem:s25], [sflag:$0x1] =	stream.indirect_vreg.gather [hbm4b:s5+s2], $0x80, v3, vm0, $0xb8;
	[tilespmem:$0x10080] =	vst v63  }
0x2b: {  	_ = 	snop  }
0x2c: {  	[tilespmem:s26], [sflag:$0x1] =	stream.indirect_vreg.gather [hbm4b:s6+s2], $0x80, v3, vm0, $0xb8;
	[tilespmem:$0x10080] =	vst v63  }
0x2d: {  	v3 =	vld [tilespmem:$0x10];
	_ =	sdelay $0x4  }
0x2e: {  	v57 =	vshll.u32 v3, $0x3  }
0x2f: {  	v3 =	vand.u32 $0x7, v3;
	v4 =	vand.u32 $0xFFFFFFC0, v57  }
0x30: {  	v3 =	vor.u32 v3, v4  }
0x31: {  	v4 =	vperm.xlane v3, v0;
	_ =	sdelay $0x1  }
0x32: {  	v4 =	vadd.s32 v1, v4;
	_ =	sdelay $0x4  }
0x33: {  	[tilespmem:s28], [sflag:$0x1] =	stream.indirect_vreg.gather [hbm4b:s3+s2], $0x80, v4, vm0, $0xb8;
	[tilespmem:$0x10080] =	vst v63  }
0x34: {  	v3 =	vperm.xlane v3, v2  }
0x35: {  	[tilespmem:s29], [sflag:$0x1] =	stream.indirect_vreg.gather [hbm4b:s4+s2], $0x80, v4, vm0, $0xb8;
	[tilespmem:$0x10080] =	vst v63  }
0x36: {  	v3 =	vadd.s32 v1, v3  }
0x37: {  	[tilespmem:s30], [sflag:$0x1] =	stream.indirect_vreg.gather [hbm4b:s5+s2], $0x80, v4, vm0, $0xb8;
	[tilespmem:$0x10080] =	vst v63  }
0x38: {  	_ = 	snop  }
0x39: {  	[tilespmem:s31], [sflag:$0x1] =	stream.indirect_vreg.gather [hbm4b:s6+s2], $0x80, v4, vm0, $0xb8;
	[tilespmem:$0x10080] =	vst v63  }
0x3a: {  	s1 =	simm.s32 $0x6080  }
0x3b: {  	[tilespmem:s1], [sflag:$0x1] =	stream.indirect_vreg.gather [hbm4b:s3+s2], $0x80, v3, vm0, $0xb8;
	[tilespmem:$0x10080] =	vst v63  }
0x3c: {  	s1 =	simm.s32 $0x6880  }
0x3d: {  	[tilespmem:s1], [sflag:$0x1] =	stream.indirect_vreg.gather [hbm4b:s4+s2], $0x80, v3, vm0, $0xb8;
	[tilespmem:$0x10080] =	vst v63  }
0x3e: {  	_ = 	snop  }
0x3f: {  	[tilespmem:s10], [sflag:$0x1] =	stream.indirect_vreg.gather [hbm4b:s5+s2], $0x80, v3, vm0, $0xb8;
	[tilespmem:$0x10080] =	vst v63  }
0x40: {  	_ = 	snop  }
0x41: {  	[tilespmem:s11], [sflag:$0x1] =	stream.indirect_vreg.gather [hbm4b:s6+s2], $0x80, v3, vm0, $0xb8;
	[tilespmem:$0x10080] =	vst v63  }
0x42: {  	v3 =	vld [tilespmem:$0x20];
	_ =	sdelay $0x4  }
0x43: {  	v58 =	vshll.u32 v3, $0x3  }
0x44: {  	v3 =	vand.u32 $0x7, v3;
	v4 =	vand.u32 $0xFFFFFFC0, v58  }
0x45: {  	v3 =	vor.u32 v3, v4  }
0x46: {  	v4 =	vperm.xlane v3, v0;
	_ =	sdelay $0x1  }
0x47: {  	v4 =	vadd.s32 v1, v4;
	_ =	sdelay $0x4  }
0x48: {  	[tilespmem:s12], [sflag:$0x1] =	stream.indirect_vreg.gather [hbm4b:s3+s2], $0x80, v4, vm0, $0xb8;
	[tilespmem:$0x10080] =	vst v63  }
0x49: {  	v3 =	vperm.xlane v3, v2  }
0x4a: {  	[tilespmem:s13], [sflag:$0x1] =	stream.indirect_vreg.gather [hbm4b:s4+s2], $0x80, v4, vm0, $0xb8;
	[tilespmem:$0x10080] =	vst v63  }
0x4b: {  	v3 =	vadd.s32 v1, v3  }
0x4c: {  	[tilespmem:s14], [sflag:$0x1] =	stream.indirect_vreg.gather [hbm4b:s5+s2], $0x80, v4, vm0, $0xb8;
	[tilespmem:$0x10080] =	vst v63  }
0x4d: {  	_ = 	snop  }
0x4e: {  	[tilespmem:s15], [sflag:$0x1] =	stream.indirect_vreg.gather [hbm4b:s6+s2], $0x80, v4, vm0, $0xb8;
	[tilespmem:$0x10080] =	vst v63  }
0x4f: {  	_ = 	snop  }
0x50: {  	[tilespmem:s16], [sflag:$0x1] =	stream.indirect_vreg.gather [hbm4b:s3+s2], $0x80, v3, vm0, $0xb8;
	[tilespmem:$0x10080] =	vst v63  }
0x51: {  	_ = 	snop  }
0x52: {  	[tilespmem:s17], [sflag:$0x1] =	stream.indirect_vreg.gather [hbm4b:s4+s2], $0x80, v3, vm0, $0xb8;
	[tilespmem:$0x10080] =	vst v63  }
0x53: {  	_ = 	snop  }
0x54: {  	[tilespmem:s9], [sflag:$0x1] =	stream.indirect_vreg.gather [hbm4b:s5+s2], $0x80, v3, vm0, $0xb8;
	[tilespmem:$0x10080] =	vst v63  }
0x55: {  	s19 =	simm.s32 $0xB880  }
0x56: {  	[tilespmem:s19], [sflag:$0x1] =	stream.indirect_vreg.gather [hbm4b:s6+s2], $0x80, v3, vm0, $0xb8;
	[tilespmem:$0x10080] =	vst v63  }
0x57: {  	v3 =	vld [tilespmem:$0x30];
	_ =	sdelay $0x4  }
0x58: {  	v59 =	vshll.u32 v3, $0x3  }
0x59: {  	v3 =	vand.u32 $0x7, v3;
	v4 =	vand.u32 $0xFFFFFFC0, v59  }
0x5a: {  	v3 =	vor.u32 v3, v4  }
0x5b: {  	v4 =	vperm.xlane v3, v0;
	_ =	sdelay $0x1  }
0x5c: {  	v4 =	vadd.s32 v1, v4;
	_ =	sdelay $0x3  }
0x5d: {  	s19 =	simm.s32 $0xC080  }
0x5e: {  	[tilespmem:s19], [sflag:$0x1] =	stream.indirect_vreg.gather [hbm4b:s3+s2], $0x80, v4, vm0, $0xb8;
	[tilespmem:$0x10080] =	vst v63  }
0x5f: {  	v3 =	vperm.xlane v3, v2;
	s19 =	simm.s32 $0xC880  }
0x60: {  	[tilespmem:s19], [sflag:$0x1] =	stream.indirect_vreg.gather [hbm4b:s4+s2], $0x80, v4, vm0, $0xb8;
	[tilespmem:$0x10080] =	vst v63  }
0x61: {  	v3 =	vadd.s32 v1, v3;
	s19 =	simm.s32 $0xD080  }
0x62: {  	[tilespmem:s19], [sflag:$0x1] =	stream.indirect_vreg.gather [hbm4b:s5+s2], $0x80, v4, vm0, $0xb8;
	[tilespmem:$0x10080] =	vst v63  }
0x63: {  	s19 =	simm.s32 $0xD880  }
0x64: {  	[tilespmem:s19], [sflag:$0x1] =	stream.indirect_vreg.gather [hbm4b:s6+s2], $0x80, v4, vm0, $0xb8;
	[tilespmem:$0x10080] =	vst v63  }
0x65: {  	s19 =	simm.s32 $0xE080  }
0x66: {  	[tilespmem:s19], [sflag:$0x1] =	stream.indirect_vreg.gather [hbm4b:s3+s2], $0x80, v3, vm0, $0xb8;
	[tilespmem:$0x10080] =	vst v63  }
0x67: {  	s19 =	simm.s32 $0xE880  }
0x68: {  	[tilespmem:s19], [sflag:$0x1] =	stream.indirect_vreg.gather [hbm4b:s4+s2], $0x80, v3, vm0, $0xb8;
	[tilespmem:$0x10080] =	vst v63  }
0x69: {  	s19 =	simm.s32 $0xF080  }
0x6a: {  	[tilespmem:s19], [sflag:$0x1] =	stream.indirect_vreg.gather [hbm4b:s5+s2], $0x80, v3, vm0, $0xb8;
	[tilespmem:$0x10080] =	vst v63  }
0x6b: {  	s19 =	simm.s32 $0xF880  }
0x6c: {  	[tilespmem:s19], [sflag:$0x1] =	stream.indirect_vreg.gather [hbm4b:s6+s2], $0x80, v3, vm0, $0xb8;
	[tilespmem:$0x10080] =	vst v63  }
0x6d: {  	_ =	swait.ge [sflag:s18], $0x10000  }
0x6e: {  	[sflag:s18] =	ssyncset.done $0x0  }
0x6f: {  	s19 =	rddreg [dreg:$0x3];
	[sflag:s18] =	ssyncadd.s32 $0xFFFF0000  }
0x70: {  	[hbm4b:s19+s2] =	stream.linear.scatter [tilespmem:s0], [sflag:$0x2], $0x10000, $0x38;
	[tilespmem:$0x10080] =	vst v63  }
0x71: {  	_ =	swait.ge [sflag:s8], $0x10000  }
0x72: {  	[sflag:s8] =	ssyncset.done $0x0  }
0x73: {  	s19 =	rddreg [dreg:$0x4];
	[sflag:s8] =	ssyncadd.s32 $0xFFFF0000  }
0x74: {  	[tilespmem:s2], [sflag:$0x2] =	stream.linear.gather [hbm4b:s19+s2], $0x40, $0x38;
	[tilespmem:$0x10080] =	vst v63  }
0x75: {  	_ =	swait.ge [sflag:s8], $0x40  }
0x76: {  	[sflag:s8] =	ssyncset.done $0x0  }
0x77: {  	[sflag:s8] =	ssyncadd.s32 $0xFFFFFFC0  }
0x78: {  	v3 =	vld [tilespmem:$0x0];
	_ =	sdelay $0x4  }
0x79: {  	v60 =	vshll.u32 v3, $0x3  }
0x7a: {  	v3 =	vand.u32 $0x7, v3;
	v4 =	vand.u32 $0xFFFFFFC0, v60  }
0x7b: {  	v3 =	vor.u32 v3, v4  }
0x7c: {  	v4 =	vperm.xlane v3, v0;
	_ =	sdelay $0x1  }
0x7d: {  	v4 =	vadd.s32 v1, v4;
	_ =	sdelay $0x4  }
0x7e: {  	[tilespmem:s0], [sflag:$0x1] =	stream.indirect_vreg.gather [hbm4b:s3+s2], $0x80, v4, vm0, $0xb8;
	[tilespmem:$0x10080] =	vst v63  }
0x7f: {  	v3 =	vperm.xlane v3, v2  }
0x80: {  	[tilespmem:s20], [sflag:$0x1] =	stream.indirect_vreg.gather [hbm4b:s4+s2], $0x80, v4, vm0, $0xb8;
	[tilespmem:$0x10080] =	vst v63  }
0x81: {  	v3 =	vadd.s32 v1, v3  }
0x82: {  	[tilespmem:s21], [sflag:$0x1] =	stream.indirect_vreg.gather [hbm4b:s5+s2], $0x80, v4, vm0, $0xb8;
	[tilespmem:$0x10080] =	vst v63  }
0x83: {  	_ = 	snop  }
0x84: {  	[tilespmem:s22], [sflag:$0x1] =	stream.indirect_vreg.gather [hbm4b:s6+s2], $0x80, v4, vm0, $0xb8;
	[tilespmem:$0x10080] =	vst v63  }
0x85: {  	_ = 	snop  }
0x86: {  	[tilespmem:s23], [sflag:$0x1] =	stream.indirect_vreg.gather [hbm4b:s3+s2], $0x80, v3, vm0, $0xb8;
	[tilespmem:$0x10080] =	vst v63  }
0x87: {  	_ = 	snop  }
0x88: {  	[tilespmem:s24], [sflag:$0x1] =	stream.indirect_vreg.gather [hbm4b:s4+s2], $0x80, v3, vm0, $0xb8;
	[tilespmem:$0x10080] =	vst v63  }
0x89: {  	_ = 	snop  }
0x8a: {  	[tilespmem:s25], [sflag:$0x1] =	stream.indirect_vreg.gather [hbm4b:s5+s2], $0x80, v3, vm0, $0xb8;
	[tilespmem:$0x10080] =	vst v63  }
0x8b: {  	_ = 	snop  }
0x8c: {  	[tilespmem:s26], [sflag:$0x1] =	stream.indirect_vreg.gather [hbm4b:s6+s2], $0x80, v3, vm0, $0xb8;
	[tilespmem:$0x10080] =	vst v63  }
0x8d: {  	v3 =	vld [tilespmem:$0x10];
	_ =	sdelay $0x4  }
0x8e: {  	v61 =	vshll.u32 v3, $0x3  }
0x8f: {  	v3 =	vand.u32 $0x7, v3;
	v4 =	vand.u32 $0xFFFFFFC0, v61  }
0x90: {  	v3 =	vor.u32 v3, v4  }
0x91: {  	v4 =	vperm.xlane v3, v0;
	_ =	sdelay $0x1  }
0x92: {  	v4 =	vadd.s32 v1, v4;
	_ =	sdelay $0x4  }
0x93: {  	[tilespmem:s28], [sflag:$0x1] =	stream.indirect_vreg.gather [hbm4b:s3+s2], $0x80, v4, vm0, $0xb8;
	[tilespmem:$0x10080] =	vst v63  }
0x94: {  	v3 =	vperm.xlane v3, v2  }
0x95: {  	[tilespmem:s29], [sflag:$0x1] =	stream.indirect_vreg.gather [hbm4b:s4+s2], $0x80, v4, vm0, $0xb8;
	[tilespmem:$0x10080] =	vst v63  }
0x96: {  	v3 =	vadd.s32 v1, v3  }
0x97: {  	[tilespmem:s30], [sflag:$0x1] =	stream.indirect_vreg.gather [hbm4b:s5+s2], $0x80, v4, vm0, $0xb8;
	[tilespmem:$0x10080] =	vst v63  }
0x98: {  	_ = 	snop  }
0x99: {  	[tilespmem:s31], [sflag:$0x1] =	stream.indirect_vreg.gather [hbm4b:s6+s2], $0x80, v4, vm0, $0xb8;
	[tilespmem:$0x10080] =	vst v63  }
0x9a: {  	s19 =	simm.s32 $0x6080  }
0x9b: {  	[tilespmem:s19], [sflag:$0x1] =	stream.indirect_vreg.gather [hbm4b:s3+s2], $0x80, v3, vm0, $0xb8;
	[tilespmem:$0x10080] =	vst v63  }
0x9c: {  	_ = 	snop  }
0x9d: {  	[tilespmem:s1], [sflag:$0x1] =	stream.indirect_vreg.gather [hbm4b:s4+s2], $0x80, v3, vm0, $0xb8;
	[tilespmem:$0x10080] =	vst v63  }
0x9e: {  	_ = 	snop  }
0x9f: {  	[tilespmem:s10], [sflag:$0x1] =	stream.indirect_vreg.gather [hbm4b:s5+s2], $0x80, v3, vm0, $0xb8;
	[tilespmem:$0x10080] =	vst v63  }
0xa0: {  	_ = 	snop  }
0xa1: {  	[tilespmem:s11], [sflag:$0x1] =	stream.indirect_vreg.gather [hbm4b:s6+s2], $0x80, v3, vm0, $0xb8;
	[tilespmem:$0x10080] =	vst v63  }
0xa2: {  	v3 =	vld [tilespmem:$0x20];
	_ =	sdelay $0x4  }
0xa3: {  	v62 =	vshll.u32 v3, $0x3  }
0xa4: {  	v3 =	vand.u32 $0x7, v3;
	v4 =	vand.u32 $0xFFFFFFC0, v62  }
0xa5: {  	v3 =	vor.u32 v3, v4  }
0xa6: {  	v4 =	vperm.xlane v3, v0;
	_ =	sdelay $0x1  }
0xa7: {  	v4 =	vadd.s32 v1, v4;
	_ =	sdelay $0x4  }
0xa8: {  	[tilespmem:s12], [sflag:$0x1] =	stream.indirect_vreg.gather [hbm4b:s3+s2], $0x80, v4, vm0, $0xb8;
	[tilespmem:$0x10080] =	vst v63  }
0xa9: {  	v3 =	vperm.xlane v3, v2  }
0xaa: {  	[tilespmem:s13], [sflag:$0x1] =	stream.indirect_vreg.gather [hbm4b:s4+s2], $0x80, v4, vm0, $0xb8;
	[tilespmem:$0x10080] =	vst v63  }
0xab: {  	v3 =	vadd.s32 v1, v3  }
0xac: {  	[tilespmem:s14], [sflag:$0x1] =	stream.indirect_vreg.gather [hbm4b:s5+s2], $0x80, v4, vm0, $0xb8;
	[tilespmem:$0x10080] =	vst v63  }
0xad: {  	_ = 	snop  }
0xae: {  	[tilespmem:s15], [sflag:$0x1] =	stream.indirect_vreg.gather [hbm4b:s6+s2], $0x80, v4, vm0, $0xb8;
	[tilespmem:$0x10080] =	vst v63  }
0xaf: {  	_ = 	snop  }
0xb0: {  	[tilespmem:s16], [sflag:$0x1] =	stream.indirect_vreg.gather [hbm4b:s3+s2], $0x80, v3, vm0, $0xb8;
	[tilespmem:$0x10080] =	vst v63  }
0xb1: {  	_ = 	snop  }
0xb2: {  	[tilespmem:s17], [sflag:$0x1] =	stream.indirect_vreg.gather [hbm4b:s4+s2], $0x80, v3, vm0, $0xb8;
	[tilespmem:$0x10080] =	vst v63  }
0xb3: {  	_ = 	snop  }
0xb4: {  	[tilespmem:s9], [sflag:$0x1] =	stream.indirect_vreg.gather [hbm4b:s5+s2], $0x80, v3, vm0, $0xb8;
	[tilespmem:$0x10080] =	vst v63  }
0xb5: {  	s19 =	simm.s32 $0xB880  }
0xb6: {  	[tilespmem:s19], [sflag:$0x1] =	stream.indirect_vreg.gather [hbm4b:s6+s2], $0x80, v3, vm0, $0xb8;
	[tilespmem:$0x10080] =	vst v63  }
0xb7: {  	v3 =	vld [tilespmem:$0x30];
	_ =	sdelay $0x4  }
0xb8: {  	v63 =	vshll.u32 v3, $0x3  }
0xb9: {  	v3 =	vand.u32 $0x7, v3;
	v4 =	vand.u32 $0xFFFFFFC0, v63  }
0xba: {  	v3 =	vor.u32 v3, v4  }
0xbb: {  	v4 =	vperm.xlane v3, v0;
	_ =	sdelay $0x1  }
0xbc: {  	v4 =	vadd.s32 v1, v4;
	_ =	sdelay $0x3  }
0xbd: {  	s19 =	simm.s32 $0xC080  }
0xbe: {  	[tilespmem:s19], [sflag:$0x1] =	stream.indirect_vreg.gather [hbm4b:s3+s2], $0x80, v4, vm0, $0xb8;
	[tilespmem:$0x10080] =	vst v63  }
0xbf: {  	v3 =	vperm.xlane v3, v2;
	s19 =	simm.s32 $0xC880  }
0xc0: {  	[tilespmem:s19], [sflag:$0x1] =	stream.indirect_vreg.gather [hbm4b:s4+s2], $0x80, v4, vm0, $0xb8;
	[tilespmem:$0x10080] =	vst v63  }
0xc1: {  	v3 =	vadd.s32 v1, v3;
	s19 =	simm.s32 $0xD080  }
0xc2: {  	[tilespmem:s19], [sflag:$0x1] =	stream.indirect_vreg.gather [hbm4b:s5+s2], $0x80, v4, vm0, $0xb8;
	[tilespmem:$0x10080] =	vst v63  }
0xc3: {  	s19 =	simm.s32 $0xD880  }
0xc4: {  	[tilespmem:s19], [sflag:$0x1] =	stream.indirect_vreg.gather [hbm4b:s6+s2], $0x80, v4, vm0, $0xb8;
	[tilespmem:$0x10080] =	vst v63  }
0xc5: {  	s19 =	simm.s32 $0xE080  }
0xc6: {  	[tilespmem:s19], [sflag:$0x1] =	stream.indirect_vreg.gather [hbm4b:s3+s2], $0x80, v3, vm0, $0xb8;
	[tilespmem:$0x10080] =	vst v63  }
0xc7: {  	s19 =	simm.s32 $0xE880  }
0xc8: {  	[tilespmem:s19], [sflag:$0x1] =	stream.indirect_vreg.gather [hbm4b:s4+s2], $0x80, v3, vm0, $0xb8;
	[tilespmem:$0x10080] =	vst v63  }
0xc9: {  	s19 =	simm.s32 $0xF080  }
0xca: {  	[tilespmem:s19], [sflag:$0x1] =	stream.indirect_vreg.gather [hbm4b:s5+s2], $0x80, v3, vm0, $0xb8;
	[tilespmem:$0x10080] =	vst v63  }
0xcb: {  	s19 =	simm.s32 $0xF880  }
0xcc: {  	[tilespmem:s19], [sflag:$0x1] =	stream.indirect_vreg.gather [hbm4b:s6+s2], $0x80, v3, vm0, $0xb8;
	[tilespmem:$0x10080] =	vst v63  }
0xcd: {  	_ =	swait.ge [sflag:s18], $0x10000  }
0xce: {  	p0 =	sne.s32 s7, $0x1;
	[sflag:s18] =	ssyncset.done $0x0  }
.Ltmp0:
0xcf: {  	s1 =	rddreg [dreg:$0x5];
	[sflag:s18] =	ssyncadd.s32 $0xFFFF0000;
	(pc) =	sbr.rel @p0 .LBB2_1-.Ltmp0, $4  }
0xd0: {  	[hbm4b:s1+s2] =	stream.linear.scatter [tilespmem:s0], [sflag:$0x2], $0x10000, $0x38;
	[tilespmem:$0x10080] =	vst v63  }
0xd1: {  	_ =	swait.ge [sflag:s8], $0x10000  }
0xd2: {  	[sflag:s8] =	ssyncset.done $0x0  }
0xd3: {  	s7 =	sadd.s32 $0xFFFFFFFF, s7;
	[sflag:s8] =	ssyncadd.s32 $0xFFFF0000  }
0xd4: {  	_ =	sfence.sel $0x180000  }
0xd5: {  	[bflag:$0x0] =	sbarrier.arrive $0xFFFF  }
0xd6: {  	_ =	strace $0x9000004A  }
0xd7: {  	s0 =	stileid.u32;
	[bflag:$0x2] =	sbarrier.arrive $0xFFFF  }
0xd8: {  	p0 =	sne.s32 s0, $0x0;
	s0 =	rddreg [dreg:$0x1]  }
0xd9: {  	s0 =	sadd.s32 @!p0 $0x100000, s0  }
0xda: {  	[sflag:s0] =	ssyncadd.tile.s32 @!p0 $0x1;
	_ =	shalt  }
.Lfunc_end2:
_tile_overlayer_lowered:
.L_overlay_start_2:
0xdb: {  	(tag) =	ssettag $0x2  }
0xdc: {  	s0 =	rddreg [dreg:$0x0];
	s2 =	stileid.u32  }
0xdd: {  	s1 =	rddreg [dreg:$0x1];
	p0 =	sne.s32 s2, $0x0  }
0xde: {  	s3 =	rddreg [dreg:$0x2];
	[bflag:$0x3] =	sbarrier.arrive $0xFFFF;
	s2 =	simm.s32 @!p0 $0x1C02  }
0xdf: {  	[timem:s3], [sflag:s2] =	dma.local @!p0 [hbm:s0], s1  }
0xe0: {  	s0 =	simm.s32 @!p0 $0x2  }
0xe1: {  	_ =	swait.ge @!p0 [sflag:s0], s1  }
0xe2: {  	s1 =	ssub.s32 @!p0 $0x0, s1;
	[sflag:s0] =	ssyncset.done @!p0 $0x0  }
0xe3: {  	[sflag:s0] =	ssyncadd.s32 @!p0 s1  }
0xe4: {  	[bflag:$0x3] =	sbarrier.arrive $0xFFFF  }
0xe5: {  	_ =	shalt  }

// kernel: _layer.7.cloned.1.call-start
scs
__scs_entry_jumppad:
0x0: {  	(pc) =	sbr.rel $0x88, $3  }
0x1: {  	(tag) =	ssettag $0x0;
	lr =	simm.s32 $0x1  }
0x2: {  	[smem:$0x3F96] =	sst lr;
	_ =	strace $0xD0000000  }
0x3: {  	_ = 	snop  }
0x4: {  	_ = 	snop  }
0x5: {  	_ = 	snop  }
0x6: {  	_ = 	snop  }
0x7: {  	_ = 	snop  }
__scs_overlays_trampoline_lowered:
0x8: {  	[smem:$0x3FA5] =	sst s0  }
0x9: {  	[smem:$0x3FA6] =	sst s1  }
0xa: {  	[smem:$0x3FA7] =	sst s2  }
0xb: {  	[smem:$0x3FA8] =	sst s3  }
0xc: {  	[smem:$0x3FA9] =	sst s4  }
0xd: {  	[smem:$0x3FAA] =	sst s5  }
0xe: {  	[smem:$0x3FAB] =	sst s6  }
0xf: {  	[smem:$0x3FAC] =	sst s7  }
0x10: {  	[smem:$0x3FAD] =	sst s8  }
0x11: {  	[smem:$0x3FAE] =	sst s9;
	s0 =	simm.s32 @!p0 $0x0  }
0x12: {  	s1 =	sld [smem:$0x3F94];
	s0 =	simm.s32 @p0 $0x1  }
0x13: {  	[smem:$0x3FAF] =	sst s0;
	s0 =	simm.s32 @!p1 $0x0  }
0x14: {  	s2 =	sld [smem:$0x3F93];
	s0 =	simm.s32 @p1 $0x1  }
0x15: {  	[smem:$0x3FB0] =	sst s0;
	s0 =	simm.s32 @!p2 $0x0  }
0x16: {  	s3 =	sld [smem:$0x3FDB];
	s0 =	simm.s32 @p2 $0x1  }
0x17: {  	s4 =	simm.s32 $0x1BF5;
	[smem:$0x3FB2] =	sst s0  }
0x18: {  	s0 =	sld [smem:$0x3F95];
	_ =	swait.ge [sflag:s4], $0x0  }
0x19: {  	s7 =	sld [smem:$0x3F96]  }
0x1a: {  	s8 =	sadd.s32 $0xFFFFE003, lr  }
0x1b: {  	s9 =	sadd.s32 $0xFFFFFEF7, lr;
	s5 =	simm.s32 $0xFFFFFFFF;
	p2 =	slt.u32 s8, $0xFFFFF086  }
0x1c: {  	p1 =	slt.u32 s9, $0xF7A;
	s5 =	simm.s32 @!p2 $0x0  }
0x1d: {  	s5 =	simm.s32 @p1 $0x1;
	p0 =	seq.s32 s7, s2  }
0x1e: {  	s7 =	smul.u32 @!p0 $0xF7A, s2;
	p2 =	seq.s32 @!p0 s5, $0x0  }
0x1f: {  	s9 =	smul.u32 $0xF7A, s1;
	s8 =	simm.s32 @!p0 $0x1BF5;
	p2 =	por !p2, p0  }
0x20: {  	[sflag:s8] =	ssyncset.s32 @!p0 $0xFFFFF086;
	s6 =	sadd.s32 @!p0 s3, s7;
	s7 =	simm.s32 @!p0 $0x108  }
0x21: {  	s3 =	sadd.s32 s3, s9;
	s6 =	sadd.s32 @!p0 $0x88, s6;
	s7 =	simm.s32 @p2 $0x1082  }
0x22: {  	[simem:s7], [sflag:s8] =	dma.local @!p0 [hbm:s6], $0xF7A  }
0x23: {  	s9 =	sor.u32 $0xD0000000, s2;
	s6 =	simm.s32 $0x108;
	_ =	swait.ge @!p0 [sflag:s8], $0x0  }
0x24: {  	s3 =	sadd.s32 $0x88, s3;
	s6 =	simm.s32 @!p1 $0x1082;
	[sflag:s4] =	ssyncset.s32 $0xFFFFF086  }
0x25: {  	[simem:s6], [sflag:s4] =	dma.local [hbm:s3], $0xF7A  }
0x26: {  	[smem:$0x3F96] =	sst s1;
	(tag) =	ssettag s2;
	_ =	strace s9  }
0x27: {  	s1 =	sld [smem:$0x3FA6]  }
0x28: {  	s2 =	sld [smem:$0x3FA7]  }
0x29: {  	s4 =	sld [smem:$0x3FA9]  }
0x2a: {  	p0 =	seq.s32 s5, $0x0;
	s5 =	sld [smem:$0x3FAA]  }
0x2b: {  	s6 =	sld [smem:$0x3FAB]  }
0x2c: {  	s7 =	sld [smem:$0x3FAC]  }
0x2d: {  	s3 =	simm.s32 $0x108;
	s8 =	sld [smem:$0x3FAD]  }
0x2e: {  	s3 =	simm.s32 @!p0 $0x1082;
	s9 =	sld [smem:$0x3FAE]  }
0x2f: {  	lr =	sadd.s32 s0, s3;
	s0 =	sld [smem:$0x3FA5]  }
0x30: {  	s3 =	sld [smem:$0x3FA8]  }
0x31: {  	[smem:$0x3FB1] =	sst s10  }
0x32: {  	s10 =	sld [smem:$0x3FAF];
	_ =	sdelay $0x3  }
0x33: {  	p0 =	seq.s32 s10, $0x1;
	s10 =	sld [smem:$0x3FB1];
	_ =	sdelay $0x3  }
0x34: {  	[smem:$0x3FB1] =	sst s10  }
0x35: {  	s10 =	sld [smem:$0x3FB0];
	_ =	sdelay $0x3  }
0x36: {  	p1 =	seq.s32 s10, $0x1;
	s10 =	sld [smem:$0x3FB1];
	_ =	sdelay $0x3  }
0x37: {  	[smem:$0x3FB1] =	sst s10  }
0x38: {  	s10 =	sld [smem:$0x3FB2]  }
0x39: {  	_ = 	snop;
	(pc) =	sbr.ind lr, $3  }
0x3a: {  	_ = 	snop  }
0x3b: {  	_ = 	snop  }
0x3c: {  	p2 =	seq.s32 s10, $0x1;
	s10 =	sld [smem:$0x3FB1]  }
0x3d: {  	_ =	shalt  }
0x3e: {  	_ =	shalt  }
0x3f: {  	_ =	shalt  }
0x40: {  	_ =	shalt  }
0x41: {  	_ =	shalt  }
0x42: {  	_ =	shalt  }
0x43: {  	_ =	shalt  }
0x44: {  	_ =	shalt  }
0x45: {  	_ =	shalt  }
0x46: {  	_ =	shalt  }
0x47: {  	_ =	shalt  }
0x48: {  	_ =	shalt  }
0x49: {  	_ =	shalt  }
0x4a: {  	_ =	shalt  }
0x4b: {  	_ =	shalt  }
0x4c: {  	_ =	shalt  }
0x4d: {  	_ =	shalt  }
0x4e: {  	_ =	shalt  }
0x4f: {  	_ =	shalt  }
0x50: {  	_ =	shalt  }
0x51: {  	_ =	shalt  }
0x52: {  	_ =	shalt  }
0x53: {  	_ =	shalt  }
0x54: {  	_ =	shalt  }
0x55: {  	_ =	shalt  }
0x56: {  	_ =	shalt  }
0x57: {  	_ =	shalt  }
0x58: {  	_ =	shalt  }
0x59: {  	_ =	shalt  }
0x5a: {  	_ =	shalt  }
0x5b: {  	_ =	shalt  }
0x5c: {  	_ =	shalt  }
0x5d: {  	_ =	shalt  }
0x5e: {  	_ =	shalt  }
0x5f: {  	_ =	shalt  }
0x60: {  	_ =	shalt  }
0x61: {  	_ =	shalt  }
0x62: {  	_ =	shalt  }
0x63: {  	_ =	shalt  }
0x64: {  	_ =	shalt  }
0x65: {  	_ =	shalt  }
0x66: {  	_ =	shalt  }
0x67: {  	_ =	shalt  }
0x68: {  	_ =	shalt  }
0x69: {  	_ =	shalt  }
0x6a: {  	_ =	shalt  }
0x6b: {  	_ =	shalt  }
0x6c: {  	_ =	shalt  }
0x6d: {  	_ =	shalt  }
0x6e: {  	_ =	shalt  }
0x6f: {  	_ =	shalt  }
0x70: {  	_ =	shalt  }
0x71: {  	_ =	shalt  }
0x72: {  	_ =	shalt  }
0x73: {  	_ =	shalt  }
0x74: {  	_ =	shalt  }
0x75: {  	_ =	shalt  }
0x76: {  	_ =	shalt  }
0x77: {  	_ =	shalt  }
0x78: {  	_ =	shalt  }
0x79: {  	_ =	shalt  }
0x7a: {  	_ =	shalt  }
0x7b: {  	_ =	shalt  }
0x7c: {  	_ =	shalt  }
0x7d: {  	_ =	shalt  }
0x7e: {  	_ =	shalt  }
0x7f: {  	_ =	shalt  }
0x80: {  	_ =	shalt  }
0x81: {  	_ =	shalt  }
0x82: {  	_ =	shalt  }
0x83: {  	_ =	shalt  }
0x84: {  	_ =	shalt  }
0x85: {  	_ =	shalt  }
0x86: {  	_ =	shalt  }
0x87: {  	_ =	shalt  }
.Lfunc_end0:
.L_simem_size_0:
called_computation_lowered:
.L_overlay_start_0:
0x88: {  	s2 =	sld [smem:$0x3FD9]  }
0x89: {  	s3 =	sld [smem:$0x3FFE];
	_ =	sdelay $0x1  }
0x8a: {  	s1 =	srdreg.scid  }
0x8b: {  	s0 =	sand.u32 $0x1, s1  }
0x8c: {  	s17 =	sshll.u32 s0, $0xA;
	s2 =	sadd.s32 s3, s2  }
0x8d: {  	s2 =	sadd.s32 s2, s17  }
0x8e: {  	[smem:$0x3FBD] =	sst s2  }
0x8f: {  	_ = 	snop  }
0x90: {  	s2 =	sld [smem:$0x3FD0];
	(tm) =	ssettm $0x1  }
0x91: {  	s18 =	sld [smem:$0x3FFB];
	_ =	sdelay $0x3  }
0x92: {  	_ =	strace s18  }
0x93: {  	s3 =	sld [smem:$0x3FFC];
	_ =	sdelay $0x3  }
0x94: {  	_ =	strace s3  }
0x95: {  	s3 =	sld [smem:$0x3FFD];
	_ =	sdelay $0x3  }
0x96: {  	_ =	strace s3  }
0x97: {  	_ =	strace $0x8FFFFFFF  }
0x98: {  	s19 =	sld [smem:$0x3FDB];
	_ =	sdelay $0x1  }
0x99: {  	s4 =	simm.s32 $_scs_section_size  }
0x9a: {  	s5 =	simm.s32 $_size__tile_overlayer_lowered;
	s6 =	simm.s32 $_tile_overlayer_lowered  }
0x9b: {  	s22 =	simm.s32 $0x1BFF;
	s21 =	sshll.u32 s6, $0x1;
	s3 =	sadd.s32 s4, s19  }
0x9c: {  	s7 =	simm.s32 $0x0;
	s20 =	sshll.u32 s5, $0x1;
	s5 =	sadd.s32 s21, s3  }
0x9d: {  	[timem:s7], [sflag:s22] =	dma.local [hbm:s5], s20  }
0x9e: {  	_ =	swait.ge [sflag:s22], s20  }
0x9f: {  	s4 =	ssub.s32 $0x0, s20;
	[sflag:s22] =	ssyncset.done $0x0  }
0xa0: {  	[sflag:s22] =	ssyncadd.s32 s4;
	_ =	sdelay $0x1  }
0xa1: {  	s23 =	simm.s32 $0x1B8B  }
0xa2: {  	_ =	swait.ge [sflag:s23], $0x1  }
0xa3: {  	[sflag:s23] =	ssyncset.done $0x0  }
0xa4: {  	s25 =	simm.s32 $0x1B8E;
	s24 =	sld [smem:$0x3FFE];
	[sflag:s23] =	ssyncadd.s32 $0xFFFFFFFF  }
0xa5: {  	s26 =	simm.s32 $execute0_lowered;
	[smem:$0x3FD2] =	sst s25  }
0xa6: {  	s5 =	sshll.u32 s26, $0x1;
	_ =	strace $0x80000046;
	[dreg:$0x1] =	wrdreg $0xFFFFFFFF  }
0xa7: {  	s28 =	simm.s32 $_size_execute0_lowered;
	s3 =	sadd.s32 s3, s5;
	[dreg:$0x0] =	wrdreg $0x0  }
0xa8: {  	s5 =	sshll.u32 s28, $0x1;
	[dreg:$0x2] =	wrdreg s3  }
0xa9: {  	[dreg:$0x3] =	wrdreg s5  }
0xaa: {  	[dreg:$0x4] =	wrdreg $0xC0  }
0xab: {  	_ =	task [dreg:s7], $0x5FFFF  }
0xac: {  	[dreg:$0x1] =	wrdreg $0xFFFFFFFF  }
0xad: {  	[dreg:$0x0] =	wrdreg $0x60  }
0xae: {  	[dreg:$0x2] =	wrdreg s2  }
0xaf: {  	[dreg:$0x3] =	wrdreg s24  }
0xb0: {  	[dreg:$0x4] =	wrdreg $0x9  }
0xb1: {  	_ =	task.clear_ibuf [dreg:s7], $0x5FFFF;
	_ =	strace $0x90000046  }
0xb2: {  	s29 =	simm.s32 $0x9;
	_ =	strace $0x80000048  }
0xb3: {  	_ =	swait.ge [sflag:s29], $0x1  }
0xb4: {  	[sflag:s29] =	ssyncadd.s32 $0xFFFFFFFF  }
0xb5: {  	_ =	strace $0x90000048  }
0xb6: {  	_ =	sfence  }
0xb7: {  	s30 =	sld [smem:$0x0];
	_ =	sdelay $0x2  }
0xb8: {  	s31 =	sshll.u32 s1, $0xD;
	s1 =	sshrl.u32 s1, $0x2  }
0xb9: {  	s3 =	sand.u32 $0x4000, s31;
	s1 =	sadd.s32 s1, s30  }
0xba: {  	s0 =	sor.u32 s3, s0;
	s1 =	sshll.u32 s1, $0x11  }
0xbb: {  	s0 =	sor.u32 s1, s0  }
0xbc: {  	s0 =	sadd.s32 $0x8F2B, s0  }
0xbd: {  	[sflag:s0] =	ssyncadd.remote.s32 $0x1  }
0xbe: {  	_ =	sfence.sel $0xFFFF  }
0xbf: {  	[dreg:$0x0] =	wrdreg $0xFFFFFFFF;
	(pc) =	sbr.abs _section_cstart, $3  }
0xc0: {  	[dreg:$0x1] =	wrdreg $0xFFFFFFFF  }
0xc1: {  	_ =	task.clear_ibuf [dreg:s7], $0x2FFFF;
	_ =	strace $0x9FFFFFFF  }
0xc2: {  	(tm) =	ssettm $0x7FFFFFFF  }
0xc3: {  	_ =	shalt  }
tec
execute0_lowered:
.L_overlay_start_1:
0x0: {  	(tag) =	ssettag $0x1  }
0x1: {  	s0 =	srdreg.scid;
	s1 =	rddreg [dreg:$0x0]  }
0x2: {  	s2 =	stileid.u32;
	s6 =	rddreg [dreg:$0x1];
	s26 =	simm.s32 $0x80  }
0x3: {  	s8 =	simm.s32 $0x2;
	s18 =	simm.s32 $0x1;
	s21 =	simm.s32 $0x1900  }
0x4: {  	s22 =	simm.s32 $0x2100;
	s23 =	simm.s32 $0x2900;
	s24 =	simm.s32 $0x3100  }
0x5: {  	s28 =	simm.s32 $0x4900;
	s29 =	simm.s32 $0x5100;
	s30 =	simm.s32 $0x5900  }
0x6: {  	s31 =	simm.s32 $0x6100;
	s10 =	simm.s32 $0x7900;
	s11 =	simm.s32 $0x8100  }
0x7: {  	s12 =	simm.s32 $0x8900;
	s13 =	simm.s32 $0x9100;
	s14 =	simm.s32 $0x9900  }
0x8: {  	s15 =	simm.s32 $0xA100;
	s16 =	simm.s32 $0xA900;
	s17 =	simm.s32 $0xB100  }
0x9: {  	s0 =	sand.u32 $0x1, s0;
	s3 =	sshll.u32 s2, $0x7;
	s2 =	simm.s32 $0x0  }
0xa: {  	s4 =	sshll.u32 s0, $0x6;
	[smem:$0x7FF] =	sst s2;
	s0 =	ssub.s32 $0x2, s0  }
0xb: {  	s4 =	sor.u32 s4, s3;
	_ =	strace $0x80000047;
	s25 =	sshrl.u32 s0, $0x1  }
0xc: {  	[dreg:$0x6] =	wrdreg s26;
	s3 =	sshrl.u32 s4, $0x3;
	s4 =	sshll.u32 s4, $0x7  }
0xd: {  	s26 =	simm.s32 $0x4100;
	s5 =	sadd.s32 s3, s6;
	s1 =	sadd.s32 s1, s4  }
0xe: {  	s0 =	ssub.s32 s0, s25;
	s7 =	sadd.s32 $0xA00, s5;
	[dreg:$0x5] =	wrdreg s1  }
0xf: {  	v2 =	vlaneseq.u32;
	s25 =	simm.s32 $0x3900;
	s5 =	sadd.s32 $0x800, s5;
	[dreg:$0x3] =	wrdreg s7  }
0x10: {  	vm0 =	vmmov $0xffff;
	v1 =	vshrl.u32 v2, $0x3;
	s3 =	sadd.s32 $0xC00, s6;
	s4 =	sadd.s32 $0xD00, s6;
	[dreg:$0x4] =	wrdreg s5  }
0x11: {  	v0 =	vand.u32 $0x7, v2;
	v2 =	vor.u32 $0x8, v2;
	v1 =	vmul.u32 $0x8, v1;
	s5 =	sadd.s32 $0xE00, s6;
	s6 =	sadd.s32 $0xF00, s6;
	s7 =	smax.u32 s0, $0x1  }
.LBB2_1:
0x12: {  	s19 =	rddreg [dreg:$0x3]  }
0x13: {  	[tilespmem:s2], [sflag:$0x2] =	stream.linear.gather [hbm4b:s19+s2], $0x40, $0x38;
	[tilespmem:$0x10100] =	vst v63  }
0x14: {  	_ =	swait.ge [sflag:s8], $0x40  }
0x15: {  	s1 =	rddreg [dreg:$0x4];
	[sflag:s8] =	ssyncset.done $0x0  }
0x16: {  	s20 =	rddreg [dreg:$0x6];
	[sflag:s8] =	ssyncadd.s32 $0xFFFFFFC0  }
0x17: {  	[tilespmem:s20], [sflag:$0x2] =	stream.linear.gather [hbm4b:s1+s2], $0x40, $0x38;
	[tilespmem:$0x10100] =	vst v63  }
0x18: {  	_ =	swait.ge [sflag:s8], $0x40  }
0x19: {  	[sflag:s8] =	ssyncset.done $0x0  }
0x1a: {  	s0 =	simm.s32 $0x100;
	s9 =	rddreg [dreg:$0x5];
	[sflag:s8] =	ssyncadd.s32 $0xFFFFFFC0  }
0x1b: {  	[tilespmem:s0], [sflag:$0x2] =	stream.linear.gather [hbm4b:s9+s2], $0x10000, $0x38;
	[tilespmem:$0x10100] =	vst v63  }
0x1c: {  	_ =	swait.ge [sflag:s8], $0x10000  }
0x1d: {  	[sflag:s8] =	ssyncset.done $0x0  }
0x1e: {  	[sflag:s8] =	ssyncadd.s32 $0xFFFF0000  }
0x1f: {  	v3 =	vld [tilespmem:$0x0];
	_ =	sdelay $0x4  }
0x20: {  	v4 =	vshll.u32 v3, $0x3  }
0x21: {  	v3 =	vand.u32 $0x7, v3;
	v4 =	vand.u32 $0xFFFFFFC0, v4  }
0x22: {  	v3 =	vor.u32 v3, v4  }
0x23: {  	v4 =	vperm.xlane v3, v0;
	_ =	sdelay $0x1  }
0x24: {  	v4 =	vadd.s32 v1, v4;
	_ =	sdelay $0x4  }
0x25: {  	[hbm4b:s3+s2] =	stream.indirect_vreg.scatter [tilespmem:s0], [sflag:$0x1], $0x80, v4, vm0, $0xb8;
	[tilespmem:$0x10100] =	vst v63  }
0x26: {  	s19 =	simm.s32 $0x900;
	v3 =	vperm.xlane v3, v2  }
0x27: {  	[hbm4b:s4+s2] =	stream.indirect_vreg.scatter [tilespmem:s19], [sflag:$0x1], $0x80, v4, vm0, $0xb8;
	[tilespmem:$0x10100] =	vst v63  }
0x28: {  	s20 =	simm.s32 $0x1100;
	v3 =	vadd.s32 v1, v3  }
0x29: {  	[hbm4b:s5+s2] =	stream.indirect_vreg.scatter [tilespmem:s20], [sflag:$0x1], $0x80, v4, vm0, $0xb8;
	[tilespmem:$0x10100] =	vst v63  }
0x2a: {  	_ = 	snop  }
0x2b: {  	[hbm4b:s6+s2] =	stream.indirect_vreg.scatter [tilespmem:s21], [sflag:$0x1], $0x80, v4, vm0, $0xb8;
	[tilespmem:$0x10100] =	vst v63  }
0x2c: {  	_ = 	snop  }
0x2d: {  	[hbm4b:s3+s2] =	stream.indirect_vreg.scatter [tilespmem:s22], [sflag:$0x1], $0x80, v3, vm0, $0xb8;
	[tilespmem:$0x10100] =	vst v63  }
0x2e: {  	_ = 	snop  }
0x2f: {  	[hbm4b:s4+s2] =	stream.indirect_vreg.scatter [tilespmem:s23], [sflag:$0x1], $0x80, v3, vm0, $0xb8;
	[tilespmem:$0x10100] =	vst v63  }
0x30: {  	_ = 	snop  }
0x31: {  	[hbm4b:s5+s2] =	stream.indirect_vreg.scatter [tilespmem:s24], [sflag:$0x1], $0x80, v3, vm0, $0xb8;
	[tilespmem:$0x10100] =	vst v63  }
0x32: {  	_ = 	snop  }
0x33: {  	[hbm4b:s6+s2] =	stream.indirect_vreg.scatter [tilespmem:s25], [sflag:$0x1], $0x80, v3, vm0, $0xb8;
	[tilespmem:$0x10100] =	vst v63  }
0x34: {  	v3 =	vld [tilespmem:$0x10];
	_ =	sdelay $0x4  }
0x35: {  	v57 =	vshll.u32 v3, $0x3  }
0x36: {  	v3 =	vand.u32 $0x7, v3;
	v4 =	vand.u32 $0xFFFFFFC0, v57  }
0x37: {  	v3 =	vor.u32 v3, v4  }
0x38: {  	v4 =	vperm.xlane v3, v0;
	_ =	sdelay $0x1  }
0x39: {  	v4 =	vadd.s32 v1, v4;
	_ =	sdelay $0x4  }
0x3a: {  	[hbm4b:s3+s2] =	stream.indirect_vreg.scatter [tilespmem:s26], [sflag:$0x1], $0x80, v4, vm0, $0xb8;
	[tilespmem:$0x10100] =	vst v63  }
0x3b: {  	v3 =	vperm.xlane v3, v2  }
0x3c: {  	[hbm4b:s4+s2] =	stream.indirect_vreg.scatter [tilespmem:s28], [sflag:$0x1], $0x80, v4, vm0, $0xb8;
	[tilespmem:$0x10100] =	vst v63  }
0x3d: {  	v3 =	vadd.s32 v1, v3  }
0x3e: {  	[hbm4b:s5+s2] =	stream.indirect_vreg.scatter [tilespmem:s29], [sflag:$0x1], $0x80, v4, vm0, $0xb8;
	[tilespmem:$0x10100] =	vst v63  }
0x3f: {  	_ = 	snop  }
0x40: {  	[hbm4b:s6+s2] =	stream.indirect_vreg.scatter [tilespmem:s30], [sflag:$0x1], $0x80, v4, vm0, $0xb8;
	[tilespmem:$0x10100] =	vst v63  }
0x41: {  	_ = 	snop  }
0x42: {  	[hbm4b:s3+s2] =	stream.indirect_vreg.scatter [tilespmem:s31], [sflag:$0x1], $0x80, v3, vm0, $0xb8;
	[tilespmem:$0x10100] =	vst v63  }
0x43: {  	s1 =	simm.s32 $0x6900  }
0x44: {  	[hbm4b:s4+s2] =	stream.indirect_vreg.scatter [tilespmem:s1], [sflag:$0x1], $0x80, v3, vm0, $0xb8;
	[tilespmem:$0x10100] =	vst v63  }
0x45: {  	s9 =	simm.s32 $0x7100  }
0x46: {  	[hbm4b:s5+s2] =	stream.indirect_vreg.scatter [tilespmem:s9], [sflag:$0x1], $0x80, v3, vm0, $0xb8;
	[tilespmem:$0x10100] =	vst v63  }
0x47: {  	_ = 	snop  }
0x48: {  	[hbm4b:s6+s2] =	stream.indirect_vreg.scatter [tilespmem:s10], [sflag:$0x1], $0x80, v3, vm0, $0xb8;
	[tilespmem:$0x10100] =	vst v63  }
0x49: {  	v3 =	vld [tilespmem:$0x20];
	_ =	sdelay $0x4  }
0x4a: {  	v58 =	vshll.u32 v3, $0x3  }
0x4b: {  	v3 =	vand.u32 $0x7, v3;
	v4 =	vand.u32 $0xFFFFFFC0, v58  }
0x4c: {  	v3 =	vor.u32 v3, v4  }
0x4d: {  	v4 =	vperm.xlane v3, v0;
	_ =	sdelay $0x1  }
0x4e: {  	v4 =	vadd.s32 v1, v4;
	_ =	sdelay $0x4  }
0x4f: {  	[hbm4b:s3+s2] =	stream.indirect_vreg.scatter [tilespmem:s11], [sflag:$0x1], $0x80, v4, vm0, $0xb8;
	[tilespmem:$0x10100] =	vst v63  }
0x50: {  	v3 =	vperm.xlane v3, v2  }
0x51: {  	[hbm4b:s4+s2] =	stream.indirect_vreg.scatter [tilespmem:s12], [sflag:$0x1], $0x80, v4, vm0, $0xb8;
	[tilespmem:$0x10100] =	vst v63  }
0x52: {  	v3 =	vadd.s32 v1, v3  }
0x53: {  	[hbm4b:s5+s2] =	stream.indirect_vreg.scatter [tilespmem:s13], [sflag:$0x1], $0x80, v4, vm0, $0xb8;
	[tilespmem:$0x10100] =	vst v63  }
0x54: {  	_ = 	snop  }
0x55: {  	[hbm4b:s6+s2] =	stream.indirect_vreg.scatter [tilespmem:s14], [sflag:$0x1], $0x80, v4, vm0, $0xb8;
	[tilespmem:$0x10100] =	vst v63  }
0x56: {  	_ = 	snop  }
0x57: {  	[hbm4b:s3+s2] =	stream.indirect_vreg.scatter [tilespmem:s15], [sflag:$0x1], $0x80, v3, vm0, $0xb8;
	[tilespmem:$0x10100] =	vst v63  }
0x58: {  	_ = 	snop  }
0x59: {  	[hbm4b:s4+s2] =	stream.indirect_vreg.scatter [tilespmem:s16], [sflag:$0x1], $0x80, v3, vm0, $0xb8;
	[tilespmem:$0x10100] =	vst v63  }
0x5a: {  	_ = 	snop  }
0x5b: {  	[hbm4b:s5+s2] =	stream.indirect_vreg.scatter [tilespmem:s17], [sflag:$0x1], $0x80, v3, vm0, $0xb8;
	[tilespmem:$0x10100] =	vst v63  }
0x5c: {  	s9 =	simm.s32 $0xB900  }
0x5d: {  	[hbm4b:s6+s2] =	stream.indirect_vreg.scatter [tilespmem:s9], [sflag:$0x1], $0x80, v3, vm0, $0xb8;
	[tilespmem:$0x10100] =	vst v63  }
0x5e: {  	v3 =	vld [tilespmem:$0x30];
	_ =	sdelay $0x4  }
0x5f: {  	v59 =	vshll.u32 v3, $0x3  }
0x60: {  	v3 =	vand.u32 $0x7, v3;
	v4 =	vand.u32 $0xFFFFFFC0, v59  }
0x61: {  	v3 =	vor.u32 v3, v4  }
0x62: {  	v4 =	vperm.xlane v3, v0;
	_ =	sdelay $0x1  }
0x63: {  	v4 =	vadd.s32 v1, v4;
	_ =	sdelay $0x3  }
0x64: {  	s1 =	simm.s32 $0xC100  }
0x65: {  	[hbm4b:s3+s2] =	stream.indirect_vreg.scatter [tilespmem:s1], [sflag:$0x1], $0x80, v4, vm0, $0xb8;
	[tilespmem:$0x10100] =	vst v63  }
0x66: {  	v3 =	vperm.xlane v3, v2;
	s1 =	simm.s32 $0xC900  }
0x67: {  	[hbm4b:s4+s2] =	stream.indirect_vreg.scatter [tilespmem:s1], [sflag:$0x1], $0x80, v4, vm0, $0xb8;
	[tilespmem:$0x10100] =	vst v63  }
0x68: {  	v3 =	vadd.s32 v1, v3;
	s1 =	simm.s32 $0xD100  }
0x69: {  	[hbm4b:s5+s2] =	stream.indirect_vreg.scatter [tilespmem:s1], [sflag:$0x1], $0x80, v4, vm0, $0xb8;
	[tilespmem:$0x10100] =	vst v63  }
0x6a: {  	s1 =	simm.s32 $0xD900  }
0x6b: {  	[hbm4b:s6+s2] =	stream.indirect_vreg.scatter [tilespmem:s1], [sflag:$0x1], $0x80, v4, vm0, $0xb8;
	[tilespmem:$0x10100] =	vst v63  }
0x6c: {  	s1 =	simm.s32 $0xE100  }
0x6d: {  	[hbm4b:s3+s2] =	stream.indirect_vreg.scatter [tilespmem:s1], [sflag:$0x1], $0x80, v3, vm0, $0xb8;
	[tilespmem:$0x10100] =	vst v63  }
0x6e: {  	s1 =	simm.s32 $0xE900  }
0x6f: {  	[hbm4b:s4+s2] =	stream.indirect_vreg.scatter [tilespmem:s1], [sflag:$0x1], $0x80, v3, vm0, $0xb8;
	[tilespmem:$0x10100] =	vst v63  }
0x70: {  	s1 =	simm.s32 $0xF100  }
0x71: {  	[hbm4b:s5+s2] =	stream.indirect_vreg.scatter [tilespmem:s1], [sflag:$0x1], $0x80, v3, vm0, $0xb8;
	[tilespmem:$0x10100] =	vst v63  }
0x72: {  	s1 =	simm.s32 $0xF900  }
0x73: {  	[hbm4b:s6+s2] =	stream.indirect_vreg.scatter [tilespmem:s1], [sflag:$0x1], $0x80, v3, vm0, $0xb8;
	[tilespmem:$0x10100] =	vst v63  }
0x74: {  	_ =	swait.ge [sflag:s18], $0x10000  }
0x75: {  	[sflag:s18] =	ssyncset.done $0x0  }
0x76: {  	[sflag:s18] =	ssyncadd.s32 $0xFFFF0000  }
0x77: {  	v3 =	vld [tilespmem:$0x80];
	_ =	sdelay $0x4  }
0x78: {  	v60 =	vshll.u32 v3, $0x3  }
0x79: {  	v3 =	vand.u32 $0x7, v3;
	v4 =	vand.u32 $0xFFFFFFC0, v60  }
0x7a: {  	v3 =	vor.u32 v3, v4  }
0x7b: {  	v4 =	vperm.xlane v3, v0;
	_ =	sdelay $0x1  }
0x7c: {  	v4 =	vadd.s32 v1, v4;
	_ =	sdelay $0x4  }
0x7d: {  	[hbm4b:s3+s2] =	stream.indirect_vreg.scatter [tilespmem:s0], [sflag:$0x1], $0x80, v4, vm0, $0xb8;
	[tilespmem:$0x10100] =	vst v63  }
0x7e: {  	v3 =	vperm.xlane v3, v2  }
0x7f: {  	[hbm4b:s4+s2] =	stream.indirect_vreg.scatter [tilespmem:s19], [sflag:$0x1], $0x80, v4, vm0, $0xb8;
	[tilespmem:$0x10100] =	vst v63  }
0x80: {  	v3 =	vadd.s32 v1, v3  }
0x81: {  	[hbm4b:s5+s2] =	stream.indirect_vreg.scatter [tilespmem:s20], [sflag:$0x1], $0x80, v4, vm0, $0xb8;
	[tilespmem:$0x10100] =	vst v63  }
0x82: {  	_ = 	snop  }
0x83: {  	[hbm4b:s6+s2] =	stream.indirect_vreg.scatter [tilespmem:s21], [sflag:$0x1], $0x80, v4, vm0, $0xb8;
	[tilespmem:$0x10100] =	vst v63  }
0x84: {  	_ = 	snop  }
0x85: {  	[hbm4b:s3+s2] =	stream.indirect_vreg.scatter [tilespmem:s22], [sflag:$0x1], $0x80, v3, vm0, $0xb8;
	[tilespmem:$0x10100] =	vst v63  }
0x86: {  	_ = 	snop  }
0x87: {  	[hbm4b:s4+s2] =	stream.indirect_vreg.scatter [tilespmem:s23], [sflag:$0x1], $0x80, v3, vm0, $0xb8;
	[tilespmem:$0x10100] =	vst v63  }
0x88: {  	_ = 	snop  }
0x89: {  	[hbm4b:s5+s2] =	stream.indirect_vreg.scatter [tilespmem:s24], [sflag:$0x1], $0x80, v3, vm0, $0xb8;
	[tilespmem:$0x10100] =	vst v63  }
0x8a: {  	_ = 	snop  }
0x8b: {  	[hbm4b:s6+s2] =	stream.indirect_vreg.scatter [tilespmem:s25], [sflag:$0x1], $0x80, v3, vm0, $0xb8;
	[tilespmem:$0x10100] =	vst v63  }
0x8c: {  	v3 =	vld [tilespmem:$0x90];
	_ =	sdelay $0x4  }
0x8d: {  	v61 =	vshll.u32 v3, $0x3  }
0x8e: {  	v3 =	vand.u32 $0x7, v3;
	v4 =	vand.u32 $0xFFFFFFC0, v61  }
0x8f: {  	v3 =	vor.u32 v3, v4  }
0x90: {  	v4 =	vperm.xlane v3, v0;
	_ =	sdelay $0x1  }
0x91: {  	v4 =	vadd.s32 v1, v4;
	_ =	sdelay $0x4  }
0x92: {  	[hbm4b:s3+s2] =	stream.indirect_vreg.scatter [tilespmem:s26], [sflag:$0x1], $0x80, v4, vm0, $0xb8;
	[tilespmem:$0x10100] =	vst v63  }
0x93: {  	v3 =	vperm.xlane v3, v2  }
0x94: {  	[hbm4b:s4+s2] =	stream.indirect_vreg.scatter [tilespmem:s28], [sflag:$0x1], $0x80, v4, vm0, $0xb8;
	[tilespmem:$0x10100] =	vst v63  }
0x95: {  	v3 =	vadd.s32 v1, v3  }
0x96: {  	[hbm4b:s5+s2] =	stream.indirect_vreg.scatter [tilespmem:s29], [sflag:$0x1], $0x80, v4, vm0, $0xb8;
	[tilespmem:$0x10100] =	vst v63  }
0x97: {  	_ = 	snop  }
0x98: {  	[hbm4b:s6+s2] =	stream.indirect_vreg.scatter [tilespmem:s30], [sflag:$0x1], $0x80, v4, vm0, $0xb8;
	[tilespmem:$0x10100] =	vst v63  }
0x99: {  	_ = 	snop  }
0x9a: {  	[hbm4b:s3+s2] =	stream.indirect_vreg.scatter [tilespmem:s31], [sflag:$0x1], $0x80, v3, vm0, $0xb8;
	[tilespmem:$0x10100] =	vst v63  }
0x9b: {  	s20 =	simm.s32 $0x6900  }
0x9c: {  	[hbm4b:s4+s2] =	stream.indirect_vreg.scatter [tilespmem:s20], [sflag:$0x1], $0x80, v3, vm0, $0xb8;
	[tilespmem:$0x10100] =	vst v63  }
0x9d: {  	s19 =	simm.s32 $0x7100  }
0x9e: {  	[hbm4b:s5+s2] =	stream.indirect_vreg.scatter [tilespmem:s19], [sflag:$0x1], $0x80, v3, vm0, $0xb8;
	[tilespmem:$0x10100] =	vst v63  }
0x9f: {  	_ = 	snop  }
0xa0: {  	[hbm4b:s6+s2] =	stream.indirect_vreg.scatter [tilespmem:s10], [sflag:$0x1], $0x80, v3, vm0, $0xb8;
	[tilespmem:$0x10100] =	vst v63  }
0xa1: {  	v3 =	vld [tilespmem:$0xA0];
	_ =	sdelay $0x4  }
0xa2: {  	v62 =	vshll.u32 v3, $0x3  }
0xa3: {  	v3 =	vand.u32 $0x7, v3;
	v4 =	vand.u32 $0xFFFFFFC0, v62  }
0xa4: {  	v3 =	vor.u32 v3, v4  }
0xa5: {  	v4 =	vperm.xlane v3, v0;
	_ =	sdelay $0x1  }
0xa6: {  	v4 =	vadd.s32 v1, v4;
	_ =	sdelay $0x4  }
0xa7: {  	[hbm4b:s3+s2] =	stream.indirect_vreg.scatter [tilespmem:s11], [sflag:$0x1], $0x80, v4, vm0, $0xb8;
	[tilespmem:$0x10100] =	vst v63  }
0xa8: {  	v3 =	vperm.xlane v3, v2  }
0xa9: {  	[hbm4b:s4+s2] =	stream.indirect_vreg.scatter [tilespmem:s12], [sflag:$0x1], $0x80, v4, vm0, $0xb8;
	[tilespmem:$0x10100] =	vst v63  }
0xaa: {  	v3 =	vadd.s32 v1, v3  }
0xab: {  	[hbm4b:s5+s2] =	stream.indirect_vreg.scatter [tilespmem:s13], [sflag:$0x1], $0x80, v4, vm0, $0xb8;
	[tilespmem:$0x10100] =	vst v63  }
0xac: {  	_ = 	snop  }
0xad: {  	[hbm4b:s6+s2] =	stream.indirect_vreg.scatter [tilespmem:s14], [sflag:$0x1], $0x80, v4, vm0, $0xb8;
	[tilespmem:$0x10100] =	vst v63  }
0xae: {  	_ = 	snop  }
0xaf: {  	[hbm4b:s3+s2] =	stream.indirect_vreg.scatter [tilespmem:s15], [sflag:$0x1], $0x80, v3, vm0, $0xb8;
	[tilespmem:$0x10100] =	vst v63  }
0xb0: {  	_ = 	snop  }
0xb1: {  	[hbm4b:s4+s2] =	stream.indirect_vreg.scatter [tilespmem:s16], [sflag:$0x1], $0x80, v3, vm0, $0xb8;
	[tilespmem:$0x10100] =	vst v63  }
0xb2: {  	_ = 	snop  }
0xb3: {  	[hbm4b:s5+s2] =	stream.indirect_vreg.scatter [tilespmem:s17], [sflag:$0x1], $0x80, v3, vm0, $0xb8;
	[tilespmem:$0x10100] =	vst v63  }
0xb4: {  	_ = 	snop  }
0xb5: {  	[hbm4b:s6+s2] =	stream.indirect_vreg.scatter [tilespmem:s9], [sflag:$0x1], $0x80, v3, vm0, $0xb8;
	[tilespmem:$0x10100] =	vst v63  }
0xb6: {  	v3 =	vld [tilespmem:$0xB0];
	_ =	sdelay $0x4  }
0xb7: {  	v63 =	vshll.u32 v3, $0x3  }
0xb8: {  	v3 =	vand.u32 $0x7, v3;
	v4 =	vand.u32 $0xFFFFFFC0, v63  }
0xb9: {  	v3 =	vor.u32 v3, v4  }
0xba: {  	v4 =	vperm.xlane v3, v0;
	_ =	sdelay $0x1  }
0xbb: {  	v4 =	vadd.s32 v1, v4;
	_ =	sdelay $0x3  }
0xbc: {  	s20 =	simm.s32 $0xC100  }
0xbd: {  	[hbm4b:s3+s2] =	stream.indirect_vreg.scatter [tilespmem:s20], [sflag:$0x1], $0x80, v4, vm0, $0xb8;
	[tilespmem:$0x10100] =	vst v63  }
0xbe: {  	s9 =	simm.s32 $0xC900;
	v3 =	vperm.xlane v3, v2  }
0xbf: {  	[hbm4b:s4+s2] =	stream.indirect_vreg.scatter [tilespmem:s9], [sflag:$0x1], $0x80, v4, vm0, $0xb8;
	[tilespmem:$0x10100] =	vst v63  }
0xc0: {  	s19 =	simm.s32 $0xD100;
	v3 =	vadd.s32 v1, v3  }
0xc1: {  	[hbm4b:s5+s2] =	stream.indirect_vreg.scatter [tilespmem:s19], [sflag:$0x1], $0x80, v4, vm0, $0xb8;
	[tilespmem:$0x10100] =	vst v63  }
0xc2: {  	s20 =	simm.s32 $0xD900  }
0xc3: {  	[hbm4b:s6+s2] =	stream.indirect_vreg.scatter [tilespmem:s20], [sflag:$0x1], $0x80, v4, vm0, $0xb8;
	[tilespmem:$0x10100] =	vst v63  }
0xc4: {  	s9 =	simm.s32 $0xE100  }
0xc5: {  	[hbm4b:s3+s2] =	stream.indirect_vreg.scatter [tilespmem:s9], [sflag:$0x1], $0x80, v3, vm0, $0xb8;
	[tilespmem:$0x10100] =	vst v63  }
0xc6: {  	s19 =	simm.s32 $0xE900  }
0xc7: {  	[hbm4b:s4+s2] =	stream.indirect_vreg.scatter [tilespmem:s19], [sflag:$0x1], $0x80, v3, vm0, $0xb8;
	[tilespmem:$0x10100] =	vst v63  }
0xc8: {  	p0 =	sne.s32 s7, $0x1;
	s20 =	simm.s32 $0xF100  }
0xc9: {  	[hbm4b:s5+s2] =	stream.indirect_vreg.scatter [tilespmem:s20], [sflag:$0x1], $0x80, v3, vm0, $0xb8;
	[tilespmem:$0x10100] =	vst v63  }
.Ltmp0:
0xca: {  	_ = 	snop;
	(pc) =	sbr.rel @p0 .LBB2_1-.Ltmp0, $4  }
0xcb: {  	[hbm4b:s6+s2] =	stream.indirect_vreg.scatter [tilespmem:s1], [sflag:$0x1], $0x80, v3, vm0, $0xb8;
	[tilespmem:$0x10100] =	vst v63  }
0xcc: {  	_ =	swait.ge [sflag:s18], $0x10000  }
0xcd: {  	[sflag:s18] =	ssyncset.done $0x0  }
0xce: {  	s7 =	sadd.s32 $0xFFFFFFFF, s7;
	[sflag:s18] =	ssyncadd.s32 $0xFFFF0000  }
0xcf: {  	_ =	sfence.sel $0x180000  }
0xd0: {  	[bflag:$0x0] =	sbarrier.arrive $0xFFFF  }
0xd1: {  	_ =	strace $0x90000047  }
0xd2: {  	s0 =	stileid.u32;
	[bflag:$0x2] =	sbarrier.arrive $0xFFFF  }
0xd3: {  	p0 =	sne.s32 s0, $0x0;
	s0 =	rddreg [dreg:$0x2]  }
0xd4: {  	s0 =	sadd.s32 @!p0 $0x100000, s0  }
0xd5: {  	[sflag:s0] =	ssyncadd.tile.s32 @!p0 $0x1;
	_ =	shalt  }
.Lfunc_end2:
_tile_overlayer_lowered:
.L_overlay_start_2:
0xd6: {  	(tag) =	ssettag $0x2  }
0xd7: {  	s0 =	rddreg [dreg:$0x0];
	s2 =	stileid.u32  }
0xd8: {  	s1 =	rddreg [dreg:$0x1];
	p0 =	sne.s32 s2, $0x0  }
0xd9: {  	s3 =	rddreg [dreg:$0x2];
	[bflag:$0x3] =	sbarrier.arrive $0xFFFF;
	s2 =	simm.s32 @!p0 $0x1C02  }
0xda: {  	[timem:s3], [sflag:s2] =	dma.local @!p0 [hbm:s0], s1  }
0xdb: {  	s0 =	simm.s32 @!p0 $0x2  }
0xdc: {  	_ =	swait.ge @!p0 [sflag:s0], s1  }
0xdd: {  	s1 =	ssub.s32 @!p0 $0x0, s1;
	[sflag:s0] =	ssyncset.done @!p0 $0x0  }
0xde: {  	[sflag:s0] =	ssyncadd.s32 @!p0 s1  }
0xdf: {  	[bflag:$0x3] =	sbarrier.arrive $0xFFFF  }
0xe0: {  	_ =	shalt  }

</sc_bundles>
